<compile_context>
chip_gen: v7x
topology: tpu7x:2x2x1
jax: 0.10.2.dev20260603
libtpu: 0.0.44.dev20260713+nightly
codegen_flags: <defaults>
</compile_context>

<pallas_src>
import functools

import jax
import jax.numpy as jnp
from jax import lax
from jax.experimental import pallas as pl
from jax.experimental.pallas import tpu as pltpu
from jax.experimental.pallas import tpu_sc as plsc

N = 10000
E = 160000
D_IN = 256
D_H = 512
NC, NS, L = 2, 16, 16
MP = 10240
STRIPE = MP // NS
B = 128
EPT = E // NS
NB = 80
DC = 128

_f32 = jnp.float32


@functools.cache
def _mesh():
    return plsc.VectorSubcoreMesh(
        core_axis_name="c", subcore_axis_name="s",
        num_cores=NC, num_subcores=NS)



@functools.cache
def _make_hist():
    @functools.partial(
        pl.kernel,
        out_type=jax.ShapeDtypeStruct((NC, MP, DC), _f32),
        mesh=_mesh(),
        scratch_types=[
            pltpu.VMEM_SHARED((MP, DC), _f32),
            pltpu.VMEM((NB, B), jnp.int32),
            pltpu.VMEM((B, DC), _f32),
        ],
    )
    def _hist(idxh, dd, sp, idxv, onesv):
        c = lax.axis_index("c")
        s = lax.axis_index("s")

        def fill(i, carry):
            for l in range(DC // L):
                onesv[i, pl.ds(l * L, L)] = jnp.zeros((L,), _f32)
            return carry
        lax.fori_loop(0, B, fill, 0)

        pltpu.sync_copy(idxh.at[c, s], idxv)

        for r in range(STRIPE // B):
            pltpu.sync_copy(onesv, sp.at[pl.ds(s * STRIPE + r * B, B)])

        def refill(i, carry):
            for l in range(DC // L):
                onesv[i, pl.ds(l * L, L)] = jnp.ones((L,), _f32)
            return carry
        lax.fori_loop(0, B, refill, 0)
        plsc.subcore_barrier()

        def acc_batch(j, carry):
            pltpu.sync_copy(onesv, sp.at[idxv.at[j]], add=True)
            return carry
        lax.fori_loop(0, NB, acc_batch, 0)

        plsc.subcore_barrier()
        for r in range(STRIPE // B):
            off = s * STRIPE + r * B
            pltpu.sync_copy(sp.at[pl.ds(off, B)], dd.at[c, pl.ds(off, B)])

    return _hist


@functools.cache
def _make_segsum(K):
    CPC = K // NC

    @functools.partial(
        pl.kernel,
        out_type=jax.ShapeDtypeStruct((K * MP, DC), _f32),
        mesh=_mesh(),
        scratch_types=[
            pltpu.VMEM_SHARED((MP, DC), _f32),
            pltpu.VMEM((NB, B), jnp.int32),
            pltpu.VMEM((NB, B), jnp.int32),
            pltpu.VMEM((B, DC), _f32),
        ],
    )
    def seg(tbl, sidxh, didxh, out, sp, sidx, didx, rows):
        c = lax.axis_index("c")
        s = lax.axis_index("s")

        pltpu.sync_copy(didxh.at[s], didx)

        for kk in range(CPC):
            k = c * CPC + kk

            def zrow(i, carry):
                for l in range(DC // L):
                    rows[i, pl.ds(l * L, L)] = jnp.zeros((L,), _f32)
                return carry
            lax.fori_loop(0, B, zrow, 0)
            for r in range(STRIPE // B):
                pltpu.sync_copy(rows, sp.at[pl.ds(s * STRIPE + r * B, B)])
            pltpu.sync_copy(sidxh.at[k, s], sidx)
            plsc.subcore_barrier()

            def step(j, carry):
                pltpu.sync_copy(tbl.at[sidx.at[j]], rows)
                pltpu.sync_copy(rows, sp.at[didx.at[j]], add=True)
                return carry
            lax.fori_loop(0, NB, step, 0)

            plsc.subcore_barrier()
            for r in range(STRIPE // B):
                off = s * STRIPE + r * B
                pltpu.sync_copy(sp.at[pl.ds(off, B)],
                                out.at[pl.ds(k * MP + off, B)])
            if kk + 1 < CPC:
                plsc.subcore_barrier()

    return seg



def _isv(dvb):
    return jnp.where(dvb > 0, lax.rsqrt(jnp.maximum(dvb, 1.0)), 0.0)


def _ide(deb):
    return jnp.where(deb > 0, 1.0 / jnp.maximum(deb, 1.0), 0.0)


def _scale_e(Ek, de2, K):
    BM = 2000

    def body(e_ref, de_ref, o_ref):
        o_ref[...] = e_ref[...] * _ide(de_ref[...])[None]

    return pl.pallas_call(
        body,
        grid=(K, N // BM),
        in_specs=[
            pl.BlockSpec((1, BM, DC), lambda k, i: (k, i, 0)),
            pl.BlockSpec((BM, 1), lambda k, i: (i, 0)),
        ],
        out_specs=pl.BlockSpec((1, BM, DC), lambda k, i: (k, i, 0)),
        out_shape=jax.ShapeDtypeStruct((K, N, DC), _f32),
    )(Ek, de2)


def _mm_proj(Hin, Theta, b, dv2):
    BM = 1000
    Din = Hin.shape[1]

    def body(h_ref, th_ref, b_ref, dv_ref, o_ref):
        p = jnp.dot(h_ref[...], th_ref[...], preferred_element_type=_f32)
        o_ref[...] = ((p + b_ref[...]) * _isv(dv_ref[...]))[None]

    return pl.pallas_call(
        body,
        grid=(N // BM, D_H // DC),
        in_specs=[
            pl.BlockSpec((BM, Din), lambda i, j: (i, 0)),
            pl.BlockSpec((Din, DC), lambda i, j: (0, j)),
            pl.BlockSpec((1, DC), lambda i, j: (0, j)),
            pl.BlockSpec((BM, 1), lambda i, j: (i, 0)),
        ],
        out_specs=pl.BlockSpec((1, BM, DC), lambda i, j: (j, i, 0)),
        out_shape=jax.ShapeDtypeStruct((D_H // DC, N, DC), _f32),
    )(Hin, Theta, b.reshape(1, D_H), dv2)


def _mm_chunk(Tin, dv2, Theta, b):
    BM = 1000
    KI = D_H // DC

    def body(t_ref, dv_ref, th_ref, b_ref, o_ref):
        k = pl.program_id(2)
        isv = _isv(dv_ref[...])
        x = jnp.maximum(t_ref[0] * isv, 0.0)
        p = jnp.dot(x, th_ref[...], preferred_element_type=_f32)

        @pl.when(k == 0)
        def _():
            o_ref[...] = p[None]

        @pl.when(k > 0)
        def _():
            o_ref[...] = o_ref[...] + p[None]

        @pl.when(k == KI - 1)
        def _():
            o_ref[...] = (o_ref[...] + b_ref[...]) * isv[None]

    return pl.pallas_call(
        body,
        grid=(N // BM, D_H // DC, KI),
        in_specs=[
            pl.BlockSpec((1, BM, DC), lambda i, j, k: (k, i, 0)),
            pl.BlockSpec((BM, 1), lambda i, j, k: (i, 0)),
            pl.BlockSpec((DC, DC), lambda i, j, k: (k, j)),
            pl.BlockSpec((1, DC), lambda i, j, k: (0, j)),
        ],
        out_specs=pl.BlockSpec((1, BM, DC), lambda i, j, k: (j, i, 0)),
        out_shape=jax.ShapeDtypeStruct((D_H // DC, N, DC), _f32),
    )(Tin, dv2, Theta, b.reshape(1, D_H))


def _head(T2, dv2, Wh4, bh2):
    BM = 2000
    K = D_H // DC

    def body(t_ref, dv_ref, wh_ref, bh_ref, o_ref):
        isv = _isv(dv_ref[...])
        acc = jnp.zeros((BM, 1), _f32)
        for kk in range(K):
            t = jnp.maximum(t_ref[kk] * isv, 0.0)
            acc = acc + jnp.dot(t, wh_ref[kk], preferred_element_type=_f32)
        o_ref[...] = acc + bh_ref[...]

    return pl.pallas_call(
        body,
        grid=(N // BM,),
        in_specs=[
            pl.BlockSpec((K, BM, DC), lambda i: (0, i, 0)),
            pl.BlockSpec((BM, 1), lambda i: (i, 0)),
            pl.BlockSpec((K, DC, 1), lambda i: (0, 0, 0)),
            pl.BlockSpec((1, 1), lambda i: (0, 0)),
        ],
        out_specs=pl.BlockSpec((BM, 1), lambda i: (i, 0)),
        out_shape=jax.ShapeDtypeStruct((N, 1), _f32),
    )(T2, dv2, Wh4, bh2)



def kernel(X, hyperedge_index, Theta1, b1, Theta2, b2, Wh, bh):
    v = hyperedge_index[0]
    e = hyperedge_index[1]

    def tiles(x, pad):
        x2 = x.reshape(NS, EPT)
        padc = jnp.full((NS, NB * B - EPT), pad, jnp.int32)
        return jnp.concatenate([x2, padc], axis=1).reshape(NS, NB, B)

    vdst = tiles(v, N)
    edst = tiles(e, N)
    vsrc = tiles(v, 0)
    esrc = tiles(e, 0)

    def chunked(src, K):
        off = (jnp.arange(K, dtype=jnp.int32) * N)[:, None, None, None]
        return src[None] + off

    vsrc4, esrc4 = chunked(vsrc, 4), chunked(esrc, 4)

    dd = _make_hist()(jnp.stack([vdst, edst]))
    _segsum4 = _make_segsum(4)
    dv2 = lax.slice(dd[0], (0, 0), (MP, 1))
    de2 = lax.slice(dd[1], (0, 0), (MP, 1))

    g1 = _mm_proj(X, Theta1, b1, dv2)
    e1 = _segsum4(g1.reshape(4 * N, DC), vsrc4, edst)
    y1 = _scale_e(e1.reshape(4, MP, DC), de2, 4)
    t1 = _segsum4(y1.reshape(4 * N, DC), esrc4, vdst)

    g2 = _mm_chunk(t1.reshape(4, MP, DC), dv2, Theta2, b2)
    e2 = _segsum4(g2.reshape(4 * N, DC), vsrc4, edst)
    y2 = _scale_e(e2.reshape(4, MP, DC), de2, 4)
    t2 = _segsum4(y2.reshape(4 * N, DC), esrc4, vdst)

    return _head(t2.reshape(4, MP, DC), dv2,
                 Wh.reshape(D_H // DC, DC, 1), bh.reshape(1, 1))

# --- scband reference (transcript-rebuilt; emitter-appended) ---
"""Pipeline reference for scband-hgnncritic-11940009083605 (READ-ONLY COPY).

The authoritative reference and input builder live on the scoring server;
editing this copy changes nothing except your own understanding.
"""

import jax, jax.numpy as jnp
import numpy as np

N = 10000
E = 160000
D_IN = 256
D_H = 512


def setup_inputs(seed: int = 0) -> dict:
    key = jax.random.key(seed)
    ks = jax.random.split(key, 8)
    X = jax.random.normal(ks[0], (N, D_IN), dtype=jnp.float32)
    hyperedge_index = jax.random.randint(ks[1], (2, E), 0, N, dtype=jnp.int32)
    Theta1 = jax.random.normal(ks[2], (D_IN, D_H), dtype=jnp.float32) * (1.0 / np.sqrt(D_IN))
    b1 = jnp.zeros((D_H,), dtype=jnp.float32)
    Theta2 = jax.random.normal(ks[3], (D_H, D_H), dtype=jnp.float32) * (1.0 / np.sqrt(D_H))
    b2 = jnp.zeros((D_H,), dtype=jnp.float32)
    Wh = jax.random.normal(ks[4], (D_H, 1), dtype=jnp.float32) * (1.0 / np.sqrt(D_H))
    bh = jnp.zeros((1,), dtype=jnp.float32)
    return {"X": X, "hyperedge_index": hyperedge_index, "Theta1": Theta1, "b1": b1,
            "Theta2": Theta2, "b2": b2, "Wh": Wh, "bh": bh}


def reference(X, hyperedge_index, Theta1, b1, Theta2, b2, Wh, bh):
    n = X.shape[0]
    m = N  # number of hyperedges
    v_idx = hyperedge_index[0]
    e_idx = hyperedge_index[1]
    ones = jnp.ones((v_idx.shape[0],), dtype=jnp.float32)
    dv = jax.ops.segment_sum(ones, v_idx, num_segments=n)
    de = jax.ops.segment_sum(ones, e_idx, num_segments=m)
    inv_sqrt_dv = jnp.where(dv > 0, 1.0 / jnp.sqrt(jnp.maximum(dv, 1.0)), 0.0)
    inv_de = jnp.where(de > 0, 1.0 / jnp.maximum(de, 1.0), 0.0)

    def hgnn_smooth(H):
        # L = D_v^{-1/2} H_inc W D_e^{-1} H_inc^T D_v^{-1/2}
        Y = H * inv_sqrt_dv[:, None]
        edge_feat = jax.ops.segment_sum(Y[v_idx], e_idx, num_segments=m)
        edge_feat = edge_feat * inv_de[:, None]
        node_feat = jax.ops.segment_sum(edge_feat[e_idx], v_idx, num_segments=n)
        return node_feat * inv_sqrt_dv[:, None]

    # Conv layer 1: theta -> smoothing -> relu (dropout rate 0)
    H = X @ Theta1 + b1
    H = hgnn_smooth(H)
    H = jax.nn.relu(H)
    # Conv layer 2
    H = H @ Theta2 + b2
    H = hgnn_smooth(H)
    H = jax.nn.relu(H)
    # per_agent value head
    return H @ Wh + bh

if __name__ == "__main__":
    import jax
    _d = setup_inputs()
    print(jax.jit(kernel)(*tuple(_d.values())))

</pallas_src>

<mosaic_0001>
#map = affine_map<(d0, d1) -> (0, 0)>
#map1 = affine_map<(d0, d1) -> (0, 0, 0, 0)>
#map2 = affine_map<(d0, d1) -> (0, 0, 0)>
module attributes {stable_mosaic.version = 14 : i64} {
  func.func @seg(%arg0: i32, %arg1: i32, %arg2: memref<40000x128xf32, #tpu.memory_space<hbm>>, %arg3: memref<4x16x80x128xi32, #tpu.memory_space<hbm>>, %arg4: memref<16x80x128xi32, #tpu.memory_space<hbm>>, %arg5: memref<40960x128xf32, #tpu.memory_space<hbm>>, %arg6: memref<10240x128xf32, #tpu.memory_space<vmem_shared>>, %arg7: memref<80x128xi32, #tpu.memory_space<vmem>>, %arg8: memref<80x128xi32, #tpu.memory_space<vmem>>, %arg9: memref<128x128xf32, #tpu.memory_space<vmem>>) attributes {dimension_semantics = [#tpu.dimension_semantics<core_parallel>, #tpu.dimension_semantics<subcore_parallel>], iteration_bounds = array<i64: 2, 16>, scalar_prefetch = 0 : i64, scratch_operands = 4 : i64, tpu.core_type = #tpu.core_type<sc_vector_subcore>, window_params = [{transform_indices = #map}, {transform_indices = #map1}, {transform_indices = #map2}, {transform_indices = #map}]} {
    "tpu.region"() ({
      %run_scoped3A = tpu.sem_alloc : memref<!tpu.dma_semaphore, #tpu.memory_space<semaphore_mem>>
      %dma_start3A = arith.constant 0 : i32
      %dma_start3A_143 = arith.constant 0 : i32
      %dma_start3A_144 = tpu.memref_slice %arg4[%arg1, %dma_start3A, %dma_start3A_143] : memref<16x80x128xi32, #tpu.memory_space<hbm>> -> memref<1x80x128xi32, #tpu.memory_space<hbm>>
      %dma_start3A_145 = tpu.memref_squeeze %dma_start3A_144 : memref<1x80x128xi32, #tpu.memory_space<hbm>> -> memref<80x128xi32, #tpu.memory_space<hbm>>
      %dma_start3A_146 = arith.constant 0 : i32
      %dma_start3A_147 = arith.constant 0 : i32
      %dma_start3A_148 = tpu.memref_slice %arg4[%arg1, %dma_start3A_146, %dma_start3A_147] : memref<16x80x128xi32, #tpu.memory_space<hbm>> -> memref<1x80x128xi32, #tpu.memory_space<hbm>>
      %dma_start3A_149 = tpu.memref_squeeze %dma_start3A_148 : memref<1x80x128xi32, #tpu.memory_space<hbm>> -> memref<80x128xi32, #tpu.memory_space<hbm>>
      tpu.enqueue_dma source(%dma_start3A_149 : memref<80x128xi32, #tpu.memory_space<hbm>>) target(%arg8 : memref<80x128xi32, #tpu.memory_space<vmem>>) target_semaphore(%run_scoped3A : memref<!tpu.dma_semaphore, #tpu.memory_space<semaphore_mem>>)
      %dma_wait3A = arith.constant 0 : i32
      %dma_wait3A_150 = arith.constant 0 : i32
      %dma_wait3A_151 = tpu.memref_slice %arg4[%arg1, %dma_wait3A, %dma_wait3A_150] : memref<16x80x128xi32, #tpu.memory_space<hbm>> -> memref<1x80x128xi32, #tpu.memory_space<hbm>>
      %dma_wait3A_152 = tpu.memref_squeeze %dma_wait3A_151 : memref<1x80x128xi32, #tpu.memory_space<hbm>> -> memref<80x128xi32, #tpu.memory_space<hbm>>
      %dma_wait3A_153 = arith.constant 0 : i32
      %dma_wait3A_154 = arith.constant 0 : i32
      %dma_wait3A_155 = tpu.memref_slice %arg4[%arg1, %dma_wait3A_153, %dma_wait3A_154] : memref<16x80x128xi32, #tpu.memory_space<hbm>> -> memref<1x80x128xi32, #tpu.memory_space<hbm>>
      %dma_wait3A_156 = tpu.memref_squeeze %dma_wait3A_155 : memref<1x80x128xi32, #tpu.memory_space<hbm>> -> memref<80x128xi32, #tpu.memory_space<hbm>>
      tpu.wait_dma2 semaphore(%run_scoped3A : memref<!tpu.dma_semaphore, #tpu.memory_space<semaphore_mem>>) src(%dma_wait3A_156 : memref<80x128xi32, #tpu.memory_space<hbm>>) dst(%arg8 : memref<80x128xi32, #tpu.memory_space<vmem>>)
      tpu.yield
    }) : () -> ()
    %mul3A = arith.constant 2 : i32
    %mul3A_0 = arith.muli %arg0, %mul3A : i32
    %add3A = arith.constant 0 : i32
    %add3A_1 = arith.addi %mul3A_0, %add3A : i32
    %scan3A = arith.constant 0 : i32
    %scan3A_2 = arith.constant 0 : i32
    %scan3A_3 = arith.constant 128 : i32
    %scan3A_4 = arith.addi %scan3A_2, %scan3A_3 : i32
    %scan3A_5 = arith.constant 1 : i32
    scf.for %scan3A_143 = %scan3A_2 to %scan3A_4 step %scan3A_5  : i32 {
      %broadcast_in_dim3A = arith.constant 0.000000e+00 : f32
      %broadcast_in_dim3A_144 = vector.broadcast %broadcast_in_dim3A : f32 to vector<16xf32>
      %swap3A = arith.index_cast %scan3A_143 : i32 to index
      %swap3A_145 = arith.constant 0 : index
      %swap3A_146 = tpu.vector_load %arg9[%swap3A, %swap3A_145] {strides = array<i32>} : memref<128x128xf32, #tpu.memory_space<vmem>>, vector<1x16xf32>,
      %swap3A_147 = vector.shape_cast %swap3A_146 : vector<1x16xf32> to vector<16xf32>
      %swap3A_148 = vector.shape_cast %broadcast_in_dim3A_144 : vector<16xf32> to vector<1x16xf32>
      tpu.vector_store %arg9[%swap3A, %swap3A_145], %swap3A_148 {strides = array<i32>} : memref<128x128xf32, #tpu.memory_space<vmem>>, vector<1x16xf32>,
      %broadcast_in_dim3A_149 = arith.constant 0.000000e+00 : f32
      %broadcast_in_dim3A_150 = vector.broadcast %broadcast_in_dim3A_149 : f32 to vector<16xf32>
      %swap3A_151 = arith.index_cast %scan3A_143 : i32 to index
      %swap3A_152 = arith.constant 16 : index
      %swap3A_153 = tpu.vector_load %arg9[%swap3A_151, %swap3A_152] {strides = array<i32>} : memref<128x128xf32, #tpu.memory_space<vmem>>, vector<1x16xf32>,
      %swap3A_154 = vector.shape_cast %swap3A_153 : vector<1x16xf32> to vector<16xf32>
      %swap3A_155 = vector.shape_cast %broadcast_in_dim3A_150 : vector<16xf32> to vector<1x16xf32>
      tpu.vector_store %arg9[%swap3A_151, %swap3A_152], %swap3A_155 {strides = array<i32>} : memref<128x128xf32, #tpu.memory_space<vmem>>, vector<1x16xf32>,
      %broadcast_in_dim3A_156 = arith.constant 0.000000e+00 : f32
      %broadcast_in_dim3A_157 = vector.broadcast %broadcast_in_dim3A_156 : f32 to vector<16xf32>
      %swap3A_158 = arith.index_cast %scan3A_143 : i32 to index
      %swap3A_159 = arith.constant 32 : index
      %swap3A_160 = tpu.vector_load %arg9[%swap3A_158, %swap3A_159] {strides = array<i32>} : memref<128x128xf32, #tpu.memory_space<vmem>>, vector<1x16xf32>,
      %swap3A_161 = vector.shape_cast %swap3A_160 : vector<1x16xf32> to vector<16xf32>
      %swap3A_162 = vector.shape_cast %broadcast_in_dim3A_157 : vector<16xf32> to vector<1x16xf32>
      tpu.vector_store %arg9[%swap3A_158, %swap3A_159], %swap3A_162 {strides = array<i32>} : memref<128x128xf32, #tpu.memory_space<vmem>>, vector<1x16xf32>,
      %broadcast_in_dim3A_163 = arith.constant 0.000000e+00 : f32
      %broadcast_in_dim3A_164 = vector.broadcast %broadcast_in_dim3A_163 : f32 to vector<16xf32>
      %swap3A_165 = arith.index_cast %scan3A_143 : i32 to index
      %swap3A_166 = arith.constant 48 : index
      %swap3A_167 = tpu.vector_load %arg9[%swap3A_165, %swap3A_166] {strides = array<i32>} : memref<128x128xf32, #tpu.memory_space<vmem>>, vector<1x16xf32>,
      %swap3A_168 = vector.shape_cast %swap3A_167 : vector<1x16xf32> to vector<16xf32>
      %swap3A_169 = vector.shape_cast %broadcast_in_dim3A_164 : vector<16xf32> to vector<1x16xf32>
      tpu.vector_store %arg9[%swap3A_165, %swap3A_166], %swap3A_169 {strides = array<i32>} : memref<128x128xf32, #tpu.memory_space<vmem>>, vector<1x16xf32>,
      %broadcast_in_dim3A_170 = arith.constant 0.000000e+00 : f32
      %broadcast_in_dim3A_171 = vector.broadcast %broadcast_in_dim3A_170 : f32 to vector<16xf32>
      %swap3A_172 = arith.index_cast %scan3A_143 : i32 to index
      %swap3A_173 = arith.constant 64 : index
      %swap3A_174 = tpu.vector_load %arg9[%swap3A_172, %swap3A_173] {strides = array<i32>} : memref<128x128xf32, #tpu.memory_space<vmem>>, vector<1x16xf32>,
      %swap3A_175 = vector.shape_cast %swap3A_174 : vector<1x16xf32> to vector<16xf32>
      %swap3A_176 = vector.shape_cast %broadcast_in_dim3A_171 : vector<16xf32> to vector<1x16xf32>
      tpu.vector_store %arg9[%swap3A_172, %swap3A_173], %swap3A_176 {strides = array<i32>} : memref<128x128xf32, #tpu.memory_space<vmem>>, vector<1x16xf32>,
      %broadcast_in_dim3A_177 = arith.constant 0.000000e+00 : f32
      %broadcast_in_dim3A_178 = vector.broadcast %broadcast_in_dim3A_177 : f32 to vector<16xf32>
      %swap3A_179 = arith.index_cast %scan3A_143 : i32 to index
      %swap3A_180 = arith.constant 80 : index
      %swap3A_181 = tpu.vector_load %arg9[%swap3A_179, %swap3A_180] {strides = array<i32>} : memref<128x128xf32, #tpu.memory_space<vmem>>, vector<1x16xf32>,
      %swap3A_182 = vector.shape_cast %swap3A_181 : vector<1x16xf32> to vector<16xf32>
      %swap3A_183 = vector.shape_cast %broadcast_in_dim3A_178 : vector<16xf32> to vector<1x16xf32>
      tpu.vector_store %arg9[%swap3A_179, %swap3A_180], %swap3A_183 {strides = array<i32>} : memref<128x128xf32, #tpu.memory_space<vmem>>, vector<1x16xf32>,
      %broadcast_in_dim3A_184 = arith.constant 0.000000e+00 : f32
      %broadcast_in_dim3A_185 = vector.broadcast %broadcast_in_dim3A_184 : f32 to vector<16xf32>
      %swap3A_186 = arith.index_cast %scan3A_143 : i32 to index
      %swap3A_187 = arith.constant 96 : index
      %swap3A_188 = tpu.vector_load %arg9[%swap3A_186, %swap3A_187] {strides = array<i32>} : memref<128x128xf32, #tpu.memory_space<vmem>>, vector<1x16xf32>,
      %swap3A_189 = vector.shape_cast %swap3A_188 : vector<1x16xf32> to vector<16xf32>
      %swap3A_190 = vector.shape_cast %broadcast_in_dim3A_185 : vector<16xf32> to vector<1x16xf32>
      tpu.vector_store %arg9[%swap3A_186, %swap3A_187], %swap3A_190 {strides = array<i32>} : memref<128x128xf32, #tpu.memory_space<vmem>>, vector<1x16xf32>,
      %broadcast_in_dim3A_191 = arith.constant 0.000000e+00 : f32
      %broadcast_in_dim3A_192 = vector.broadcast %broadcast_in_dim3A_191 : f32 to vector<16xf32>
      %swap3A_193 = arith.index_cast %scan3A_143 : i32 to index
      %swap3A_194 = arith.constant 112 : index
      %swap3A_195 = tpu.vector_load %arg9[%swap3A_193, %swap3A_194] {strides = array<i32>} : memref<128x128xf32, #tpu.memory_space<vmem>>, vector<1x16xf32>,
      %swap3A_196 = vector.shape_cast %swap3A_195 : vector<1x16xf32> to vector<16xf32>
      %swap3A_197 = vector.shape_cast %broadcast_in_dim3A_192 : vector<16xf32> to vector<1x16xf32>
      tpu.vector_store %arg9[%swap3A_193, %swap3A_194], %swap3A_197 {strides = array<i32>} : memref<128x128xf32, #tpu.memory_space<vmem>>, vector<1x16xf32>,
    }
    %scan3A_6 = arith.constant 128 : i32
    %mul3A_7 = arith.constant 640 : i32
    %mul3A_8 = arith.muli %arg1, %mul3A_7 : i32
    %add3A_9 = arith.constant 0 : i32
    %add3A_10 = arith.addi %mul3A_8, %add3A_9 : i32
    "tpu.region"() ({
      %run_scoped3A = tpu.sem_alloc : memref<!tpu.dma_semaphore, #tpu.memory_space<semaphore_mem>>
      %dma_start3A = arith.constant 0 : i32
      %dma_start3A_143 = tpu.memref_slice %arg6[%add3A_10, %dma_start3A] : memref<10240x128xf32, #tpu.memory_space<vmem_shared>> -> memref<128x128xf32, #tpu.memory_space<vmem_shared>>
      %dma_start3A_144 = arith.constant 0 : i32
      %dma_start3A_145 = tpu.memref_slice %arg6[%add3A_10, %dma_start3A_144] : memref<10240x128xf32, #tpu.memory_space<vmem_shared>> -> memref<128x128xf32, #tpu.memory_space<vmem_shared>>
      tpu.enqueue_dma source(%arg9 : memref<128x128xf32, #tpu.memory_space<vmem>>) target(%dma_start3A_145 : memref<128x128xf32, #tpu.memory_space<vmem_shared>>) target_semaphore(%run_scoped3A : memref<!tpu.dma_semaphore, #tpu.memory_space<semaphore_mem>>)
      %dma_wait3A = arith.constant 0 : i32
      %dma_wait3A_146 = tpu.memref_slice %arg6[%add3A_10, %dma_wait3A] : memref<10240x128xf32, #tpu.memory_space<vmem_shared>> -> memref<128x128xf32, #tpu.memory_space<vmem_shared>>
      %dma_wait3A_147 = arith.constant 0 : i32
      %dma_wait3A_148 = tpu.memref_slice %arg6[%add3A_10, %dma_wait3A_147] : memref<10240x128xf32, #tpu.memory_space<vmem_shared>> -> memref<128x128xf32, #tpu.memory_space<vmem_shared>>
      tpu.wait_dma2 semaphore(%run_scoped3A : memref<!tpu.dma_semaphore, #tpu.memory_space<semaphore_mem>>) src(%arg9 : memref<128x128xf32, #tpu.memory_space<vmem>>) dst(%dma_wait3A_148 : memref<128x128xf32, #tpu.memory_space<vmem_shared>>)
      tpu.yield
    }) : () -> ()
    %mul3A_11 = arith.constant 640 : i32
    %mul3A_12 = arith.muli %arg1, %mul3A_11 : i32
    %add3A_13 = arith.constant 128 : i32
    %add3A_14 = arith.addi %mul3A_12, %add3A_13 : i32
    "tpu.region"() ({
      %run_scoped3A = tpu.sem_alloc : memref<!tpu.dma_semaphore, #tpu.memory_space<semaphore_mem>>
      %dma_start3A = arith.constant 0 : i32
      %dma_start3A_143 = tpu.memref_slice %arg6[%add3A_14, %dma_start3A] : memref<10240x128xf32, #tpu.memory_space<vmem_shared>> -> memref<128x128xf32, #tpu.memory_space<vmem_shared>>
      %dma_start3A_144 = arith.constant 0 : i32
      %dma_start3A_145 = tpu.memref_slice %arg6[%add3A_14, %dma_start3A_144] : memref<10240x128xf32, #tpu.memory_space<vmem_shared>> -> memref<128x128xf32, #tpu.memory_space<vmem_shared>>
      tpu.enqueue_dma source(%arg9 : memref<128x128xf32, #tpu.memory_space<vmem>>) target(%dma_start3A_145 : memref<128x128xf32, #tpu.memory_space<vmem_shared>>) target_semaphore(%run_scoped3A : memref<!tpu.dma_semaphore, #tpu.memory_space<semaphore_mem>>)
      %dma_wait3A = arith.constant 0 : i32
      %dma_wait3A_146 = tpu.memref_slice %arg6[%add3A_14, %dma_wait3A] : memref<10240x128xf32, #tpu.memory_space<vmem_shared>> -> memref<128x128xf32, #tpu.memory_space<vmem_shared>>
      %dma_wait3A_147 = arith.constant 0 : i32
      %dma_wait3A_148 = tpu.memref_slice %arg6[%add3A_14, %dma_wait3A_147] : memref<10240x128xf32, #tpu.memory_space<vmem_shared>> -> memref<128x128xf32, #tpu.memory_space<vmem_shared>>
      tpu.wait_dma2 semaphore(%run_scoped3A : memref<!tpu.dma_semaphore, #tpu.memory_space<semaphore_mem>>) src(%arg9 : memref<128x128xf32, #tpu.memory_space<vmem>>) dst(%dma_wait3A_148 : memref<128x128xf32, #tpu.memory_space<vmem_shared>>)
      tpu.yield
    }) : () -> ()
    %mul3A_15 = arith.constant 640 : i32
    %mul3A_16 = arith.muli %arg1, %mul3A_15 : i32
    %add3A_17 = arith.constant 256 : i32
    %add3A_18 = arith.addi %mul3A_16, %add3A_17 : i32
    "tpu.region"() ({
      %run_scoped3A = tpu.sem_alloc : memref<!tpu.dma_semaphore, #tpu.memory_space<semaphore_mem>>
      %dma_start3A = arith.constant 0 : i32
      %dma_start3A_143 = tpu.memref_slice %arg6[%add3A_18, %dma_start3A] : memref<10240x128xf32, #tpu.memory_space<vmem_shared>> -> memref<128x128xf32, #tpu.memory_space<vmem_shared>>
      %dma_start3A_144 = arith.constant 0 : i32
      %dma_start3A_145 = tpu.memref_slice %arg6[%add3A_18, %dma_start3A_144] : memref<10240x128xf32, #tpu.memory_space<vmem_shared>> -> memref<128x128xf32, #tpu.memory_space<vmem_shared>>
      tpu.enqueue_dma source(%arg9 : memref<128x128xf32, #tpu.memory_space<vmem>>) target(%dma_start3A_145 : memref<128x128xf32, #tpu.memory_space<vmem_shared>>) target_semaphore(%run_scoped3A : memref<!tpu.dma_semaphore, #tpu.memory_space<semaphore_mem>>)
      %dma_wait3A = arith.constant 0 : i32
      %dma_wait3A_146 = tpu.memref_slice %arg6[%add3A_18, %dma_wait3A] : memref<10240x128xf32, #tpu.memory_space<vmem_shared>> -> memref<128x128xf32, #tpu.memory_space<vmem_shared>>
      %dma_wait3A_147 = arith.constant 0 : i32
      %dma_wait3A_148 = tpu.memref_slice %arg6[%add3A_18, %dma_wait3A_147] : memref<10240x128xf32, #tpu.memory_space<vmem_shared>> -> memref<128x128xf32, #tpu.memory_space<vmem_shared>>
      tpu.wait_dma2 semaphore(%run_scoped3A : memref<!tpu.dma_semaphore, #tpu.memory_space<semaphore_mem>>) src(%arg9 : memref<128x128xf32, #tpu.memory_space<vmem>>) dst(%dma_wait3A_148 : memref<128x128xf32, #tpu.memory_space<vmem_shared>>)
      tpu.yield
    }) : () -> ()
    %mul3A_19 = arith.constant 640 : i32
    %mul3A_20 = arith.muli %arg1, %mul3A_19 : i32
    %add3A_21 = arith.constant 384 : i32
    %add3A_22 = arith.addi %mul3A_20, %add3A_21 : i32
    "tpu.region"() ({
      %run_scoped3A = tpu.sem_alloc : memref<!tpu.dma_semaphore, #tpu.memory_space<semaphore_mem>>
      %dma_start3A = arith.constant 0 : i32
      %dma_start3A_143 = tpu.memref_slice %arg6[%add3A_22, %dma_start3A] : memref<10240x128xf32, #tpu.memory_space<vmem_shared>> -> memref<128x128xf32, #tpu.memory_space<vmem_shared>>
      %dma_start3A_144 = arith.constant 0 : i32
      %dma_start3A_145 = tpu.memref_slice %arg6[%add3A_22, %dma_start3A_144] : memref<10240x128xf32, #tpu.memory_space<vmem_shared>> -> memref<128x128xf32, #tpu.memory_space<vmem_shared>>
      tpu.enqueue_dma source(%arg9 : memref<128x128xf32, #tpu.memory_space<vmem>>) target(%dma_start3A_145 : memref<128x128xf32, #tpu.memory_space<vmem_shared>>) target_semaphore(%run_scoped3A : memref<!tpu.dma_semaphore, #tpu.memory_space<semaphore_mem>>)
      %dma_wait3A = arith.constant 0 : i32
      %dma_wait3A_146 = tpu.memref_slice %arg6[%add3A_22, %dma_wait3A] : memref<10240x128xf32, #tpu.memory_space<vmem_shared>> -> memref<128x128xf32, #tpu.memory_space<vmem_shared>>
      %dma_wait3A_147 = arith.constant 0 : i32
      %dma_wait3A_148 = tpu.memref_slice %arg6[%add3A_22, %dma_wait3A_147] : memref<10240x128xf32, #tpu.memory_space<vmem_shared>> -> memref<128x128xf32, #tpu.memory_space<vmem_shared>>
      tpu.wait_dma2 semaphore(%run_scoped3A : memref<!tpu.dma_semaphore, #tpu.memory_space<semaphore_mem>>) src(%arg9 : memref<128x128xf32, #tpu.memory_space<vmem>>) dst(%dma_wait3A_148 : memref<128x128xf32, #tpu.memory_space<vmem_shared>>)
      tpu.yield
    }) : () -> ()
    %mul3A_23 = arith.constant 640 : i32
    %mul3A_24 = arith.muli %arg1, %mul3A_23 : i32
    %add3A_25 = arith.constant 512 : i32
    %add3A_26 = arith.addi %mul3A_24, %add3A_25 : i32
    "tpu.region"() ({
      %run_scoped3A = tpu.sem_alloc : memref<!tpu.dma_semaphore, #tpu.memory_space<semaphore_mem>>
      %dma_start3A = arith.constant 0 : i32
      %dma_start3A_143 = tpu.memref_slice %arg6[%add3A_26, %dma_start3A] : memref<10240x128xf32, #tpu.memory_space<vmem_shared>> -> memref<128x128xf32, #tpu.memory_space<vmem_shared>>
      %dma_start3A_144 = arith.constant 0 : i32
      %dma_start3A_145 = tpu.memref_slice %arg6[%add3A_26, %dma_start3A_144] : memref<10240x128xf32, #tpu.memory_space<vmem_shared>> -> memref<128x128xf32, #tpu.memory_space<vmem_shared>>
      tpu.enqueue_dma source(%arg9 : memref<128x128xf32, #tpu.memory_space<vmem>>) target(%dma_start3A_145 : memref<128x128xf32, #tpu.memory_space<vmem_shared>>) target_semaphore(%run_scoped3A : memref<!tpu.dma_semaphore, #tpu.memory_space<semaphore_mem>>)
      %dma_wait3A = arith.constant 0 : i32
      %dma_wait3A_146 = tpu.memref_slice %arg6[%add3A_26, %dma_wait3A] : memref<10240x128xf32, #tpu.memory_space<vmem_shared>> -> memref<128x128xf32, #tpu.memory_space<vmem_shared>>
      %dma_wait3A_147 = arith.constant 0 : i32
      %dma_wait3A_148 = tpu.memref_slice %arg6[%add3A_26, %dma_wait3A_147] : memref<10240x128xf32, #tpu.memory_space<vmem_shared>> -> memref<128x128xf32, #tpu.memory_space<vmem_shared>>
      tpu.wait_dma2 semaphore(%run_scoped3A : memref<!tpu.dma_semaphore, #tpu.memory_space<semaphore_mem>>) src(%arg9 : memref<128x128xf32, #tpu.memory_space<vmem>>) dst(%dma_wait3A_148 : memref<128x128xf32, #tpu.memory_space<vmem_shared>>)
      tpu.yield
    }) : () -> ()
    "tpu.region"() ({
      %run_scoped3A = tpu.sem_alloc : memref<!tpu.dma_semaphore, #tpu.memory_space<semaphore_mem>>
      %dma_start3A = arith.constant 0 : i32
      %dma_start3A_143 = arith.constant 0 : i32
      %dma_start3A_144 = tpu.memref_slice %arg3[%add3A_1, %arg1, %dma_start3A, %dma_start3A_143] : memref<4x16x80x128xi32, #tpu.memory_space<hbm>> -> memref<1x1x80x128xi32, #tpu.memory_space<hbm>>
      %dma_start3A_145 = tpu.memref_squeeze %dma_start3A_144 : memref<1x1x80x128xi32, #tpu.memory_space<hbm>> -> memref<80x128xi32, #tpu.memory_space<hbm>>
      %dma_start3A_146 = arith.constant 0 : i32
      %dma_start3A_147 = arith.constant 0 : i32
      %dma_start3A_148 = tpu.memref_slice %arg3[%add3A_1, %arg1, %dma_start3A_146, %dma_start3A_147] : memref<4x16x80x128xi32, #tpu.memory_space<hbm>> -> memref<1x1x80x128xi32, #tpu.memory_space<hbm>>
      %dma_start3A_149 = tpu.memref_squeeze %dma_start3A_148 : memref<1x1x80x128xi32, #tpu.memory_space<hbm>> -> memref<80x128xi32, #tpu.memory_space<hbm>>
      tpu.enqueue_dma source(%dma_start3A_149 : memref<80x128xi32, #tpu.memory_space<hbm>>) target(%arg7 : memref<80x128xi32, #tpu.memory_space<vmem>>) target_semaphore(%run_scoped3A : memref<!tpu.dma_semaphore, #tpu.memory_space<semaphore_mem>>)
      %dma_wait3A = arith.constant 0 : i32
      %dma_wait3A_150 = arith.constant 0 : i32
      %dma_wait3A_151 = tpu.memref_slice %arg3[%add3A_1, %arg1, %dma_wait3A, %dma_wait3A_150] : memref<4x16x80x128xi32, #tpu.memory_space<hbm>> -> memref<1x1x80x128xi32, #tpu.memory_space<hbm>>
      %dma_wait3A_152 = tpu.memref_squeeze %dma_wait3A_151 : memref<1x1x80x128xi32, #tpu.memory_space<hbm>> -> memref<80x128xi32, #tpu.memory_space<hbm>>
      %dma_wait3A_153 = arith.constant 0 : i32
      %dma_wait3A_154 = arith.constant 0 : i32
      %dma_wait3A_155 = tpu.memref_slice %arg3[%add3A_1, %arg1, %dma_wait3A_153, %dma_wait3A_154] : memref<4x16x80x128xi32, #tpu.memory_space<hbm>> -> memref<1x1x80x128xi32, #tpu.memory_space<hbm>>
      %dma_wait3A_156 = tpu.memref_squeeze %dma_wait3A_155 : memref<1x1x80x128xi32, #tpu.memory_space<hbm>> -> memref<80x128xi32, #tpu.memory_space<hbm>>
      tpu.wait_dma2 semaphore(%run_scoped3A : memref<!tpu.dma_semaphore, #tpu.memory_space<semaphore_mem>>) src(%dma_wait3A_156 : memref<80x128xi32, #tpu.memory_space<hbm>>) dst(%arg7 : memref<80x128xi32, #tpu.memory_space<vmem>>)
      tpu.yield
    }) : () -> ()
    %barrier3A = arith.constant 0 : index
    tpu.barrier barrier_id(%barrier3A)
    %scan3A_27 = arith.constant 0 : i32
    %scan3A_28 = arith.constant 0 : i32
    %scan3A_29 = arith.constant 80 : i32
    %scan3A_30 = arith.addi %scan3A_28, %scan3A_29 : i32
    %scan3A_31 = arith.constant 1 : i32
    scf.for %scan3A_143 = %scan3A_28 to %scan3A_30 step %scan3A_31  : i32 {
      "tpu.region"() ({
        %run_scoped3A = tpu.sem_alloc : memref<!tpu.dma_semaphore, #tpu.memory_space<semaphore_mem>>
        %dma_start3A = arith.constant 0 : i32
        %dma_start3A_144 = tpu.memref_slice %arg7[%scan3A_143, %dma_start3A] : memref<80x128xi32, #tpu.memory_space<vmem>> -> memref<1x128xi32, #tpu.memory_space<vmem>>
        %dma_start3A_145 = tpu.memref_squeeze %dma_start3A_144 : memref<1x128xi32, #tpu.memory_space<vmem>> -> memref<128xi32, #tpu.memory_space<vmem>>
        %dma_start3A_146 = arith.constant 0 : i32
        %dma_start3A_147 = arith.constant 0 : i32
        %dma_start3A_148 = tpu.memref_slice %arg2[%dma_start3A_146, %dma_start3A_147] : memref<40000x128xf32, #tpu.memory_space<hbm>> -> memref<40000x128xf32, #tpu.memory_space<hbm>>
        tpu.enqueue_indirect_dma source(%dma_start3A_148 : memref<40000x128xf32, #tpu.memory_space<hbm>>) target(%arg9 : memref<128x128xf32, #tpu.memory_space<vmem>>) offsets(%dma_start3A_145 : memref<128xi32, #tpu.memory_space<vmem>>) semaphore(%run_scoped3A : memref<!tpu.dma_semaphore, #tpu.memory_space<semaphore_mem>>)
        %dma_wait3A = arith.constant 0 : i32
        %dma_wait3A_149 = tpu.memref_slice %arg7[%scan3A_143, %dma_wait3A] : memref<80x128xi32, #tpu.memory_space<vmem>> -> memref<1x128xi32, #tpu.memory_space<vmem>>
        %dma_wait3A_150 = tpu.memref_squeeze %dma_wait3A_149 : memref<1x128xi32, #tpu.memory_space<vmem>> -> memref<128xi32, #tpu.memory_space<vmem>>
        %dma_wait3A_151 = arith.constant 0 : i32
        %dma_wait3A_152 = arith.constant 0 : i32
        %dma_wait3A_153 = tpu.memref_slice %arg2[%dma_wait3A_151, %dma_wait3A_152] : memref<40000x128xf32, #tpu.memory_space<hbm>> -> memref<40000x128xf32, #tpu.memory_space<hbm>>
        tpu.wait_indirect_dma semaphore(%run_scoped3A : memref<!tpu.dma_semaphore, #tpu.memory_space<semaphore_mem>>) src(%dma_wait3A_153 : memref<40000x128xf32, #tpu.memory_space<hbm>>) dst(%arg9 : memref<128x128xf32, #tpu.memory_space<vmem>>)
        tpu.yield
      }) : () -> ()
      "tpu.region"() ({
        %run_scoped3A = tpu.sem_alloc : memref<!tpu.dma_semaphore, #tpu.memory_space<semaphore_mem>>
        %dma_start3A = arith.constant 0 : i32
        %dma_start3A_144 = tpu.memref_slice %arg8[%scan3A_143, %dma_start3A] : memref<80x128xi32, #tpu.memory_space<vmem>> -> memref<1x128xi32, #tpu.memory_space<vmem>>
        %dma_start3A_145 = tpu.memref_squeeze %dma_start3A_144 : memref<1x128xi32, #tpu.memory_space<vmem>> -> memref<128xi32, #tpu.memory_space<vmem>>
        %dma_start3A_146 = arith.constant 0 : i32
        %dma_start3A_147 = arith.constant 0 : i32
        %dma_start3A_148 = tpu.memref_slice %arg6[%dma_start3A_146, %dma_start3A_147] : memref<10240x128xf32, #tpu.memory_space<vmem_shared>> -> memref<10240x128xf32, #tpu.memory_space<vmem_shared>>
        tpu.enqueue_indirect_dma source(%arg9 : memref<128x128xf32, #tpu.memory_space<vmem>>) target(%dma_start3A_148 : memref<10240x128xf32, #tpu.memory_space<vmem_shared>>) offsets(%dma_start3A_145 : memref<128xi32, #tpu.memory_space<vmem>>) semaphore(%run_scoped3A : memref<!tpu.dma_semaphore, #tpu.memory_space<semaphore_mem>>) {add = true}
        %dma_wait3A = arith.constant 0 : i32
        %dma_wait3A_149 = tpu.memref_slice %arg8[%scan3A_143, %dma_wait3A] : memref<80x128xi32, #tpu.memory_space<vmem>> -> memref<1x128xi32, #tpu.memory_space<vmem>>
        %dma_wait3A_150 = tpu.memref_squeeze %dma_wait3A_149 : memref<1x128xi32, #tpu.memory_space<vmem>> -> memref<128xi32, #tpu.memory_space<vmem>>
        %dma_wait3A_151 = arith.constant 0 : i32
        %dma_wait3A_152 = arith.constant 0 : i32
        %dma_wait3A_153 = tpu.memref_slice %arg6[%dma_wait3A_151, %dma_wait3A_152] : memref<10240x128xf32, #tpu.memory_space<vmem_shared>> -> memref<10240x128xf32, #tpu.memory_space<vmem_shared>>
        tpu.wait_indirect_dma semaphore(%run_scoped3A : memref<!tpu.dma_semaphore, #tpu.memory_space<semaphore_mem>>) src(%arg9 : memref<128x128xf32, #tpu.memory_space<vmem>>) dst(%dma_wait3A_153 : memref<10240x128xf32, #tpu.memory_space<vmem_shared>>)
        tpu.yield
      }) : () -> ()
    }
    %scan3A_32 = arith.constant 80 : i32
    %barrier3A_33 = arith.constant 0 : index
    tpu.barrier barrier_id(%barrier3A_33)
    %mul3A_34 = arith.constant 640 : i32
    %mul3A_35 = arith.muli %arg1, %mul3A_34 : i32
    %add3A_36 = arith.constant 0 : i32
    %add3A_37 = arith.addi %mul3A_35, %add3A_36 : i32
    %mul3A_38 = arith.constant 10240 : i32
    %mul3A_39 = arith.muli %add3A_1, %mul3A_38 : i32
    %add3A_40 = arith.addi %mul3A_39, %add3A_37 : i32
    "tpu.region"() ({
      %run_scoped3A = tpu.sem_alloc : memref<!tpu.dma_semaphore, #tpu.memory_space<semaphore_mem>>
      %dma_start3A = arith.constant 0 : i32
      %dma_start3A_143 = tpu.memref_slice %arg5[%add3A_40, %dma_start3A] : memref<40960x128xf32, #tpu.memory_space<hbm>> -> memref<128x128xf32, #tpu.memory_space<hbm>>
      %dma_start3A_144 = arith.constant 0 : i32
      %dma_start3A_145 = tpu.memref_slice %arg6[%add3A_37, %dma_start3A_144] : memref<10240x128xf32, #tpu.memory_space<vmem_shared>> -> memref<128x128xf32, #tpu.memory_space<vmem_shared>>
      tpu.enqueue_dma source(%dma_start3A_145 : memref<128x128xf32, #tpu.memory_space<vmem_shared>>) target(%dma_start3A_143 : memref<128x128xf32, #tpu.memory_space<hbm>>) target_semaphore(%run_scoped3A : memref<!tpu.dma_semaphore, #tpu.memory_space<semaphore_mem>>)
      %dma_wait3A = arith.constant 0 : i32
      %dma_wait3A_146 = tpu.memref_slice %arg5[%add3A_40, %dma_wait3A] : memref<40960x128xf32, #tpu.memory_space<hbm>> -> memref<128x128xf32, #tpu.memory_space<hbm>>
      %dma_wait3A_147 = arith.constant 0 : i32
      %dma_wait3A_148 = tpu.memref_slice %arg6[%add3A_37, %dma_wait3A_147] : memref<10240x128xf32, #tpu.memory_space<vmem_shared>> -> memref<128x128xf32, #tpu.memory_space<vmem_shared>>
      tpu.wait_dma2 semaphore(%run_scoped3A : memref<!tpu.dma_semaphore, #tpu.memory_space<semaphore_mem>>) src(%dma_wait3A_148 : memref<128x128xf32, #tpu.memory_space<vmem_shared>>) dst(%dma_wait3A_146 : memref<128x128xf32, #tpu.memory_space<hbm>>)
      tpu.yield
    }) : () -> ()
    %mul3A_41 = arith.constant 640 : i32
    %mul3A_42 = arith.muli %arg1, %mul3A_41 : i32
    %add3A_43 = arith.constant 128 : i32
    %add3A_44 = arith.addi %mul3A_42, %add3A_43 : i32
    %mul3A_45 = arith.constant 10240 : i32
    %mul3A_46 = arith.muli %add3A_1, %mul3A_45 : i32
    %add3A_47 = arith.addi %mul3A_46, %add3A_44 : i32
    "tpu.region"() ({
      %run_scoped3A = tpu.sem_alloc : memref<!tpu.dma_semaphore, #tpu.memory_space<semaphore_mem>>
      %dma_start3A = arith.constant 0 : i32
      %dma_start3A_143 = tpu.memref_slice %arg5[%add3A_47, %dma_start3A] : memref<40960x128xf32, #tpu.memory_space<hbm>> -> memref<128x128xf32, #tpu.memory_space<hbm>>
      %dma_start3A_144 = arith.constant 0 : i32
      %dma_start3A_145 = tpu.memref_slice %arg6[%add3A_44, %dma_start3A_144] : memref<10240x128xf32, #tpu.memory_space<vmem_shared>> -> memref<128x128xf32, #tpu.memory_space<vmem_shared>>
      tpu.enqueue_dma source(%dma_start3A_145 : memref<128x128xf32, #tpu.memory_space<vmem_shared>>) target(%dma_start3A_143 : memref<128x128xf32, #tpu.memory_space<hbm>>) target_semaphore(%run_scoped3A : memref<!tpu.dma_semaphore, #tpu.memory_space<semaphore_mem>>)
      %dma_wait3A = arith.constant 0 : i32
      %dma_wait3A_146 = tpu.memref_slice %arg5[%add3A_47, %dma_wait3A] : memref<40960x128xf32, #tpu.memory_space<hbm>> -> memref<128x128xf32, #tpu.memory_space<hbm>>
      %dma_wait3A_147 = arith.constant 0 : i32
      %dma_wait3A_148 = tpu.memref_slice %arg6[%add3A_44, %dma_wait3A_147] : memref<10240x128xf32, #tpu.memory_space<vmem_shared>> -> memref<128x128xf32, #tpu.memory_space<vmem_shared>>
      tpu.wait_dma2 semaphore(%run_scoped3A : memref<!tpu.dma_semaphore, #tpu.memory_space<semaphore_mem>>) src(%dma_wait3A_148 : memref<128x128xf32, #tpu.memory_space<vmem_shared>>) dst(%dma_wait3A_146 : memref<128x128xf32, #tpu.memory_space<hbm>>)
      tpu.yield
    }) : () -> ()
    %mul3A_48 = arith.constant 640 : i32
    %mul3A_49 = arith.muli %arg1, %mul3A_48 : i32
    %add3A_50 = arith.constant 256 : i32
    %add3A_51 = arith.addi %mul3A_49, %add3A_50 : i32
    %mul3A_52 = arith.constant 10240 : i32
    %mul3A_53 = arith.muli %add3A_1, %mul3A_52 : i32
    %add3A_54 = arith.addi %mul3A_53, %add3A_51 : i32
    "tpu.region"() ({
      %run_scoped3A = tpu.sem_alloc : memref<!tpu.dma_semaphore, #tpu.memory_space<semaphore_mem>>
      %dma_start3A = arith.constant 0 : i32
      %dma_start3A_143 = tpu.memref_slice %arg5[%add3A_54, %dma_start3A] : memref<40960x128xf32, #tpu.memory_space<hbm>> -> memref<128x128xf32, #tpu.memory_space<hbm>>
      %dma_start3A_144 = arith.constant 0 : i32
      %dma_start3A_145 = tpu.memref_slice %arg6[%add3A_51, %dma_start3A_144] : memref<10240x128xf32, #tpu.memory_space<vmem_shared>> -> memref<128x128xf32, #tpu.memory_space<vmem_shared>>
      tpu.enqueue_dma source(%dma_start3A_145 : memref<128x128xf32, #tpu.memory_space<vmem_shared>>) target(%dma_start3A_143 : memref<128x128xf32, #tpu.memory_space<hbm>>) target_semaphore(%run_scoped3A : memref<!tpu.dma_semaphore, #tpu.memory_space<semaphore_mem>>)
      %dma_wait3A = arith.constant 0 : i32
      %dma_wait3A_146 = tpu.memref_slice %arg5[%add3A_54, %dma_wait3A] : memref<40960x128xf32, #tpu.memory_space<hbm>> -> memref<128x128xf32, #tpu.memory_space<hbm>>
      %dma_wait3A_147 = arith.constant 0 : i32
      %dma_wait3A_148 = tpu.memref_slice %arg6[%add3A_51, %dma_wait3A_147] : memref<10240x128xf32, #tpu.memory_space<vmem_shared>> -> memref<128x128xf32, #tpu.memory_space<vmem_shared>>
      tpu.wait_dma2 semaphore(%run_scoped3A : memref<!tpu.dma_semaphore, #tpu.memory_space<semaphore_mem>>) src(%dma_wait3A_148 : memref<128x128xf32, #tpu.memory_space<vmem_shared>>) dst(%dma_wait3A_146 : memref<128x128xf32, #tpu.memory_space<hbm>>)
      tpu.yield
    }) : () -> ()
    %mul3A_55 = arith.constant 640 : i32
    %mul3A_56 = arith.muli %arg1, %mul3A_55 : i32
    %add3A_57 = arith.constant 384 : i32
    %add3A_58 = arith.addi %mul3A_56, %add3A_57 : i32
    %mul3A_59 = arith.constant 10240 : i32
    %mul3A_60 = arith.muli %add3A_1, %mul3A_59 : i32
    %add3A_61 = arith.addi %mul3A_60, %add3A_58 : i32
    "tpu.region"() ({
      %run_scoped3A = tpu.sem_alloc : memref<!tpu.dma_semaphore, #tpu.memory_space<semaphore_mem>>
      %dma_start3A = arith.constant 0 : i32
      %dma_start3A_143 = tpu.memref_slice %arg5[%add3A_61, %dma_start3A] : memref<40960x128xf32, #tpu.memory_space<hbm>> -> memref<128x128xf32, #tpu.memory_space<hbm>>
      %dma_start3A_144 = arith.constant 0 : i32
      %dma_start3A_145 = tpu.memref_slice %arg6[%add3A_58, %dma_start3A_144] : memref<10240x128xf32, #tpu.memory_space<vmem_shared>> -> memref<128x128xf32, #tpu.memory_space<vmem_shared>>
      tpu.enqueue_dma source(%dma_start3A_145 : memref<128x128xf32, #tpu.memory_space<vmem_shared>>) target(%dma_start3A_143 : memref<128x128xf32, #tpu.memory_space<hbm>>) target_semaphore(%run_scoped3A : memref<!tpu.dma_semaphore, #tpu.memory_space<semaphore_mem>>)
      %dma_wait3A = arith.constant 0 : i32
      %dma_wait3A_146 = tpu.memref_slice %arg5[%add3A_61, %dma_wait3A] : memref<40960x128xf32, #tpu.memory_space<hbm>> -> memref<128x128xf32, #tpu.memory_space<hbm>>
      %dma_wait3A_147 = arith.constant 0 : i32
      %dma_wait3A_148 = tpu.memref_slice %arg6[%add3A_58, %dma_wait3A_147] : memref<10240x128xf32, #tpu.memory_space<vmem_shared>> -> memref<128x128xf32, #tpu.memory_space<vmem_shared>>
      tpu.wait_dma2 semaphore(%run_scoped3A : memref<!tpu.dma_semaphore, #tpu.memory_space<semaphore_mem>>) src(%dma_wait3A_148 : memref<128x128xf32, #tpu.memory_space<vmem_shared>>) dst(%dma_wait3A_146 : memref<128x128xf32, #tpu.memory_space<hbm>>)
      tpu.yield
    }) : () -> ()
    %mul3A_62 = arith.constant 640 : i32
    %mul3A_63 = arith.muli %arg1, %mul3A_62 : i32
    %add3A_64 = arith.constant 512 : i32
    %add3A_65 = arith.addi %mul3A_63, %add3A_64 : i32
    %mul3A_66 = arith.constant 10240 : i32
    %mul3A_67 = arith.muli %add3A_1, %mul3A_66 : i32
    %add3A_68 = arith.addi %mul3A_67, %add3A_65 : i32
    "tpu.region"() ({
      %run_scoped3A = tpu.sem_alloc : memref<!tpu.dma_semaphore, #tpu.memory_space<semaphore_mem>>
      %dma_start3A = arith.constant 0 : i32
      %dma_start3A_143 = tpu.memref_slice %arg5[%add3A_68, %dma_start3A] : memref<40960x128xf32, #tpu.memory_space<hbm>> -> memref<128x128xf32, #tpu.memory_space<hbm>>
      %dma_start3A_144 = arith.constant 0 : i32
      %dma_start3A_145 = tpu.memref_slice %arg6[%add3A_65, %dma_start3A_144] : memref<10240x128xf32, #tpu.memory_space<vmem_shared>> -> memref<128x128xf32, #tpu.memory_space<vmem_shared>>
      tpu.enqueue_dma source(%dma_start3A_145 : memref<128x128xf32, #tpu.memory_space<vmem_shared>>) target(%dma_start3A_143 : memref<128x128xf32, #tpu.memory_space<hbm>>) target_semaphore(%run_scoped3A : memref<!tpu.dma_semaphore, #tpu.memory_space<semaphore_mem>>)
      %dma_wait3A = arith.constant 0 : i32
      %dma_wait3A_146 = tpu.memref_slice %arg5[%add3A_68, %dma_wait3A] : memref<40960x128xf32, #tpu.memory_space<hbm>> -> memref<128x128xf32, #tpu.memory_space<hbm>>
      %dma_wait3A_147 = arith.constant 0 : i32
      %dma_wait3A_148 = tpu.memref_slice %arg6[%add3A_65, %dma_wait3A_147] : memref<10240x128xf32, #tpu.memory_space<vmem_shared>> -> memref<128x128xf32, #tpu.memory_space<vmem_shared>>
      tpu.wait_dma2 semaphore(%run_scoped3A : memref<!tpu.dma_semaphore, #tpu.memory_space<semaphore_mem>>) src(%dma_wait3A_148 : memref<128x128xf32, #tpu.memory_space<vmem_shared>>) dst(%dma_wait3A_146 : memref<128x128xf32, #tpu.memory_space<hbm>>)
      tpu.yield
    }) : () -> ()
    %barrier3A_69 = arith.constant 0 : index
    tpu.barrier barrier_id(%barrier3A_69)
    %mul3A_70 = arith.constant 2 : i32
    %mul3A_71 = arith.muli %arg0, %mul3A_70 : i32
    %add3A_72 = arith.constant 1 : i32
    %add3A_73 = arith.addi %mul3A_71, %add3A_72 : i32
    %scan3A_74 = arith.constant 0 : i32
    %scan3A_75 = arith.constant 0 : i32
    %scan3A_76 = arith.constant 128 : i32
    %scan3A_77 = arith.addi %scan3A_75, %scan3A_76 : i32
    %scan3A_78 = arith.constant 1 : i32
    scf.for %scan3A_143 = %scan3A_75 to %scan3A_77 step %scan3A_78  : i32 {
      %broadcast_in_dim3A = arith.constant 0.000000e+00 : f32
      %broadcast_in_dim3A_144 = vector.broadcast %broadcast_in_dim3A : f32 to vector<16xf32>
      %swap3A = arith.index_cast %scan3A_143 : i32 to index
      %swap3A_145 = arith.constant 0 : index
      %swap3A_146 = tpu.vector_load %arg9[%swap3A, %swap3A_145] {strides = array<i32>} : memref<128x128xf32, #tpu.memory_space<vmem>>, vector<1x16xf32>,
      %swap3A_147 = vector.shape_cast %swap3A_146 : vector<1x16xf32> to vector<16xf32>
      %swap3A_148 = vector.shape_cast %broadcast_in_dim3A_144 : vector<16xf32> to vector<1x16xf32>
      tpu.vector_store %arg9[%swap3A, %swap3A_145], %swap3A_148 {strides = array<i32>} : memref<128x128xf32, #tpu.memory_space<vmem>>, vector<1x16xf32>,
      %broadcast_in_dim3A_149 = arith.constant 0.000000e+00 : f32
      %broadcast_in_dim3A_150 = vector.broadcast %broadcast_in_dim3A_149 : f32 to vector<16xf32>
      %swap3A_151 = arith.index_cast %scan3A_143 : i32 to index
      %swap3A_152 = arith.constant 16 : index
      %swap3A_153 = tpu.vector_load %arg9[%swap3A_151, %swap3A_152] {strides = array<i32>} : memref<128x128xf32, #tpu.memory_space<vmem>>, vector<1x16xf32>,
      %swap3A_154 = vector.shape_cast %swap3A_153 : vector<1x16xf32> to vector<16xf32>
      %swap3A_155 = vector.shape_cast %broadcast_in_dim3A_150 : vector<16xf32> to vector<1x16xf32>
      tpu.vector_store %arg9[%swap3A_151, %swap3A_152], %swap3A_155 {strides = array<i32>} : memref<128x128xf32, #tpu.memory_space<vmem>>, vector<1x16xf32>,
      %broadcast_in_dim3A_156 = arith.constant 0.000000e+00 : f32
      %broadcast_in_dim3A_157 = vector.broadcast %broadcast_in_dim3A_156 : f32 to vector<16xf32>
      %swap3A_158 = arith.index_cast %scan3A_143 : i32 to index
      %swap3A_159 = arith.constant 32 : index
      %swap3A_160 = tpu.vector_load %arg9[%swap3A_158, %swap3A_159] {strides = array<i32>} : memref<128x128xf32, #tpu.memory_space<vmem>>, vector<1x16xf32>,
      %swap3A_161 = vector.shape_cast %swap3A_160 : vector<1x16xf32> to vector<16xf32>
      %swap3A_162 = vector.shape_cast %broadcast_in_dim3A_157 : vector<16xf32> to vector<1x16xf32>
      tpu.vector_store %arg9[%swap3A_158, %swap3A_159], %swap3A_162 {strides = array<i32>} : memref<128x128xf32, #tpu.memory_space<vmem>>, vector<1x16xf32>,
      %broadcast_in_dim3A_163 = arith.constant 0.000000e+00 : f32
      %broadcast_in_dim3A_164 = vector.broadcast %broadcast_in_dim3A_163 : f32 to vector<16xf32>
      %swap3A_165 = arith.index_cast %scan3A_143 : i32 to index
      %swap3A_166 = arith.constant 48 : index
      %swap3A_167 = tpu.vector_load %arg9[%swap3A_165, %swap3A_166] {strides = array<i32>} : memref<128x128xf32, #tpu.memory_space<vmem>>, vector<1x16xf32>,
      %swap3A_168 = vector.shape_cast %swap3A_167 : vector<1x16xf32> to vector<16xf32>
      %swap3A_169 = vector.shape_cast %broadcast_in_dim3A_164 : vector<16xf32> to vector<1x16xf32>
      tpu.vector_store %arg9[%swap3A_165, %swap3A_166], %swap3A_169 {strides = array<i32>} : memref<128x128xf32, #tpu.memory_space<vmem>>, vector<1x16xf32>,
      %broadcast_in_dim3A_170 = arith.constant 0.000000e+00 : f32
      %broadcast_in_dim3A_171 = vector.broadcast %broadcast_in_dim3A_170 : f32 to vector<16xf32>
      %swap3A_172 = arith.index_cast %scan3A_143 : i32 to index
      %swap3A_173 = arith.constant 64 : index
      %swap3A_174 = tpu.vector_load %arg9[%swap3A_172, %swap3A_173] {strides = array<i32>} : memref<128x128xf32, #tpu.memory_space<vmem>>, vector<1x16xf32>,
      %swap3A_175 = vector.shape_cast %swap3A_174 : vector<1x16xf32> to vector<16xf32>
      %swap3A_176 = vector.shape_cast %broadcast_in_dim3A_171 : vector<16xf32> to vector<1x16xf32>
      tpu.vector_store %arg9[%swap3A_172, %swap3A_173], %swap3A_176 {strides = array<i32>} : memref<128x128xf32, #tpu.memory_space<vmem>>, vector<1x16xf32>,
      %broadcast_in_dim3A_177 = arith.constant 0.000000e+00 : f32
      %broadcast_in_dim3A_178 = vector.broadcast %broadcast_in_dim3A_177 : f32 to vector<16xf32>
      %swap3A_179 = arith.index_cast %scan3A_143 : i32 to index
      %swap3A_180 = arith.constant 80 : index
      %swap3A_181 = tpu.vector_load %arg9[%swap3A_179, %swap3A_180] {strides = array<i32>} : memref<128x128xf32, #tpu.memory_space<vmem>>, vector<1x16xf32>,
      %swap3A_182 = vector.shape_cast %swap3A_181 : vector<1x16xf32> to vector<16xf32>
      %swap3A_183 = vector.shape_cast %broadcast_in_dim3A_178 : vector<16xf32> to vector<1x16xf32>
      tpu.vector_store %arg9[%swap3A_179, %swap3A_180], %swap3A_183 {strides = array<i32>} : memref<128x128xf32, #tpu.memory_space<vmem>>, vector<1x16xf32>,
      %broadcast_in_dim3A_184 = arith.constant 0.000000e+00 : f32
      %broadcast_in_dim3A_185 = vector.broadcast %broadcast_in_dim3A_184 : f32 to vector<16xf32>
      %swap3A_186 = arith.index_cast %scan3A_143 : i32 to index
      %swap3A_187 = arith.constant 96 : index
      %swap3A_188 = tpu.vector_load %arg9[%swap3A_186, %swap3A_187] {strides = array<i32>} : memref<128x128xf32, #tpu.memory_space<vmem>>, vector<1x16xf32>,
      %swap3A_189 = vector.shape_cast %swap3A_188 : vector<1x16xf32> to vector<16xf32>
      %swap3A_190 = vector.shape_cast %broadcast_in_dim3A_185 : vector<16xf32> to vector<1x16xf32>
      tpu.vector_store %arg9[%swap3A_186, %swap3A_187], %swap3A_190 {strides = array<i32>} : memref<128x128xf32, #tpu.memory_space<vmem>>, vector<1x16xf32>,
      %broadcast_in_dim3A_191 = arith.constant 0.000000e+00 : f32
      %broadcast_in_dim3A_192 = vector.broadcast %broadcast_in_dim3A_191 : f32 to vector<16xf32>
      %swap3A_193 = arith.index_cast %scan3A_143 : i32 to index
      %swap3A_194 = arith.constant 112 : index
      %swap3A_195 = tpu.vector_load %arg9[%swap3A_193, %swap3A_194] {strides = array<i32>} : memref<128x128xf32, #tpu.memory_space<vmem>>, vector<1x16xf32>,
      %swap3A_196 = vector.shape_cast %swap3A_195 : vector<1x16xf32> to vector<16xf32>
      %swap3A_197 = vector.shape_cast %broadcast_in_dim3A_192 : vector<16xf32> to vector<1x16xf32>
      tpu.vector_store %arg9[%swap3A_193, %swap3A_194], %swap3A_197 {strides = array<i32>} : memref<128x128xf32, #tpu.memory_space<vmem>>, vector<1x16xf32>,
    }
    %scan3A_79 = arith.constant 128 : i32
    %mul3A_80 = arith.constant 640 : i32
    %mul3A_81 = arith.muli %arg1, %mul3A_80 : i32
    %add3A_82 = arith.constant 0 : i32
    %add3A_83 = arith.addi %mul3A_81, %add3A_82 : i32
    "tpu.region"() ({
      %run_scoped3A = tpu.sem_alloc : memref<!tpu.dma_semaphore, #tpu.memory_space<semaphore_mem>>
      %dma_start3A = arith.constant 0 : i32
      %dma_start3A_143 = tpu.memref_slice %arg6[%add3A_83, %dma_start3A] : memref<10240x128xf32, #tpu.memory_space<vmem_shared>> -> memref<128x128xf32, #tpu.memory_space<vmem_shared>>
      %dma_start3A_144 = arith.constant 0 : i32
      %dma_start3A_145 = tpu.memref_slice %arg6[%add3A_83, %dma_start3A_144] : memref<10240x128xf32, #tpu.memory_space<vmem_shared>> -> memref<128x128xf32, #tpu.memory_space<vmem_shared>>
      tpu.enqueue_dma source(%arg9 : memref<128x128xf32, #tpu.memory_space<vmem>>) target(%dma_start3A_145 : memref<128x128xf32, #tpu.memory_space<vmem_shared>>) target_semaphore(%run_scoped3A : memref<!tpu.dma_semaphore, #tpu.memory_space<semaphore_mem>>)
      %dma_wait3A = arith.constant 0 : i32
      %dma_wait3A_146 = tpu.memref_slice %arg6[%add3A_83, %dma_wait3A] : memref<10240x128xf32, #tpu.memory_space<vmem_shared>> -> memref<128x128xf32, #tpu.memory_space<vmem_shared>>
      %dma_wait3A_147 = arith.constant 0 : i32
      %dma_wait3A_148 = tpu.memref_slice %arg6[%add3A_83, %dma_wait3A_147] : memref<10240x128xf32, #tpu.memory_space<vmem_shared>> -> memref<128x128xf32, #tpu.memory_space<vmem_shared>>
      tpu.wait_dma2 semaphore(%run_scoped3A : memref<!tpu.dma_semaphore, #tpu.memory_space<semaphore_mem>>) src(%arg9 : memref<128x128xf32, #tpu.memory_space<vmem>>) dst(%dma_wait3A_148 : memref<128x128xf32, #tpu.memory_space<vmem_shared>>)
      tpu.yield
    }) : () -> ()
    %mul3A_84 = arith.constant 640 : i32
    %mul3A_85 = arith.muli %arg1, %mul3A_84 : i32
    %add3A_86 = arith.constant 128 : i32
    %add3A_87 = arith.addi %mul3A_85, %add3A_86 : i32
    "tpu.region"() ({
      %run_scoped3A = tpu.sem_alloc : memref<!tpu.dma_semaphore, #tpu.memory_space<semaphore_mem>>
      %dma_start3A = arith.constant 0 : i32
      %dma_start3A_143 = tpu.memref_slice %arg6[%add3A_87, %dma_start3A] : memref<10240x128xf32, #tpu.memory_space<vmem_shared>> -> memref<128x128xf32, #tpu.memory_space<vmem_shared>>
      %dma_start3A_144 = arith.constant 0 : i32
      %dma_start3A_145 = tpu.memref_slice %arg6[%add3A_87, %dma_start3A_144] : memref<10240x128xf32, #tpu.memory_space<vmem_shared>> -> memref<128x128xf32, #tpu.memory_space<vmem_shared>>
      tpu.enqueue_dma source(%arg9 : memref<128x128xf32, #tpu.memory_space<vmem>>) target(%dma_start3A_145 : memref<128x128xf32, #tpu.memory_space<vmem_shared>>) target_semaphore(%run_scoped3A : memref<!tpu.dma_semaphore, #tpu.memory_space<semaphore_mem>>)
      %dma_wait3A = arith.constant 0 : i32
      %dma_wait3A_146 = tpu.memref_slice %arg6[%add3A_87, %dma_wait3A] : memref<10240x128xf32, #tpu.memory_space<vmem_shared>> -> memref<128x128xf32, #tpu.memory_space<vmem_shared>>
      %dma_wait3A_147 = arith.constant 0 : i32
      %dma_wait3A_148 = tpu.memref_slice %arg6[%add3A_87, %dma_wait3A_147] : memref<10240x128xf32, #tpu.memory_space<vmem_shared>> -> memref<128x128xf32, #tpu.memory_space<vmem_shared>>
      tpu.wait_dma2 semaphore(%run_scoped3A : memref<!tpu.dma_semaphore, #tpu.memory_space<semaphore_mem>>) src(%arg9 : memref<128x128xf32, #tpu.memory_space<vmem>>) dst(%dma_wait3A_148 : memref<128x128xf32, #tpu.memory_space<vmem_shared>>)
      tpu.yield
    }) : () -> ()
    %mul3A_88 = arith.constant 640 : i32
    %mul3A_89 = arith.muli %arg1, %mul3A_88 : i32
    %add3A_90 = arith.constant 256 : i32
    %add3A_91 = arith.addi %mul3A_89, %add3A_90 : i32
    "tpu.region"() ({
      %run_scoped3A = tpu.sem_alloc : memref<!tpu.dma_semaphore, #tpu.memory_space<semaphore_mem>>
      %dma_start3A = arith.constant 0 : i32
      %dma_start3A_143 = tpu.memref_slice %arg6[%add3A_91, %dma_start3A] : memref<10240x128xf32, #tpu.memory_space<vmem_shared>> -> memref<128x128xf32, #tpu.memory_space<vmem_shared>>
      %dma_start3A_144 = arith.constant 0 : i32
      %dma_start3A_145 = tpu.memref_slice %arg6[%add3A_91, %dma_start3A_144] : memref<10240x128xf32, #tpu.memory_space<vmem_shared>> -> memref<128x128xf32, #tpu.memory_space<vmem_shared>>
      tpu.enqueue_dma source(%arg9 : memref<128x128xf32, #tpu.memory_space<vmem>>) target(%dma_start3A_145 : memref<128x128xf32, #tpu.memory_space<vmem_shared>>) target_semaphore(%run_scoped3A : memref<!tpu.dma_semaphore, #tpu.memory_space<semaphore_mem>>)
      %dma_wait3A = arith.constant 0 : i32
      %dma_wait3A_146 = tpu.memref_slice %arg6[%add3A_91, %dma_wait3A] : memref<10240x128xf32, #tpu.memory_space<vmem_shared>> -> memref<128x128xf32, #tpu.memory_space<vmem_shared>>
      %dma_wait3A_147 = arith.constant 0 : i32
      %dma_wait3A_148 = tpu.memref_slice %arg6[%add3A_91, %dma_wait3A_147] : memref<10240x128xf32, #tpu.memory_space<vmem_shared>> -> memref<128x128xf32, #tpu.memory_space<vmem_shared>>
      tpu.wait_dma2 semaphore(%run_scoped3A : memref<!tpu.dma_semaphore, #tpu.memory_space<semaphore_mem>>) src(%arg9 : memref<128x128xf32, #tpu.memory_space<vmem>>) dst(%dma_wait3A_148 : memref<128x128xf32, #tpu.memory_space<vmem_shared>>)
      tpu.yield
    }) : () -> ()
    %mul3A_92 = arith.constant 640 : i32
    %mul3A_93 = arith.muli %arg1, %mul3A_92 : i32
    %add3A_94 = arith.constant 384 : i32
    %add3A_95 = arith.addi %mul3A_93, %add3A_94 : i32
    "tpu.region"() ({
      %run_scoped3A = tpu.sem_alloc : memref<!tpu.dma_semaphore, #tpu.memory_space<semaphore_mem>>
      %dma_start3A = arith.constant 0 : i32
      %dma_start3A_143 = tpu.memref_slice %arg6[%add3A_95, %dma_start3A] : memref<10240x128xf32, #tpu.memory_space<vmem_shared>> -> memref<128x128xf32, #tpu.memory_space<vmem_shared>>
      %dma_start3A_144 = arith.constant 0 : i32
      %dma_start3A_145 = tpu.memref_slice %arg6[%add3A_95, %dma_start3A_144] : memref<10240x128xf32, #tpu.memory_space<vmem_shared>> -> memref<128x128xf32, #tpu.memory_space<vmem_shared>>
      tpu.enqueue_dma source(%arg9 : memref<128x128xf32, #tpu.memory_space<vmem>>) target(%dma_start3A_145 : memref<128x128xf32, #tpu.memory_space<vmem_shared>>) target_semaphore(%run_scoped3A : memref<!tpu.dma_semaphore, #tpu.memory_space<semaphore_mem>>)
      %dma_wait3A = arith.constant 0 : i32
      %dma_wait3A_146 = tpu.memref_slice %arg6[%add3A_95, %dma_wait3A] : memref<10240x128xf32, #tpu.memory_space<vmem_shared>> -> memref<128x128xf32, #tpu.memory_space<vmem_shared>>
      %dma_wait3A_147 = arith.constant 0 : i32
      %dma_wait3A_148 = tpu.memref_slice %arg6[%add3A_95, %dma_wait3A_147] : memref<10240x128xf32, #tpu.memory_space<vmem_shared>> -> memref<128x128xf32, #tpu.memory_space<vmem_shared>>
      tpu.wait_dma2 semaphore(%run_scoped3A : memref<!tpu.dma_semaphore, #tpu.memory_space<semaphore_mem>>) src(%arg9 : memref<128x128xf32, #tpu.memory_space<vmem>>) dst(%dma_wait3A_148 : memref<128x128xf32, #tpu.memory_space<vmem_shared>>)
      tpu.yield
    }) : () -> ()
    %mul3A_96 = arith.constant 640 : i32
    %mul3A_97 = arith.muli %arg1, %mul3A_96 : i32
    %add3A_98 = arith.constant 512 : i32
    %add3A_99 = arith.addi %mul3A_97, %add3A_98 : i32
    "tpu.region"() ({
      %run_scoped3A = tpu.sem_alloc : memref<!tpu.dma_semaphore, #tpu.memory_space<semaphore_mem>>
      %dma_start3A = arith.constant 0 : i32
      %dma_start3A_143 = tpu.memref_slice %arg6[%add3A_99, %dma_start3A] : memref<10240x128xf32, #tpu.memory_space<vmem_shared>> -> memref<128x128xf32, #tpu.memory_space<vmem_shared>>
      %dma_start3A_144 = arith.constant 0 : i32
      %dma_start3A_145 = tpu.memref_slice %arg6[%add3A_99, %dma_start3A_144] : memref<10240x128xf32, #tpu.memory_space<vmem_shared>> -> memref<128x128xf32, #tpu.memory_space<vmem_shared>>
      tpu.enqueue_dma source(%arg9 : memref<128x128xf32, #tpu.memory_space<vmem>>) target(%dma_start3A_145 : memref<128x128xf32, #tpu.memory_space<vmem_shared>>) target_semaphore(%run_scoped3A : memref<!tpu.dma_semaphore, #tpu.memory_space<semaphore_mem>>)
      %dma_wait3A = arith.constant 0 : i32
      %dma_wait3A_146 = tpu.memref_slice %arg6[%add3A_99, %dma_wait3A] : memref<10240x128xf32, #tpu.memory_space<vmem_shared>> -> memref<128x128xf32, #tpu.memory_space<vmem_shared>>
      %dma_wait3A_147 = arith.constant 0 : i32
      %dma_wait3A_148 = tpu.memref_slice %arg6[%add3A_99, %dma_wait3A_147] : memref<10240x128xf32, #tpu.memory_space<vmem_shared>> -> memref<128x128xf32, #tpu.memory_space<vmem_shared>>
      tpu.wait_dma2 semaphore(%run_scoped3A : memref<!tpu.dma_semaphore, #tpu.memory_space<semaphore_mem>>) src(%arg9 : memref<128x128xf32, #tpu.memory_space<vmem>>) dst(%dma_wait3A_148 : memref<128x128xf32, #tpu.memory_space<vmem_shared>>)
      tpu.yield
    }) : () -> ()
    "tpu.region"() ({
      %run_scoped3A = tpu.sem_alloc : memref<!tpu.dma_semaphore, #tpu.memory_space<semaphore_mem>>
      %dma_start3A = arith.constant 0 : i32
      %dma_start3A_143 = arith.constant 0 : i32
      %dma_start3A_144 = tpu.memref_slice %arg3[%add3A_73, %arg1, %dma_start3A, %dma_start3A_143] : memref<4x16x80x128xi32, #tpu.memory_space<hbm>> -> memref<1x1x80x128xi32, #tpu.memory_space<hbm>>
      %dma_start3A_145 = tpu.memref_squeeze %dma_start3A_144 : memref<1x1x80x128xi32, #tpu.memory_space<hbm>> -> memref<80x128xi32, #tpu.memory_space<hbm>>
      %dma_start3A_146 = arith.constant 0 : i32
      %dma_start3A_147 = arith.constant 0 : i32
      %dma_start3A_148 = tpu.memref_slice %arg3[%add3A_73, %arg1, %dma_start3A_146, %dma_start3A_147] : memref<4x16x80x128xi32, #tpu.memory_space<hbm>> -> memref<1x1x80x128xi32, #tpu.memory_space<hbm>>
      %dma_start3A_149 = tpu.memref_squeeze %dma_start3A_148 : memref<1x1x80x128xi32, #tpu.memory_space<hbm>> -> memref<80x128xi32, #tpu.memory_space<hbm>>
      tpu.enqueue_dma source(%dma_start3A_149 : memref<80x128xi32, #tpu.memory_space<hbm>>) target(%arg7 : memref<80x128xi32, #tpu.memory_space<vmem>>) target_semaphore(%run_scoped3A : memref<!tpu.dma_semaphore, #tpu.memory_space<semaphore_mem>>)
      %dma_wait3A = arith.constant 0 : i32
      %dma_wait3A_150 = arith.constant 0 : i32
      %dma_wait3A_151 = tpu.memref_slice %arg3[%add3A_73, %arg1, %dma_wait3A, %dma_wait3A_150] : memref<4x16x80x128xi32, #tpu.memory_space<hbm>> -> memref<1x1x80x128xi32, #tpu.memory_space<hbm>>
      %dma_wait3A_152 = tpu.memref_squeeze %dma_wait3A_151 : memref<1x1x80x128xi32, #tpu.memory_space<hbm>> -> memref<80x128xi32, #tpu.memory_space<hbm>>
      %dma_wait3A_153 = arith.constant 0 : i32
      %dma_wait3A_154 = arith.constant 0 : i32
      %dma_wait3A_155 = tpu.memref_slice %arg3[%add3A_73, %arg1, %dma_wait3A_153, %dma_wait3A_154] : memref<4x16x80x128xi32, #tpu.memory_space<hbm>> -> memref<1x1x80x128xi32, #tpu.memory_space<hbm>>
      %dma_wait3A_156 = tpu.memref_squeeze %dma_wait3A_155 : memref<1x1x80x128xi32, #tpu.memory_space<hbm>> -> memref<80x128xi32, #tpu.memory_space<hbm>>
      tpu.wait_dma2 semaphore(%run_scoped3A : memref<!tpu.dma_semaphore, #tpu.memory_space<semaphore_mem>>) src(%dma_wait3A_156 : memref<80x128xi32, #tpu.memory_space<hbm>>) dst(%arg7 : memref<80x128xi32, #tpu.memory_space<vmem>>)
      tpu.yield
    }) : () -> ()
    %barrier3A_100 = arith.constant 0 : index
    tpu.barrier barrier_id(%barrier3A_100)
    %scan3A_101 = arith.constant 0 : i32
    %scan3A_102 = arith.constant 0 : i32
    %scan3A_103 = arith.constant 80 : i32
    %scan3A_104 = arith.addi %scan3A_102, %scan3A_103 : i32
    %scan3A_105 = arith.constant 1 : i32
    scf.for %scan3A_143 = %scan3A_102 to %scan3A_104 step %scan3A_105  : i32 {
      "tpu.region"() ({
        %run_scoped3A = tpu.sem_alloc : memref<!tpu.dma_semaphore, #tpu.memory_space<semaphore_mem>>
        %dma_start3A = arith.constant 0 : i32
        %dma_start3A_144 = tpu.memref_slice %arg7[%scan3A_143, %dma_start3A] : memref<80x128xi32, #tpu.memory_space<vmem>> -> memref<1x128xi32, #tpu.memory_space<vmem>>
        %dma_start3A_145 = tpu.memref_squeeze %dma_start3A_144 : memref<1x128xi32, #tpu.memory_space<vmem>> -> memref<128xi32, #tpu.memory_space<vmem>>
        %dma_start3A_146 = arith.constant 0 : i32
        %dma_start3A_147 = arith.constant 0 : i32
        %dma_start3A_148 = tpu.memref_slice %arg2[%dma_start3A_146, %dma_start3A_147] : memref<40000x128xf32, #tpu.memory_space<hbm>> -> memref<40000x128xf32, #tpu.memory_space<hbm>>
        tpu.enqueue_indirect_dma source(%dma_start3A_148 : memref<40000x128xf32, #tpu.memory_space<hbm>>) target(%arg9 : memref<128x128xf32, #tpu.memory_space<vmem>>) offsets(%dma_start3A_145 : memref<128xi32, #tpu.memory_space<vmem>>) semaphore(%run_scoped3A : memref<!tpu.dma_semaphore, #tpu.memory_space<semaphore_mem>>)
        %dma_wait3A = arith.constant 0 : i32
        %dma_wait3A_149 = tpu.memref_slice %arg7[%scan3A_143, %dma_wait3A] : memref<80x128xi32, #tpu.memory_space<vmem>> -> memref<1x128xi32, #tpu.memory_space<vmem>>
        %dma_wait3A_150 = tpu.memref_squeeze %dma_wait3A_149 : memref<1x128xi32, #tpu.memory_space<vmem>> -> memref<128xi32, #tpu.memory_space<vmem>>
        %dma_wait3A_151 = arith.constant 0 : i32
        %dma_wait3A_152 = arith.constant 0 : i32
        %dma_wait3A_153 = tpu.memref_slice %arg2[%dma_wait3A_151, %dma_wait3A_152] : memref<40000x128xf32, #tpu.memory_space<hbm>> -> memref<40000x128xf32, #tpu.memory_space<hbm>>
        tpu.wait_indirect_dma semaphore(%run_scoped3A : memref<!tpu.dma_semaphore, #tpu.memory_space<semaphore_mem>>) src(%dma_wait3A_153 : memref<40000x128xf32, #tpu.memory_space<hbm>>) dst(%arg9 : memref<128x128xf32, #tpu.memory_space<vmem>>)
        tpu.yield
      }) : () -> ()
      "tpu.region"() ({
        %run_scoped3A = tpu.sem_alloc : memref<!tpu.dma_semaphore, #tpu.memory_space<semaphore_mem>>
        %dma_start3A = arith.constant 0 : i32
        %dma_start3A_144 = tpu.memref_slice %arg8[%scan3A_143, %dma_start3A] : memref<80x128xi32, #tpu.memory_space<vmem>> -> memref<1x128xi32, #tpu.memory_space<vmem>>
        %dma_start3A_145 = tpu.memref_squeeze %dma_start3A_144 : memref<1x128xi32, #tpu.memory_space<vmem>> -> memref<128xi32, #tpu.memory_space<vmem>>
        %dma_start3A_146 = arith.constant 0 : i32
        %dma_start3A_147 = arith.constant 0 : i32
        %dma_start3A_148 = tpu.memref_slice %arg6[%dma_start3A_146, %dma_start3A_147] : memref<10240x128xf32, #tpu.memory_space<vmem_shared>> -> memref<10240x128xf32, #tpu.memory_space<vmem_shared>>
        tpu.enqueue_indirect_dma source(%arg9 : memref<128x128xf32, #tpu.memory_space<vmem>>) target(%dma_start3A_148 : memref<10240x128xf32, #tpu.memory_space<vmem_shared>>) offsets(%dma_start3A_145 : memref<128xi32, #tpu.memory_space<vmem>>) semaphore(%run_scoped3A : memref<!tpu.dma_semaphore, #tpu.memory_space<semaphore_mem>>) {add = true}
        %dma_wait3A = arith.constant 0 : i32
        %dma_wait3A_149 = tpu.memref_slice %arg8[%scan3A_143, %dma_wait3A] : memref<80x128xi32, #tpu.memory_space<vmem>> -> memref<1x128xi32, #tpu.memory_space<vmem>>
        %dma_wait3A_150 = tpu.memref_squeeze %dma_wait3A_149 : memref<1x128xi32, #tpu.memory_space<vmem>> -> memref<128xi32, #tpu.memory_space<vmem>>
        %dma_wait3A_151 = arith.constant 0 : i32
        %dma_wait3A_152 = arith.constant 0 : i32
        %dma_wait3A_153 = tpu.memref_slice %arg6[%dma_wait3A_151, %dma_wait3A_152] : memref<10240x128xf32, #tpu.memory_space<vmem_shared>> -> memref<10240x128xf32, #tpu.memory_space<vmem_shared>>
        tpu.wait_indirect_dma semaphore(%run_scoped3A : memref<!tpu.dma_semaphore, #tpu.memory_space<semaphore_mem>>) src(%arg9 : memref<128x128xf32, #tpu.memory_space<vmem>>) dst(%dma_wait3A_153 : memref<10240x128xf32, #tpu.memory_space<vmem_shared>>)
        tpu.yield
      }) : () -> ()
    }
    %scan3A_106 = arith.constant 80 : i32
    %barrier3A_107 = arith.constant 0 : index
    tpu.barrier barrier_id(%barrier3A_107)
    %mul3A_108 = arith.constant 640 : i32
    %mul3A_109 = arith.muli %arg1, %mul3A_108 : i32
    %add3A_110 = arith.constant 0 : i32
    %add3A_111 = arith.addi %mul3A_109, %add3A_110 : i32
    %mul3A_112 = arith.constant 10240 : i32
    %mul3A_113 = arith.muli %add3A_73, %mul3A_112 : i32
    %add3A_114 = arith.addi %mul3A_113, %add3A_111 : i32
    "tpu.region"() ({
      %run_scoped3A = tpu.sem_alloc : memref<!tpu.dma_semaphore, #tpu.memory_space<semaphore_mem>>
      %dma_start3A = arith.constant 0 : i32
      %dma_start3A_143 = tpu.memref_slice %arg5[%add3A_114, %dma_start3A] : memref<40960x128xf32, #tpu.memory_space<hbm>> -> memref<128x128xf32, #tpu.memory_space<hbm>>
      %dma_start3A_144 = arith.constant 0 : i32
      %dma_start3A_145 = tpu.memref_slice %arg6[%add3A_111, %dma_start3A_144] : memref<10240x128xf32, #tpu.memory_space<vmem_shared>> -> memref<128x128xf32, #tpu.memory_space<vmem_shared>>
      tpu.enqueue_dma source(%dma_start3A_145 : memref<128x128xf32, #tpu.memory_space<vmem_shared>>) target(%dma_start3A_143 : memref<128x128xf32, #tpu.memory_space<hbm>>) target_semaphore(%run_scoped3A : memref<!tpu.dma_semaphore, #tpu.memory_space<semaphore_mem>>)
      %dma_wait3A = arith.constant 0 : i32
      %dma_wait3A_146 = tpu.memref_slice %arg5[%add3A_114, %dma_wait3A] : memref<40960x128xf32, #tpu.memory_space<hbm>> -> memref<128x128xf32, #tpu.memory_space<hbm>>
      %dma_wait3A_147 = arith.constant 0 : i32
      %dma_wait3A_148 = tpu.memref_slice %arg6[%add3A_111, %dma_wait3A_147] : memref<10240x128xf32, #tpu.memory_space<vmem_shared>> -> memref<128x128xf32, #tpu.memory_space<vmem_shared>>
      tpu.wait_dma2 semaphore(%run_scoped3A : memref<!tpu.dma_semaphore, #tpu.memory_space<semaphore_mem>>) src(%dma_wait3A_148 : memref<128x128xf32, #tpu.memory_space<vmem_shared>>) dst(%dma_wait3A_146 : memref<128x128xf32, #tpu.memory_space<hbm>>)
      tpu.yield
    }) : () -> ()
    %mul3A_115 = arith.constant 640 : i32
    %mul3A_116 = arith.muli %arg1, %mul3A_115 : i32
    %add3A_117 = arith.constant 128 : i32
    %add3A_118 = arith.addi %mul3A_116, %add3A_117 : i32
    %mul3A_119 = arith.constant 10240 : i32
    %mul3A_120 = arith.muli %add3A_73, %mul3A_119 : i32
    %add3A_121 = arith.addi %mul3A_120, %add3A_118 : i32
    "tpu.region"() ({
      %run_scoped3A = tpu.sem_alloc : memref<!tpu.dma_semaphore, #tpu.memory_space<semaphore_mem>>
      %dma_start3A = arith.constant 0 : i32
      %dma_start3A_143 = tpu.memref_slice %arg5[%add3A_121, %dma_start3A] : memref<40960x128xf32, #tpu.memory_space<hbm>> -> memref<128x128xf32, #tpu.memory_space<hbm>>
      %dma_start3A_144 = arith.constant 0 : i32
      %dma_start3A_145 = tpu.memref_slice %arg6[%add3A_118, %dma_start3A_144] : memref<10240x128xf32, #tpu.memory_space<vmem_shared>> -> memref<128x128xf32, #tpu.memory_space<vmem_shared>>
      tpu.enqueue_dma source(%dma_start3A_145 : memref<128x128xf32, #tpu.memory_space<vmem_shared>>) target(%dma_start3A_143 : memref<128x128xf32, #tpu.memory_space<hbm>>) target_semaphore(%run_scoped3A : memref<!tpu.dma_semaphore, #tpu.memory_space<semaphore_mem>>)
      %dma_wait3A = arith.constant 0 : i32
      %dma_wait3A_146 = tpu.memref_slice %arg5[%add3A_121, %dma_wait3A] : memref<40960x128xf32, #tpu.memory_space<hbm>> -> memref<128x128xf32, #tpu.memory_space<hbm>>
      %dma_wait3A_147 = arith.constant 0 : i32
      %dma_wait3A_148 = tpu.memref_slice %arg6[%add3A_118, %dma_wait3A_147] : memref<10240x128xf32, #tpu.memory_space<vmem_shared>> -> memref<128x128xf32, #tpu.memory_space<vmem_shared>>
      tpu.wait_dma2 semaphore(%run_scoped3A : memref<!tpu.dma_semaphore, #tpu.memory_space<semaphore_mem>>) src(%dma_wait3A_148 : memref<128x128xf32, #tpu.memory_space<vmem_shared>>) dst(%dma_wait3A_146 : memref<128x128xf32, #tpu.memory_space<hbm>>)
      tpu.yield
    }) : () -> ()
    %mul3A_122 = arith.constant 640 : i32
    %mul3A_123 = arith.muli %arg1, %mul3A_122 : i32
    %add3A_124 = arith.constant 256 : i32
    %add3A_125 = arith.addi %mul3A_123, %add3A_124 : i32
    %mul3A_126 = arith.constant 10240 : i32
    %mul3A_127 = arith.muli %add3A_73, %mul3A_126 : i32
    %add3A_128 = arith.addi %mul3A_127, %add3A_125 : i32
    "tpu.region"() ({
      %run_scoped3A = tpu.sem_alloc : memref<!tpu.dma_semaphore, #tpu.memory_space<semaphore_mem>>
      %dma_start3A = arith.constant 0 : i32
      %dma_start3A_143 = tpu.memref_slice %arg5[%add3A_128, %dma_start3A] : memref<40960x128xf32, #tpu.memory_space<hbm>> -> memref<128x128xf32, #tpu.memory_space<hbm>>
      %dma_start3A_144 = arith.constant 0 : i32
      %dma_start3A_145 = tpu.memref_slice %arg6[%add3A_125, %dma_start3A_144] : memref<10240x128xf32, #tpu.memory_space<vmem_shared>> -> memref<128x128xf32, #tpu.memory_space<vmem_shared>>
      tpu.enqueue_dma source(%dma_start3A_145 : memref<128x128xf32, #tpu.memory_space<vmem_shared>>) target(%dma_start3A_143 : memref<128x128xf32, #tpu.memory_space<hbm>>) target_semaphore(%run_scoped3A : memref<!tpu.dma_semaphore, #tpu.memory_space<semaphore_mem>>)
      %dma_wait3A = arith.constant 0 : i32
      %dma_wait3A_146 = tpu.memref_slice %arg5[%add3A_128, %dma_wait3A] : memref<40960x128xf32, #tpu.memory_space<hbm>> -> memref<128x128xf32, #tpu.memory_space<hbm>>
      %dma_wait3A_147 = arith.constant 0 : i32
      %dma_wait3A_148 = tpu.memref_slice %arg6[%add3A_125, %dma_wait3A_147] : memref<10240x128xf32, #tpu.memory_space<vmem_shared>> -> memref<128x128xf32, #tpu.memory_space<vmem_shared>>
      tpu.wait_dma2 semaphore(%run_scoped3A : memref<!tpu.dma_semaphore, #tpu.memory_space<semaphore_mem>>) src(%dma_wait3A_148 : memref<128x128xf32, #tpu.memory_space<vmem_shared>>) dst(%dma_wait3A_146 : memref<128x128xf32, #tpu.memory_space<hbm>>)
      tpu.yield
    }) : () -> ()
    %mul3A_129 = arith.constant 640 : i32
    %mul3A_130 = arith.muli %arg1, %mul3A_129 : i32
    %add3A_131 = arith.constant 384 : i32
    %add3A_132 = arith.addi %mul3A_130, %add3A_131 : i32
    %mul3A_133 = arith.constant 10240 : i32
    %mul3A_134 = arith.muli %add3A_73, %mul3A_133 : i32
    %add3A_135 = arith.addi %mul3A_134, %add3A_132 : i32
    "tpu.region"() ({
      %run_scoped3A = tpu.sem_alloc : memref<!tpu.dma_semaphore, #tpu.memory_space<semaphore_mem>>
      %dma_start3A = arith.constant 0 : i32
      %dma_start3A_143 = tpu.memref_slice %arg5[%add3A_135, %dma_start3A] : memref<40960x128xf32, #tpu.memory_space<hbm>> -> memref<128x128xf32, #tpu.memory_space<hbm>>
      %dma_start3A_144 = arith.constant 0 : i32
      %dma_start3A_145 = tpu.memref_slice %arg6[%add3A_132, %dma_start3A_144] : memref<10240x128xf32, #tpu.memory_space<vmem_shared>> -> memref<128x128xf32, #tpu.memory_space<vmem_shared>>
      tpu.enqueue_dma source(%dma_start3A_145 : memref<128x128xf32, #tpu.memory_space<vmem_shared>>) target(%dma_start3A_143 : memref<128x128xf32, #tpu.memory_space<hbm>>) target_semaphore(%run_scoped3A : memref<!tpu.dma_semaphore, #tpu.memory_space<semaphore_mem>>)
      %dma_wait3A = arith.constant 0 : i32
      %dma_wait3A_146 = tpu.memref_slice %arg5[%add3A_135, %dma_wait3A] : memref<40960x128xf32, #tpu.memory_space<hbm>> -> memref<128x128xf32, #tpu.memory_space<hbm>>
      %dma_wait3A_147 = arith.constant 0 : i32
      %dma_wait3A_148 = tpu.memref_slice %arg6[%add3A_132, %dma_wait3A_147] : memref<10240x128xf32, #tpu.memory_space<vmem_shared>> -> memref<128x128xf32, #tpu.memory_space<vmem_shared>>
      tpu.wait_dma2 semaphore(%run_scoped3A : memref<!tpu.dma_semaphore, #tpu.memory_space<semaphore_mem>>) src(%dma_wait3A_148 : memref<128x128xf32, #tpu.memory_space<vmem_shared>>) dst(%dma_wait3A_146 : memref<128x128xf32, #tpu.memory_space<hbm>>)
      tpu.yield
    }) : () -> ()
    %mul3A_136 = arith.constant 640 : i32
    %mul3A_137 = arith.muli %arg1, %mul3A_136 : i32
    %add3A_138 = arith.constant 512 : i32
    %add3A_139 = arith.addi %mul3A_137, %add3A_138 : i32
    %mul3A_140 = arith.constant 10240 : i32
    %mul3A_141 = arith.muli %add3A_73, %mul3A_140 : i32
    %add3A_142 = arith.addi %mul3A_141, %add3A_139 : i32
    "tpu.region"() ({
      %run_scoped3A = tpu.sem_alloc : memref<!tpu.dma_semaphore, #tpu.memory_space<semaphore_mem>>
      %dma_start3A = arith.constant 0 : i32
      %dma_start3A_143 = tpu.memref_slice %arg5[%add3A_142, %dma_start3A] : memref<40960x128xf32, #tpu.memory_space<hbm>> -> memref<128x128xf32, #tpu.memory_space<hbm>>
      %dma_start3A_144 = arith.constant 0 : i32
      %dma_start3A_145 = tpu.memref_slice %arg6[%add3A_139, %dma_start3A_144] : memref<10240x128xf32, #tpu.memory_space<vmem_shared>> -> memref<128x128xf32, #tpu.memory_space<vmem_shared>>
      tpu.enqueue_dma source(%dma_start3A_145 : memref<128x128xf32, #tpu.memory_space<vmem_shared>>) target(%dma_start3A_143 : memref<128x128xf32, #tpu.memory_space<hbm>>) target_semaphore(%run_scoped3A : memref<!tpu.dma_semaphore, #tpu.memory_space<semaphore_mem>>)
      %dma_wait3A = arith.constant 0 : i32
      %dma_wait3A_146 = tpu.memref_slice %arg5[%add3A_142, %dma_wait3A] : memref<40960x128xf32, #tpu.memory_space<hbm>> -> memref<128x128xf32, #tpu.memory_space<hbm>>
      %dma_wait3A_147 = arith.constant 0 : i32
      %dma_wait3A_148 = tpu.memref_slice %arg6[%add3A_139, %dma_wait3A_147] : memref<10240x128xf32, #tpu.memory_space<vmem_shared>> -> memref<128x128xf32, #tpu.memory_space<vmem_shared>>
      tpu.wait_dma2 semaphore(%run_scoped3A : memref<!tpu.dma_semaphore, #tpu.memory_space<semaphore_mem>>) src(%dma_wait3A_148 : memref<128x128xf32, #tpu.memory_space<vmem_shared>>) dst(%dma_wait3A_146 : memref<128x128xf32, #tpu.memory_space<hbm>>)
      tpu.yield
    }) : () -> ()
    return
  }
}

#map = affine_map<(d0, d1) -> (0, 0)>
#map1 = affine_map<(d0, d1) -> (0, 0, 0, 0)>
#map2 = affine_map<(d0, d1) -> (0, 0, 0)>
module attributes {stable_mosaic.version = 14 : i64} {
  func.func @seg(%arg0: i32, %arg1: i32, %arg2: memref<40000x128xf32, #tpu.memory_space<hbm>>, %arg3: memref<4x16x80x128xi32, #tpu.memory_space<hbm>>, %arg4: memref<16x80x128xi32, #tpu.memory_space<hbm>>, %arg5: memref<40960x128xf32, #tpu.memory_space<hbm>>, %arg6: memref<10240x128xf32, #tpu.memory_space<vmem_shared>>, %arg7: memref<80x128xi32, #tpu.memory_space<vmem>>, %arg8: memref<80x128xi32, #tpu.memory_space<vmem>>, %arg9: memref<128x128xf32, #tpu.memory_space<vmem>>) attributes {dimension_semantics = [#tpu.dimension_semantics<core_parallel>, #tpu.dimension_semantics<subcore_parallel>], iteration_bounds = array<i64: 2, 16>, scalar_prefetch = 0 : i64, scratch_operands = 4 : i64, tpu.core_type = #tpu.core_type<sc_vector_subcore>, window_params = [{transform_indices = #map}, {transform_indices = #map1}, {transform_indices = #map2}, {transform_indices = #map}]} {
    "tpu.region"() ({
      %run_scoped3A = tpu.sem_alloc : memref<!tpu.dma_semaphore, #tpu.memory_space<semaphore_mem>>
      %dma_start3A = arith.constant 0 : i32
      %dma_start3A_143 = arith.constant 0 : i32
      %dma_start3A_144 = tpu.memref_slice %arg4[%arg1, %dma_start3A, %dma_start3A_143] : memref<16x80x128xi32, #tpu.memory_space<hbm>> -> memref<1x80x128xi32, #tpu.memory_space<hbm>>
      %dma_start3A_145 = tpu.memref_squeeze %dma_start3A_144 : memref<1x80x128xi32, #tpu.memory_space<hbm>> -> memref<80x128xi32, #tpu.memory_space<hbm>>
      %dma_start3A_146 = arith.constant 0 : i32
      %dma_start3A_147 = arith.constant 0 : i32
      %dma_start3A_148 = tpu.memref_slice %arg4[%arg1, %dma_start3A_146, %dma_start3A_147] : memref<16x80x128xi32, #tpu.memory_space<hbm>> -> memref<1x80x128xi32, #tpu.memory_space<hbm>>
      %dma_start3A_149 = tpu.memref_squeeze %dma_start3A_148 : memref<1x80x128xi32, #tpu.memory_space<hbm>> -> memref<80x128xi32, #tpu.memory_space<hbm>>
      tpu.enqueue_dma source(%dma_start3A_149 : memref<80x128xi32, #tpu.memory_space<hbm>>) target(%arg8 : memref<80x128xi32, #tpu.memory_space<vmem>>) target_semaphore(%run_scoped3A : memref<!tpu.dma_semaphore, #tpu.memory_space<semaphore_mem>>)
      %dma_wait3A = arith.constant 0 : i32
      %dma_wait3A_150 = arith.constant 0 : i32
      %dma_wait3A_151 = tpu.memref_slice %arg4[%arg1, %dma_wait3A, %dma_wait3A_150] : memref<16x80x128xi32, #tpu.memory_space<hbm>> -> memref<1x80x128xi32, #tpu.memory_space<hbm>>
      %dma_wait3A_152 = tpu.memref_squeeze %dma_wait3A_151 : memref<1x80x128xi32, #tpu.memory_space<hbm>> -> memref<80x128xi32, #tpu.memory_space<hbm>>
      %dma_wait3A_153 = arith.constant 0 : i32
      %dma_wait3A_154 = arith.constant 0 : i32
      %dma_wait3A_155 = tpu.memref_slice %arg4[%arg1, %dma_wait3A_153, %dma_wait3A_154] : memref<16x80x128xi32, #tpu.memory_space<hbm>> -> memref<1x80x128xi32, #tpu.memory_space<hbm>>
      %dma_wait3A_156 = tpu.memref_squeeze %dma_wait3A_155 : memref<1x80x128xi32, #tpu.memory_space<hbm>> -> memref<80x128xi32, #tpu.memory_space<hbm>>
      tpu.wait_dma2 semaphore(%run_scoped3A : memref<!tpu.dma_semaphore, #tpu.memory_space<semaphore_mem>>) src(%dma_wait3A_156 : memref<80x128xi32, #tpu.memory_space<hbm>>) dst(%arg8 : memref<80x128xi32, #tpu.memory_space<vmem>>)
      tpu.yield
    }) : () -> ()
    %mul3A = arith.constant 2 : i32
    %mul3A_0 = arith.muli %arg0, %mul3A : i32
    %add3A = arith.constant 0 : i32
    %add3A_1 = arith.addi %mul3A_0, %add3A : i32
    %scan3A = arith.constant 0 : i32
    %scan3A_2 = arith.constant 0 : i32
    %scan3A_3 = arith.constant 128 : i32
    %scan3A_4 = arith.addi %scan3A_2, %scan3A_3 : i32
    %scan3A_5 = arith.constant 1 : i32
    scf.for %scan3A_143 = %scan3A_2 to %scan3A_4 step %scan3A_5  : i32 {
      %broadcast_in_dim3A = arith.constant 0.000000e+00 : f32
      %broadcast_in_dim3A_144 = vector.broadcast %broadcast_in_dim3A : f32 to vector<16xf32>
      %swap3A = arith.index_cast %scan3A_143 : i32 to index
      %swap3A_145 = arith.constant 0 : index
      %swap3A_146 = tpu.vector_load %arg9[%swap3A, %swap3A_145] {strides = array<i32>} : memref<128x128xf32, #tpu.memory_space<vmem>>, vector<1x16xf32>,
      %swap3A_147 = vector.shape_cast %swap3A_146 : vector<1x16xf32> to vector<16xf32>
      %swap3A_148 = vector.shape_cast %broadcast_in_dim3A_144 : vector<16xf32> to vector<1x16xf32>
      tpu.vector_store %arg9[%swap3A, %swap3A_145], %swap3A_148 {strides = array<i32>} : memref<128x128xf32, #tpu.memory_space<vmem>>, vector<1x16xf32>,
      %broadcast_in_dim3A_149 = arith.constant 0.000000e+00 : f32
      %broadcast_in_dim3A_150 = vector.broadcast %broadcast_in_dim3A_149 : f32 to vector<16xf32>
      %swap3A_151 = arith.index_cast %scan3A_143 : i32 to index
      %swap3A_152 = arith.constant 16 : index
      %swap3A_153 = tpu.vector_load %arg9[%swap3A_151, %swap3A_152] {strides = array<i32>} : memref<128x128xf32, #tpu.memory_space<vmem>>, vector<1x16xf32>,
      %swap3A_154 = vector.shape_cast %swap3A_153 : vector<1x16xf32> to vector<16xf32>
      %swap3A_155 = vector.shape_cast %broadcast_in_dim3A_150 : vector<16xf32> to vector<1x16xf32>
      tpu.vector_store %arg9[%swap3A_151, %swap3A_152], %swap3A_155 {strides = array<i32>} : memref<128x128xf32, #tpu.memory_space<vmem>>, vector<1x16xf32>,
      %broadcast_in_dim3A_156 = arith.constant 0.000000e+00 : f32
      %broadcast_in_dim3A_157 = vector.broadcast %broadcast_in_dim3A_156 : f32 to vector<16xf32>
      %swap3A_158 = arith.index_cast %scan3A_143 : i32 to index
      %swap3A_159 = arith.constant 32 : index
      %swap3A_160 = tpu.vector_load %arg9[%swap3A_158, %swap3A_159] {strides = array<i32>} : memref<128x128xf32, #tpu.memory_space<vmem>>, vector<1x16xf32>,
      %swap3A_161 = vector.shape_cast %swap3A_160 : vector<1x16xf32> to vector<16xf32>
      %swap3A_162 = vector.shape_cast %broadcast_in_dim3A_157 : vector<16xf32> to vector<1x16xf32>
      tpu.vector_store %arg9[%swap3A_158, %swap3A_159], %swap3A_162 {strides = array<i32>} : memref<128x128xf32, #tpu.memory_space<vmem>>, vector<1x16xf32>,
      %broadcast_in_dim3A_163 = arith.constant 0.000000e+00 : f32
      %broadcast_in_dim3A_164 = vector.broadcast %broadcast_in_dim3A_163 : f32 to vector<16xf32>
      %swap3A_165 = arith.index_cast %scan3A_143 : i32 to index
      %swap3A_166 = arith.constant 48 : index
      %swap3A_167 = tpu.vector_load %arg9[%swap3A_165, %swap3A_166] {strides = array<i32>} : memref<128x128xf32, #tpu.memory_space<vmem>>, vector<1x16xf32>,
      %swap3A_168 = vector.shape_cast %swap3A_167 : vector<1x16xf32> to vector<16xf32>
      %swap3A_169 = vector.shape_cast %broadcast_in_dim3A_164 : vector<16xf32> to vector<1x16xf32>
      tpu.vector_store %arg9[%swap3A_165, %swap3A_166], %swap3A_169 {strides = array<i32>} : memref<128x128xf32, #tpu.memory_space<vmem>>, vector<1x16xf32>,
      %broadcast_in_dim3A_170 = arith.constant 0.000000e+00 : f32
      %broadcast_in_dim3A_171 = vector.broadcast %broadcast_in_dim3A_170 : f32 to vector<16xf32>
      %swap3A_172 = arith.index_cast %scan3A_143 : i32 to index
      %swap3A_173 = arith.constant 64 : index
      %swap3A_174 = tpu.vector_load %arg9[%swap3A_172, %swap3A_173] {strides = array<i32>} : memref<128x128xf32, #tpu.memory_space<vmem>>, vector<1x16xf32>,
      %swap3A_175 = vector.shape_cast %swap3A_174 : vector<1x16xf32> to vector<16xf32>
      %swap3A_176 = vector.shape_cast %broadcast_in_dim3A_171 : vector<16xf32> to vector<1x16xf32>
      tpu.vector_store %arg9[%swap3A_172, %swap3A_173], %swap3A_176 {strides = array<i32>} : memref<128x128xf32, #tpu.memory_space<vmem>>, vector<1x16xf32>,
      %broadcast_in_dim3A_177 = arith.constant 0.000000e+00 : f32
      %broadcast_in_dim3A_178 = vector.broadcast %broadcast_in_dim3A_177 : f32 to vector<16xf32>
      %swap3A_179 = arith.index_cast %scan3A_143 : i32 to index
      %swap3A_180 = arith.constant 80 : index
      %swap3A_181 = tpu.vector_load %arg9[%swap3A_179, %swap3A_180] {strides = array<i32>} : memref<128x128xf32, #tpu.memory_space<vmem>>, vector<1x16xf32>,
      %swap3A_182 = vector.shape_cast %swap3A_181 : vector<1x16xf32> to vector<16xf32>
      %swap3A_183 = vector.shape_cast %broadcast_in_dim3A_178 : vector<16xf32> to vector<1x16xf32>
      tpu.vector_store %arg9[%swap3A_179, %swap3A_180], %swap3A_183 {strides = array<i32>} : memref<128x128xf32, #tpu.memory_space<vmem>>, vector<1x16xf32>,
      %broadcast_in_dim3A_184 = arith.constant 0.000000e+00 : f32
      %broadcast_in_dim3A_185 = vector.broadcast %broadcast_in_dim3A_184 : f32 to vector<16xf32>
      %swap3A_186 = arith.index_cast %scan3A_143 : i32 to index
      %swap3A_187 = arith.constant 96 : index
      %swap3A_188 = tpu.vector_load %arg9[%swap3A_186, %swap3A_187] {strides = array<i32>} : memref<128x128xf32, #tpu.memory_space<vmem>>, vector<1x16xf32>,
      %swap3A_189 = vector.shape_cast %swap3A_188 : vector<1x16xf32> to vector<16xf32>
      %swap3A_190 = vector.shape_cast %broadcast_in_dim3A_185 : vector<16xf32> to vector<1x16xf32>
      tpu.vector_store %arg9[%swap3A_186, %swap3A_187], %swap3A_190 {strides = array<i32>} : memref<128x128xf32, #tpu.memory_space<vmem>>, vector<1x16xf32>,
      %broadcast_in_dim3A_191 = arith.constant 0.000000e+00 : f32
      %broadcast_in_dim3A_192 = vector.broadcast %broadcast_in_dim3A_191 : f32 to vector<16xf32>
      %swap3A_193 = arith.index_cast %scan3A_143 : i32 to index
      %swap3A_194 = arith.constant 112 : index
      %swap3A_195 = tpu.vector_load %arg9[%swap3A_193, %swap3A_194] {strides = array<i32>} : memref<128x128xf32, #tpu.memory_space<vmem>>, vector<1x16xf32>,
      %swap3A_196 = vector.shape_cast %swap3A_195 : vector<1x16xf32> to vector<16xf32>
      %swap3A_197 = vector.shape_cast %broadcast_in_dim3A_192 : vector<16xf32> to vector<1x16xf32>
      tpu.vector_store %arg9[%swap3A_193, %swap3A_194], %swap3A_197 {strides = array<i32>} : memref<128x128xf32, #tpu.memory_space<vmem>>, vector<1x16xf32>,
    }
    %scan3A_6 = arith.constant 128 : i32
    %mul3A_7 = arith.constant 640 : i32
    %mul3A_8 = arith.muli %arg1, %mul3A_7 : i32
    %add3A_9 = arith.constant 0 : i32
    %add3A_10 = arith.addi %mul3A_8, %add3A_9 : i32
    "tpu.region"() ({
      %run_scoped3A = tpu.sem_alloc : memref<!tpu.dma_semaphore, #tpu.memory_space<semaphore_mem>>
      %dma_start3A = arith.constant 0 : i32
      %dma_start3A_143 = tpu.memref_slice %arg6[%add3A_10, %dma_start3A] : memref<10240x128xf32, #tpu.memory_space<vmem_shared>> -> memref<128x128xf32, #tpu.memory_space<vmem_shared>>
      %dma_start3A_144 = arith.constant 0 : i32
      %dma_start3A_145 = tpu.memref_slice %arg6[%add3A_10, %dma_start3A_144] : memref<10240x128xf32, #tpu.memory_space<vmem_shared>> -> memref<128x128xf32, #tpu.memory_space<vmem_shared>>
      tpu.enqueue_dma source(%arg9 : memref<128x128xf32, #tpu.memory_space<vmem>>) target(%dma_start3A_145 : memref<128x128xf32, #tpu.memory_space<vmem_shared>>) target_semaphore(%run_scoped3A : memref<!tpu.dma_semaphore, #tpu.memory_space<semaphore_mem>>)
      %dma_wait3A = arith.constant 0 : i32
      %dma_wait3A_146 = tpu.memref_slice %arg6[%add3A_10, %dma_wait3A] : memref<10240x128xf32, #tpu.memory_space<vmem_shared>> -> memref<128x128xf32, #tpu.memory_space<vmem_shared>>
      %dma_wait3A_147 = arith.constant 0 : i32
      %dma_wait3A_148 = tpu.memref_slice %arg6[%add3A_10, %dma_wait3A_147] : memref<10240x128xf32, #tpu.memory_space<vmem_shared>> -> memref<128x128xf32, #tpu.memory_space<vmem_shared>>
      tpu.wait_dma2 semaphore(%run_scoped3A : memref<!tpu.dma_semaphore, #tpu.memory_space<semaphore_mem>>) src(%arg9 : memref<128x128xf32, #tpu.memory_space<vmem>>) dst(%dma_wait3A_148 : memref<128x128xf32, #tpu.memory_space<vmem_shared>>)
      tpu.yield
    }) : () -> ()
    %mul3A_11 = arith.constant 640 : i32
    %mul3A_12 = arith.muli %arg1, %mul3A_11 : i32
    %add3A_13 = arith.constant 128 : i32
    %add3A_14 = arith.addi %mul3A_12, %add3A_13 : i32
    "tpu.region"() ({
      %run_scoped3A = tpu.sem_alloc : memref<!tpu.dma_semaphore, #tpu.memory_space<semaphore_mem>>
      %dma_start3A = arith.constant 0 : i32
      %dma_start3A_143 = tpu.memref_slice %arg6[%add3A_14, %dma_start3A] : memref<10240x128xf32, #tpu.memory_space<vmem_shared>> -> memref<128x128xf32, #tpu.memory_space<vmem_shared>>
      %dma_start3A_144 = arith.constant 0 : i32
      %dma_start3A_145 = tpu.memref_slice %arg6[%add3A_14, %dma_start3A_144] : memref<10240x128xf32, #tpu.memory_space<vmem_shared>> -> memref<128x128xf32, #tpu.memory_space<vmem_shared>>
      tpu.enqueue_dma source(%arg9 : memref<128x128xf32, #tpu.memory_space<vmem>>) target(%dma_start3A_145 : memref<128x128xf32, #tpu.memory_space<vmem_shared>>) target_semaphore(%run_scoped3A : memref<!tpu.dma_semaphore, #tpu.memory_space<semaphore_mem>>)
      %dma_wait3A = arith.constant 0 : i32
      %dma_wait3A_146 = tpu.memref_slice %arg6[%add3A_14, %dma_wait3A] : memref<10240x128xf32, #tpu.memory_space<vmem_shared>> -> memref<128x128xf32, #tpu.memory_space<vmem_shared>>
      %dma_wait3A_147 = arith.constant 0 : i32
      %dma_wait3A_148 = tpu.memref_slice %arg6[%add3A_14, %dma_wait3A_147] : memref<10240x128xf32, #tpu.memory_space<vmem_shared>> -> memref<128x128xf32, #tpu.memory_space<vmem_shared>>
      tpu.wait_dma2 semaphore(%run_scoped3A : memref<!tpu.dma_semaphore, #tpu.memory_space<semaphore_mem>>) src(%arg9 : memref<128x128xf32, #tpu.memory_space<vmem>>) dst(%dma_wait3A_148 : memref<128x128xf32, #tpu.memory_space<vmem_shared>>)
      tpu.yield
    }) : () -> ()
    %mul3A_15 = arith.constant 640 : i32
    %mul3A_16 = arith.muli %arg1, %mul3A_15 : i32
    %add3A_17 = arith.constant 256 : i32
    %add3A_18 = arith.addi %mul3A_16, %add3A_17 : i32
    "tpu.region"() ({
      %run_scoped3A = tpu.sem_alloc : memref<!tpu.dma_semaphore, #tpu.memory_space<semaphore_mem>>
      %dma_start3A = arith.constant 0 : i32
      %dma_start3A_143 = tpu.memref_slice %arg6[%add3A_18, %dma_start3A] : memref<10240x128xf32, #tpu.memory_space<vmem_shared>> -> memref<128x128xf32, #tpu.memory_space<vmem_shared>>
      %dma_start3A_144 = arith.constant 0 : i32
      %dma_start3A_145 = tpu.memref_slice %arg6[%add3A_18, %dma_start3A_144] : memref<10240x128xf32, #tpu.memory_space<vmem_shared>> -> memref<128x128xf32, #tpu.memory_space<vmem_shared>>
      tpu.enqueue_dma source(%arg9 : memref<128x128xf32, #tpu.memory_space<vmem>>) target(%dma_start3A_145 : memref<128x128xf32, #tpu.memory_space<vmem_shared>>) target_semaphore(%run_scoped3A : memref<!tpu.dma_semaphore, #tpu.memory_space<semaphore_mem>>)
      %dma_wait3A = arith.constant 0 : i32
      %dma_wait3A_146 = tpu.memref_slice %arg6[%add3A_18, %dma_wait3A] : memref<10240x128xf32, #tpu.memory_space<vmem_shared>> -> memref<128x128xf32, #tpu.memory_space<vmem_shared>>
      %dma_wait3A_147 = arith.constant 0 : i32
      %dma_wait3A_148 = tpu.memref_slice %arg6[%add3A_18, %dma_wait3A_147] : memref<10240x128xf32, #tpu.memory_space<vmem_shared>> -> memref<128x128xf32, #tpu.memory_space<vmem_shared>>
      tpu.wait_dma2 semaphore(%run_scoped3A : memref<!tpu.dma_semaphore, #tpu.memory_space<semaphore_mem>>) src(%arg9 : memref<128x128xf32, #tpu.memory_space<vmem>>) dst(%dma_wait3A_148 : memref<128x128xf32, #tpu.memory_space<vmem_shared>>)
      tpu.yield
    }) : () -> ()
    %mul3A_19 = arith.constant 640 : i32
    %mul3A_20 = arith.muli %arg1, %mul3A_19 : i32
    %add3A_21 = arith.constant 384 : i32
    %add3A_22 = arith.addi %mul3A_20, %add3A_21 : i32
    "tpu.region"() ({
      %run_scoped3A = tpu.sem_alloc : memref<!tpu.dma_semaphore, #tpu.memory_space<semaphore_mem>>
      %dma_start3A = arith.constant 0 : i32
      %dma_start3A_143 = tpu.memref_slice %arg6[%add3A_22, %dma_start3A] : memref<10240x128xf32, #tpu.memory_space<vmem_shared>> -> memref<128x128xf32, #tpu.memory_space<vmem_shared>>
      %dma_start3A_144 = arith.constant 0 : i32
      %dma_start3A_145 = tpu.memref_slice %arg6[%add3A_22, %dma_start3A_144] : memref<10240x128xf32, #tpu.memory_space<vmem_shared>> -> memref<128x128xf32, #tpu.memory_space<vmem_shared>>
      tpu.enqueue_dma source(%arg9 : memref<128x128xf32, #tpu.memory_space<vmem>>) target(%dma_start3A_145 : memref<128x128xf32, #tpu.memory_space<vmem_shared>>) target_semaphore(%run_scoped3A : memref<!tpu.dma_semaphore, #tpu.memory_space<semaphore_mem>>)
      %dma_wait3A = arith.constant 0 : i32
      %dma_wait3A_146 = tpu.memref_slice %arg6[%add3A_22, %dma_wait3A] : memref<10240x128xf32, #tpu.memory_space<vmem_shared>> -> memref<128x128xf32, #tpu.memory_space<vmem_shared>>
      %dma_wait3A_147 = arith.constant 0 : i32
      %dma_wait3A_148 = tpu.memref_slice %arg6[%add3A_22, %dma_wait3A_147] : memref<10240x128xf32, #tpu.memory_space<vmem_shared>> -> memref<128x128xf32, #tpu.memory_space<vmem_shared>>
      tpu.wait_dma2 semaphore(%run_scoped3A : memref<!tpu.dma_semaphore, #tpu.memory_space<semaphore_mem>>) src(%arg9 : memref<128x128xf32, #tpu.memory_space<vmem>>) dst(%dma_wait3A_148 : memref<128x128xf32, #tpu.memory_space<vmem_shared>>)
      tpu.yield
    }) : () -> ()
    %mul3A_23 = arith.constant 640 : i32
    %mul3A_24 = arith.muli %arg1, %mul3A_23 : i32
    %add3A_25 = arith.constant 512 : i32
    %add3A_26 = arith.addi %mul3A_24, %add3A_25 : i32
    "tpu.region"() ({
      %run_scoped3A = tpu.sem_alloc : memref<!tpu.dma_semaphore, #tpu.memory_space<semaphore_mem>>
      %dma_start3A = arith.constant 0 : i32
      %dma_start3A_143 = tpu.memref_slice %arg6[%add3A_26, %dma_start3A] : memref<10240x128xf32, #tpu.memory_space<vmem_shared>> -> memref<128x128xf32, #tpu.memory_space<vmem_shared>>
      %dma_start3A_144 = arith.constant 0 : i32
      %dma_start3A_145 = tpu.memref_slice %arg6[%add3A_26, %dma_start3A_144] : memref<10240x128xf32, #tpu.memory_space<vmem_shared>> -> memref<128x128xf32, #tpu.memory_space<vmem_shared>>
      tpu.enqueue_dma source(%arg9 : memref<128x128xf32, #tpu.memory_space<vmem>>) target(%dma_start3A_145 : memref<128x128xf32, #tpu.memory_space<vmem_shared>>) target_semaphore(%run_scoped3A : memref<!tpu.dma_semaphore, #tpu.memory_space<semaphore_mem>>)
      %dma_wait3A = arith.constant 0 : i32
      %dma_wait3A_146 = tpu.memref_slice %arg6[%add3A_26, %dma_wait3A] : memref<10240x128xf32, #tpu.memory_space<vmem_shared>> -> memref<128x128xf32, #tpu.memory_space<vmem_shared>>
      %dma_wait3A_147 = arith.constant 0 : i32
      %dma_wait3A_148 = tpu.memref_slice %arg6[%add3A_26, %dma_wait3A_147] : memref<10240x128xf32, #tpu.memory_space<vmem_shared>> -> memref<128x128xf32, #tpu.memory_space<vmem_shared>>
      tpu.wait_dma2 semaphore(%run_scoped3A : memref<!tpu.dma_semaphore, #tpu.memory_space<semaphore_mem>>) src(%arg9 : memref<128x128xf32, #tpu.memory_space<vmem>>) dst(%dma_wait3A_148 : memref<128x128xf32, #tpu.memory_space<vmem_shared>>)
      tpu.yield
    }) : () -> ()
    "tpu.region"() ({
      %run_scoped3A = tpu.sem_alloc : memref<!tpu.dma_semaphore, #tpu.memory_space<semaphore_mem>>
      %dma_start3A = arith.constant 0 : i32
      %dma_start3A_143 = arith.constant 0 : i32
      %dma_start3A_144 = tpu.memref_slice %arg3[%add3A_1, %arg1, %dma_start3A, %dma_start3A_143] : memref<4x16x80x128xi32, #tpu.memory_space<hbm>> -> memref<1x1x80x128xi32, #tpu.memory_space<hbm>>
      %dma_start3A_145 = tpu.memref_squeeze %dma_start3A_144 : memref<1x1x80x128xi32, #tpu.memory_space<hbm>> -> memref<80x128xi32, #tpu.memory_space<hbm>>
      %dma_start3A_146 = arith.constant 0 : i32
      %dma_start3A_147 = arith.constant 0 : i32
      %dma_start3A_148 = tpu.memref_slice %arg3[%add3A_1, %arg1, %dma_start3A_146, %dma_start3A_147] : memref<4x16x80x128xi32, #tpu.memory_space<hbm>> -> memref<1x1x80x128xi32, #tpu.memory_space<hbm>>
      %dma_start3A_149 = tpu.memref_squeeze %dma_start3A_148 : memref<1x1x80x128xi32, #tpu.memory_space<hbm>> -> memref<80x128xi32, #tpu.memory_space<hbm>>
      tpu.enqueue_dma source(%dma_start3A_149 : memref<80x128xi32, #tpu.memory_space<hbm>>) target(%arg7 : memref<80x128xi32, #tpu.memory_space<vmem>>) target_semaphore(%run_scoped3A : memref<!tpu.dma_semaphore, #tpu.memory_space<semaphore_mem>>)
      %dma_wait3A = arith.constant 0 : i32
      %dma_wait3A_150 = arith.constant 0 : i32
      %dma_wait3A_151 = tpu.memref_slice %arg3[%add3A_1, %arg1, %dma_wait3A, %dma_wait3A_150] : memref<4x16x80x128xi32, #tpu.memory_space<hbm>> -> memref<1x1x80x128xi32, #tpu.memory_space<hbm>>
      %dma_wait3A_152 = tpu.memref_squeeze %dma_wait3A_151 : memref<1x1x80x128xi32, #tpu.memory_space<hbm>> -> memref<80x128xi32, #tpu.memory_space<hbm>>
      %dma_wait3A_153 = arith.constant 0 : i32
      %dma_wait3A_154 = arith.constant 0 : i32
      %dma_wait3A_155 = tpu.memref_slice %arg3[%add3A_1, %arg1, %dma_wait3A_153, %dma_wait3A_154] : memref<4x16x80x128xi32, #tpu.memory_space<hbm>> -> memref<1x1x80x128xi32, #tpu.memory_space<hbm>>
      %dma_wait3A_156 = tpu.memref_squeeze %dma_wait3A_155 : memref<1x1x80x128xi32, #tpu.memory_space<hbm>> -> memref<80x128xi32, #tpu.memory_space<hbm>>
      tpu.wait_dma2 semaphore(%run_scoped3A : memref<!tpu.dma_semaphore, #tpu.memory_space<semaphore_mem>>) src(%dma_wait3A_156 : memref<80x128xi32, #tpu.memory_space<hbm>>) dst(%arg7 : memref<80x128xi32, #tpu.memory_space<vmem>>)
      tpu.yield
    }) : () -> ()
    %barrier3A = arith.constant 0 : index
    tpu.barrier barrier_id(%barrier3A)
    %scan3A_27 = arith.constant 0 : i32
    %scan3A_28 = arith.constant 0 : i32
    %scan3A_29 = arith.constant 80 : i32
    %scan3A_30 = arith.addi %scan3A_28, %scan3A_29 : i32
    %scan3A_31 = arith.constant 1 : i32
    scf.for %scan3A_143 = %scan3A_28 to %scan3A_30 step %scan3A_31  : i32 {
      "tpu.region"() ({
        %run_scoped3A = tpu.sem_alloc : memref<!tpu.dma_semaphore, #tpu.memory_space<semaphore_mem>>
        %dma_start3A = arith.constant 0 : i32
        %dma_start3A_144 = tpu.memref_slice %arg7[%scan3A_143, %dma_start3A] : memref<80x128xi32, #tpu.memory_space<vmem>> -> memref<1x128xi32, #tpu.memory_space<vmem>>
        %dma_start3A_145 = tpu.memref_squeeze %dma_start3A_144 : memref<1x128xi32, #tpu.memory_space<vmem>> -> memref<128xi32, #tpu.memory_space<vmem>>
        %dma_start3A_146 = arith.constant 0 : i32
        %dma_start3A_147 = arith.constant 0 : i32
        %dma_start3A_148 = tpu.memref_slice %arg2[%dma_start3A_146, %dma_start3A_147] : memref<40000x128xf32, #tpu.memory_space<hbm>> -> memref<40000x128xf32, #tpu.memory_space<hbm>>
        tpu.enqueue_indirect_dma source(%dma_start3A_148 : memref<40000x128xf32, #tpu.memory_space<hbm>>) target(%arg9 : memref<128x128xf32, #tpu.memory_space<vmem>>) offsets(%dma_start3A_145 : memref<128xi32, #tpu.memory_space<vmem>>) semaphore(%run_scoped3A : memref<!tpu.dma_semaphore, #tpu.memory_space<semaphore_mem>>)
        %dma_wait3A = arith.constant 0 : i32
        %dma_wait3A_149 = tpu.memref_slice %arg7[%scan3A_143, %dma_wait3A] : memref<80x128xi32, #tpu.memory_space<vmem>> -> memref<1x128xi32, #tpu.memory_space<vmem>>
        %dma_wait3A_150 = tpu.memref_squeeze %dma_wait3A_149 : memref<1x128xi32, #tpu.memory_space<vmem>> -> memref<128xi32, #tpu.memory_space<vmem>>
        %dma_wait3A_151 = arith.constant 0 : i32
        %dma_wait3A_152 = arith.constant 0 : i32
        %dma_wait3A_153 = tpu.memref_slice %arg2[%dma_wait3A_151, %dma_wait3A_152] : memref<40000x128xf32, #tpu.memory_space<hbm>> -> memref<40000x128xf32, #tpu.memory_space<hbm>>
        tpu.wait_indirect_dma semaphore(%run_scoped3A : memref<!tpu.dma_semaphore, #tpu.memory_space<semaphore_mem>>) src(%dma_wait3A_153 : memref<40000x128xf32, #tpu.memory_space<hbm>>) dst(%arg9 : memref<128x128xf32, #tpu.memory_space<vmem>>)
        tpu.yield
      }) : () -> ()
      "tpu.region"() ({
        %run_scoped3A = tpu.sem_alloc : memref<!tpu.dma_semaphore, #tpu.memory_space<semaphore_mem>>
        %dma_start3A = arith.constant 0 : i32
        %dma_start3A_144 = tpu.memref_slice %arg8[%scan3A_143, %dma_start3A] : memref<80x128xi32, #tpu.memory_space<vmem>> -> memref<1x128xi32, #tpu.memory_space<vmem>>
        %dma_start3A_145 = tpu.memref_squeeze %dma_start3A_144 : memref<1x128xi32, #tpu.memory_space<vmem>> -> memref<128xi32, #tpu.memory_space<vmem>>
        %dma_start3A_146 = arith.constant 0 : i32
        %dma_start3A_147 = arith.constant 0 : i32
        %dma_start3A_148 = tpu.memref_slice %arg6[%dma_start3A_146, %dma_start3A_147] : memref<10240x128xf32, #tpu.memory_space<vmem_shared>> -> memref<10240x128xf32, #tpu.memory_space<vmem_shared>>
        tpu.enqueue_indirect_dma source(%arg9 : memref<128x128xf32, #tpu.memory_space<vmem>>) target(%dma_start3A_148 : memref<10240x128xf32, #tpu.memory_space<vmem_shared>>) offsets(%dma_start3A_145 : memref<128xi32, #tpu.memory_space<vmem>>) semaphore(%run_scoped3A : memref<!tpu.dma_semaphore, #tpu.memory_space<semaphore_mem>>) {add = true}
        %dma_wait3A = arith.constant 0 : i32
        %dma_wait3A_149 = tpu.memref_slice %arg8[%scan3A_143, %dma_wait3A] : memref<80x128xi32, #tpu.memory_space<vmem>> -> memref<1x128xi32, #tpu.memory_space<vmem>>
        %dma_wait3A_150 = tpu.memref_squeeze %dma_wait3A_149 : memref<1x128xi32, #tpu.memory_space<vmem>> -> memref<128xi32, #tpu.memory_space<vmem>>
        %dma_wait3A_151 = arith.constant 0 : i32
        %dma_wait3A_152 = arith.constant 0 : i32
        %dma_wait3A_153 = tpu.memref_slice %arg6[%dma_wait3A_151, %dma_wait3A_152] : memref<10240x128xf32, #tpu.memory_space<vmem_shared>> -> memref<10240x128xf32, #tpu.memory_space<vmem_shared>>
        tpu.wait_indirect_dma semaphore(%run_scoped3A : memref<!tpu.dma_semaphore, #tpu.memory_space<semaphore_mem>>) src(%arg9 : memref<128x128xf32, #tpu.memory_space<vmem>>) dst(%dma_wait3A_153 : memref<10240x128xf32, #tpu.memory_space<vmem_shared>>)
        tpu.yield
      }) : () -> ()
    }
    %scan3A_32 = arith.constant 80 : i32
    %barrier3A_33 = arith.constant 0 : index
    tpu.barrier barrier_id(%barrier3A_33)
    %mul3A_34 = arith.constant 640 : i32
    %mul3A_35 = arith.muli %arg1, %mul3A_34 : i32
    %add3A_36 = arith.constant 0 : i32
    %add3A_37 = arith.addi %mul3A_35, %add3A_36 : i32
    %mul3A_38 = arith.constant 10240 : i32
    %mul3A_39 = arith.muli %add3A_1, %mul3A_38 : i32
    %add3A_40 = arith.addi %mul3A_39, %add3A_37 : i32
    "tpu.region"() ({
      %run_scoped3A = tpu.sem_alloc : memref<!tpu.dma_semaphore, #tpu.memory_space<semaphore_mem>>
      %dma_start3A = arith.constant 0 : i32
      %dma_start3A_143 = tpu.memref_slice %arg5[%add3A_40, %dma_start3A] : memref<40960x128xf32, #tpu.memory_space<hbm>> -> memref<128x128xf32, #tpu.memory_space<hbm>>
      %dma_start3A_144 = arith.constant 0 : i32
      %dma_start3A_145 = tpu.memref_slice %arg6[%add3A_37, %dma_start3A_144] : memref<10240x128xf32, #tpu.memory_space<vmem_shared>> -> memref<128x128xf32, #tpu.memory_space<vmem_shared>>
      tpu.enqueue_dma source(%dma_start3A_145 : memref<128x128xf32, #tpu.memory_space<vmem_shared>>) target(%dma_start3A_143 : memref<128x128xf32, #tpu.memory_space<hbm>>) target_semaphore(%run_scoped3A : memref<!tpu.dma_semaphore, #tpu.memory_space<semaphore_mem>>)
      %dma_wait3A = arith.constant 0 : i32
      %dma_wait3A_146 = tpu.memref_slice %arg5[%add3A_40, %dma_wait3A] : memref<40960x128xf32, #tpu.memory_space<hbm>> -> memref<128x128xf32, #tpu.memory_space<hbm>>
      %dma_wait3A_147 = arith.constant 0 : i32
      %dma_wait3A_148 = tpu.memref_slice %arg6[%add3A_37, %dma_wait3A_147] : memref<10240x128xf32, #tpu.memory_space<vmem_shared>> -> memref<128x128xf32, #tpu.memory_space<vmem_shared>>
      tpu.wait_dma2 semaphore(%run_scoped3A : memref<!tpu.dma_semaphore, #tpu.memory_space<semaphore_mem>>) src(%dma_wait3A_148 : memref<128x128xf32, #tpu.memory_space<vmem_shared>>) dst(%dma_wait3A_146 : memref<128x128xf32, #tpu.memory_space<hbm>>)
      tpu.yield
    }) : () -> ()
    %mul3A_41 = arith.constant 640 : i32
    %mul3A_42 = arith.muli %arg1, %mul3A_41 : i32
    %add3A_43 = arith.constant 128 : i32
    %add3A_44 = arith.addi %mul3A_42, %add3A_43 : i32
    %mul3A_45 = arith.constant 10240 : i32
    %mul3A_46 = arith.muli %add3A_1, %mul3A_45 : i32
    %add3A_47 = arith.addi %mul3A_46, %add3A_44 : i32
    "tpu.region"() ({
      %run_scoped3A = tpu.sem_alloc : memref<!tpu.dma_semaphore, #tpu.memory_space<semaphore_mem>>
      %dma_start3A = arith.constant 0 : i32
      %dma_start3A_143 = tpu.memref_slice %arg5[%add3A_47, %dma_start3A] : memref<40960x128xf32, #tpu.memory_space<hbm>> -> memref<128x128xf32, #tpu.memory_space<hbm>>
      %dma_start3A_144 = arith.constant 0 : i32
      %dma_start3A_145 = tpu.memref_slice %arg6[%add3A_44, %dma_start3A_144] : memref<10240x128xf32, #tpu.memory_space<vmem_shared>> -> memref<128x128xf32, #tpu.memory_space<vmem_shared>>
      tpu.enqueue_dma source(%dma_start3A_145 : memref<128x128xf32, #tpu.memory_space<vmem_shared>>) target(%dma_start3A_143 : memref<128x128xf32, #tpu.memory_space<hbm>>) target_semaphore(%run_scoped3A : memref<!tpu.dma_semaphore, #tpu.memory_space<semaphore_mem>>)
      %dma_wait3A = arith.constant 0 : i32
      %dma_wait3A_146 = tpu.memref_slice %arg5[%add3A_47, %dma_wait3A] : memref<40960x128xf32, #tpu.memory_space<hbm>> -> memref<128x128xf32, #tpu.memory_space<hbm>>
      %dma_wait3A_147 = arith.constant 0 : i32
      %dma_wait3A_148 = tpu.memref_slice %arg6[%add3A_44, %dma_wait3A_147] : memref<10240x128xf32, #tpu.memory_space<vmem_shared>> -> memref<128x128xf32, #tpu.memory_space<vmem_shared>>
      tpu.wait_dma2 semaphore(%run_scoped3A : memref<!tpu.dma_semaphore, #tpu.memory_space<semaphore_mem>>) src(%dma_wait3A_148 : memref<128x128xf32, #tpu.memory_space<vmem_shared>>) dst(%dma_wait3A_146 : memref<128x128xf32, #tpu.memory_space<hbm>>)
      tpu.yield
    }) : () -> ()
    %mul3A_48 = arith.constant 640 : i32
    %mul3A_49 = arith.muli %arg1, %mul3A_48 : i32
    %add3A_50 = arith.constant 256 : i32
    %add3A_51 = arith.addi %mul3A_49, %add3A_50 : i32
    %mul3A_52 = arith.constant 10240 : i32
    %mul3A_53 = arith.muli %add3A_1, %mul3A_52 : i32
    %add3A_54 = arith.addi %mul3A_53, %add3A_51 : i32
    "tpu.region"() ({
      %run_scoped3A = tpu.sem_alloc : memref<!tpu.dma_semaphore, #tpu.memory_space<semaphore_mem>>
      %dma_start3A = arith.constant 0 : i32
      %dma_start3A_143 = tpu.memref_slice %arg5[%add3A_54, %dma_start3A] : memref<40960x128xf32, #tpu.memory_space<hbm>> -> memref<128x128xf32, #tpu.memory_space<hbm>>
      %dma_start3A_144 = arith.constant 0 : i32
      %dma_start3A_145 = tpu.memref_slice %arg6[%add3A_51, %dma_start3A_144] : memref<10240x128xf32, #tpu.memory_space<vmem_shared>> -> memref<128x128xf32, #tpu.memory_space<vmem_shared>>
      tpu.enqueue_dma source(%dma_start3A_145 : memref<128x128xf32, #tpu.memory_space<vmem_shared>>) target(%dma_start3A_143 : memref<128x128xf32, #tpu.memory_space<hbm>>) target_semaphore(%run_scoped3A : memref<!tpu.dma_semaphore, #tpu.memory_space<semaphore_mem>>)
      %dma_wait3A = arith.constant 0 : i32
      %dma_wait3A_146 = tpu.memref_slice %arg5[%add3A_54, %dma_wait3A] : memref<40960x128xf32, #tpu.memory_space<hbm>> -> memref<128x128xf32, #tpu.memory_space<hbm>>
      %dma_wait3A_147 = arith.constant 0 : i32
      %dma_wait3A_148 = tpu.memref_slice %arg6[%add3A_51, %dma_wait3A_147] : memref<10240x128xf32, #tpu.memory_space<vmem_shared>> -> memref<128x128xf32, #tpu.memory_space<vmem_shared>>
      tpu.wait_dma2 semaphore(%run_scoped3A : memref<!tpu.dma_semaphore, #tpu.memory_space<semaphore_mem>>) src(%dma_wait3A_148 : memref<128x128xf32, #tpu.memory_space<vmem_shared>>) dst(%dma_wait3A_146 : memref<128x128xf32, #tpu.memory_space<hbm>>)
      tpu.yield
    }) : () -> ()
    %mul3A_55 = arith.constant 640 : i32
    %mul3A_56 = arith.muli %arg1, %mul3A_55 : i32
    %add3A_57 = arith.constant 384 : i32
    %add3A_58 = arith.addi %mul3A_56, %add3A_57 : i32
    %mul3A_59 = arith.constant 10240 : i32
    %mul3A_60 = arith.muli %add3A_1, %mul3A_59 : i32
    %add3A_61 = arith.addi %mul3A_60, %add3A_58 : i32
    "tpu.region"() ({
      %run_scoped3A = tpu.sem_alloc : memref<!tpu.dma_semaphore, #tpu.memory_space<semaphore_mem>>
      %dma_start3A = arith.constant 0 : i32
      %dma_start3A_143 = tpu.memref_slice %arg5[%add3A_61, %dma_start3A] : memref<40960x128xf32, #tpu.memory_space<hbm>> -> memref<128x128xf32, #tpu.memory_space<hbm>>
      %dma_start3A_144 = arith.constant 0 : i32
      %dma_start3A_145 = tpu.memref_slice %arg6[%add3A_58, %dma_start3A_144] : memref<10240x128xf32, #tpu.memory_space<vmem_shared>> -> memref<128x128xf32, #tpu.memory_space<vmem_shared>>
      tpu.enqueue_dma source(%dma_start3A_145 : memref<128x128xf32, #tpu.memory_space<vmem_shared>>) target(%dma_start3A_143 : memref<128x128xf32, #tpu.memory_space<hbm>>) target_semaphore(%run_scoped3A : memref<!tpu.dma_semaphore, #tpu.memory_space<semaphore_mem>>)
      %dma_wait3A = arith.constant 0 : i32
      %dma_wait3A_146 = tpu.memref_slice %arg5[%add3A_61, %dma_wait3A] : memref<40960x128xf32, #tpu.memory_space<hbm>> -> memref<128x128xf32, #tpu.memory_space<hbm>>
      %dma_wait3A_147 = arith.constant 0 : i32
      %dma_wait3A_148 = tpu.memref_slice %arg6[%add3A_58, %dma_wait3A_147] : memref<10240x128xf32, #tpu.memory_space<vmem_shared>> -> memref<128x128xf32, #tpu.memory_space<vmem_shared>>
      tpu.wait_dma2 semaphore(%run_scoped3A : memref<!tpu.dma_semaphore, #tpu.memory_space<semaphore_mem>>) src(%dma_wait3A_148 : memref<128x128xf32, #tpu.memory_space<vmem_shared>>) dst(%dma_wait3A_146 : memref<128x128xf32, #tpu.memory_space<hbm>>)
      tpu.yield
    }) : () -> ()
    %mul3A_62 = arith.constant 640 : i32
    %mul3A_63 = arith.muli %arg1, %mul3A_62 : i32
    %add3A_64 = arith.constant 512 : i32
    %add3A_65 = arith.addi %mul3A_63, %add3A_64 : i32
    %mul3A_66 = arith.constant 10240 : i32
    %mul3A_67 = arith.muli %add3A_1, %mul3A_66 : i32
    %add3A_68 = arith.addi %mul3A_67, %add3A_65 : i32
    "tpu.region"() ({
      %run_scoped3A = tpu.sem_alloc : memref<!tpu.dma_semaphore, #tpu.memory_space<semaphore_mem>>
      %dma_start3A = arith.constant 0 : i32
      %dma_start3A_143 = tpu.memref_slice %arg5[%add3A_68, %dma_start3A] : memref<40960x128xf32, #tpu.memory_space<hbm>> -> memref<128x128xf32, #tpu.memory_space<hbm>>
      %dma_start3A_144 = arith.constant 0 : i32
      %dma_start3A_145 = tpu.memref_slice %arg6[%add3A_65, %dma_start3A_144] : memref<10240x128xf32, #tpu.memory_space<vmem_shared>> -> memref<128x128xf32, #tpu.memory_space<vmem_shared>>
      tpu.enqueue_dma source(%dma_start3A_145 : memref<128x128xf32, #tpu.memory_space<vmem_shared>>) target(%dma_start3A_143 : memref<128x128xf32, #tpu.memory_space<hbm>>) target_semaphore(%run_scoped3A : memref<!tpu.dma_semaphore, #tpu.memory_space<semaphore_mem>>)
      %dma_wait3A = arith.constant 0 : i32
      %dma_wait3A_146 = tpu.memref_slice %arg5[%add3A_68, %dma_wait3A] : memref<40960x128xf32, #tpu.memory_space<hbm>> -> memref<128x128xf32, #tpu.memory_space<hbm>>
      %dma_wait3A_147 = arith.constant 0 : i32
      %dma_wait3A_148 = tpu.memref_slice %arg6[%add3A_65, %dma_wait3A_147] : memref<10240x128xf32, #tpu.memory_space<vmem_shared>> -> memref<128x128xf32, #tpu.memory_space<vmem_shared>>
      tpu.wait_dma2 semaphore(%run_scoped3A : memref<!tpu.dma_semaphore, #tpu.memory_space<semaphore_mem>>) src(%dma_wait3A_148 : memref<128x128xf32, #tpu.memory_space<vmem_shared>>) dst(%dma_wait3A_146 : memref<128x128xf32, #tpu.memory_space<hbm>>)
      tpu.yield
    }) : () -> ()
    %barrier3A_69 = arith.constant 0 : index
    tpu.barrier barrier_id(%barrier3A_69)
    %mul3A_70 = arith.constant 2 : i32
    %mul3A_71 = arith.muli %arg0, %mul3A_70 : i32
    %add3A_72 = arith.constant 1 : i32
    %add3A_73 = arith.addi %mul3A_71, %add3A_72 : i32
    %scan3A_74 = arith.constant 0 : i32
    %scan3A_75 = arith.constant 0 : i32
    %scan3A_76 = arith.constant 128 : i32
    %scan3A_77 = arith.addi %scan3A_75, %scan3A_76 : i32
    %scan3A_78 = arith.constant 1 : i32
    scf.for %scan3A_143 = %scan3A_75 to %scan3A_77 step %scan3A_78  : i32 {
      %broadcast_in_dim3A = arith.constant 0.000000e+00 : f32
      %broadcast_in_dim3A_144 = vector.broadcast %broadcast_in_dim3A : f32 to vector<16xf32>
      %swap3A = arith.index_cast %scan3A_143 : i32 to index
      %swap3A_145 = arith.constant 0 : index
      %swap3A_146 = tpu.vector_load %arg9[%swap3A, %swap3A_145] {strides = array<i32>} : memref<128x128xf32, #tpu.memory_space<vmem>>, vector<1x16xf32>,
      %swap3A_147 = vector.shape_cast %swap3A_146 : vector<1x16xf32> to vector<16xf32>
      %swap3A_148 = vector.shape_cast %broadcast_in_dim3A_144 : vector<16xf32> to vector<1x16xf32>
      tpu.vector_store %arg9[%swap3A, %swap3A_145], %swap3A_148 {strides = array<i32>} : memref<128x128xf32, #tpu.memory_space<vmem>>, vector<1x16xf32>,
      %broadcast_in_dim3A_149 = arith.constant 0.000000e+00 : f32
      %broadcast_in_dim3A_150 = vector.broadcast %broadcast_in_dim3A_149 : f32 to vector<16xf32>
      %swap3A_151 = arith.index_cast %scan3A_143 : i32 to index
      %swap3A_152 = arith.constant 16 : index
      %swap3A_153 = tpu.vector_load %arg9[%swap3A_151, %swap3A_152] {strides = array<i32>} : memref<128x128xf32, #tpu.memory_space<vmem>>, vector<1x16xf32>,
      %swap3A_154 = vector.shape_cast %swap3A_153 : vector<1x16xf32> to vector<16xf32>
      %swap3A_155 = vector.shape_cast %broadcast_in_dim3A_150 : vector<16xf32> to vector<1x16xf32>
      tpu.vector_store %arg9[%swap3A_151, %swap3A_152], %swap3A_155 {strides = array<i32>} : memref<128x128xf32, #tpu.memory_space<vmem>>, vector<1x16xf32>,
      %broadcast_in_dim3A_156 = arith.constant 0.000000e+00 : f32
      %broadcast_in_dim3A_157 = vector.broadcast %broadcast_in_dim3A_156 : f32 to vector<16xf32>
      %swap3A_158 = arith.index_cast %scan3A_143 : i32 to index
      %swap3A_159 = arith.constant 32 : index
      %swap3A_160 = tpu.vector_load %arg9[%swap3A_158, %swap3A_159] {strides = array<i32>} : memref<128x128xf32, #tpu.memory_space<vmem>>, vector<1x16xf32>,
      %swap3A_161 = vector.shape_cast %swap3A_160 : vector<1x16xf32> to vector<16xf32>
      %swap3A_162 = vector.shape_cast %broadcast_in_dim3A_157 : vector<16xf32> to vector<1x16xf32>
      tpu.vector_store %arg9[%swap3A_158, %swap3A_159], %swap3A_162 {strides = array<i32>} : memref<128x128xf32, #tpu.memory_space<vmem>>, vector<1x16xf32>,
      %broadcast_in_dim3A_163 = arith.constant 0.000000e+00 : f32
      %broadcast_in_dim3A_164 = vector.broadcast %broadcast_in_dim3A_163 : f32 to vector<16xf32>
      %swap3A_165 = arith.index_cast %scan3A_143 : i32 to index
      %swap3A_166 = arith.constant 48 : index
      %swap3A_167 = tpu.vector_load %arg9[%swap3A_165, %swap3A_166] {strides = array<i32>} : memref<128x128xf32, #tpu.memory_space<vmem>>, vector<1x16xf32>,
      %swap3A_168 = vector.shape_cast %swap3A_167 : vector<1x16xf32> to vector<16xf32>
      %swap3A_169 = vector.shape_cast %broadcast_in_dim3A_164 : vector<16xf32> to vector<1x16xf32>
      tpu.vector_store %arg9[%swap3A_165, %swap3A_166], %swap3A_169 {strides = array<i32>} : memref<128x128xf32, #tpu.memory_space<vmem>>, vector<1x16xf32>,
      %broadcast_in_dim3A_170 = arith.constant 0.000000e+00 : f32
      %broadcast_in_dim3A_171 = vector.broadcast %broadcast_in_dim3A_170 : f32 to vector<16xf32>
      %swap3A_172 = arith.index_cast %scan3A_143 : i32 to index
      %swap3A_173 = arith.constant 64 : index
      %swap3A_174 = tpu.vector_load %arg9[%swap3A_172, %swap3A_173] {strides = array<i32>} : memref<128x128xf32, #tpu.memory_space<vmem>>, vector<1x16xf32>,
      %swap3A_175 = vector.shape_cast %swap3A_174 : vector<1x16xf32> to vector<16xf32>
      %swap3A_176 = vector.shape_cast %broadcast_in_dim3A_171 : vector<16xf32> to vector<1x16xf32>
      tpu.vector_store %arg9[%swap3A_172, %swap3A_173], %swap3A_176 {strides = array<i32>} : memref<128x128xf32, #tpu.memory_space<vmem>>, vector<1x16xf32>,
      %broadcast_in_dim3A_177 = arith.constant 0.000000e+00 : f32
      %broadcast_in_dim3A_178 = vector.broadcast %broadcast_in_dim3A_177 : f32 to vector<16xf32>
      %swap3A_179 = arith.index_cast %scan3A_143 : i32 to index
      %swap3A_180 = arith.constant 80 : index
      %swap3A_181 = tpu.vector_load %arg9[%swap3A_179, %swap3A_180] {strides = array<i32>} : memref<128x128xf32, #tpu.memory_space<vmem>>, vector<1x16xf32>,
      %swap3A_182 = vector.shape_cast %swap3A_181 : vector<1x16xf32> to vector<16xf32>
      %swap3A_183 = vector.shape_cast %broadcast_in_dim3A_178 : vector<16xf32> to vector<1x16xf32>
      tpu.vector_store %arg9[%swap3A_179, %swap3A_180], %swap3A_183 {strides = array<i32>} : memref<128x128xf32, #tpu.memory_space<vmem>>, vector<1x16xf32>,
      %broadcast_in_dim3A_184 = arith.constant 0.000000e+00 : f32
      %broadcast_in_dim3A_185 = vector.broadcast %broadcast_in_dim3A_184 : f32 to vector<16xf32>
      %swap3A_186 = arith.index_cast %scan3A_143 : i32 to index
      %swap3A_187 = arith.constant 96 : index
      %swap3A_188 = tpu.vector_load %arg9[%swap3A_186, %swap3A_187] {strides = array<i32>} : memref<128x128xf32, #tpu.memory_space<vmem>>, vector<1x16xf32>,
      %swap3A_189 = vector.shape_cast %swap3A_188 : vector<1x16xf32> to vector<16xf32>
      %swap3A_190 = vector.shape_cast %broadcast_in_dim3A_185 : vector<16xf32> to vector<1x16xf32>
      tpu.vector_store %arg9[%swap3A_186, %swap3A_187], %swap3A_190 {strides = array<i32>} : memref<128x128xf32, #tpu.memory_space<vmem>>, vector<1x16xf32>,
      %broadcast_in_dim3A_191 = arith.constant 0.000000e+00 : f32
      %broadcast_in_dim3A_192 = vector.broadcast %broadcast_in_dim3A_191 : f32 to vector<16xf32>
      %swap3A_193 = arith.index_cast %scan3A_143 : i32 to index
      %swap3A_194 = arith.constant 112 : index
      %swap3A_195 = tpu.vector_load %arg9[%swap3A_193, %swap3A_194] {strides = array<i32>} : memref<128x128xf32, #tpu.memory_space<vmem>>, vector<1x16xf32>,
      %swap3A_196 = vector.shape_cast %swap3A_195 : vector<1x16xf32> to vector<16xf32>
      %swap3A_197 = vector.shape_cast %broadcast_in_dim3A_192 : vector<16xf32> to vector<1x16xf32>
      tpu.vector_store %arg9[%swap3A_193, %swap3A_194], %swap3A_197 {strides = array<i32>} : memref<128x128xf32, #tpu.memory_space<vmem>>, vector<1x16xf32>,
    }
    %scan3A_79 = arith.constant 128 : i32
    %mul3A_80 = arith.constant 640 : i32
    %mul3A_81 = arith.muli %arg1, %mul3A_80 : i32
    %add3A_82 = arith.constant 0 : i32
    %add3A_83 = arith.addi %mul3A_81, %add3A_82 : i32
    "tpu.region"() ({
      %run_scoped3A = tpu.sem_alloc : memref<!tpu.dma_semaphore, #tpu.memory_space<semaphore_mem>>
      %dma_start3A = arith.constant 0 : i32
      %dma_start3A_143 = tpu.memref_slice %arg6[%add3A_83, %dma_start3A] : memref<10240x128xf32, #tpu.memory_space<vmem_shared>> -> memref<128x128xf32, #tpu.memory_space<vmem_shared>>
      %dma_start3A_144 = arith.constant 0 : i32
      %dma_start3A_145 = tpu.memref_slice %arg6[%add3A_83, %dma_start3A_144] : memref<10240x128xf32, #tpu.memory_space<vmem_shared>> -> memref<128x128xf32, #tpu.memory_space<vmem_shared>>
      tpu.enqueue_dma source(%arg9 : memref<128x128xf32, #tpu.memory_space<vmem>>) target(%dma_start3A_145 : memref<128x128xf32, #tpu.memory_space<vmem_shared>>) target_semaphore(%run_scoped3A : memref<!tpu.dma_semaphore, #tpu.memory_space<semaphore_mem>>)
      %dma_wait3A = arith.constant 0 : i32
      %dma_wait3A_146 = tpu.memref_slice %arg6[%add3A_83, %dma_wait3A] : memref<10240x128xf32, #tpu.memory_space<vmem_shared>> -> memref<128x128xf32, #tpu.memory_space<vmem_shared>>
      %dma_wait3A_147 = arith.constant 0 : i32
      %dma_wait3A_148 = tpu.memref_slice %arg6[%add3A_83, %dma_wait3A_147] : memref<10240x128xf32, #tpu.memory_space<vmem_shared>> -> memref<128x128xf32, #tpu.memory_space<vmem_shared>>
      tpu.wait_dma2 semaphore(%run_scoped3A : memref<!tpu.dma_semaphore, #tpu.memory_space<semaphore_mem>>) src(%arg9 : memref<128x128xf32, #tpu.memory_space<vmem>>) dst(%dma_wait3A_148 : memref<128x128xf32, #tpu.memory_space<vmem_shared>>)
      tpu.yield
    }) : () -> ()
    %mul3A_84 = arith.constant 640 : i32
    %mul3A_85 = arith.muli %arg1, %mul3A_84 : i32
    %add3A_86 = arith.constant 128 : i32
    %add3A_87 = arith.addi %mul3A_85, %add3A_86 : i32
    "tpu.region"() ({
      %run_scoped3A = tpu.sem_alloc : memref<!tpu.dma_semaphore, #tpu.memory_space<semaphore_mem>>
      %dma_start3A = arith.constant 0 : i32
      %dma_start3A_143 = tpu.memref_slice %arg6[%add3A_87, %dma_start3A] : memref<10240x128xf32, #tpu.memory_space<vmem_shared>> -> memref<128x128xf32, #tpu.memory_space<vmem_shared>>
      %dma_start3A_144 = arith.constant 0 : i32
      %dma_start3A_145 = tpu.memref_slice %arg6[%add3A_87, %dma_start3A_144] : memref<10240x128xf32, #tpu.memory_space<vmem_shared>> -> memref<128x128xf32, #tpu.memory_space<vmem_shared>>
      tpu.enqueue_dma source(%arg9 : memref<128x128xf32, #tpu.memory_space<vmem>>) target(%dma_start3A_145 : memref<128x128xf32, #tpu.memory_space<vmem_shared>>) target_semaphore(%run_scoped3A : memref<!tpu.dma_semaphore, #tpu.memory_space<semaphore_mem>>)
      %dma_wait3A = arith.constant 0 : i32
      %dma_wait3A_146 = tpu.memref_slice %arg6[%add3A_87, %dma_wait3A] : memref<10240x128xf32, #tpu.memory_space<vmem_shared>> -> memref<128x128xf32, #tpu.memory_space<vmem_shared>>
      %dma_wait3A_147 = arith.constant 0 : i32
      %dma_wait3A_148 = tpu.memref_slice %arg6[%add3A_87, %dma_wait3A_147] : memref<10240x128xf32, #tpu.memory_space<vmem_shared>> -> memref<128x128xf32, #tpu.memory_space<vmem_shared>>
      tpu.wait_dma2 semaphore(%run_scoped3A : memref<!tpu.dma_semaphore, #tpu.memory_space<semaphore_mem>>) src(%arg9 : memref<128x128xf32, #tpu.memory_space<vmem>>) dst(%dma_wait3A_148 : memref<128x128xf32, #tpu.memory_space<vmem_shared>>)
      tpu.yield
    }) : () -> ()
    %mul3A_88 = arith.constant 640 : i32
    %mul3A_89 = arith.muli %arg1, %mul3A_88 : i32
    %add3A_90 = arith.constant 256 : i32
    %add3A_91 = arith.addi %mul3A_89, %add3A_90 : i32
    "tpu.region"() ({
      %run_scoped3A = tpu.sem_alloc : memref<!tpu.dma_semaphore, #tpu.memory_space<semaphore_mem>>
      %dma_start3A = arith.constant 0 : i32
      %dma_start3A_143 = tpu.memref_slice %arg6[%add3A_91, %dma_start3A] : memref<10240x128xf32, #tpu.memory_space<vmem_shared>> -> memref<128x128xf32, #tpu.memory_space<vmem_shared>>
      %dma_start3A_144 = arith.constant 0 : i32
      %dma_start3A_145 = tpu.memref_slice %arg6[%add3A_91, %dma_start3A_144] : memref<10240x128xf32, #tpu.memory_space<vmem_shared>> -> memref<128x128xf32, #tpu.memory_space<vmem_shared>>
      tpu.enqueue_dma source(%arg9 : memref<128x128xf32, #tpu.memory_space<vmem>>) target(%dma_start3A_145 : memref<128x128xf32, #tpu.memory_space<vmem_shared>>) target_semaphore(%run_scoped3A : memref<!tpu.dma_semaphore, #tpu.memory_space<semaphore_mem>>)
      %dma_wait3A = arith.constant 0 : i32
      %dma_wait3A_146 = tpu.memref_slice %arg6[%add3A_91, %dma_wait3A] : memref<10240x128xf32, #tpu.memory_space<vmem_shared>> -> memref<128x128xf32, #tpu.memory_space<vmem_shared>>
      %dma_wait3A_147 = arith.constant 0 : i32
      %dma_wait3A_148 = tpu.memref_slice %arg6[%add3A_91, %dma_wait3A_147] : memref<10240x128xf32, #tpu.memory_space<vmem_shared>> -> memref<128x128xf32, #tpu.memory_space<vmem_shared>>
      tpu.wait_dma2 semaphore(%run_scoped3A : memref<!tpu.dma_semaphore, #tpu.memory_space<semaphore_mem>>) src(%arg9 : memref<128x128xf32, #tpu.memory_space<vmem>>) dst(%dma_wait3A_148 : memref<128x128xf32, #tpu.memory_space<vmem_shared>>)
      tpu.yield
    }) : () -> ()
    %mul3A_92 = arith.constant 640 : i32
    %mul3A_93 = arith.muli %arg1, %mul3A_92 : i32
    %add3A_94 = arith.constant 384 : i32
    %add3A_95 = arith.addi %mul3A_93, %add3A_94 : i32
    "tpu.region"() ({
      %run_scoped3A = tpu.sem_alloc : memref<!tpu.dma_semaphore, #tpu.memory_space<semaphore_mem>>
      %dma_start3A = arith.constant 0 : i32
      %dma_start3A_143 = tpu.memref_slice %arg6[%add3A_95, %dma_start3A] : memref<10240x128xf32, #tpu.memory_space<vmem_shared>> -> memref<128x128xf32, #tpu.memory_space<vmem_shared>>
      %dma_start3A_144 = arith.constant 0 : i32
      %dma_start3A_145 = tpu.memref_slice %arg6[%add3A_95, %dma_start3A_144] : memref<10240x128xf32, #tpu.memory_space<vmem_shared>> -> memref<128x128xf32, #tpu.memory_space<vmem_shared>>
      tpu.enqueue_dma source(%arg9 : memref<128x128xf32, #tpu.memory_space<vmem>>) target(%dma_start3A_145 : memref<128x128xf32, #tpu.memory_space<vmem_shared>>) target_semaphore(%run_scoped3A : memref<!tpu.dma_semaphore, #tpu.memory_space<semaphore_mem>>)
      %dma_wait3A = arith.constant 0 : i32
      %dma_wait3A_146 = tpu.memref_slice %arg6[%add3A_95, %dma_wait3A] : memref<10240x128xf32, #tpu.memory_space<vmem_shared>> -> memref<128x128xf32, #tpu.memory_space<vmem_shared>>
      %dma_wait3A_147 = arith.constant 0 : i32
      %dma_wait3A_148 = tpu.memref_slice %arg6[%add3A_95, %dma_wait3A_147] : memref<10240x128xf32, #tpu.memory_space<vmem_shared>> -> memref<128x128xf32, #tpu.memory_space<vmem_shared>>
      tpu.wait_dma2 semaphore(%run_scoped3A : memref<!tpu.dma_semaphore, #tpu.memory_space<semaphore_mem>>) src(%arg9 : memref<128x128xf32, #tpu.memory_space<vmem>>) dst(%dma_wait3A_148 : memref<128x128xf32, #tpu.memory_space<vmem_shared>>)
      tpu.yield
    }) : () -> ()
    %mul3A_96 = arith.constant 640 : i32
    %mul3A_97 = arith.muli %arg1, %mul3A_96 : i32
    %add3A_98 = arith.constant 512 : i32
    %add3A_99 = arith.addi %mul3A_97, %add3A_98 : i32
    "tpu.region"() ({
      %run_scoped3A = tpu.sem_alloc : memref<!tpu.dma_semaphore, #tpu.memory_space<semaphore_mem>>
      %dma_start3A = arith.constant 0 : i32
      %dma_start3A_143 = tpu.memref_slice %arg6[%add3A_99, %dma_start3A] : memref<10240x128xf32, #tpu.memory_space<vmem_shared>> -> memref<128x128xf32, #tpu.memory_space<vmem_shared>>
      %dma_start3A_144 = arith.constant 0 : i32
      %dma_start3A_145 = tpu.memref_slice %arg6[%add3A_99, %dma_start3A_144] : memref<10240x128xf32, #tpu.memory_space<vmem_shared>> -> memref<128x128xf32, #tpu.memory_space<vmem_shared>>
      tpu.enqueue_dma source(%arg9 : memref<128x128xf32, #tpu.memory_space<vmem>>) target(%dma_start3A_145 : memref<128x128xf32, #tpu.memory_space<vmem_shared>>) target_semaphore(%run_scoped3A : memref<!tpu.dma_semaphore, #tpu.memory_space<semaphore_mem>>)
      %dma_wait3A = arith.constant 0 : i32
      %dma_wait3A_146 = tpu.memref_slice %arg6[%add3A_99, %dma_wait3A] : memref<10240x128xf32, #tpu.memory_space<vmem_shared>> -> memref<128x128xf32, #tpu.memory_space<vmem_shared>>
      %dma_wait3A_147 = arith.constant 0 : i32
      %dma_wait3A_148 = tpu.memref_slice %arg6[%add3A_99, %dma_wait3A_147] : memref<10240x128xf32, #tpu.memory_space<vmem_shared>> -> memref<128x128xf32, #tpu.memory_space<vmem_shared>>
      tpu.wait_dma2 semaphore(%run_scoped3A : memref<!tpu.dma_semaphore, #tpu.memory_space<semaphore_mem>>) src(%arg9 : memref<128x128xf32, #tpu.memory_space<vmem>>) dst(%dma_wait3A_148 : memref<128x128xf32, #tpu.memory_space<vmem_shared>>)
      tpu.yield
    }) : () -> ()
    "tpu.region"() ({
      %run_scoped3A = tpu.sem_alloc : memref<!tpu.dma_semaphore, #tpu.memory_space<semaphore_mem>>
      %dma_start3A = arith.constant 0 : i32
      %dma_start3A_143 = arith.constant 0 : i32
      %dma_start3A_144 = tpu.memref_slice %arg3[%add3A_73, %arg1, %dma_start3A, %dma_start3A_143] : memref<4x16x80x128xi32, #tpu.memory_space<hbm>> -> memref<1x1x80x128xi32, #tpu.memory_space<hbm>>
      %dma_start3A_145 = tpu.memref_squeeze %dma_start3A_144 : memref<1x1x80x128xi32, #tpu.memory_space<hbm>> -> memref<80x128xi32, #tpu.memory_space<hbm>>
      %dma_start3A_146 = arith.constant 0 : i32
      %dma_start3A_147 = arith.constant 0 : i32
      %dma_start3A_148 = tpu.memref_slice %arg3[%add3A_73, %arg1, %dma_start3A_146, %dma_start3A_147] : memref<4x16x80x128xi32, #tpu.memory_space<hbm>> -> memref<1x1x80x128xi32, #tpu.memory_space<hbm>>
      %dma_start3A_149 = tpu.memref_squeeze %dma_start3A_148 : memref<1x1x80x128xi32, #tpu.memory_space<hbm>> -> memref<80x128xi32, #tpu.memory_space<hbm>>
      tpu.enqueue_dma source(%dma_start3A_149 : memref<80x128xi32, #tpu.memory_space<hbm>>) target(%arg7 : memref<80x128xi32, #tpu.memory_space<vmem>>) target_semaphore(%run_scoped3A : memref<!tpu.dma_semaphore, #tpu.memory_space<semaphore_mem>>)
      %dma_wait3A = arith.constant 0 : i32
      %dma_wait3A_150 = arith.constant 0 : i32
      %dma_wait3A_151 = tpu.memref_slice %arg3[%add3A_73, %arg1, %dma_wait3A, %dma_wait3A_150] : memref<4x16x80x128xi32, #tpu.memory_space<hbm>> -> memref<1x1x80x128xi32, #tpu.memory_space<hbm>>
      %dma_wait3A_152 = tpu.memref_squeeze %dma_wait3A_151 : memref<1x1x80x128xi32, #tpu.memory_space<hbm>> -> memref<80x128xi32, #tpu.memory_space<hbm>>
      %dma_wait3A_153 = arith.constant 0 : i32
      %dma_wait3A_154 = arith.constant 0 : i32
      %dma_wait3A_155 = tpu.memref_slice %arg3[%add3A_73, %arg1, %dma_wait3A_153, %dma_wait3A_154] : memref<4x16x80x128xi32, #tpu.memory_space<hbm>> -> memref<1x1x80x128xi32, #tpu.memory_space<hbm>>
      %dma_wait3A_156 = tpu.memref_squeeze %dma_wait3A_155 : memref<1x1x80x128xi32, #tpu.memory_space<hbm>> -> memref<80x128xi32, #tpu.memory_space<hbm>>
      tpu.wait_dma2 semaphore(%run_scoped3A : memref<!tpu.dma_semaphore, #tpu.memory_space<semaphore_mem>>) src(%dma_wait3A_156 : memref<80x128xi32, #tpu.memory_space<hbm>>) dst(%arg7 : memref<80x128xi32, #tpu.memory_space<vmem>>)
      tpu.yield
    }) : () -> ()
    %barrier3A_100 = arith.constant 0 : index
    tpu.barrier barrier_id(%barrier3A_100)
    %scan3A_101 = arith.constant 0 : i32
    %scan3A_102 = arith.constant 0 : i32
    %scan3A_103 = arith.constant 80 : i32
    %scan3A_104 = arith.addi %scan3A_102, %scan3A_103 : i32
    %scan3A_105 = arith.constant 1 : i32
    scf.for %scan3A_143 = %scan3A_102 to %scan3A_104 step %scan3A_105  : i32 {
      "tpu.region"() ({
        %run_scoped3A = tpu.sem_alloc : memref<!tpu.dma_semaphore, #tpu.memory_space<semaphore_mem>>
        %dma_start3A = arith.constant 0 : i32
        %dma_start3A_144 = tpu.memref_slice %arg7[%scan3A_143, %dma_start3A] : memref<80x128xi32, #tpu.memory_space<vmem>> -> memref<1x128xi32, #tpu.memory_space<vmem>>
        %dma_start3A_145 = tpu.memref_squeeze %dma_start3A_144 : memref<1x128xi32, #tpu.memory_space<vmem>> -> memref<128xi32, #tpu.memory_space<vmem>>
        %dma_start3A_146 = arith.constant 0 : i32
        %dma_start3A_147 = arith.constant 0 : i32
        %dma_start3A_148 = tpu.memref_slice %arg2[%dma_start3A_146, %dma_start3A_147] : memref<40000x128xf32, #tpu.memory_space<hbm>> -> memref<40000x128xf32, #tpu.memory_space<hbm>>
        tpu.enqueue_indirect_dma source(%dma_start3A_148 : memref<40000x128xf32, #tpu.memory_space<hbm>>) target(%arg9 : memref<128x128xf32, #tpu.memory_space<vmem>>) offsets(%dma_start3A_145 : memref<128xi32, #tpu.memory_space<vmem>>) semaphore(%run_scoped3A : memref<!tpu.dma_semaphore, #tpu.memory_space<semaphore_mem>>)
        %dma_wait3A = arith.constant 0 : i32
        %dma_wait3A_149 = tpu.memref_slice %arg7[%scan3A_143, %dma_wait3A] : memref<80x128xi32, #tpu.memory_space<vmem>> -> memref<1x128xi32, #tpu.memory_space<vmem>>
        %dma_wait3A_150 = tpu.memref_squeeze %dma_wait3A_149 : memref<1x128xi32, #tpu.memory_space<vmem>> -> memref<128xi32, #tpu.memory_space<vmem>>
        %dma_wait3A_151 = arith.constant 0 : i32
        %dma_wait3A_152 = arith.constant 0 : i32
        %dma_wait3A_153 = tpu.memref_slice %arg2[%dma_wait3A_151, %dma_wait3A_152] : memref<40000x128xf32, #tpu.memory_space<hbm>> -> memref<40000x128xf32, #tpu.memory_space<hbm>>
        tpu.wait_indirect_dma semaphore(%run_scoped3A : memref<!tpu.dma_semaphore, #tpu.memory_space<semaphore_mem>>) src(%dma_wait3A_153 : memref<40000x128xf32, #tpu.memory_space<hbm>>) dst(%arg9 : memref<128x128xf32, #tpu.memory_space<vmem>>)
        tpu.yield
      }) : () -> ()
      "tpu.region"() ({
        %run_scoped3A = tpu.sem_alloc : memref<!tpu.dma_semaphore, #tpu.memory_space<semaphore_mem>>
        %dma_start3A = arith.constant 0 : i32
        %dma_start3A_144 = tpu.memref_slice %arg8[%scan3A_143, %dma_start3A] : memref<80x128xi32, #tpu.memory_space<vmem>> -> memref<1x128xi32, #tpu.memory_space<vmem>>
        %dma_start3A_145 = tpu.memref_squeeze %dma_start3A_144 : memref<1x128xi32, #tpu.memory_space<vmem>> -> memref<128xi32, #tpu.memory_space<vmem>>
        %dma_start3A_146 = arith.constant 0 : i32
        %dma_start3A_147 = arith.constant 0 : i32
        %dma_start3A_148 = tpu.memref_slice %arg6[%dma_start3A_146, %dma_start3A_147] : memref<10240x128xf32, #tpu.memory_space<vmem_shared>> -> memref<10240x128xf32, #tpu.memory_space<vmem_shared>>
        tpu.enqueue_indirect_dma source(%arg9 : memref<128x128xf32, #tpu.memory_space<vmem>>) target(%dma_start3A_148 : memref<10240x128xf32, #tpu.memory_space<vmem_shared>>) offsets(%dma_start3A_145 : memref<128xi32, #tpu.memory_space<vmem>>) semaphore(%run_scoped3A : memref<!tpu.dma_semaphore, #tpu.memory_space<semaphore_mem>>) {add = true}
        %dma_wait3A = arith.constant 0 : i32
        %dma_wait3A_149 = tpu.memref_slice %arg8[%scan3A_143, %dma_wait3A] : memref<80x128xi32, #tpu.memory_space<vmem>> -> memref<1x128xi32, #tpu.memory_space<vmem>>
        %dma_wait3A_150 = tpu.memref_squeeze %dma_wait3A_149 : memref<1x128xi32, #tpu.memory_space<vmem>> -> memref<128xi32, #tpu.memory_space<vmem>>
        %dma_wait3A_151 = arith.constant 0 : i32
        %dma_wait3A_152 = arith.constant 0 : i32
        %dma_wait3A_153 = tpu.memref_slice %arg6[%dma_wait3A_151, %dma_wait3A_152] : memref<10240x128xf32, #tpu.memory_space<vmem_shared>> -> memref<10240x128xf32, #tpu.memory_space<vmem_shared>>
        tpu.wait_indirect_dma semaphore(%run_scoped3A : memref<!tpu.dma_semaphore, #tpu.memory_space<semaphore_mem>>) src(%arg9 : memref<128x128xf32, #tpu.memory_space<vmem>>) dst(%dma_wait3A_153 : memref<10240x128xf32, #tpu.memory_space<vmem_shared>>)
        tpu.yield
      }) : () -> ()
    }
    %scan3A_106 = arith.constant 80 : i32
    %barrier3A_107 = arith.constant 0 : index
    tpu.barrier barrier_id(%barrier3A_107)
    %mul3A_108 = arith.constant 640 : i32
    %mul3A_109 = arith.muli %arg1, %mul3A_108 : i32
    %add3A_110 = arith.constant 0 : i32
    %add3A_111 = arith.addi %mul3A_109, %add3A_110 : i32
    %mul3A_112 = arith.constant 10240 : i32
    %mul3A_113 = arith.muli %add3A_73, %mul3A_112 : i32
    %add3A_114 = arith.addi %mul3A_113, %add3A_111 : i32
    "tpu.region"() ({
      %run_scoped3A = tpu.sem_alloc : memref<!tpu.dma_semaphore, #tpu.memory_space<semaphore_mem>>
      %dma_start3A = arith.constant 0 : i32
      %dma_start3A_143 = tpu.memref_slice %arg5[%add3A_114, %dma_start3A] : memref<40960x128xf32, #tpu.memory_space<hbm>> -> memref<128x128xf32, #tpu.memory_space<hbm>>
      %dma_start3A_144 = arith.constant 0 : i32
      %dma_start3A_145 = tpu.memref_slice %arg6[%add3A_111, %dma_start3A_144] : memref<10240x128xf32, #tpu.memory_space<vmem_shared>> -> memref<128x128xf32, #tpu.memory_space<vmem_shared>>
      tpu.enqueue_dma source(%dma_start3A_145 : memref<128x128xf32, #tpu.memory_space<vmem_shared>>) target(%dma_start3A_143 : memref<128x128xf32, #tpu.memory_space<hbm>>) target_semaphore(%run_scoped3A : memref<!tpu.dma_semaphore, #tpu.memory_space<semaphore_mem>>)
      %dma_wait3A = arith.constant 0 : i32
      %dma_wait3A_146 = tpu.memref_slice %arg5[%add3A_114, %dma_wait3A] : memref<40960x128xf32, #tpu.memory_space<hbm>> -> memref<128x128xf32, #tpu.memory_space<hbm>>
      %dma_wait3A_147 = arith.constant 0 : i32
      %dma_wait3A_148 = tpu.memref_slice %arg6[%add3A_111, %dma_wait3A_147] : memref<10240x128xf32, #tpu.memory_space<vmem_shared>> -> memref<128x128xf32, #tpu.memory_space<vmem_shared>>
      tpu.wait_dma2 semaphore(%run_scoped3A : memref<!tpu.dma_semaphore, #tpu.memory_space<semaphore_mem>>) src(%dma_wait3A_148 : memref<128x128xf32, #tpu.memory_space<vmem_shared>>) dst(%dma_wait3A_146 : memref<128x128xf32, #tpu.memory_space<hbm>>)
      tpu.yield
    }) : () -> ()
    %mul3A_115 = arith.constant 640 : i32
    %mul3A_116 = arith.muli %arg1, %mul3A_115 : i32
    %add3A_117 = arith.constant 128 : i32
    %add3A_118 = arith.addi %mul3A_116, %add3A_117 : i32
    %mul3A_119 = arith.constant 10240 : i32
    %mul3A_120 = arith.muli %add3A_73, %mul3A_119 : i32
    %add3A_121 = arith.addi %mul3A_120, %add3A_118 : i32
    "tpu.region"() ({
      %run_scoped3A = tpu.sem_alloc : memref<!tpu.dma_semaphore, #tpu.memory_space<semaphore_mem>>
      %dma_start3A = arith.constant 0 : i32
      %dma_start3A_143 = tpu.memref_slice %arg5[%add3A_121, %dma_start3A] : memref<40960x128xf32, #tpu.memory_space<hbm>> -> memref<128x128xf32, #tpu.memory_space<hbm>>
      %dma_start3A_144 = arith.constant 0 : i32
      %dma_start3A_145 = tpu.memref_slice %arg6[%add3A_118, %dma_start3A_144] : memref<10240x128xf32, #tpu.memory_space<vmem_shared>> -> memref<128x128xf32, #tpu.memory_space<vmem_shared>>
      tpu.enqueue_dma source(%dma_start3A_145 : memref<128x128xf32, #tpu.memory_space<vmem_shared>>) target(%dma_start3A_143 : memref<128x128xf32, #tpu.memory_space<hbm>>) target_semaphore(%run_scoped3A : memref<!tpu.dma_semaphore, #tpu.memory_space<semaphore_mem>>)
      %dma_wait3A = arith.constant 0 : i32
      %dma_wait3A_146 = tpu.memref_slice %arg5[%add3A_121, %dma_wait3A] : memref<40960x128xf32, #tpu.memory_space<hbm>> -> memref<128x128xf32, #tpu.memory_space<hbm>>
      %dma_wait3A_147 = arith.constant 0 : i32
      %dma_wait3A_148 = tpu.memref_slice %arg6[%add3A_118, %dma_wait3A_147] : memref<10240x128xf32, #tpu.memory_space<vmem_shared>> -> memref<128x128xf32, #tpu.memory_space<vmem_shared>>
      tpu.wait_dma2 semaphore(%run_scoped3A : memref<!tpu.dma_semaphore, #tpu.memory_space<semaphore_mem>>) src(%dma_wait3A_148 : memref<128x128xf32, #tpu.memory_space<vmem_shared>>) dst(%dma_wait3A_146 : memref<128x128xf32, #tpu.memory_space<hbm>>)
      tpu.yield
    }) : () -> ()
    %mul3A_122 = arith.constant 640 : i32
    %mul3A_123 = arith.muli %arg1, %mul3A_122 : i32
    %add3A_124 = arith.constant 256 : i32
    %add3A_125 = arith.addi %mul3A_123, %add3A_124 : i32
    %mul3A_126 = arith.constant 10240 : i32
    %mul3A_127 = arith.muli %add3A_73, %mul3A_126 : i32
    %add3A_128 = arith.addi %mul3A_127, %add3A_125 : i32
    "tpu.region"() ({
      %run_scoped3A = tpu.sem_alloc : memref<!tpu.dma_semaphore, #tpu.memory_space<semaphore_mem>>
      %dma_start3A = arith.constant 0 : i32
      %dma_start3A_143 = tpu.memref_slice %arg5[%add3A_128, %dma_start3A] : memref<40960x128xf32, #tpu.memory_space<hbm>> -> memref<128x128xf32, #tpu.memory_space<hbm>>
      %dma_start3A_144 = arith.constant 0 : i32
      %dma_start3A_145 = tpu.memref_slice %arg6[%add3A_125, %dma_start3A_144] : memref<10240x128xf32, #tpu.memory_space<vmem_shared>> -> memref<128x128xf32, #tpu.memory_space<vmem_shared>>
      tpu.enqueue_dma source(%dma_start3A_145 : memref<128x128xf32, #tpu.memory_space<vmem_shared>>) target(%dma_start3A_143 : memref<128x128xf32, #tpu.memory_space<hbm>>) target_semaphore(%run_scoped3A : memref<!tpu.dma_semaphore, #tpu.memory_space<semaphore_mem>>)
      %dma_wait3A = arith.constant 0 : i32
      %dma_wait3A_146 = tpu.memref_slice %arg5[%add3A_128, %dma_wait3A] : memref<40960x128xf32, #tpu.memory_space<hbm>> -> memref<128x128xf32, #tpu.memory_space<hbm>>
      %dma_wait3A_147 = arith.constant 0 : i32
      %dma_wait3A_148 = tpu.memref_slice %arg6[%add3A_125, %dma_wait3A_147] : memref<10240x128xf32, #tpu.memory_space<vmem_shared>> -> memref<128x128xf32, #tpu.memory_space<vmem_shared>>
      tpu.wait_dma2 semaphore(%run_scoped3A : memref<!tpu.dma_semaphore, #tpu.memory_space<semaphore_mem>>) src(%dma_wait3A_148 : memref<128x128xf32, #tpu.memory_space<vmem_shared>>) dst(%dma_wait3A_146 : memref<128x128xf32, #tpu.memory_space<hbm>>)
      tpu.yield
    }) : () -> ()
    %mul3A_129 = arith.constant 640 : i32
    %mul3A_130 = arith.muli %arg1, %mul3A_129 : i32
    %add3A_131 = arith.constant 384 : i32
    %add3A_132 = arith.addi %mul3A_130, %add3A_131 : i32
    %mul3A_133 = arith.constant 10240 : i32
    %mul3A_134 = arith.muli %add3A_73, %mul3A_133 : i32
    %add3A_135 = arith.addi %mul3A_134, %add3A_132 : i32
    "tpu.region"() ({
      %run_scoped3A = tpu.sem_alloc : memref<!tpu.dma_semaphore, #tpu.memory_space<semaphore_mem>>
      %dma_start3A = arith.constant 0 : i32
      %dma_start3A_143 = tpu.memref_slice %arg5[%add3A_135, %dma_start3A] : memref<40960x128xf32, #tpu.memory_space<hbm>> -> memref<128x128xf32, #tpu.memory_space<hbm>>
      %dma_start3A_144 = arith.constant 0 : i32
      %dma_start3A_145 = tpu.memref_slice %arg6[%add3A_132, %dma_start3A_144] : memref<10240x128xf32, #tpu.memory_space<vmem_shared>> -> memref<128x128xf32, #tpu.memory_space<vmem_shared>>
      tpu.enqueue_dma source(%dma_start3A_145 : memref<128x128xf32, #tpu.memory_space<vmem_shared>>) target(%dma_start3A_143 : memref<128x128xf32, #tpu.memory_space<hbm>>) target_semaphore(%run_scoped3A : memref<!tpu.dma_semaphore, #tpu.memory_space<semaphore_mem>>)
      %dma_wait3A = arith.constant 0 : i32
      %dma_wait3A_146 = tpu.memref_slice %arg5[%add3A_135, %dma_wait3A] : memref<40960x128xf32, #tpu.memory_space<hbm>> -> memref<128x128xf32, #tpu.memory_space<hbm>>
      %dma_wait3A_147 = arith.constant 0 : i32
      %dma_wait3A_148 = tpu.memref_slice %arg6[%add3A_132, %dma_wait3A_147] : memref<10240x128xf32, #tpu.memory_space<vmem_shared>> -> memref<128x128xf32, #tpu.memory_space<vmem_shared>>
      tpu.wait_dma2 semaphore(%run_scoped3A : memref<!tpu.dma_semaphore, #tpu.memory_space<semaphore_mem>>) src(%dma_wait3A_148 : memref<128x128xf32, #tpu.memory_space<vmem_shared>>) dst(%dma_wait3A_146 : memref<128x128xf32, #tpu.memory_space<hbm>>)
      tpu.yield
    }) : () -> ()
    %mul3A_136 = arith.constant 640 : i32
    %mul3A_137 = arith.muli %arg1, %mul3A_136 : i32
    %add3A_138 = arith.constant 512 : i32
    %add3A_139 = arith.addi %mul3A_137, %add3A_138 : i32
    %mul3A_140 = arith.constant 10240 : i32
    %mul3A_141 = arith.muli %add3A_73, %mul3A_140 : i32
    %add3A_142 = arith.addi %mul3A_141, %add3A_139 : i32
    "tpu.region"() ({
      %run_scoped3A = tpu.sem_alloc : memref<!tpu.dma_semaphore, #tpu.memory_space<semaphore_mem>>
      %dma_start3A = arith.constant 0 : i32
      %dma_start3A_143 = tpu.memref_slice %arg5[%add3A_142, %dma_start3A] : memref<40960x128xf32, #tpu.memory_space<hbm>> -> memref<128x128xf32, #tpu.memory_space<hbm>>
      %dma_start3A_144 = arith.constant 0 : i32
      %dma_start3A_145 = tpu.memref_slice %arg6[%add3A_139, %dma_start3A_144] : memref<10240x128xf32, #tpu.memory_space<vmem_shared>> -> memref<128x128xf32, #tpu.memory_space<vmem_shared>>
      tpu.enqueue_dma source(%dma_start3A_145 : memref<128x128xf32, #tpu.memory_space<vmem_shared>>) target(%dma_start3A_143 : memref<128x128xf32, #tpu.memory_space<hbm>>) target_semaphore(%run_scoped3A : memref<!tpu.dma_semaphore, #tpu.memory_space<semaphore_mem>>)
      %dma_wait3A = arith.constant 0 : i32
      %dma_wait3A_146 = tpu.memref_slice %arg5[%add3A_142, %dma_wait3A] : memref<40960x128xf32, #tpu.memory_space<hbm>> -> memref<128x128xf32, #tpu.memory_space<hbm>>
      %dma_wait3A_147 = arith.constant 0 : i32
      %dma_wait3A_148 = tpu.memref_slice %arg6[%add3A_139, %dma_wait3A_147] : memref<10240x128xf32, #tpu.memory_space<vmem_shared>> -> memref<128x128xf32, #tpu.memory_space<vmem_shared>>
      tpu.wait_dma2 semaphore(%run_scoped3A : memref<!tpu.dma_semaphore, #tpu.memory_space<semaphore_mem>>) src(%dma_wait3A_148 : memref<128x128xf32, #tpu.memory_space<vmem_shared>>) dst(%dma_wait3A_146 : memref<128x128xf32, #tpu.memory_space<hbm>>)
      tpu.yield
    }) : () -> ()
    return
  }
}

#map = affine_map<(d0, d1) -> (0, 0, 0, 0)>
#map1 = affine_map<(d0, d1) -> (0, 0, 0)>
module attributes {stable_mosaic.version = 14 : i64} {
  func.func @_hist(%arg0: i32, %arg1: i32, %arg2: memref<2x16x80x128xi32, #tpu.memory_space<hbm>>, %arg3: memref<2x10240x128xf32, #tpu.memory_space<hbm>>, %arg4: memref<10240x128xf32, #tpu.memory_space<vmem_shared>>, %arg5: memref<80x128xi32, #tpu.memory_space<vmem>>, %arg6: memref<128x128xf32, #tpu.memory_space<vmem>>) attributes {dimension_semantics = [#tpu.dimension_semantics<core_parallel>, #tpu.dimension_semantics<subcore_parallel>], iteration_bounds = array<i64: 2, 16>, scalar_prefetch = 0 : i64, scratch_operands = 3 : i64, tpu.core_type = #tpu.core_type<sc_vector_subcore>, window_params = [{transform_indices = #map}, {transform_indices = #map1}]} {
    %scan3A = arith.constant 0 : i32
    %scan3A_0 = arith.constant 0 : i32
    %scan3A_1 = arith.constant 128 : i32
    %scan3A_2 = arith.addi %scan3A_0, %scan3A_1 : i32
    %scan3A_3 = arith.constant 1 : i32
    scf.for %scan3A_56 = %scan3A_0 to %scan3A_2 step %scan3A_3  : i32 {
      %broadcast_in_dim3A = arith.constant 0.000000e+00 : f32
      %broadcast_in_dim3A_57 = vector.broadcast %broadcast_in_dim3A : f32 to vector<16xf32>
      %swap3A = arith.index_cast %scan3A_56 : i32 to index
      %swap3A_58 = arith.constant 0 : index
      %swap3A_59 = tpu.vector_load %arg6[%swap3A, %swap3A_58] {strides = array<i32>} : memref<128x128xf32, #tpu.memory_space<vmem>>, vector<1x16xf32>,
      %swap3A_60 = vector.shape_cast %swap3A_59 : vector<1x16xf32> to vector<16xf32>
      %swap3A_61 = vector.shape_cast %broadcast_in_dim3A_57 : vector<16xf32> to vector<1x16xf32>
      tpu.vector_store %arg6[%swap3A, %swap3A_58], %swap3A_61 {strides = array<i32>} : memref<128x128xf32, #tpu.memory_space<vmem>>, vector<1x16xf32>,
      %broadcast_in_dim3A_62 = arith.constant 0.000000e+00 : f32
      %broadcast_in_dim3A_63 = vector.broadcast %broadcast_in_dim3A_62 : f32 to vector<16xf32>
      %swap3A_64 = arith.index_cast %scan3A_56 : i32 to index
      %swap3A_65 = arith.constant 16 : index
      %swap3A_66 = tpu.vector_load %arg6[%swap3A_64, %swap3A_65] {strides = array<i32>} : memref<128x128xf32, #tpu.memory_space<vmem>>, vector<1x16xf32>,
      %swap3A_67 = vector.shape_cast %swap3A_66 : vector<1x16xf32> to vector<16xf32>
      %swap3A_68 = vector.shape_cast %broadcast_in_dim3A_63 : vector<16xf32> to vector<1x16xf32>
      tpu.vector_store %arg6[%swap3A_64, %swap3A_65], %swap3A_68 {strides = array<i32>} : memref<128x128xf32, #tpu.memory_space<vmem>>, vector<1x16xf32>,
      %broadcast_in_dim3A_69 = arith.constant 0.000000e+00 : f32
      %broadcast_in_dim3A_70 = vector.broadcast %broadcast_in_dim3A_69 : f32 to vector<16xf32>
      %swap3A_71 = arith.index_cast %scan3A_56 : i32 to index
      %swap3A_72 = arith.constant 32 : index
      %swap3A_73 = tpu.vector_load %arg6[%swap3A_71, %swap3A_72] {strides = array<i32>} : memref<128x128xf32, #tpu.memory_space<vmem>>, vector<1x16xf32>,
      %swap3A_74 = vector.shape_cast %swap3A_73 : vector<1x16xf32> to vector<16xf32>
      %swap3A_75 = vector.shape_cast %broadcast_in_dim3A_70 : vector<16xf32> to vector<1x16xf32>
      tpu.vector_store %arg6[%swap3A_71, %swap3A_72], %swap3A_75 {strides = array<i32>} : memref<128x128xf32, #tpu.memory_space<vmem>>, vector<1x16xf32>,
      %broadcast_in_dim3A_76 = arith.constant 0.000000e+00 : f32
      %broadcast_in_dim3A_77 = vector.broadcast %broadcast_in_dim3A_76 : f32 to vector<16xf32>
      %swap3A_78 = arith.index_cast %scan3A_56 : i32 to index
      %swap3A_79 = arith.constant 48 : index
      %swap3A_80 = tpu.vector_load %arg6[%swap3A_78, %swap3A_79] {strides = array<i32>} : memref<128x128xf32, #tpu.memory_space<vmem>>, vector<1x16xf32>,
      %swap3A_81 = vector.shape_cast %swap3A_80 : vector<1x16xf32> to vector<16xf32>
      %swap3A_82 = vector.shape_cast %broadcast_in_dim3A_77 : vector<16xf32> to vector<1x16xf32>
      tpu.vector_store %arg6[%swap3A_78, %swap3A_79], %swap3A_82 {strides = array<i32>} : memref<128x128xf32, #tpu.memory_space<vmem>>, vector<1x16xf32>,
      %broadcast_in_dim3A_83 = arith.constant 0.000000e+00 : f32
      %broadcast_in_dim3A_84 = vector.broadcast %broadcast_in_dim3A_83 : f32 to vector<16xf32>
      %swap3A_85 = arith.index_cast %scan3A_56 : i32 to index
      %swap3A_86 = arith.constant 64 : index
      %swap3A_87 = tpu.vector_load %arg6[%swap3A_85, %swap3A_86] {strides = array<i32>} : memref<128x128xf32, #tpu.memory_space<vmem>>, vector<1x16xf32>,
      %swap3A_88 = vector.shape_cast %swap3A_87 : vector<1x16xf32> to vector<16xf32>
      %swap3A_89 = vector.shape_cast %broadcast_in_dim3A_84 : vector<16xf32> to vector<1x16xf32>
      tpu.vector_store %arg6[%swap3A_85, %swap3A_86], %swap3A_89 {strides = array<i32>} : memref<128x128xf32, #tpu.memory_space<vmem>>, vector<1x16xf32>,
      %broadcast_in_dim3A_90 = arith.constant 0.000000e+00 : f32
      %broadcast_in_dim3A_91 = vector.broadcast %broadcast_in_dim3A_90 : f32 to vector<16xf32>
      %swap3A_92 = arith.index_cast %scan3A_56 : i32 to index
      %swap3A_93 = arith.constant 80 : index
      %swap3A_94 = tpu.vector_load %arg6[%swap3A_92, %swap3A_93] {strides = array<i32>} : memref<128x128xf32, #tpu.memory_space<vmem>>, vector<1x16xf32>,
      %swap3A_95 = vector.shape_cast %swap3A_94 : vector<1x16xf32> to vector<16xf32>
      %swap3A_96 = vector.shape_cast %broadcast_in_dim3A_91 : vector<16xf32> to vector<1x16xf32>
      tpu.vector_store %arg6[%swap3A_92, %swap3A_93], %swap3A_96 {strides = array<i32>} : memref<128x128xf32, #tpu.memory_space<vmem>>, vector<1x16xf32>,
      %broadcast_in_dim3A_97 = arith.constant 0.000000e+00 : f32
      %broadcast_in_dim3A_98 = vector.broadcast %broadcast_in_dim3A_97 : f32 to vector<16xf32>
      %swap3A_99 = arith.index_cast %scan3A_56 : i32 to index
      %swap3A_100 = arith.constant 96 : index
      %swap3A_101 = tpu.vector_load %arg6[%swap3A_99, %swap3A_100] {strides = array<i32>} : memref<128x128xf32, #tpu.memory_space<vmem>>, vector<1x16xf32>,
      %swap3A_102 = vector.shape_cast %swap3A_101 : vector<1x16xf32> to vector<16xf32>
      %swap3A_103 = vector.shape_cast %broadcast_in_dim3A_98 : vector<16xf32> to vector<1x16xf32>
      tpu.vector_store %arg6[%swap3A_99, %swap3A_100], %swap3A_103 {strides = array<i32>} : memref<128x128xf32, #tpu.memory_space<vmem>>, vector<1x16xf32>,
      %broadcast_in_dim3A_104 = arith.constant 0.000000e+00 : f32
      %broadcast_in_dim3A_105 = vector.broadcast %broadcast_in_dim3A_104 : f32 to vector<16xf32>
      %swap3A_106 = arith.index_cast %scan3A_56 : i32 to index
      %swap3A_107 = arith.constant 112 : index
      %swap3A_108 = tpu.vector_load %arg6[%swap3A_106, %swap3A_107] {strides = array<i32>} : memref<128x128xf32, #tpu.memory_space<vmem>>, vector<1x16xf32>,
      %swap3A_109 = vector.shape_cast %swap3A_108 : vector<1x16xf32> to vector<16xf32>
      %swap3A_110 = vector.shape_cast %broadcast_in_dim3A_105 : vector<16xf32> to vector<1x16xf32>
      tpu.vector_store %arg6[%swap3A_106, %swap3A_107], %swap3A_110 {strides = array<i32>} : memref<128x128xf32, #tpu.memory_space<vmem>>, vector<1x16xf32>,
    }
    %scan3A_4 = arith.constant 128 : i32
    "tpu.region"() ({
      %run_scoped3A = tpu.sem_alloc : memref<!tpu.dma_semaphore, #tpu.memory_space<semaphore_mem>>
      %dma_start3A = arith.constant 0 : i32
      %dma_start3A_56 = arith.constant 0 : i32
      %dma_start3A_57 = tpu.memref_slice %arg2[%arg0, %arg1, %dma_start3A, %dma_start3A_56] : memref<2x16x80x128xi32, #tpu.memory_space<hbm>> -> memref<1x1x80x128xi32, #tpu.memory_space<hbm>>
      %dma_start3A_58 = tpu.memref_squeeze %dma_start3A_57 : memref<1x1x80x128xi32, #tpu.memory_space<hbm>> -> memref<80x128xi32, #tpu.memory_space<hbm>>
      %dma_start3A_59 = arith.constant 0 : i32
      %dma_start3A_60 = arith.constant 0 : i32
      %dma_start3A_61 = tpu.memref_slice %arg2[%arg0, %arg1, %dma_start3A_59, %dma_start3A_60] : memref<2x16x80x128xi32, #tpu.memory_space<hbm>> -> memref<1x1x80x128xi32, #tpu.memory_space<hbm>>
      %dma_start3A_62 = tpu.memref_squeeze %dma_start3A_61 : memref<1x1x80x128xi32, #tpu.memory_space<hbm>> -> memref<80x128xi32, #tpu.memory_space<hbm>>
      tpu.enqueue_dma source(%dma_start3A_62 : memref<80x128xi32, #tpu.memory_space<hbm>>) target(%arg5 : memref<80x128xi32, #tpu.memory_space<vmem>>) target_semaphore(%run_scoped3A : memref<!tpu.dma_semaphore, #tpu.memory_space<semaphore_mem>>)
      %dma_wait3A = arith.constant 0 : i32
      %dma_wait3A_63 = arith.constant 0 : i32
      %dma_wait3A_64 = tpu.memref_slice %arg2[%arg0, %arg1, %dma_wait3A, %dma_wait3A_63] : memref<2x16x80x128xi32, #tpu.memory_space<hbm>> -> memref<1x1x80x128xi32, #tpu.memory_space<hbm>>
      %dma_wait3A_65 = tpu.memref_squeeze %dma_wait3A_64 : memref<1x1x80x128xi32, #tpu.memory_space<hbm>> -> memref<80x128xi32, #tpu.memory_space<hbm>>
      %dma_wait3A_66 = arith.constant 0 : i32
      %dma_wait3A_67 = arith.constant 0 : i32
      %dma_wait3A_68 = tpu.memref_slice %arg2[%arg0, %arg1, %dma_wait3A_66, %dma_wait3A_67] : memref<2x16x80x128xi32, #tpu.memory_space<hbm>> -> memref<1x1x80x128xi32, #tpu.memory_space<hbm>>
      %dma_wait3A_69 = tpu.memref_squeeze %dma_wait3A_68 : memref<1x1x80x128xi32, #tpu.memory_space<hbm>> -> memref<80x128xi32, #tpu.memory_space<hbm>>
      tpu.wait_dma2 semaphore(%run_scoped3A : memref<!tpu.dma_semaphore, #tpu.memory_space<semaphore_mem>>) src(%dma_wait3A_69 : memref<80x128xi32, #tpu.memory_space<hbm>>) dst(%arg5 : memref<80x128xi32, #tpu.memory_space<vmem>>)
      tpu.yield
    }) : () -> ()
    %mul3A = arith.constant 640 : i32
    %mul3A_5 = arith.muli %arg1, %mul3A : i32
    %add3A = arith.constant 0 : i32
    %add3A_6 = arith.addi %mul3A_5, %add3A : i32
    "tpu.region"() ({
      %run_scoped3A = tpu.sem_alloc : memref<!tpu.dma_semaphore, #tpu.memory_space<semaphore_mem>>
      %dma_start3A = arith.constant 0 : i32
      %dma_start3A_56 = tpu.memref_slice %arg4[%add3A_6, %dma_start3A] : memref<10240x128xf32, #tpu.memory_space<vmem_shared>> -> memref<128x128xf32, #tpu.memory_space<vmem_shared>>
      %dma_start3A_57 = arith.constant 0 : i32
      %dma_start3A_58 = tpu.memref_slice %arg4[%add3A_6, %dma_start3A_57] : memref<10240x128xf32, #tpu.memory_space<vmem_shared>> -> memref<128x128xf32, #tpu.memory_space<vmem_shared>>
      tpu.enqueue_dma source(%arg6 : memref<128x128xf32, #tpu.memory_space<vmem>>) target(%dma_start3A_58 : memref<128x128xf32, #tpu.memory_space<vmem_shared>>) target_semaphore(%run_scoped3A : memref<!tpu.dma_semaphore, #tpu.memory_space<semaphore_mem>>)
      %dma_wait3A = arith.constant 0 : i32
      %dma_wait3A_59 = tpu.memref_slice %arg4[%add3A_6, %dma_wait3A] : memref<10240x128xf32, #tpu.memory_space<vmem_shared>> -> memref<128x128xf32, #tpu.memory_space<vmem_shared>>
      %dma_wait3A_60 = arith.constant 0 : i32
      %dma_wait3A_61 = tpu.memref_slice %arg4[%add3A_6, %dma_wait3A_60] : memref<10240x128xf32, #tpu.memory_space<vmem_shared>> -> memref<128x128xf32, #tpu.memory_space<vmem_shared>>
      tpu.wait_dma2 semaphore(%run_scoped3A : memref<!tpu.dma_semaphore, #tpu.memory_space<semaphore_mem>>) src(%arg6 : memref<128x128xf32, #tpu.memory_space<vmem>>) dst(%dma_wait3A_61 : memref<128x128xf32, #tpu.memory_space<vmem_shared>>)
      tpu.yield
    }) : () -> ()
    %mul3A_7 = arith.constant 640 : i32
    %mul3A_8 = arith.muli %arg1, %mul3A_7 : i32
    %add3A_9 = arith.constant 128 : i32
    %add3A_10 = arith.addi %mul3A_8, %add3A_9 : i32
    "tpu.region"() ({
      %run_scoped3A = tpu.sem_alloc : memref<!tpu.dma_semaphore, #tpu.memory_space<semaphore_mem>>
      %dma_start3A = arith.constant 0 : i32
      %dma_start3A_56 = tpu.memref_slice %arg4[%add3A_10, %dma_start3A] : memref<10240x128xf32, #tpu.memory_space<vmem_shared>> -> memref<128x128xf32, #tpu.memory_space<vmem_shared>>
      %dma_start3A_57 = arith.constant 0 : i32
      %dma_start3A_58 = tpu.memref_slice %arg4[%add3A_10, %dma_start3A_57] : memref<10240x128xf32, #tpu.memory_space<vmem_shared>> -> memref<128x128xf32, #tpu.memory_space<vmem_shared>>
      tpu.enqueue_dma source(%arg6 : memref<128x128xf32, #tpu.memory_space<vmem>>) target(%dma_start3A_58 : memref<128x128xf32, #tpu.memory_space<vmem_shared>>) target_semaphore(%run_scoped3A : memref<!tpu.dma_semaphore, #tpu.memory_space<semaphore_mem>>)
      %dma_wait3A = arith.constant 0 : i32
      %dma_wait3A_59 = tpu.memref_slice %arg4[%add3A_10, %dma_wait3A] : memref<10240x128xf32, #tpu.memory_space<vmem_shared>> -> memref<128x128xf32, #tpu.memory_space<vmem_shared>>
      %dma_wait3A_60 = arith.constant 0 : i32
      %dma_wait3A_61 = tpu.memref_slice %arg4[%add3A_10, %dma_wait3A_60] : memref<10240x128xf32, #tpu.memory_space<vmem_shared>> -> memref<128x128xf32, #tpu.memory_space<vmem_shared>>
      tpu.wait_dma2 semaphore(%run_scoped3A : memref<!tpu.dma_semaphore, #tpu.memory_space<semaphore_mem>>) src(%arg6 : memref<128x128xf32, #tpu.memory_space<vmem>>) dst(%dma_wait3A_61 : memref<128x128xf32, #tpu.memory_space<vmem_shared>>)
      tpu.yield
    }) : () -> ()
    %mul3A_11 = arith.constant 640 : i32
    %mul3A_12 = arith.muli %arg1, %mul3A_11 : i32
    %add3A_13 = arith.constant 256 : i32
    %add3A_14 = arith.addi %mul3A_12, %add3A_13 : i32
    "tpu.region"() ({
      %run_scoped3A = tpu.sem_alloc : memref<!tpu.dma_semaphore, #tpu.memory_space<semaphore_mem>>
      %dma_start3A = arith.constant 0 : i32
      %dma_start3A_56 = tpu.memref_slice %arg4[%add3A_14, %dma_start3A] : memref<10240x128xf32, #tpu.memory_space<vmem_shared>> -> memref<128x128xf32, #tpu.memory_space<vmem_shared>>
      %dma_start3A_57 = arith.constant 0 : i32
      %dma_start3A_58 = tpu.memref_slice %arg4[%add3A_14, %dma_start3A_57] : memref<10240x128xf32, #tpu.memory_space<vmem_shared>> -> memref<128x128xf32, #tpu.memory_space<vmem_shared>>
      tpu.enqueue_dma source(%arg6 : memref<128x128xf32, #tpu.memory_space<vmem>>) target(%dma_start3A_58 : memref<128x128xf32, #tpu.memory_space<vmem_shared>>) target_semaphore(%run_scoped3A : memref<!tpu.dma_semaphore, #tpu.memory_space<semaphore_mem>>)
      %dma_wait3A = arith.constant 0 : i32
      %dma_wait3A_59 = tpu.memref_slice %arg4[%add3A_14, %dma_wait3A] : memref<10240x128xf32, #tpu.memory_space<vmem_shared>> -> memref<128x128xf32, #tpu.memory_space<vmem_shared>>
      %dma_wait3A_60 = arith.constant 0 : i32
      %dma_wait3A_61 = tpu.memref_slice %arg4[%add3A_14, %dma_wait3A_60] : memref<10240x128xf32, #tpu.memory_space<vmem_shared>> -> memref<128x128xf32, #tpu.memory_space<vmem_shared>>
      tpu.wait_dma2 semaphore(%run_scoped3A : memref<!tpu.dma_semaphore, #tpu.memory_space<semaphore_mem>>) src(%arg6 : memref<128x128xf32, #tpu.memory_space<vmem>>) dst(%dma_wait3A_61 : memref<128x128xf32, #tpu.memory_space<vmem_shared>>)
      tpu.yield
    }) : () -> ()
    %mul3A_15 = arith.constant 640 : i32
    %mul3A_16 = arith.muli %arg1, %mul3A_15 : i32
    %add3A_17 = arith.constant 384 : i32
    %add3A_18 = arith.addi %mul3A_16, %add3A_17 : i32
    "tpu.region"() ({
      %run_scoped3A = tpu.sem_alloc : memref<!tpu.dma_semaphore, #tpu.memory_space<semaphore_mem>>
      %dma_start3A = arith.constant 0 : i32
      %dma_start3A_56 = tpu.memref_slice %arg4[%add3A_18, %dma_start3A] : memref<10240x128xf32, #tpu.memory_space<vmem_shared>> -> memref<128x128xf32, #tpu.memory_space<vmem_shared>>
      %dma_start3A_57 = arith.constant 0 : i32
      %dma_start3A_58 = tpu.memref_slice %arg4[%add3A_18, %dma_start3A_57] : memref<10240x128xf32, #tpu.memory_space<vmem_shared>> -> memref<128x128xf32, #tpu.memory_space<vmem_shared>>
      tpu.enqueue_dma source(%arg6 : memref<128x128xf32, #tpu.memory_space<vmem>>) target(%dma_start3A_58 : memref<128x128xf32, #tpu.memory_space<vmem_shared>>) target_semaphore(%run_scoped3A : memref<!tpu.dma_semaphore, #tpu.memory_space<semaphore_mem>>)
      %dma_wait3A = arith.constant 0 : i32
      %dma_wait3A_59 = tpu.memref_slice %arg4[%add3A_18, %dma_wait3A] : memref<10240x128xf32, #tpu.memory_space<vmem_shared>> -> memref<128x128xf32, #tpu.memory_space<vmem_shared>>
      %dma_wait3A_60 = arith.constant 0 : i32
      %dma_wait3A_61 = tpu.memref_slice %arg4[%add3A_18, %dma_wait3A_60] : memref<10240x128xf32, #tpu.memory_space<vmem_shared>> -> memref<128x128xf32, #tpu.memory_space<vmem_shared>>
      tpu.wait_dma2 semaphore(%run_scoped3A : memref<!tpu.dma_semaphore, #tpu.memory_space<semaphore_mem>>) src(%arg6 : memref<128x128xf32, #tpu.memory_space<vmem>>) dst(%dma_wait3A_61 : memref<128x128xf32, #tpu.memory_space<vmem_shared>>)
      tpu.yield
    }) : () -> ()
    %mul3A_19 = arith.constant 640 : i32
    %mul3A_20 = arith.muli %arg1, %mul3A_19 : i32
    %add3A_21 = arith.constant 512 : i32
    %add3A_22 = arith.addi %mul3A_20, %add3A_21 : i32
    "tpu.region"() ({
      %run_scoped3A = tpu.sem_alloc : memref<!tpu.dma_semaphore, #tpu.memory_space<semaphore_mem>>
      %dma_start3A = arith.constant 0 : i32
      %dma_start3A_56 = tpu.memref_slice %arg4[%add3A_22, %dma_start3A] : memref<10240x128xf32, #tpu.memory_space<vmem_shared>> -> memref<128x128xf32, #tpu.memory_space<vmem_shared>>
      %dma_start3A_57 = arith.constant 0 : i32
      %dma_start3A_58 = tpu.memref_slice %arg4[%add3A_22, %dma_start3A_57] : memref<10240x128xf32, #tpu.memory_space<vmem_shared>> -> memref<128x128xf32, #tpu.memory_space<vmem_shared>>
      tpu.enqueue_dma source(%arg6 : memref<128x128xf32, #tpu.memory_space<vmem>>) target(%dma_start3A_58 : memref<128x128xf32, #tpu.memory_space<vmem_shared>>) target_semaphore(%run_scoped3A : memref<!tpu.dma_semaphore, #tpu.memory_space<semaphore_mem>>)
      %dma_wait3A = arith.constant 0 : i32
      %dma_wait3A_59 = tpu.memref_slice %arg4[%add3A_22, %dma_wait3A] : memref<10240x128xf32, #tpu.memory_space<vmem_shared>> -> memref<128x128xf32, #tpu.memory_space<vmem_shared>>
      %dma_wait3A_60 = arith.constant 0 : i32
      %dma_wait3A_61 = tpu.memref_slice %arg4[%add3A_22, %dma_wait3A_60] : memref<10240x128xf32, #tpu.memory_space<vmem_shared>> -> memref<128x128xf32, #tpu.memory_space<vmem_shared>>
      tpu.wait_dma2 semaphore(%run_scoped3A : memref<!tpu.dma_semaphore, #tpu.memory_space<semaphore_mem>>) src(%arg6 : memref<128x128xf32, #tpu.memory_space<vmem>>) dst(%dma_wait3A_61 : memref<128x128xf32, #tpu.memory_space<vmem_shared>>)
      tpu.yield
    }) : () -> ()
    %scan3A_23 = arith.constant 0 : i32
    %scan3A_24 = arith.constant 0 : i32
    %scan3A_25 = arith.constant 128 : i32
    %scan3A_26 = arith.addi %scan3A_24, %scan3A_25 : i32
    %scan3A_27 = arith.constant 1 : i32
    scf.for %scan3A_56 = %scan3A_24 to %scan3A_26 step %scan3A_27  : i32 {
      %broadcast_in_dim3A = arith.constant 1.000000e+00 : f32
      %broadcast_in_dim3A_57 = vector.broadcast %broadcast_in_dim3A : f32 to vector<16xf32>
      %swap3A = arith.index_cast %scan3A_56 : i32 to index
      %swap3A_58 = arith.constant 0 : index
      %swap3A_59 = tpu.vector_load %arg6[%swap3A, %swap3A_58] {strides = array<i32>} : memref<128x128xf32, #tpu.memory_space<vmem>>, vector<1x16xf32>,
      %swap3A_60 = vector.shape_cast %swap3A_59 : vector<1x16xf32> to vector<16xf32>
      %swap3A_61 = vector.shape_cast %broadcast_in_dim3A_57 : vector<16xf32> to vector<1x16xf32>
      tpu.vector_store %arg6[%swap3A, %swap3A_58], %swap3A_61 {strides = array<i32>} : memref<128x128xf32, #tpu.memory_space<vmem>>, vector<1x16xf32>,
      %broadcast_in_dim3A_62 = arith.constant 1.000000e+00 : f32
      %broadcast_in_dim3A_63 = vector.broadcast %broadcast_in_dim3A_62 : f32 to vector<16xf32>
      %swap3A_64 = arith.index_cast %scan3A_56 : i32 to index
      %swap3A_65 = arith.constant 16 : index
      %swap3A_66 = tpu.vector_load %arg6[%swap3A_64, %swap3A_65] {strides = array<i32>} : memref<128x128xf32, #tpu.memory_space<vmem>>, vector<1x16xf32>,
      %swap3A_67 = vector.shape_cast %swap3A_66 : vector<1x16xf32> to vector<16xf32>
      %swap3A_68 = vector.shape_cast %broadcast_in_dim3A_63 : vector<16xf32> to vector<1x16xf32>
      tpu.vector_store %arg6[%swap3A_64, %swap3A_65], %swap3A_68 {strides = array<i32>} : memref<128x128xf32, #tpu.memory_space<vmem>>, vector<1x16xf32>,
      %broadcast_in_dim3A_69 = arith.constant 1.000000e+00 : f32
      %broadcast_in_dim3A_70 = vector.broadcast %broadcast_in_dim3A_69 : f32 to vector<16xf32>
      %swap3A_71 = arith.index_cast %scan3A_56 : i32 to index
      %swap3A_72 = arith.constant 32 : index
      %swap3A_73 = tpu.vector_load %arg6[%swap3A_71, %swap3A_72] {strides = array<i32>} : memref<128x128xf32, #tpu.memory_space<vmem>>, vector<1x16xf32>,
      %swap3A_74 = vector.shape_cast %swap3A_73 : vector<1x16xf32> to vector<16xf32>
      %swap3A_75 = vector.shape_cast %broadcast_in_dim3A_70 : vector<16xf32> to vector<1x16xf32>
      tpu.vector_store %arg6[%swap3A_71, %swap3A_72], %swap3A_75 {strides = array<i32>} : memref<128x128xf32, #tpu.memory_space<vmem>>, vector<1x16xf32>,
      %broadcast_in_dim3A_76 = arith.constant 1.000000e+00 : f32
      %broadcast_in_dim3A_77 = vector.broadcast %broadcast_in_dim3A_76 : f32 to vector<16xf32>
      %swap3A_78 = arith.index_cast %scan3A_56 : i32 to index
      %swap3A_79 = arith.constant 48 : index
      %swap3A_80 = tpu.vector_load %arg6[%swap3A_78, %swap3A_79] {strides = array<i32>} : memref<128x128xf32, #tpu.memory_space<vmem>>, vector<1x16xf32>,
      %swap3A_81 = vector.shape_cast %swap3A_80 : vector<1x16xf32> to vector<16xf32>
      %swap3A_82 = vector.shape_cast %broadcast_in_dim3A_77 : vector<16xf32> to vector<1x16xf32>
      tpu.vector_store %arg6[%swap3A_78, %swap3A_79], %swap3A_82 {strides = array<i32>} : memref<128x128xf32, #tpu.memory_space<vmem>>, vector<1x16xf32>,
      %broadcast_in_dim3A_83 = arith.constant 1.000000e+00 : f32
      %broadcast_in_dim3A_84 = vector.broadcast %broadcast_in_dim3A_83 : f32 to vector<16xf32>
      %swap3A_85 = arith.index_cast %scan3A_56 : i32 to index
      %swap3A_86 = arith.constant 64 : index
      %swap3A_87 = tpu.vector_load %arg6[%swap3A_85, %swap3A_86] {strides = array<i32>} : memref<128x128xf32, #tpu.memory_space<vmem>>, vector<1x16xf32>,
      %swap3A_88 = vector.shape_cast %swap3A_87 : vector<1x16xf32> to vector<16xf32>
      %swap3A_89 = vector.shape_cast %broadcast_in_dim3A_84 : vector<16xf32> to vector<1x16xf32>
      tpu.vector_store %arg6[%swap3A_85, %swap3A_86], %swap3A_89 {strides = array<i32>} : memref<128x128xf32, #tpu.memory_space<vmem>>, vector<1x16xf32>,
      %broadcast_in_dim3A_90 = arith.constant 1.000000e+00 : f32
      %broadcast_in_dim3A_91 = vector.broadcast %broadcast_in_dim3A_90 : f32 to vector<16xf32>
      %swap3A_92 = arith.index_cast %scan3A_56 : i32 to index
      %swap3A_93 = arith.constant 80 : index
      %swap3A_94 = tpu.vector_load %arg6[%swap3A_92, %swap3A_93] {strides = array<i32>} : memref<128x128xf32, #tpu.memory_space<vmem>>, vector<1x16xf32>,
      %swap3A_95 = vector.shape_cast %swap3A_94 : vector<1x16xf32> to vector<16xf32>
      %swap3A_96 = vector.shape_cast %broadcast_in_dim3A_91 : vector<16xf32> to vector<1x16xf32>
      tpu.vector_store %arg6[%swap3A_92, %swap3A_93], %swap3A_96 {strides = array<i32>} : memref<128x128xf32, #tpu.memory_space<vmem>>, vector<1x16xf32>,
      %broadcast_in_dim3A_97 = arith.constant 1.000000e+00 : f32
      %broadcast_in_dim3A_98 = vector.broadcast %broadcast_in_dim3A_97 : f32 to vector<16xf32>
      %swap3A_99 = arith.index_cast %scan3A_56 : i32 to index
      %swap3A_100 = arith.constant 96 : index
      %swap3A_101 = tpu.vector_load %arg6[%swap3A_99, %swap3A_100] {strides = array<i32>} : memref<128x128xf32, #tpu.memory_space<vmem>>, vector<1x16xf32>,
      %swap3A_102 = vector.shape_cast %swap3A_101 : vector<1x16xf32> to vector<16xf32>
      %swap3A_103 = vector.shape_cast %broadcast_in_dim3A_98 : vector<16xf32> to vector<1x16xf32>
      tpu.vector_store %arg6[%swap3A_99, %swap3A_100], %swap3A_103 {strides = array<i32>} : memref<128x128xf32, #tpu.memory_space<vmem>>, vector<1x16xf32>,
      %broadcast_in_dim3A_104 = arith.constant 1.000000e+00 : f32
      %broadcast_in_dim3A_105 = vector.broadcast %broadcast_in_dim3A_104 : f32 to vector<16xf32>
      %swap3A_106 = arith.index_cast %scan3A_56 : i32 to index
      %swap3A_107 = arith.constant 112 : index
      %swap3A_108 = tpu.vector_load %arg6[%swap3A_106, %swap3A_107] {strides = array<i32>} : memref<128x128xf32, #tpu.memory_space<vmem>>, vector<1x16xf32>,
      %swap3A_109 = vector.shape_cast %swap3A_108 : vector<1x16xf32> to vector<16xf32>
      %swap3A_110 = vector.shape_cast %broadcast_in_dim3A_105 : vector<16xf32> to vector<1x16xf32>
      tpu.vector_store %arg6[%swap3A_106, %swap3A_107], %swap3A_110 {strides = array<i32>} : memref<128x128xf32, #tpu.memory_space<vmem>>, vector<1x16xf32>,
    }
    %scan3A_28 = arith.constant 128 : i32
    %barrier3A = arith.constant 0 : index
    tpu.barrier barrier_id(%barrier3A)
    %scan3A_29 = arith.constant 0 : i32
    %scan3A_30 = arith.constant 0 : i32
    %scan3A_31 = arith.constant 80 : i32
    %scan3A_32 = arith.addi %scan3A_30, %scan3A_31 : i32
    %scan3A_33 = arith.constant 1 : i32
    scf.for %scan3A_56 = %scan3A_30 to %scan3A_32 step %scan3A_33  : i32 {
      "tpu.region"() ({
        %run_scoped3A = tpu.sem_alloc : memref<!tpu.dma_semaphore, #tpu.memory_space<semaphore_mem>>
        %dma_start3A = arith.constant 0 : i32
        %dma_start3A_57 = tpu.memref_slice %arg5[%scan3A_56, %dma_start3A] : memref<80x128xi32, #tpu.memory_space<vmem>> -> memref<1x128xi32, #tpu.memory_space<vmem>>
        %dma_start3A_58 = tpu.memref_squeeze %dma_start3A_57 : memref<1x128xi32, #tpu.memory_space<vmem>> -> memref<128xi32, #tpu.memory_space<vmem>>
        %dma_start3A_59 = arith.constant 0 : i32
        %dma_start3A_60 = arith.constant 0 : i32
        %dma_start3A_61 = tpu.memref_slice %arg4[%dma_start3A_59, %dma_start3A_60] : memref<10240x128xf32, #tpu.memory_space<vmem_shared>> -> memref<10240x128xf32, #tpu.memory_space<vmem_shared>>
        tpu.enqueue_indirect_dma source(%arg6 : memref<128x128xf32, #tpu.memory_space<vmem>>) target(%dma_start3A_61 : memref<10240x128xf32, #tpu.memory_space<vmem_shared>>) offsets(%dma_start3A_58 : memref<128xi32, #tpu.memory_space<vmem>>) semaphore(%run_scoped3A : memref<!tpu.dma_semaphore, #tpu.memory_space<semaphore_mem>>) {add = true}
        %dma_wait3A = arith.constant 0 : i32
        %dma_wait3A_62 = tpu.memref_slice %arg5[%scan3A_56, %dma_wait3A] : memref<80x128xi32, #tpu.memory_space<vmem>> -> memref<1x128xi32, #tpu.memory_space<vmem>>
        %dma_wait3A_63 = tpu.memref_squeeze %dma_wait3A_62 : memref<1x128xi32, #tpu.memory_space<vmem>> -> memref<128xi32, #tpu.memory_space<vmem>>
        %dma_wait3A_64 = arith.constant 0 : i32
        %dma_wait3A_65 = arith.constant 0 : i32
        %dma_wait3A_66 = tpu.memref_slice %arg4[%dma_wait3A_64, %dma_wait3A_65] : memref<10240x128xf32, #tpu.memory_space<vmem_shared>> -> memref<10240x128xf32, #tpu.memory_space<vmem_shared>>
        tpu.wait_indirect_dma semaphore(%run_scoped3A : memref<!tpu.dma_semaphore, #tpu.memory_space<semaphore_mem>>) src(%arg6 : memref<128x128xf32, #tpu.memory_space<vmem>>) dst(%dma_wait3A_66 : memref<10240x128xf32, #tpu.memory_space<vmem_shared>>)
        tpu.yield
      }) : () -> ()
    }
    %scan3A_34 = arith.constant 80 : i32
    %barrier3A_35 = arith.constant 0 : index
    tpu.barrier barrier_id(%barrier3A_35)
    %mul3A_36 = arith.constant 640 : i32
    %mul3A_37 = arith.muli %arg1, %mul3A_36 : i32
    %add3A_38 = arith.constant 0 : i32
    %add3A_39 = arith.addi %mul3A_37, %add3A_38 : i32
    "tpu.region"() ({
      %run_scoped3A = tpu.sem_alloc : memref<!tpu.dma_semaphore, #tpu.memory_space<semaphore_mem>>
      %dma_start3A = arith.constant 0 : i32
      %dma_start3A_56 = tpu.memref_slice %arg3[%arg0, %add3A_39, %dma_start3A] : memref<2x10240x128xf32, #tpu.memory_space<hbm>> -> memref<1x128x128xf32, #tpu.memory_space<hbm>>
      %dma_start3A_57 = tpu.memref_squeeze %dma_start3A_56 : memref<1x128x128xf32, #tpu.memory_space<hbm>> -> memref<128x128xf32, #tpu.memory_space<hbm>>
      %dma_start3A_58 = arith.constant 0 : i32
      %dma_start3A_59 = tpu.memref_slice %arg4[%add3A_39, %dma_start3A_58] : memref<10240x128xf32, #tpu.memory_space<vmem_shared>> -> memref<128x128xf32, #tpu.memory_space<vmem_shared>>
      tpu.enqueue_dma source(%dma_start3A_59 : memref<128x128xf32, #tpu.memory_space<vmem_shared>>) target(%dma_start3A_57 : memref<128x128xf32, #tpu.memory_space<hbm>>) target_semaphore(%run_scoped3A : memref<!tpu.dma_semaphore, #tpu.memory_space<semaphore_mem>>)
      %dma_wait3A = arith.constant 0 : i32
      %dma_wait3A_60 = tpu.memref_slice %arg3[%arg0, %add3A_39, %dma_wait3A] : memref<2x10240x128xf32, #tpu.memory_space<hbm>> -> memref<1x128x128xf32, #tpu.memory_space<hbm>>
      %dma_wait3A_61 = tpu.memref_squeeze %dma_wait3A_60 : memref<1x128x128xf32, #tpu.memory_space<hbm>> -> memref<128x128xf32, #tpu.memory_space<hbm>>
      %dma_wait3A_62 = arith.constant 0 : i32
      %dma_wait3A_63 = tpu.memref_slice %arg4[%add3A_39, %dma_wait3A_62] : memref<10240x128xf32, #tpu.memory_space<vmem_shared>> -> memref<128x128xf32, #tpu.memory_space<vmem_shared>>
      tpu.wait_dma2 semaphore(%run_scoped3A : memref<!tpu.dma_semaphore, #tpu.memory_space<semaphore_mem>>) src(%dma_wait3A_63 : memref<128x128xf32, #tpu.memory_space<vmem_shared>>) dst(%dma_wait3A_61 : memref<128x128xf32, #tpu.memory_space<hbm>>)
      tpu.yield
    }) : () -> ()
    %mul3A_40 = arith.constant 640 : i32
    %mul3A_41 = arith.muli %arg1, %mul3A_40 : i32
    %add3A_42 = arith.constant 128 : i32
    %add3A_43 = arith.addi %mul3A_41, %add3A_42 : i32
    "tpu.region"() ({
      %run_scoped3A = tpu.sem_alloc : memref<!tpu.dma_semaphore, #tpu.memory_space<semaphore_mem>>
      %dma_start3A = arith.constant 0 : i32
      %dma_start3A_56 = tpu.memref_slice %arg3[%arg0, %add3A_43, %dma_start3A] : memref<2x10240x128xf32, #tpu.memory_space<hbm>> -> memref<1x128x128xf32, #tpu.memory_space<hbm>>
      %dma_start3A_57 = tpu.memref_squeeze %dma_start3A_56 : memref<1x128x128xf32, #tpu.memory_space<hbm>> -> memref<128x128xf32, #tpu.memory_space<hbm>>
      %dma_start3A_58 = arith.constant 0 : i32
      %dma_start3A_59 = tpu.memref_slice %arg4[%add3A_43, %dma_start3A_58] : memref<10240x128xf32, #tpu.memory_space<vmem_shared>> -> memref<128x128xf32, #tpu.memory_space<vmem_shared>>
      tpu.enqueue_dma source(%dma_start3A_59 : memref<128x128xf32, #tpu.memory_space<vmem_shared>>) target(%dma_start3A_57 : memref<128x128xf32, #tpu.memory_space<hbm>>) target_semaphore(%run_scoped3A : memref<!tpu.dma_semaphore, #tpu.memory_space<semaphore_mem>>)
      %dma_wait3A = arith.constant 0 : i32
      %dma_wait3A_60 = tpu.memref_slice %arg3[%arg0, %add3A_43, %dma_wait3A] : memref<2x10240x128xf32, #tpu.memory_space<hbm>> -> memref<1x128x128xf32, #tpu.memory_space<hbm>>
      %dma_wait3A_61 = tpu.memref_squeeze %dma_wait3A_60 : memref<1x128x128xf32, #tpu.memory_space<hbm>> -> memref<128x128xf32, #tpu.memory_space<hbm>>
      %dma_wait3A_62 = arith.constant 0 : i32
      %dma_wait3A_63 = tpu.memref_slice %arg4[%add3A_43, %dma_wait3A_62] : memref<10240x128xf32, #tpu.memory_space<vmem_shared>> -> memref<128x128xf32, #tpu.memory_space<vmem_shared>>
      tpu.wait_dma2 semaphore(%run_scoped3A : memref<!tpu.dma_semaphore, #tpu.memory_space<semaphore_mem>>) src(%dma_wait3A_63 : memref<128x128xf32, #tpu.memory_space<vmem_shared>>) dst(%dma_wait3A_61 : memref<128x128xf32, #tpu.memory_space<hbm>>)
      tpu.yield
    }) : () -> ()
    %mul3A_44 = arith.constant 640 : i32
    %mul3A_45 = arith.muli %arg1, %mul3A_44 : i32
    %add3A_46 = arith.constant 256 : i32
    %add3A_47 = arith.addi %mul3A_45, %add3A_46 : i32
    "tpu.region"() ({
      %run_scoped3A = tpu.sem_alloc : memref<!tpu.dma_semaphore, #tpu.memory_space<semaphore_mem>>
      %dma_start3A = arith.constant 0 : i32
      %dma_start3A_56 = tpu.memref_slice %arg3[%arg0, %add3A_47, %dma_start3A] : memref<2x10240x128xf32, #tpu.memory_space<hbm>> -> memref<1x128x128xf32, #tpu.memory_space<hbm>>
      %dma_start3A_57 = tpu.memref_squeeze %dma_start3A_56 : memref<1x128x128xf32, #tpu.memory_space<hbm>> -> memref<128x128xf32, #tpu.memory_space<hbm>>
      %dma_start3A_58 = arith.constant 0 : i32
      %dma_start3A_59 = tpu.memref_slice %arg4[%add3A_47, %dma_start3A_58] : memref<10240x128xf32, #tpu.memory_space<vmem_shared>> -> memref<128x128xf32, #tpu.memory_space<vmem_shared>>
      tpu.enqueue_dma source(%dma_start3A_59 : memref<128x128xf32, #tpu.memory_space<vmem_shared>>) target(%dma_start3A_57 : memref<128x128xf32, #tpu.memory_space<hbm>>) target_semaphore(%run_scoped3A : memref<!tpu.dma_semaphore, #tpu.memory_space<semaphore_mem>>)
      %dma_wait3A = arith.constant 0 : i32
      %dma_wait3A_60 = tpu.memref_slice %arg3[%arg0, %add3A_47, %dma_wait3A] : memref<2x10240x128xf32, #tpu.memory_space<hbm>> -> memref<1x128x128xf32, #tpu.memory_space<hbm>>
      %dma_wait3A_61 = tpu.memref_squeeze %dma_wait3A_60 : memref<1x128x128xf32, #tpu.memory_space<hbm>> -> memref<128x128xf32, #tpu.memory_space<hbm>>
      %dma_wait3A_62 = arith.constant 0 : i32
      %dma_wait3A_63 = tpu.memref_slice %arg4[%add3A_47, %dma_wait3A_62] : memref<10240x128xf32, #tpu.memory_space<vmem_shared>> -> memref<128x128xf32, #tpu.memory_space<vmem_shared>>
      tpu.wait_dma2 semaphore(%run_scoped3A : memref<!tpu.dma_semaphore, #tpu.memory_space<semaphore_mem>>) src(%dma_wait3A_63 : memref<128x128xf32, #tpu.memory_space<vmem_shared>>) dst(%dma_wait3A_61 : memref<128x128xf32, #tpu.memory_space<hbm>>)
      tpu.yield
    }) : () -> ()
    %mul3A_48 = arith.constant 640 : i32
    %mul3A_49 = arith.muli %arg1, %mul3A_48 : i32
    %add3A_50 = arith.constant 384 : i32
    %add3A_51 = arith.addi %mul3A_49, %add3A_50 : i32
    "tpu.region"() ({
      %run_scoped3A = tpu.sem_alloc : memref<!tpu.dma_semaphore, #tpu.memory_space<semaphore_mem>>
      %dma_start3A = arith.constant 0 : i32
      %dma_start3A_56 = tpu.memref_slice %arg3[%arg0, %add3A_51, %dma_start3A] : memref<2x10240x128xf32, #tpu.memory_space<hbm>> -> memref<1x128x128xf32, #tpu.memory_space<hbm>>
      %dma_start3A_57 = tpu.memref_squeeze %dma_start3A_56 : memref<1x128x128xf32, #tpu.memory_space<hbm>> -> memref<128x128xf32, #tpu.memory_space<hbm>>
      %dma_start3A_58 = arith.constant 0 : i32
      %dma_start3A_59 = tpu.memref_slice %arg4[%add3A_51, %dma_start3A_58] : memref<10240x128xf32, #tpu.memory_space<vmem_shared>> -> memref<128x128xf32, #tpu.memory_space<vmem_shared>>
      tpu.enqueue_dma source(%dma_start3A_59 : memref<128x128xf32, #tpu.memory_space<vmem_shared>>) target(%dma_start3A_57 : memref<128x128xf32, #tpu.memory_space<hbm>>) target_semaphore(%run_scoped3A : memref<!tpu.dma_semaphore, #tpu.memory_space<semaphore_mem>>)
      %dma_wait3A = arith.constant 0 : i32
      %dma_wait3A_60 = tpu.memref_slice %arg3[%arg0, %add3A_51, %dma_wait3A] : memref<2x10240x128xf32, #tpu.memory_space<hbm>> -> memref<1x128x128xf32, #tpu.memory_space<hbm>>
      %dma_wait3A_61 = tpu.memref_squeeze %dma_wait3A_60 : memref<1x128x128xf32, #tpu.memory_space<hbm>> -> memref<128x128xf32, #tpu.memory_space<hbm>>
      %dma_wait3A_62 = arith.constant 0 : i32
      %dma_wait3A_63 = tpu.memref_slice %arg4[%add3A_51, %dma_wait3A_62] : memref<10240x128xf32, #tpu.memory_space<vmem_shared>> -> memref<128x128xf32, #tpu.memory_space<vmem_shared>>
      tpu.wait_dma2 semaphore(%run_scoped3A : memref<!tpu.dma_semaphore, #tpu.memory_space<semaphore_mem>>) src(%dma_wait3A_63 : memref<128x128xf32, #tpu.memory_space<vmem_shared>>) dst(%dma_wait3A_61 : memref<128x128xf32, #tpu.memory_space<hbm>>)
      tpu.yield
    }) : () -> ()
    %mul3A_52 = arith.constant 640 : i32
    %mul3A_53 = arith.muli %arg1, %mul3A_52 : i32
    %add3A_54 = arith.constant 512 : i32
    %add3A_55 = arith.addi %mul3A_53, %add3A_54 : i32
    "tpu.region"() ({
      %run_scoped3A = tpu.sem_alloc : memref<!tpu.dma_semaphore, #tpu.memory_space<semaphore_mem>>
      %dma_start3A = arith.constant 0 : i32
      %dma_start3A_56 = tpu.memref_slice %arg3[%arg0, %add3A_55, %dma_start3A] : memref<2x10240x128xf32, #tpu.memory_space<hbm>> -> memref<1x128x128xf32, #tpu.memory_space<hbm>>
      %dma_start3A_57 = tpu.memref_squeeze %dma_start3A_56 : memref<1x128x128xf32, #tpu.memory_space<hbm>> -> memref<128x128xf32, #tpu.memory_space<hbm>>
      %dma_start3A_58 = arith.constant 0 : i32
      %dma_start3A_59 = tpu.memref_slice %arg4[%add3A_55, %dma_start3A_58] : memref<10240x128xf32, #tpu.memory_space<vmem_shared>> -> memref<128x128xf32, #tpu.memory_space<vmem_shared>>
      tpu.enqueue_dma source(%dma_start3A_59 : memref<128x128xf32, #tpu.memory_space<vmem_shared>>) target(%dma_start3A_57 : memref<128x128xf32, #tpu.memory_space<hbm>>) target_semaphore(%run_scoped3A : memref<!tpu.dma_semaphore, #tpu.memory_space<semaphore_mem>>)
      %dma_wait3A = arith.constant 0 : i32
      %dma_wait3A_60 = tpu.memref_slice %arg3[%arg0, %add3A_55, %dma_wait3A] : memref<2x10240x128xf32, #tpu.memory_space<hbm>> -> memref<1x128x128xf32, #tpu.memory_space<hbm>>
      %dma_wait3A_61 = tpu.memref_squeeze %dma_wait3A_60 : memref<1x128x128xf32, #tpu.memory_space<hbm>> -> memref<128x128xf32, #tpu.memory_space<hbm>>
      %dma_wait3A_62 = arith.constant 0 : i32
      %dma_wait3A_63 = tpu.memref_slice %arg4[%add3A_55, %dma_wait3A_62] : memref<10240x128xf32, #tpu.memory_space<vmem_shared>> -> memref<128x128xf32, #tpu.memory_space<vmem_shared>>
      tpu.wait_dma2 semaphore(%run_scoped3A : memref<!tpu.dma_semaphore, #tpu.memory_space<semaphore_mem>>) src(%dma_wait3A_63 : memref<128x128xf32, #tpu.memory_space<vmem_shared>>) dst(%dma_wait3A_61 : memref<128x128xf32, #tpu.memory_space<hbm>>)
      tpu.yield
    }) : () -> ()
    return
  }
}

#map = affine_map<(d0, d1) -> (0, 0)>
#map1 = affine_map<(d0, d1) -> (0, 0, 0, 0)>
#map2 = affine_map<(d0, d1) -> (0, 0, 0)>
module attributes {stable_mosaic.version = 14 : i64} {
  func.func @seg(%arg0: i32, %arg1: i32, %arg2: memref<40000x128xf32, #tpu.memory_space<hbm>>, %arg3: memref<4x16x80x128xi32, #tpu.memory_space<hbm>>, %arg4: memref<16x80x128xi32, #tpu.memory_space<hbm>>, %arg5: memref<40960x128xf32, #tpu.memory_space<hbm>>, %arg6: memref<10240x128xf32, #tpu.memory_space<vmem_shared>>, %arg7: memref<80x128xi32, #tpu.memory_space<vmem>>, %arg8: memref<80x128xi32, #tpu.memory_space<vmem>>, %arg9: memref<128x128xf32, #tpu.memory_space<vmem>>) attributes {dimension_semantics = [#tpu.dimension_semantics<core_parallel>, #tpu.dimension_semantics<subcore_parallel>], iteration_bounds = array<i64: 2, 16>, scalar_prefetch = 0 : i64, scratch_operands = 4 : i64, tpu.core_type = #tpu.core_type<sc_vector_subcore>, window_params = [{transform_indices = #map}, {transform_indices = #map1}, {transform_indices = #map2}, {transform_indices = #map}]} {
    "tpu.region"() ({
      %run_scoped3A = tpu.sem_alloc : memref<!tpu.dma_semaphore, #tpu.memory_space<semaphore_mem>>
      %dma_start3A = arith.constant 0 : i32
      %dma_start3A_143 = arith.constant 0 : i32
      %dma_start3A_144 = tpu.memref_slice %arg4[%arg1, %dma_start3A, %dma_start3A_143] : memref<16x80x128xi32, #tpu.memory_space<hbm>> -> memref<1x80x128xi32, #tpu.memory_space<hbm>>
      %dma_start3A_145 = tpu.memref_squeeze %dma_start3A_144 : memref<1x80x128xi32, #tpu.memory_space<hbm>> -> memref<80x128xi32, #tpu.memory_space<hbm>>
      %dma_start3A_146 = arith.constant 0 : i32
      %dma_start3A_147 = arith.constant 0 : i32
      %dma_start3A_148 = tpu.memref_slice %arg4[%arg1, %dma_start3A_146, %dma_start3A_147] : memref<16x80x128xi32, #tpu.memory_space<hbm>> -> memref<1x80x128xi32, #tpu.memory_space<hbm>>
      %dma_start3A_149 = tpu.memref_squeeze %dma_start3A_148 : memref<1x80x128xi32, #tpu.memory_space<hbm>> -> memref<80x128xi32, #tpu.memory_space<hbm>>
      tpu.enqueue_dma source(%dma_start3A_149 : memref<80x128xi32, #tpu.memory_space<hbm>>) target(%arg8 : memref<80x128xi32, #tpu.memory_space<vmem>>) target_semaphore(%run_scoped3A : memref<!tpu.dma_semaphore, #tpu.memory_space<semaphore_mem>>)
      %dma_wait3A = arith.constant 0 : i32
      %dma_wait3A_150 = arith.constant 0 : i32
      %dma_wait3A_151 = tpu.memref_slice %arg4[%arg1, %dma_wait3A, %dma_wait3A_150] : memref<16x80x128xi32, #tpu.memory_space<hbm>> -> memref<1x80x128xi32, #tpu.memory_space<hbm>>
      %dma_wait3A_152 = tpu.memref_squeeze %dma_wait3A_151 : memref<1x80x128xi32, #tpu.memory_space<hbm>> -> memref<80x128xi32, #tpu.memory_space<hbm>>
      %dma_wait3A_153 = arith.constant 0 : i32
      %dma_wait3A_154 = arith.constant 0 : i32
      %dma_wait3A_155 = tpu.memref_slice %arg4[%arg1, %dma_wait3A_153, %dma_wait3A_154] : memref<16x80x128xi32, #tpu.memory_space<hbm>> -> memref<1x80x128xi32, #tpu.memory_space<hbm>>
      %dma_wait3A_156 = tpu.memref_squeeze %dma_wait3A_155 : memref<1x80x128xi32, #tpu.memory_space<hbm>> -> memref<80x128xi32, #tpu.memory_space<hbm>>
      tpu.wait_dma2 semaphore(%run_scoped3A : memref<!tpu.dma_semaphore, #tpu.memory_space<semaphore_mem>>) src(%dma_wait3A_156 : memref<80x128xi32, #tpu.memory_space<hbm>>) dst(%arg8 : memref<80x128xi32, #tpu.memory_space<vmem>>)
      tpu.yield
    }) : () -> ()
    %mul3A = arith.constant 2 : i32
    %mul3A_0 = arith.muli %arg0, %mul3A : i32
    %add3A = arith.constant 0 : i32
    %add3A_1 = arith.addi %mul3A_0, %add3A : i32
    %scan3A = arith.constant 0 : i32
    %scan3A_2 = arith.constant 0 : i32
    %scan3A_3 = arith.constant 128 : i32
    %scan3A_4 = arith.addi %scan3A_2, %scan3A_3 : i32
    %scan3A_5 = arith.constant 1 : i32
    scf.for %scan3A_143 = %scan3A_2 to %scan3A_4 step %scan3A_5  : i32 {
      %broadcast_in_dim3A = arith.constant 0.000000e+00 : f32
      %broadcast_in_dim3A_144 = vector.broadcast %broadcast_in_dim3A : f32 to vector<16xf32>
      %swap3A = arith.index_cast %scan3A_143 : i32 to index
      %swap3A_145 = arith.constant 0 : index
      %swap3A_146 = tpu.vector_load %arg9[%swap3A, %swap3A_145] {strides = array<i32>} : memref<128x128xf32, #tpu.memory_space<vmem>>, vector<1x16xf32>,
      %swap3A_147 = vector.shape_cast %swap3A_146 : vector<1x16xf32> to vector<16xf32>
      %swap3A_148 = vector.shape_cast %broadcast_in_dim3A_144 : vector<16xf32> to vector<1x16xf32>
      tpu.vector_store %arg9[%swap3A, %swap3A_145], %swap3A_148 {strides = array<i32>} : memref<128x128xf32, #tpu.memory_space<vmem>>, vector<1x16xf32>,
      %broadcast_in_dim3A_149 = arith.constant 0.000000e+00 : f32
      %broadcast_in_dim3A_150 = vector.broadcast %broadcast_in_dim3A_149 : f32 to vector<16xf32>
      %swap3A_151 = arith.index_cast %scan3A_143 : i32 to index
      %swap3A_152 = arith.constant 16 : index
      %swap3A_153 = tpu.vector_load %arg9[%swap3A_151, %swap3A_152] {strides = array<i32>} : memref<128x128xf32, #tpu.memory_space<vmem>>, vector<1x16xf32>,
      %swap3A_154 = vector.shape_cast %swap3A_153 : vector<1x16xf32> to vector<16xf32>
      %swap3A_155 = vector.shape_cast %broadcast_in_dim3A_150 : vector<16xf32> to vector<1x16xf32>
      tpu.vector_store %arg9[%swap3A_151, %swap3A_152], %swap3A_155 {strides = array<i32>} : memref<128x128xf32, #tpu.memory_space<vmem>>, vector<1x16xf32>,
      %broadcast_in_dim3A_156 = arith.constant 0.000000e+00 : f32
      %broadcast_in_dim3A_157 = vector.broadcast %broadcast_in_dim3A_156 : f32 to vector<16xf32>
      %swap3A_158 = arith.index_cast %scan3A_143 : i32 to index
      %swap3A_159 = arith.constant 32 : index
      %swap3A_160 = tpu.vector_load %arg9[%swap3A_158, %swap3A_159] {strides = array<i32>} : memref<128x128xf32, #tpu.memory_space<vmem>>, vector<1x16xf32>,
      %swap3A_161 = vector.shape_cast %swap3A_160 : vector<1x16xf32> to vector<16xf32>
      %swap3A_162 = vector.shape_cast %broadcast_in_dim3A_157 : vector<16xf32> to vector<1x16xf32>
      tpu.vector_store %arg9[%swap3A_158, %swap3A_159], %swap3A_162 {strides = array<i32>} : memref<128x128xf32, #tpu.memory_space<vmem>>, vector<1x16xf32>,
      %broadcast_in_dim3A_163 = arith.constant 0.000000e+00 : f32
      %broadcast_in_dim3A_164 = vector.broadcast %broadcast_in_dim3A_163 : f32 to vector<16xf32>
      %swap3A_165 = arith.index_cast %scan3A_143 : i32 to index
      %swap3A_166 = arith.constant 48 : index
      %swap3A_167 = tpu.vector_load %arg9[%swap3A_165, %swap3A_166] {strides = array<i32>} : memref<128x128xf32, #tpu.memory_space<vmem>>, vector<1x16xf32>,
      %swap3A_168 = vector.shape_cast %swap3A_167 : vector<1x16xf32> to vector<16xf32>
      %swap3A_169 = vector.shape_cast %broadcast_in_dim3A_164 : vector<16xf32> to vector<1x16xf32>
      tpu.vector_store %arg9[%swap3A_165, %swap3A_166], %swap3A_169 {strides = array<i32>} : memref<128x128xf32, #tpu.memory_space<vmem>>, vector<1x16xf32>,
      %broadcast_in_dim3A_170 = arith.constant 0.000000e+00 : f32
      %broadcast_in_dim3A_171 = vector.broadcast %broadcast_in_dim3A_170 : f32 to vector<16xf32>
      %swap3A_172 = arith.index_cast %scan3A_143 : i32 to index
      %swap3A_173 = arith.constant 64 : index
      %swap3A_174 = tpu.vector_load %arg9[%swap3A_172, %swap3A_173] {strides = array<i32>} : memref<128x128xf32, #tpu.memory_space<vmem>>, vector<1x16xf32>,
      %swap3A_175 = vector.shape_cast %swap3A_174 : vector<1x16xf32> to vector<16xf32>
      %swap3A_176 = vector.shape_cast %broadcast_in_dim3A_171 : vector<16xf32> to vector<1x16xf32>
      tpu.vector_store %arg9[%swap3A_172, %swap3A_173], %swap3A_176 {strides = array<i32>} : memref<128x128xf32, #tpu.memory_space<vmem>>, vector<1x16xf32>,
      %broadcast_in_dim3A_177 = arith.constant 0.000000e+00 : f32
      %broadcast_in_dim3A_178 = vector.broadcast %broadcast_in_dim3A_177 : f32 to vector<16xf32>
      %swap3A_179 = arith.index_cast %scan3A_143 : i32 to index
      %swap3A_180 = arith.constant 80 : index
      %swap3A_181 = tpu.vector_load %arg9[%swap3A_179, %swap3A_180] {strides = array<i32>} : memref<128x128xf32, #tpu.memory_space<vmem>>, vector<1x16xf32>,
      %swap3A_182 = vector.shape_cast %swap3A_181 : vector<1x16xf32> to vector<16xf32>
      %swap3A_183 = vector.shape_cast %broadcast_in_dim3A_178 : vector<16xf32> to vector<1x16xf32>
      tpu.vector_store %arg9[%swap3A_179, %swap3A_180], %swap3A_183 {strides = array<i32>} : memref<128x128xf32, #tpu.memory_space<vmem>>, vector<1x16xf32>,
      %broadcast_in_dim3A_184 = arith.constant 0.000000e+00 : f32
      %broadcast_in_dim3A_185 = vector.broadcast %broadcast_in_dim3A_184 : f32 to vector<16xf32>
      %swap3A_186 = arith.index_cast %scan3A_143 : i32 to index
      %swap3A_187 = arith.constant 96 : index
      %swap3A_188 = tpu.vector_load %arg9[%swap3A_186, %swap3A_187] {strides = array<i32>} : memref<128x128xf32, #tpu.memory_space<vmem>>, vector<1x16xf32>,
      %swap3A_189 = vector.shape_cast %swap3A_188 : vector<1x16xf32> to vector<16xf32>
      %swap3A_190 = vector.shape_cast %broadcast_in_dim3A_185 : vector<16xf32> to vector<1x16xf32>
      tpu.vector_store %arg9[%swap3A_186, %swap3A_187], %swap3A_190 {strides = array<i32>} : memref<128x128xf32, #tpu.memory_space<vmem>>, vector<1x16xf32>,
      %broadcast_in_dim3A_191 = arith.constant 0.000000e+00 : f32
      %broadcast_in_dim3A_192 = vector.broadcast %broadcast_in_dim3A_191 : f32 to vector<16xf32>
      %swap3A_193 = arith.index_cast %scan3A_143 : i32 to index
      %swap3A_194 = arith.constant 112 : index
      %swap3A_195 = tpu.vector_load %arg9[%swap3A_193, %swap3A_194] {strides = array<i32>} : memref<128x128xf32, #tpu.memory_space<vmem>>, vector<1x16xf32>,
      %swap3A_196 = vector.shape_cast %swap3A_195 : vector<1x16xf32> to vector<16xf32>
      %swap3A_197 = vector.shape_cast %broadcast_in_dim3A_192 : vector<16xf32> to vector<1x16xf32>
      tpu.vector_store %arg9[%swap3A_193, %swap3A_194], %swap3A_197 {strides = array<i32>} : memref<128x128xf32, #tpu.memory_space<vmem>>, vector<1x16xf32>,
    }
    %scan3A_6 = arith.constant 128 : i32
    %mul3A_7 = arith.constant 640 : i32
    %mul3A_8 = arith.muli %arg1, %mul3A_7 : i32
    %add3A_9 = arith.constant 0 : i32
    %add3A_10 = arith.addi %mul3A_8, %add3A_9 : i32
    "tpu.region"() ({
      %run_scoped3A = tpu.sem_alloc : memref<!tpu.dma_semaphore, #tpu.memory_space<semaphore_mem>>
      %dma_start3A = arith.constant 0 : i32
      %dma_start3A_143 = tpu.memref_slice %arg6[%add3A_10, %dma_start3A] : memref<10240x128xf32, #tpu.memory_space<vmem_shared>> -> memref<128x128xf32, #tpu.memory_space<vmem_shared>>
      %dma_start3A_144 = arith.constant 0 : i32
      %dma_start3A_145 = tpu.memref_slice %arg6[%add3A_10, %dma_start3A_144] : memref<10240x128xf32, #tpu.memory_space<vmem_shared>> -> memref<128x128xf32, #tpu.memory_space<vmem_shared>>
      tpu.enqueue_dma source(%arg9 : memref<128x128xf32, #tpu.memory_space<vmem>>) target(%dma_start3A_145 : memref<128x128xf32, #tpu.memory_space<vmem_shared>>) target_semaphore(%run_scoped3A : memref<!tpu.dma_semaphore, #tpu.memory_space<semaphore_mem>>)
      %dma_wait3A = arith.constant 0 : i32
      %dma_wait3A_146 = tpu.memref_slice %arg6[%add3A_10, %dma_wait3A] : memref<10240x128xf32, #tpu.memory_space<vmem_shared>> -> memref<128x128xf32, #tpu.memory_space<vmem_shared>>
      %dma_wait3A_147 = arith.constant 0 : i32
      %dma_wait3A_148 = tpu.memref_slice %arg6[%add3A_10, %dma_wait3A_147] : memref<10240x128xf32, #tpu.memory_space<vmem_shared>> -> memref<128x128xf32, #tpu.memory_space<vmem_shared>>
      tpu.wait_dma2 semaphore(%run_scoped3A : memref<!tpu.dma_semaphore, #tpu.memory_space<semaphore_mem>>) src(%arg9 : memref<128x128xf32, #tpu.memory_space<vmem>>) dst(%dma_wait3A_148 : memref<128x128xf32, #tpu.memory_space<vmem_shared>>)
      tpu.yield
    }) : () -> ()
    %mul3A_11 = arith.constant 640 : i32
    %mul3A_12 = arith.muli %arg1, %mul3A_11 : i32
    %add3A_13 = arith.constant 128 : i32
    %add3A_14 = arith.addi %mul3A_12, %add3A_13 : i32
    "tpu.region"() ({
      %run_scoped3A = tpu.sem_alloc : memref<!tpu.dma_semaphore, #tpu.memory_space<semaphore_mem>>
      %dma_start3A = arith.constant 0 : i32
      %dma_start3A_143 = tpu.memref_slice %arg6[%add3A_14, %dma_start3A] : memref<10240x128xf32, #tpu.memory_space<vmem_shared>> -> memref<128x128xf32, #tpu.memory_space<vmem_shared>>
      %dma_start3A_144 = arith.constant 0 : i32
      %dma_start3A_145 = tpu.memref_slice %arg6[%add3A_14, %dma_start3A_144] : memref<10240x128xf32, #tpu.memory_space<vmem_shared>> -> memref<128x128xf32, #tpu.memory_space<vmem_shared>>
      tpu.enqueue_dma source(%arg9 : memref<128x128xf32, #tpu.memory_space<vmem>>) target(%dma_start3A_145 : memref<128x128xf32, #tpu.memory_space<vmem_shared>>) target_semaphore(%run_scoped3A : memref<!tpu.dma_semaphore, #tpu.memory_space<semaphore_mem>>)
      %dma_wait3A = arith.constant 0 : i32
      %dma_wait3A_146 = tpu.memref_slice %arg6[%add3A_14, %dma_wait3A] : memref<10240x128xf32, #tpu.memory_space<vmem_shared>> -> memref<128x128xf32, #tpu.memory_space<vmem_shared>>
      %dma_wait3A_147 = arith.constant 0 : i32
      %dma_wait3A_148 = tpu.memref_slice %arg6[%add3A_14, %dma_wait3A_147] : memref<10240x128xf32, #tpu.memory_space<vmem_shared>> -> memref<128x128xf32, #tpu.memory_space<vmem_shared>>
      tpu.wait_dma2 semaphore(%run_scoped3A : memref<!tpu.dma_semaphore, #tpu.memory_space<semaphore_mem>>) src(%arg9 : memref<128x128xf32, #tpu.memory_space<vmem>>) dst(%dma_wait3A_148 : memref<128x128xf32, #tpu.memory_space<vmem_shared>>)
      tpu.yield
    }) : () -> ()
    %mul3A_15 = arith.constant 640 : i32
    %mul3A_16 = arith.muli %arg1, %mul3A_15 : i32
    %add3A_17 = arith.constant 256 : i32
    %add3A_18 = arith.addi %mul3A_16, %add3A_17 : i32
    "tpu.region"() ({
      %run_scoped3A = tpu.sem_alloc : memref<!tpu.dma_semaphore, #tpu.memory_space<semaphore_mem>>
      %dma_start3A = arith.constant 0 : i32
      %dma_start3A_143 = tpu.memref_slice %arg6[%add3A_18, %dma_start3A] : memref<10240x128xf32, #tpu.memory_space<vmem_shared>> -> memref<128x128xf32, #tpu.memory_space<vmem_shared>>
      %dma_start3A_144 = arith.constant 0 : i32
      %dma_start3A_145 = tpu.memref_slice %arg6[%add3A_18, %dma_start3A_144] : memref<10240x128xf32, #tpu.memory_space<vmem_shared>> -> memref<128x128xf32, #tpu.memory_space<vmem_shared>>
      tpu.enqueue_dma source(%arg9 : memref<128x128xf32, #tpu.memory_space<vmem>>) target(%dma_start3A_145 : memref<128x128xf32, #tpu.memory_space<vmem_shared>>) target_semaphore(%run_scoped3A : memref<!tpu.dma_semaphore, #tpu.memory_space<semaphore_mem>>)
      %dma_wait3A = arith.constant 0 : i32
      %dma_wait3A_146 = tpu.memref_slice %arg6[%add3A_18, %dma_wait3A] : memref<10240x128xf32, #tpu.memory_space<vmem_shared>> -> memref<128x128xf32, #tpu.memory_space<vmem_shared>>
      %dma_wait3A_147 = arith.constant 0 : i32
      %dma_wait3A_148 = tpu.memref_slice %arg6[%add3A_18, %dma_wait3A_147] : memref<10240x128xf32, #tpu.memory_space<vmem_shared>> -> memref<128x128xf32, #tpu.memory_space<vmem_shared>>
      tpu.wait_dma2 semaphore(%run_scoped3A : memref<!tpu.dma_semaphore, #tpu.memory_space<semaphore_mem>>) src(%arg9 : memref<128x128xf32, #tpu.memory_space<vmem>>) dst(%dma_wait3A_148 : memref<128x128xf32, #tpu.memory_space<vmem_shared>>)
      tpu.yield
    }) : () -> ()
    %mul3A_19 = arith.constant 640 : i32
    %mul3A_20 = arith.muli %arg1, %mul3A_19 : i32
    %add3A_21 = arith.constant 384 : i32
    %add3A_22 = arith.addi %mul3A_20, %add3A_21 : i32
    "tpu.region"() ({
      %run_scoped3A = tpu.sem_alloc : memref<!tpu.dma_semaphore, #tpu.memory_space<semaphore_mem>>
      %dma_start3A = arith.constant 0 : i32
      %dma_start3A_143 = tpu.memref_slice %arg6[%add3A_22, %dma_start3A] : memref<10240x128xf32, #tpu.memory_space<vmem_shared>> -> memref<128x128xf32, #tpu.memory_space<vmem_shared>>
      %dma_start3A_144 = arith.constant 0 : i32
      %dma_start3A_145 = tpu.memref_slice %arg6[%add3A_22, %dma_start3A_144] : memref<10240x128xf32, #tpu.memory_space<vmem_shared>> -> memref<128x128xf32, #tpu.memory_space<vmem_shared>>
      tpu.enqueue_dma source(%arg9 : memref<128x128xf32, #tpu.memory_space<vmem>>) target(%dma_start3A_145 : memref<128x128xf32, #tpu.memory_space<vmem_shared>>) target_semaphore(%run_scoped3A : memref<!tpu.dma_semaphore, #tpu.memory_space<semaphore_mem>>)
      %dma_wait3A = arith.constant 0 : i32
      %dma_wait3A_146 = tpu.memref_slice %arg6[%add3A_22, %dma_wait3A] : memref<10240x128xf32, #tpu.memory_space<vmem_shared>> -> memref<128x128xf32, #tpu.memory_space<vmem_shared>>
      %dma_wait3A_147 = arith.constant 0 : i32
      %dma_wait3A_148 = tpu.memref_slice %arg6[%add3A_22, %dma_wait3A_147] : memref<10240x128xf32, #tpu.memory_space<vmem_shared>> -> memref<128x128xf32, #tpu.memory_space<vmem_shared>>
      tpu.wait_dma2 semaphore(%run_scoped3A : memref<!tpu.dma_semaphore, #tpu.memory_space<semaphore_mem>>) src(%arg9 : memref<128x128xf32, #tpu.memory_space<vmem>>) dst(%dma_wait3A_148 : memref<128x128xf32, #tpu.memory_space<vmem_shared>>)
      tpu.yield
    }) : () -> ()
    %mul3A_23 = arith.constant 640 : i32
    %mul3A_24 = arith.muli %arg1, %mul3A_23 : i32
    %add3A_25 = arith.constant 512 : i32
    %add3A_26 = arith.addi %mul3A_24, %add3A_25 : i32
    "tpu.region"() ({
      %run_scoped3A = tpu.sem_alloc : memref<!tpu.dma_semaphore, #tpu.memory_space<semaphore_mem>>
      %dma_start3A = arith.constant 0 : i32
      %dma_start3A_143 = tpu.memref_slice %arg6[%add3A_26, %dma_start3A] : memref<10240x128xf32, #tpu.memory_space<vmem_shared>> -> memref<128x128xf32, #tpu.memory_space<vmem_shared>>
      %dma_start3A_144 = arith.constant 0 : i32
      %dma_start3A_145 = tpu.memref_slice %arg6[%add3A_26, %dma_start3A_144] : memref<10240x128xf32, #tpu.memory_space<vmem_shared>> -> memref<128x128xf32, #tpu.memory_space<vmem_shared>>
      tpu.enqueue_dma source(%arg9 : memref<128x128xf32, #tpu.memory_space<vmem>>) target(%dma_start3A_145 : memref<128x128xf32, #tpu.memory_space<vmem_shared>>) target_semaphore(%run_scoped3A : memref<!tpu.dma_semaphore, #tpu.memory_space<semaphore_mem>>)
      %dma_wait3A = arith.constant 0 : i32
      %dma_wait3A_146 = tpu.memref_slice %arg6[%add3A_26, %dma_wait3A] : memref<10240x128xf32, #tpu.memory_space<vmem_shared>> -> memref<128x128xf32, #tpu.memory_space<vmem_shared>>
      %dma_wait3A_147 = arith.constant 0 : i32
      %dma_wait3A_148 = tpu.memref_slice %arg6[%add3A_26, %dma_wait3A_147] : memref<10240x128xf32, #tpu.memory_space<vmem_shared>> -> memref<128x128xf32, #tpu.memory_space<vmem_shared>>
      tpu.wait_dma2 semaphore(%run_scoped3A : memref<!tpu.dma_semaphore, #tpu.memory_space<semaphore_mem>>) src(%arg9 : memref<128x128xf32, #tpu.memory_space<vmem>>) dst(%dma_wait3A_148 : memref<128x128xf32, #tpu.memory_space<vmem_shared>>)
      tpu.yield
    }) : () -> ()
    "tpu.region"() ({
      %run_scoped3A = tpu.sem_alloc : memref<!tpu.dma_semaphore, #tpu.memory_space<semaphore_mem>>
      %dma_start3A = arith.constant 0 : i32
      %dma_start3A_143 = arith.constant 0 : i32
      %dma_start3A_144 = tpu.memref_slice %arg3[%add3A_1, %arg1, %dma_start3A, %dma_start3A_143] : memref<4x16x80x128xi32, #tpu.memory_space<hbm>> -> memref<1x1x80x128xi32, #tpu.memory_space<hbm>>
      %dma_start3A_145 = tpu.memref_squeeze %dma_start3A_144 : memref<1x1x80x128xi32, #tpu.memory_space<hbm>> -> memref<80x128xi32, #tpu.memory_space<hbm>>
      %dma_start3A_146 = arith.constant 0 : i32
      %dma_start3A_147 = arith.constant 0 : i32
      %dma_start3A_148 = tpu.memref_slice %arg3[%add3A_1, %arg1, %dma_start3A_146, %dma_start3A_147] : memref<4x16x80x128xi32, #tpu.memory_space<hbm>> -> memref<1x1x80x128xi32, #tpu.memory_space<hbm>>
      %dma_start3A_149 = tpu.memref_squeeze %dma_start3A_148 : memref<1x1x80x128xi32, #tpu.memory_space<hbm>> -> memref<80x128xi32, #tpu.memory_space<hbm>>
      tpu.enqueue_dma source(%dma_start3A_149 : memref<80x128xi32, #tpu.memory_space<hbm>>) target(%arg7 : memref<80x128xi32, #tpu.memory_space<vmem>>) target_semaphore(%run_scoped3A : memref<!tpu.dma_semaphore, #tpu.memory_space<semaphore_mem>>)
      %dma_wait3A = arith.constant 0 : i32
      %dma_wait3A_150 = arith.constant 0 : i32
      %dma_wait3A_151 = tpu.memref_slice %arg3[%add3A_1, %arg1, %dma_wait3A, %dma_wait3A_150] : memref<4x16x80x128xi32, #tpu.memory_space<hbm>> -> memref<1x1x80x128xi32, #tpu.memory_space<hbm>>
      %dma_wait3A_152 = tpu.memref_squeeze %dma_wait3A_151 : memref<1x1x80x128xi32, #tpu.memory_space<hbm>> -> memref<80x128xi32, #tpu.memory_space<hbm>>
      %dma_wait3A_153 = arith.constant 0 : i32
      %dma_wait3A_154 = arith.constant 0 : i32
      %dma_wait3A_155 = tpu.memref_slice %arg3[%add3A_1, %arg1, %dma_wait3A_153, %dma_wait3A_154] : memref<4x16x80x128xi32, #tpu.memory_space<hbm>> -> memref<1x1x80x128xi32, #tpu.memory_space<hbm>>
      %dma_wait3A_156 = tpu.memref_squeeze %dma_wait3A_155 : memref<1x1x80x128xi32, #tpu.memory_space<hbm>> -> memref<80x128xi32, #tpu.memory_space<hbm>>
      tpu.wait_dma2 semaphore(%run_scoped3A : memref<!tpu.dma_semaphore, #tpu.memory_space<semaphore_mem>>) src(%dma_wait3A_156 : memref<80x128xi32, #tpu.memory_space<hbm>>) dst(%arg7 : memref<80x128xi32, #tpu.memory_space<vmem>>)
      tpu.yield
    }) : () -> ()
    %barrier3A = arith.constant 0 : index
    tpu.barrier barrier_id(%barrier3A)
    %scan3A_27 = arith.constant 0 : i32
    %scan3A_28 = arith.constant 0 : i32
    %scan3A_29 = arith.constant 80 : i32
    %scan3A_30 = arith.addi %scan3A_28, %scan3A_29 : i32
    %scan3A_31 = arith.constant 1 : i32
    scf.for %scan3A_143 = %scan3A_28 to %scan3A_30 step %scan3A_31  : i32 {
      "tpu.region"() ({
        %run_scoped3A = tpu.sem_alloc : memref<!tpu.dma_semaphore, #tpu.memory_space<semaphore_mem>>
        %dma_start3A = arith.constant 0 : i32
        %dma_start3A_144 = tpu.memref_slice %arg7[%scan3A_143, %dma_start3A] : memref<80x128xi32, #tpu.memory_space<vmem>> -> memref<1x128xi32, #tpu.memory_space<vmem>>
        %dma_start3A_145 = tpu.memref_squeeze %dma_start3A_144 : memref<1x128xi32, #tpu.memory_space<vmem>> -> memref<128xi32, #tpu.memory_space<vmem>>
        %dma_start3A_146 = arith.constant 0 : i32
        %dma_start3A_147 = arith.constant 0 : i32
        %dma_start3A_148 = tpu.memref_slice %arg2[%dma_start3A_146, %dma_start3A_147] : memref<40000x128xf32, #tpu.memory_space<hbm>> -> memref<40000x128xf32, #tpu.memory_space<hbm>>
        tpu.enqueue_indirect_dma source(%dma_start3A_148 : memref<40000x128xf32, #tpu.memory_space<hbm>>) target(%arg9 : memref<128x128xf32, #tpu.memory_space<vmem>>) offsets(%dma_start3A_145 : memref<128xi32, #tpu.memory_space<vmem>>) semaphore(%run_scoped3A : memref<!tpu.dma_semaphore, #tpu.memory_space<semaphore_mem>>)
        %dma_wait3A = arith.constant 0 : i32
        %dma_wait3A_149 = tpu.memref_slice %arg7[%scan3A_143, %dma_wait3A] : memref<80x128xi32, #tpu.memory_space<vmem>> -> memref<1x128xi32, #tpu.memory_space<vmem>>
        %dma_wait3A_150 = tpu.memref_squeeze %dma_wait3A_149 : memref<1x128xi32, #tpu.memory_space<vmem>> -> memref<128xi32, #tpu.memory_space<vmem>>
        %dma_wait3A_151 = arith.constant 0 : i32
        %dma_wait3A_152 = arith.constant 0 : i32
        %dma_wait3A_153 = tpu.memref_slice %arg2[%dma_wait3A_151, %dma_wait3A_152] : memref<40000x128xf32, #tpu.memory_space<hbm>> -> memref<40000x128xf32, #tpu.memory_space<hbm>>
        tpu.wait_indirect_dma semaphore(%run_scoped3A : memref<!tpu.dma_semaphore, #tpu.memory_space<semaphore_mem>>) src(%dma_wait3A_153 : memref<40000x128xf32, #tpu.memory_space<hbm>>) dst(%arg9 : memref<128x128xf32, #tpu.memory_space<vmem>>)
        tpu.yield
      }) : () -> ()
      "tpu.region"() ({
        %run_scoped3A = tpu.sem_alloc : memref<!tpu.dma_semaphore, #tpu.memory_space<semaphore_mem>>
        %dma_start3A = arith.constant 0 : i32
        %dma_start3A_144 = tpu.memref_slice %arg8[%scan3A_143, %dma_start3A] : memref<80x128xi32, #tpu.memory_space<vmem>> -> memref<1x128xi32, #tpu.memory_space<vmem>>
        %dma_start3A_145 = tpu.memref_squeeze %dma_start3A_144 : memref<1x128xi32, #tpu.memory_space<vmem>> -> memref<128xi32, #tpu.memory_space<vmem>>
        %dma_start3A_146 = arith.constant 0 : i32
        %dma_start3A_147 = arith.constant 0 : i32
        %dma_start3A_148 = tpu.memref_slice %arg6[%dma_start3A_146, %dma_start3A_147] : memref<10240x128xf32, #tpu.memory_space<vmem_shared>> -> memref<10240x128xf32, #tpu.memory_space<vmem_shared>>
        tpu.enqueue_indirect_dma source(%arg9 : memref<128x128xf32, #tpu.memory_space<vmem>>) target(%dma_start3A_148 : memref<10240x128xf32, #tpu.memory_space<vmem_shared>>) offsets(%dma_start3A_145 : memref<128xi32, #tpu.memory_space<vmem>>) semaphore(%run_scoped3A : memref<!tpu.dma_semaphore, #tpu.memory_space<semaphore_mem>>) {add = true}
        %dma_wait3A = arith.constant 0 : i32
        %dma_wait3A_149 = tpu.memref_slice %arg8[%scan3A_143, %dma_wait3A] : memref<80x128xi32, #tpu.memory_space<vmem>> -> memref<1x128xi32, #tpu.memory_space<vmem>>
        %dma_wait3A_150 = tpu.memref_squeeze %dma_wait3A_149 : memref<1x128xi32, #tpu.memory_space<vmem>> -> memref<128xi32, #tpu.memory_space<vmem>>
        %dma_wait3A_151 = arith.constant 0 : i32
        %dma_wait3A_152 = arith.constant 0 : i32
        %dma_wait3A_153 = tpu.memref_slice %arg6[%dma_wait3A_151, %dma_wait3A_152] : memref<10240x128xf32, #tpu.memory_space<vmem_shared>> -> memref<10240x128xf32, #tpu.memory_space<vmem_shared>>
        tpu.wait_indirect_dma semaphore(%run_scoped3A : memref<!tpu.dma_semaphore, #tpu.memory_space<semaphore_mem>>) src(%arg9 : memref<128x128xf32, #tpu.memory_space<vmem>>) dst(%dma_wait3A_153 : memref<10240x128xf32, #tpu.memory_space<vmem_shared>>)
        tpu.yield
      }) : () -> ()
    }
    %scan3A_32 = arith.constant 80 : i32
    %barrier3A_33 = arith.constant 0 : index
    tpu.barrier barrier_id(%barrier3A_33)
    %mul3A_34 = arith.constant 640 : i32
    %mul3A_35 = arith.muli %arg1, %mul3A_34 : i32
    %add3A_36 = arith.constant 0 : i32
    %add3A_37 = arith.addi %mul3A_35, %add3A_36 : i32
    %mul3A_38 = arith.constant 10240 : i32
    %mul3A_39 = arith.muli %add3A_1, %mul3A_38 : i32
    %add3A_40 = arith.addi %mul3A_39, %add3A_37 : i32
    "tpu.region"() ({
      %run_scoped3A = tpu.sem_alloc : memref<!tpu.dma_semaphore, #tpu.memory_space<semaphore_mem>>
      %dma_start3A = arith.constant 0 : i32
      %dma_start3A_143 = tpu.memref_slice %arg5[%add3A_40, %dma_start3A] : memref<40960x128xf32, #tpu.memory_space<hbm>> -> memref<128x128xf32, #tpu.memory_space<hbm>>
      %dma_start3A_144 = arith.constant 0 : i32
      %dma_start3A_145 = tpu.memref_slice %arg6[%add3A_37, %dma_start3A_144] : memref<10240x128xf32, #tpu.memory_space<vmem_shared>> -> memref<128x128xf32, #tpu.memory_space<vmem_shared>>
      tpu.enqueue_dma source(%dma_start3A_145 : memref<128x128xf32, #tpu.memory_space<vmem_shared>>) target(%dma_start3A_143 : memref<128x128xf32, #tpu.memory_space<hbm>>) target_semaphore(%run_scoped3A : memref<!tpu.dma_semaphore, #tpu.memory_space<semaphore_mem>>)
      %dma_wait3A = arith.constant 0 : i32
      %dma_wait3A_146 = tpu.memref_slice %arg5[%add3A_40, %dma_wait3A] : memref<40960x128xf32, #tpu.memory_space<hbm>> -> memref<128x128xf32, #tpu.memory_space<hbm>>
      %dma_wait3A_147 = arith.constant 0 : i32
      %dma_wait3A_148 = tpu.memref_slice %arg6[%add3A_37, %dma_wait3A_147] : memref<10240x128xf32, #tpu.memory_space<vmem_shared>> -> memref<128x128xf32, #tpu.memory_space<vmem_shared>>
      tpu.wait_dma2 semaphore(%run_scoped3A : memref<!tpu.dma_semaphore, #tpu.memory_space<semaphore_mem>>) src(%dma_wait3A_148 : memref<128x128xf32, #tpu.memory_space<vmem_shared>>) dst(%dma_wait3A_146 : memref<128x128xf32, #tpu.memory_space<hbm>>)
      tpu.yield
    }) : () -> ()
    %mul3A_41 = arith.constant 640 : i32
    %mul3A_42 = arith.muli %arg1, %mul3A_41 : i32
    %add3A_43 = arith.constant 128 : i32
    %add3A_44 = arith.addi %mul3A_42, %add3A_43 : i32
    %mul3A_45 = arith.constant 10240 : i32
    %mul3A_46 = arith.muli %add3A_1, %mul3A_45 : i32
    %add3A_47 = arith.addi %mul3A_46, %add3A_44 : i32
    "tpu.region"() ({
      %run_scoped3A = tpu.sem_alloc : memref<!tpu.dma_semaphore, #tpu.memory_space<semaphore_mem>>
      %dma_start3A = arith.constant 0 : i32
      %dma_start3A_143 = tpu.memref_slice %arg5[%add3A_47, %dma_start3A] : memref<40960x128xf32, #tpu.memory_space<hbm>> -> memref<128x128xf32, #tpu.memory_space<hbm>>
      %dma_start3A_144 = arith.constant 0 : i32
      %dma_start3A_145 = tpu.memref_slice %arg6[%add3A_44, %dma_start3A_144] : memref<10240x128xf32, #tpu.memory_space<vmem_shared>> -> memref<128x128xf32, #tpu.memory_space<vmem_shared>>
      tpu.enqueue_dma source(%dma_start3A_145 : memref<128x128xf32, #tpu.memory_space<vmem_shared>>) target(%dma_start3A_143 : memref<128x128xf32, #tpu.memory_space<hbm>>) target_semaphore(%run_scoped3A : memref<!tpu.dma_semaphore, #tpu.memory_space<semaphore_mem>>)
      %dma_wait3A = arith.constant 0 : i32
      %dma_wait3A_146 = tpu.memref_slice %arg5[%add3A_47, %dma_wait3A] : memref<40960x128xf32, #tpu.memory_space<hbm>> -> memref<128x128xf32, #tpu.memory_space<hbm>>
      %dma_wait3A_147 = arith.constant 0 : i32
      %dma_wait3A_148 = tpu.memref_slice %arg6[%add3A_44, %dma_wait3A_147] : memref<10240x128xf32, #tpu.memory_space<vmem_shared>> -> memref<128x128xf32, #tpu.memory_space<vmem_shared>>
      tpu.wait_dma2 semaphore(%run_scoped3A : memref<!tpu.dma_semaphore, #tpu.memory_space<semaphore_mem>>) src(%dma_wait3A_148 : memref<128x128xf32, #tpu.memory_space<vmem_shared>>) dst(%dma_wait3A_146 : memref<128x128xf32, #tpu.memory_space<hbm>>)
      tpu.yield
    }) : () -> ()
    %mul3A_48 = arith.constant 640 : i32
    %mul3A_49 = arith.muli %arg1, %mul3A_48 : i32
    %add3A_50 = arith.constant 256 : i32
    %add3A_51 = arith.addi %mul3A_49, %add3A_50 : i32
    %mul3A_52 = arith.constant 10240 : i32
    %mul3A_53 = arith.muli %add3A_1, %mul3A_52 : i32
    %add3A_54 = arith.addi %mul3A_53, %add3A_51 : i32
    "tpu.region"() ({
      %run_scoped3A = tpu.sem_alloc : memref<!tpu.dma_semaphore, #tpu.memory_space<semaphore_mem>>
      %dma_start3A = arith.constant 0 : i32
      %dma_start3A_143 = tpu.memref_slice %arg5[%add3A_54, %dma_start3A] : memref<40960x128xf32, #tpu.memory_space<hbm>> -> memref<128x128xf32, #tpu.memory_space<hbm>>
      %dma_start3A_144 = arith.constant 0 : i32
      %dma_start3A_145 = tpu.memref_slice %arg6[%add3A_51, %dma_start3A_144] : memref<10240x128xf32, #tpu.memory_space<vmem_shared>> -> memref<128x128xf32, #tpu.memory_space<vmem_shared>>
      tpu.enqueue_dma source(%dma_start3A_145 : memref<128x128xf32, #tpu.memory_space<vmem_shared>>) target(%dma_start3A_143 : memref<128x128xf32, #tpu.memory_space<hbm>>) target_semaphore(%run_scoped3A : memref<!tpu.dma_semaphore, #tpu.memory_space<semaphore_mem>>)
      %dma_wait3A = arith.constant 0 : i32
      %dma_wait3A_146 = tpu.memref_slice %arg5[%add3A_54, %dma_wait3A] : memref<40960x128xf32, #tpu.memory_space<hbm>> -> memref<128x128xf32, #tpu.memory_space<hbm>>
      %dma_wait3A_147 = arith.constant 0 : i32
      %dma_wait3A_148 = tpu.memref_slice %arg6[%add3A_51, %dma_wait3A_147] : memref<10240x128xf32, #tpu.memory_space<vmem_shared>> -> memref<128x128xf32, #tpu.memory_space<vmem_shared>>
      tpu.wait_dma2 semaphore(%run_scoped3A : memref<!tpu.dma_semaphore, #tpu.memory_space<semaphore_mem>>) src(%dma_wait3A_148 : memref<128x128xf32, #tpu.memory_space<vmem_shared>>) dst(%dma_wait3A_146 : memref<128x128xf32, #tpu.memory_space<hbm>>)
      tpu.yield
    }) : () -> ()
    %mul3A_55 = arith.constant 640 : i32
    %mul3A_56 = arith.muli %arg1, %mul3A_55 : i32
    %add3A_57 = arith.constant 384 : i32
    %add3A_58 = arith.addi %mul3A_56, %add3A_57 : i32
    %mul3A_59 = arith.constant 10240 : i32
    %mul3A_60 = arith.muli %add3A_1, %mul3A_59 : i32
    %add3A_61 = arith.addi %mul3A_60, %add3A_58 : i32
    "tpu.region"() ({
      %run_scoped3A = tpu.sem_alloc : memref<!tpu.dma_semaphore, #tpu.memory_space<semaphore_mem>>
      %dma_start3A = arith.constant 0 : i32
      %dma_start3A_143 = tpu.memref_slice %arg5[%add3A_61, %dma_start3A] : memref<40960x128xf32, #tpu.memory_space<hbm>> -> memref<128x128xf32, #tpu.memory_space<hbm>>
      %dma_start3A_144 = arith.constant 0 : i32
      %dma_start3A_145 = tpu.memref_slice %arg6[%add3A_58, %dma_start3A_144] : memref<10240x128xf32, #tpu.memory_space<vmem_shared>> -> memref<128x128xf32, #tpu.memory_space<vmem_shared>>
      tpu.enqueue_dma source(%dma_start3A_145 : memref<128x128xf32, #tpu.memory_space<vmem_shared>>) target(%dma_start3A_143 : memref<128x128xf32, #tpu.memory_space<hbm>>) target_semaphore(%run_scoped3A : memref<!tpu.dma_semaphore, #tpu.memory_space<semaphore_mem>>)
      %dma_wait3A = arith.constant 0 : i32
      %dma_wait3A_146 = tpu.memref_slice %arg5[%add3A_61, %dma_wait3A] : memref<40960x128xf32, #tpu.memory_space<hbm>> -> memref<128x128xf32, #tpu.memory_space<hbm>>
      %dma_wait3A_147 = arith.constant 0 : i32
      %dma_wait3A_148 = tpu.memref_slice %arg6[%add3A_58, %dma_wait3A_147] : memref<10240x128xf32, #tpu.memory_space<vmem_shared>> -> memref<128x128xf32, #tpu.memory_space<vmem_shared>>
      tpu.wait_dma2 semaphore(%run_scoped3A : memref<!tpu.dma_semaphore, #tpu.memory_space<semaphore_mem>>) src(%dma_wait3A_148 : memref<128x128xf32, #tpu.memory_space<vmem_shared>>) dst(%dma_wait3A_146 : memref<128x128xf32, #tpu.memory_space<hbm>>)
      tpu.yield
    }) : () -> ()
    %mul3A_62 = arith.constant 640 : i32
    %mul3A_63 = arith.muli %arg1, %mul3A_62 : i32
    %add3A_64 = arith.constant 512 : i32
    %add3A_65 = arith.addi %mul3A_63, %add3A_64 : i32
    %mul3A_66 = arith.constant 10240 : i32
    %mul3A_67 = arith.muli %add3A_1, %mul3A_66 : i32
    %add3A_68 = arith.addi %mul3A_67, %add3A_65 : i32
    "tpu.region"() ({
      %run_scoped3A = tpu.sem_alloc : memref<!tpu.dma_semaphore, #tpu.memory_space<semaphore_mem>>
      %dma_start3A = arith.constant 0 : i32
      %dma_start3A_143 = tpu.memref_slice %arg5[%add3A_68, %dma_start3A] : memref<40960x128xf32, #tpu.memory_space<hbm>> -> memref<128x128xf32, #tpu.memory_space<hbm>>
      %dma_start3A_144 = arith.constant 0 : i32
      %dma_start3A_145 = tpu.memref_slice %arg6[%add3A_65, %dma_start3A_144] : memref<10240x128xf32, #tpu.memory_space<vmem_shared>> -> memref<128x128xf32, #tpu.memory_space<vmem_shared>>
      tpu.enqueue_dma source(%dma_start3A_145 : memref<128x128xf32, #tpu.memory_space<vmem_shared>>) target(%dma_start3A_143 : memref<128x128xf32, #tpu.memory_space<hbm>>) target_semaphore(%run_scoped3A : memref<!tpu.dma_semaphore, #tpu.memory_space<semaphore_mem>>)
      %dma_wait3A = arith.constant 0 : i32
      %dma_wait3A_146 = tpu.memref_slice %arg5[%add3A_68, %dma_wait3A] : memref<40960x128xf32, #tpu.memory_space<hbm>> -> memref<128x128xf32, #tpu.memory_space<hbm>>
      %dma_wait3A_147 = arith.constant 0 : i32
      %dma_wait3A_148 = tpu.memref_slice %arg6[%add3A_65, %dma_wait3A_147] : memref<10240x128xf32, #tpu.memory_space<vmem_shared>> -> memref<128x128xf32, #tpu.memory_space<vmem_shared>>
      tpu.wait_dma2 semaphore(%run_scoped3A : memref<!tpu.dma_semaphore, #tpu.memory_space<semaphore_mem>>) src(%dma_wait3A_148 : memref<128x128xf32, #tpu.memory_space<vmem_shared>>) dst(%dma_wait3A_146 : memref<128x128xf32, #tpu.memory_space<hbm>>)
      tpu.yield
    }) : () -> ()
    %barrier3A_69 = arith.constant 0 : index
    tpu.barrier barrier_id(%barrier3A_69)
    %mul3A_70 = arith.constant 2 : i32
    %mul3A_71 = arith.muli %arg0, %mul3A_70 : i32
    %add3A_72 = arith.constant 1 : i32
    %add3A_73 = arith.addi %mul3A_71, %add3A_72 : i32
    %scan3A_74 = arith.constant 0 : i32
    %scan3A_75 = arith.constant 0 : i32
    %scan3A_76 = arith.constant 128 : i32
    %scan3A_77 = arith.addi %scan3A_75, %scan3A_76 : i32
    %scan3A_78 = arith.constant 1 : i32
    scf.for %scan3A_143 = %scan3A_75 to %scan3A_77 step %scan3A_78  : i32 {
      %broadcast_in_dim3A = arith.constant 0.000000e+00 : f32
      %broadcast_in_dim3A_144 = vector.broadcast %broadcast_in_dim3A : f32 to vector<16xf32>
      %swap3A = arith.index_cast %scan3A_143 : i32 to index
      %swap3A_145 = arith.constant 0 : index
      %swap3A_146 = tpu.vector_load %arg9[%swap3A, %swap3A_145] {strides = array<i32>} : memref<128x128xf32, #tpu.memory_space<vmem>>, vector<1x16xf32>,
      %swap3A_147 = vector.shape_cast %swap3A_146 : vector<1x16xf32> to vector<16xf32>
      %swap3A_148 = vector.shape_cast %broadcast_in_dim3A_144 : vector<16xf32> to vector<1x16xf32>
      tpu.vector_store %arg9[%swap3A, %swap3A_145], %swap3A_148 {strides = array<i32>} : memref<128x128xf32, #tpu.memory_space<vmem>>, vector<1x16xf32>,
      %broadcast_in_dim3A_149 = arith.constant 0.000000e+00 : f32
      %broadcast_in_dim3A_150 = vector.broadcast %broadcast_in_dim3A_149 : f32 to vector<16xf32>
      %swap3A_151 = arith.index_cast %scan3A_143 : i32 to index
      %swap3A_152 = arith.constant 16 : index
      %swap3A_153 = tpu.vector_load %arg9[%swap3A_151, %swap3A_152] {strides = array<i32>} : memref<128x128xf32, #tpu.memory_space<vmem>>, vector<1x16xf32>,
      %swap3A_154 = vector.shape_cast %swap3A_153 : vector<1x16xf32> to vector<16xf32>
      %swap3A_155 = vector.shape_cast %broadcast_in_dim3A_150 : vector<16xf32> to vector<1x16xf32>
      tpu.vector_store %arg9[%swap3A_151, %swap3A_152], %swap3A_155 {strides = array<i32>} : memref<128x128xf32, #tpu.memory_space<vmem>>, vector<1x16xf32>,
      %broadcast_in_dim3A_156 = arith.constant 0.000000e+00 : f32
      %broadcast_in_dim3A_157 = vector.broadcast %broadcast_in_dim3A_156 : f32 to vector<16xf32>
      %swap3A_158 = arith.index_cast %scan3A_143 : i32 to index
      %swap3A_159 = arith.constant 32 : index
      %swap3A_160 = tpu.vector_load %arg9[%swap3A_158, %swap3A_159] {strides = array<i32>} : memref<128x128xf32, #tpu.memory_space<vmem>>, vector<1x16xf32>,
      %swap3A_161 = vector.shape_cast %swap3A_160 : vector<1x16xf32> to vector<16xf32>
      %swap3A_162 = vector.shape_cast %broadcast_in_dim3A_157 : vector<16xf32> to vector<1x16xf32>
      tpu.vector_store %arg9[%swap3A_158, %swap3A_159], %swap3A_162 {strides = array<i32>} : memref<128x128xf32, #tpu.memory_space<vmem>>, vector<1x16xf32>,
      %broadcast_in_dim3A_163 = arith.constant 0.000000e+00 : f32
      %broadcast_in_dim3A_164 = vector.broadcast %broadcast_in_dim3A_163 : f32 to vector<16xf32>
      %swap3A_165 = arith.index_cast %scan3A_143 : i32 to index
      %swap3A_166 = arith.constant 48 : index
      %swap3A_167 = tpu.vector_load %arg9[%swap3A_165, %swap3A_166] {strides = array<i32>} : memref<128x128xf32, #tpu.memory_space<vmem>>, vector<1x16xf32>,
      %swap3A_168 = vector.shape_cast %swap3A_167 : vector<1x16xf32> to vector<16xf32>
      %swap3A_169 = vector.shape_cast %broadcast_in_dim3A_164 : vector<16xf32> to vector<1x16xf32>
      tpu.vector_store %arg9[%swap3A_165, %swap3A_166], %swap3A_169 {strides = array<i32>} : memref<128x128xf32, #tpu.memory_space<vmem>>, vector<1x16xf32>,
      %broadcast_in_dim3A_170 = arith.constant 0.000000e+00 : f32
      %broadcast_in_dim3A_171 = vector.broadcast %broadcast_in_dim3A_170 : f32 to vector<16xf32>
      %swap3A_172 = arith.index_cast %scan3A_143 : i32 to index
      %swap3A_173 = arith.constant 64 : index
      %swap3A_174 = tpu.vector_load %arg9[%swap3A_172, %swap3A_173] {strides = array<i32>} : memref<128x128xf32, #tpu.memory_space<vmem>>, vector<1x16xf32>,
      %swap3A_175 = vector.shape_cast %swap3A_174 : vector<1x16xf32> to vector<16xf32>
      %swap3A_176 = vector.shape_cast %broadcast_in_dim3A_171 : vector<16xf32> to vector<1x16xf32>
      tpu.vector_store %arg9[%swap3A_172, %swap3A_173], %swap3A_176 {strides = array<i32>} : memref<128x128xf32, #tpu.memory_space<vmem>>, vector<1x16xf32>,
      %broadcast_in_dim3A_177 = arith.constant 0.000000e+00 : f32
      %broadcast_in_dim3A_178 = vector.broadcast %broadcast_in_dim3A_177 : f32 to vector<16xf32>
      %swap3A_179 = arith.index_cast %scan3A_143 : i32 to index
      %swap3A_180 = arith.constant 80 : index
      %swap3A_181 = tpu.vector_load %arg9[%swap3A_179, %swap3A_180] {strides = array<i32>} : memref<128x128xf32, #tpu.memory_space<vmem>>, vector<1x16xf32>,
      %swap3A_182 = vector.shape_cast %swap3A_181 : vector<1x16xf32> to vector<16xf32>
      %swap3A_183 = vector.shape_cast %broadcast_in_dim3A_178 : vector<16xf32> to vector<1x16xf32>
      tpu.vector_store %arg9[%swap3A_179, %swap3A_180], %swap3A_183 {strides = array<i32>} : memref<128x128xf32, #tpu.memory_space<vmem>>, vector<1x16xf32>,
      %broadcast_in_dim3A_184 = arith.constant 0.000000e+00 : f32
      %broadcast_in_dim3A_185 = vector.broadcast %broadcast_in_dim3A_184 : f32 to vector<16xf32>
      %swap3A_186 = arith.index_cast %scan3A_143 : i32 to index
      %swap3A_187 = arith.constant 96 : index
      %swap3A_188 = tpu.vector_load %arg9[%swap3A_186, %swap3A_187] {strides = array<i32>} : memref<128x128xf32, #tpu.memory_space<vmem>>, vector<1x16xf32>,
      %swap3A_189 = vector.shape_cast %swap3A_188 : vector<1x16xf32> to vector<16xf32>
      %swap3A_190 = vector.shape_cast %broadcast_in_dim3A_185 : vector<16xf32> to vector<1x16xf32>
      tpu.vector_store %arg9[%swap3A_186, %swap3A_187], %swap3A_190 {strides = array<i32>} : memref<128x128xf32, #tpu.memory_space<vmem>>, vector<1x16xf32>,
      %broadcast_in_dim3A_191 = arith.constant 0.000000e+00 : f32
      %broadcast_in_dim3A_192 = vector.broadcast %broadcast_in_dim3A_191 : f32 to vector<16xf32>
      %swap3A_193 = arith.index_cast %scan3A_143 : i32 to index
      %swap3A_194 = arith.constant 112 : index
      %swap3A_195 = tpu.vector_load %arg9[%swap3A_193, %swap3A_194] {strides = array<i32>} : memref<128x128xf32, #tpu.memory_space<vmem>>, vector<1x16xf32>,
      %swap3A_196 = vector.shape_cast %swap3A_195 : vector<1x16xf32> to vector<16xf32>
      %swap3A_197 = vector.shape_cast %broadcast_in_dim3A_192 : vector<16xf32> to vector<1x16xf32>
      tpu.vector_store %arg9[%swap3A_193, %swap3A_194], %swap3A_197 {strides = array<i32>} : memref<128x128xf32, #tpu.memory_space<vmem>>, vector<1x16xf32>,
    }
    %scan3A_79 = arith.constant 128 : i32
    %mul3A_80 = arith.constant 640 : i32
    %mul3A_81 = arith.muli %arg1, %mul3A_80 : i32
    %add3A_82 = arith.constant 0 : i32
    %add3A_83 = arith.addi %mul3A_81, %add3A_82 : i32
    "tpu.region"() ({
      %run_scoped3A = tpu.sem_alloc : memref<!tpu.dma_semaphore, #tpu.memory_space<semaphore_mem>>
      %dma_start3A = arith.constant 0 : i32
      %dma_start3A_143 = tpu.memref_slice %arg6[%add3A_83, %dma_start3A] : memref<10240x128xf32, #tpu.memory_space<vmem_shared>> -> memref<128x128xf32, #tpu.memory_space<vmem_shared>>
      %dma_start3A_144 = arith.constant 0 : i32
      %dma_start3A_145 = tpu.memref_slice %arg6[%add3A_83, %dma_start3A_144] : memref<10240x128xf32, #tpu.memory_space<vmem_shared>> -> memref<128x128xf32, #tpu.memory_space<vmem_shared>>
      tpu.enqueue_dma source(%arg9 : memref<128x128xf32, #tpu.memory_space<vmem>>) target(%dma_start3A_145 : memref<128x128xf32, #tpu.memory_space<vmem_shared>>) target_semaphore(%run_scoped3A : memref<!tpu.dma_semaphore, #tpu.memory_space<semaphore_mem>>)
      %dma_wait3A = arith.constant 0 : i32
      %dma_wait3A_146 = tpu.memref_slice %arg6[%add3A_83, %dma_wait3A] : memref<10240x128xf32, #tpu.memory_space<vmem_shared>> -> memref<128x128xf32, #tpu.memory_space<vmem_shared>>
      %dma_wait3A_147 = arith.constant 0 : i32
      %dma_wait3A_148 = tpu.memref_slice %arg6[%add3A_83, %dma_wait3A_147] : memref<10240x128xf32, #tpu.memory_space<vmem_shared>> -> memref<128x128xf32, #tpu.memory_space<vmem_shared>>
      tpu.wait_dma2 semaphore(%run_scoped3A : memref<!tpu.dma_semaphore, #tpu.memory_space<semaphore_mem>>) src(%arg9 : memref<128x128xf32, #tpu.memory_space<vmem>>) dst(%dma_wait3A_148 : memref<128x128xf32, #tpu.memory_space<vmem_shared>>)
      tpu.yield
    }) : () -> ()
    %mul3A_84 = arith.constant 640 : i32
    %mul3A_85 = arith.muli %arg1, %mul3A_84 : i32
    %add3A_86 = arith.constant 128 : i32
    %add3A_87 = arith.addi %mul3A_85, %add3A_86 : i32
    "tpu.region"() ({
      %run_scoped3A = tpu.sem_alloc : memref<!tpu.dma_semaphore, #tpu.memory_space<semaphore_mem>>
      %dma_start3A = arith.constant 0 : i32
      %dma_start3A_143 = tpu.memref_slice %arg6[%add3A_87, %dma_start3A] : memref<10240x128xf32, #tpu.memory_space<vmem_shared>> -> memref<128x128xf32, #tpu.memory_space<vmem_shared>>
      %dma_start3A_144 = arith.constant 0 : i32
      %dma_start3A_145 = tpu.memref_slice %arg6[%add3A_87, %dma_start3A_144] : memref<10240x128xf32, #tpu.memory_space<vmem_shared>> -> memref<128x128xf32, #tpu.memory_space<vmem_shared>>
      tpu.enqueue_dma source(%arg9 : memref<128x128xf32, #tpu.memory_space<vmem>>) target(%dma_start3A_145 : memref<128x128xf32, #tpu.memory_space<vmem_shared>>) target_semaphore(%run_scoped3A : memref<!tpu.dma_semaphore, #tpu.memory_space<semaphore_mem>>)
      %dma_wait3A = arith.constant 0 : i32
      %dma_wait3A_146 = tpu.memref_slice %arg6[%add3A_87, %dma_wait3A] : memref<10240x128xf32, #tpu.memory_space<vmem_shared>> -> memref<128x128xf32, #tpu.memory_space<vmem_shared>>
      %dma_wait3A_147 = arith.constant 0 : i32
      %dma_wait3A_148 = tpu.memref_slice %arg6[%add3A_87, %dma_wait3A_147] : memref<10240x128xf32, #tpu.memory_space<vmem_shared>> -> memref<128x128xf32, #tpu.memory_space<vmem_shared>>
      tpu.wait_dma2 semaphore(%run_scoped3A : memref<!tpu.dma_semaphore, #tpu.memory_space<semaphore_mem>>) src(%arg9 : memref<128x128xf32, #tpu.memory_space<vmem>>) dst(%dma_wait3A_148 : memref<128x128xf32, #tpu.memory_space<vmem_shared>>)
      tpu.yield
    }) : () -> ()
    %mul3A_88 = arith.constant 640 : i32
    %mul3A_89 = arith.muli %arg1, %mul3A_88 : i32
    %add3A_90 = arith.constant 256 : i32
    %add3A_91 = arith.addi %mul3A_89, %add3A_90 : i32
    "tpu.region"() ({
      %run_scoped3A = tpu.sem_alloc : memref<!tpu.dma_semaphore, #tpu.memory_space<semaphore_mem>>
      %dma_start3A = arith.constant 0 : i32
      %dma_start3A_143 = tpu.memref_slice %arg6[%add3A_91, %dma_start3A] : memref<10240x128xf32, #tpu.memory_space<vmem_shared>> -> memref<128x128xf32, #tpu.memory_space<vmem_shared>>
      %dma_start3A_144 = arith.constant 0 : i32
      %dma_start3A_145 = tpu.memref_slice %arg6[%add3A_91, %dma_start3A_144] : memref<10240x128xf32, #tpu.memory_space<vmem_shared>> -> memref<128x128xf32, #tpu.memory_space<vmem_shared>>
      tpu.enqueue_dma source(%arg9 : memref<128x128xf32, #tpu.memory_space<vmem>>) target(%dma_start3A_145 : memref<128x128xf32, #tpu.memory_space<vmem_shared>>) target_semaphore(%run_scoped3A : memref<!tpu.dma_semaphore, #tpu.memory_space<semaphore_mem>>)
      %dma_wait3A = arith.constant 0 : i32
      %dma_wait3A_146 = tpu.memref_slice %arg6[%add3A_91, %dma_wait3A] : memref<10240x128xf32, #tpu.memory_space<vmem_shared>> -> memref<128x128xf32, #tpu.memory_space<vmem_shared>>
      %dma_wait3A_147 = arith.constant 0 : i32
      %dma_wait3A_148 = tpu.memref_slice %arg6[%add3A_91, %dma_wait3A_147] : memref<10240x128xf32, #tpu.memory_space<vmem_shared>> -> memref<128x128xf32, #tpu.memory_space<vmem_shared>>
      tpu.wait_dma2 semaphore(%run_scoped3A : memref<!tpu.dma_semaphore, #tpu.memory_space<semaphore_mem>>) src(%arg9 : memref<128x128xf32, #tpu.memory_space<vmem>>) dst(%dma_wait3A_148 : memref<128x128xf32, #tpu.memory_space<vmem_shared>>)
      tpu.yield
    }) : () -> ()
    %mul3A_92 = arith.constant 640 : i32
    %mul3A_93 = arith.muli %arg1, %mul3A_92 : i32
    %add3A_94 = arith.constant 384 : i32
    %add3A_95 = arith.addi %mul3A_93, %add3A_94 : i32
    "tpu.region"() ({
      %run_scoped3A = tpu.sem_alloc : memref<!tpu.dma_semaphore, #tpu.memory_space<semaphore_mem>>
      %dma_start3A = arith.constant 0 : i32
      %dma_start3A_143 = tpu.memref_slice %arg6[%add3A_95, %dma_start3A] : memref<10240x128xf32, #tpu.memory_space<vmem_shared>> -> memref<128x128xf32, #tpu.memory_space<vmem_shared>>
      %dma_start3A_144 = arith.constant 0 : i32
      %dma_start3A_145 = tpu.memref_slice %arg6[%add3A_95, %dma_start3A_144] : memref<10240x128xf32, #tpu.memory_space<vmem_shared>> -> memref<128x128xf32, #tpu.memory_space<vmem_shared>>
      tpu.enqueue_dma source(%arg9 : memref<128x128xf32, #tpu.memory_space<vmem>>) target(%dma_start3A_145 : memref<128x128xf32, #tpu.memory_space<vmem_shared>>) target_semaphore(%run_scoped3A : memref<!tpu.dma_semaphore, #tpu.memory_space<semaphore_mem>>)
      %dma_wait3A = arith.constant 0 : i32
      %dma_wait3A_146 = tpu.memref_slice %arg6[%add3A_95, %dma_wait3A] : memref<10240x128xf32, #tpu.memory_space<vmem_shared>> -> memref<128x128xf32, #tpu.memory_space<vmem_shared>>
      %dma_wait3A_147 = arith.constant 0 : i32
      %dma_wait3A_148 = tpu.memref_slice %arg6[%add3A_95, %dma_wait3A_147] : memref<10240x128xf32, #tpu.memory_space<vmem_shared>> -> memref<128x128xf32, #tpu.memory_space<vmem_shared>>
      tpu.wait_dma2 semaphore(%run_scoped3A : memref<!tpu.dma_semaphore, #tpu.memory_space<semaphore_mem>>) src(%arg9 : memref<128x128xf32, #tpu.memory_space<vmem>>) dst(%dma_wait3A_148 : memref<128x128xf32, #tpu.memory_space<vmem_shared>>)
      tpu.yield
    }) : () -> ()
    %mul3A_96 = arith.constant 640 : i32
    %mul3A_97 = arith.muli %arg1, %mul3A_96 : i32
    %add3A_98 = arith.constant 512 : i32
    %add3A_99 = arith.addi %mul3A_97, %add3A_98 : i32
    "tpu.region"() ({
      %run_scoped3A = tpu.sem_alloc : memref<!tpu.dma_semaphore, #tpu.memory_space<semaphore_mem>>
      %dma_start3A = arith.constant 0 : i32
      %dma_start3A_143 = tpu.memref_slice %arg6[%add3A_99, %dma_start3A] : memref<10240x128xf32, #tpu.memory_space<vmem_shared>> -> memref<128x128xf32, #tpu.memory_space<vmem_shared>>
      %dma_start3A_144 = arith.constant 0 : i32
      %dma_start3A_145 = tpu.memref_slice %arg6[%add3A_99, %dma_start3A_144] : memref<10240x128xf32, #tpu.memory_space<vmem_shared>> -> memref<128x128xf32, #tpu.memory_space<vmem_shared>>
      tpu.enqueue_dma source(%arg9 : memref<128x128xf32, #tpu.memory_space<vmem>>) target(%dma_start3A_145 : memref<128x128xf32, #tpu.memory_space<vmem_shared>>) target_semaphore(%run_scoped3A : memref<!tpu.dma_semaphore, #tpu.memory_space<semaphore_mem>>)
      %dma_wait3A = arith.constant 0 : i32
      %dma_wait3A_146 = tpu.memref_slice %arg6[%add3A_99, %dma_wait3A] : memref<10240x128xf32, #tpu.memory_space<vmem_shared>> -> memref<128x128xf32, #tpu.memory_space<vmem_shared>>
      %dma_wait3A_147 = arith.constant 0 : i32
      %dma_wait3A_148 = tpu.memref_slice %arg6[%add3A_99, %dma_wait3A_147] : memref<10240x128xf32, #tpu.memory_space<vmem_shared>> -> memref<128x128xf32, #tpu.memory_space<vmem_shared>>
      tpu.wait_dma2 semaphore(%run_scoped3A : memref<!tpu.dma_semaphore, #tpu.memory_space<semaphore_mem>>) src(%arg9 : memref<128x128xf32, #tpu.memory_space<vmem>>) dst(%dma_wait3A_148 : memref<128x128xf32, #tpu.memory_space<vmem_shared>>)
      tpu.yield
    }) : () -> ()
    "tpu.region"() ({
      %run_scoped3A = tpu.sem_alloc : memref<!tpu.dma_semaphore, #tpu.memory_space<semaphore_mem>>
      %dma_start3A = arith.constant 0 : i32
      %dma_start3A_143 = arith.constant 0 : i32
      %dma_start3A_144 = tpu.memref_slice %arg3[%add3A_73, %arg1, %dma_start3A, %dma_start3A_143] : memref<4x16x80x128xi32, #tpu.memory_space<hbm>> -> memref<1x1x80x128xi32, #tpu.memory_space<hbm>>
      %dma_start3A_145 = tpu.memref_squeeze %dma_start3A_144 : memref<1x1x80x128xi32, #tpu.memory_space<hbm>> -> memref<80x128xi32, #tpu.memory_space<hbm>>
      %dma_start3A_146 = arith.constant 0 : i32
      %dma_start3A_147 = arith.constant 0 : i32
      %dma_start3A_148 = tpu.memref_slice %arg3[%add3A_73, %arg1, %dma_start3A_146, %dma_start3A_147] : memref<4x16x80x128xi32, #tpu.memory_space<hbm>> -> memref<1x1x80x128xi32, #tpu.memory_space<hbm>>
      %dma_start3A_149 = tpu.memref_squeeze %dma_start3A_148 : memref<1x1x80x128xi32, #tpu.memory_space<hbm>> -> memref<80x128xi32, #tpu.memory_space<hbm>>
      tpu.enqueue_dma source(%dma_start3A_149 : memref<80x128xi32, #tpu.memory_space<hbm>>) target(%arg7 : memref<80x128xi32, #tpu.memory_space<vmem>>) target_semaphore(%run_scoped3A : memref<!tpu.dma_semaphore, #tpu.memory_space<semaphore_mem>>)
      %dma_wait3A = arith.constant 0 : i32
      %dma_wait3A_150 = arith.constant 0 : i32
      %dma_wait3A_151 = tpu.memref_slice %arg3[%add3A_73, %arg1, %dma_wait3A, %dma_wait3A_150] : memref<4x16x80x128xi32, #tpu.memory_space<hbm>> -> memref<1x1x80x128xi32, #tpu.memory_space<hbm>>
      %dma_wait3A_152 = tpu.memref_squeeze %dma_wait3A_151 : memref<1x1x80x128xi32, #tpu.memory_space<hbm>> -> memref<80x128xi32, #tpu.memory_space<hbm>>
      %dma_wait3A_153 = arith.constant 0 : i32
      %dma_wait3A_154 = arith.constant 0 : i32
      %dma_wait3A_155 = tpu.memref_slice %arg3[%add3A_73, %arg1, %dma_wait3A_153, %dma_wait3A_154] : memref<4x16x80x128xi32, #tpu.memory_space<hbm>> -> memref<1x1x80x128xi32, #tpu.memory_space<hbm>>
      %dma_wait3A_156 = tpu.memref_squeeze %dma_wait3A_155 : memref<1x1x80x128xi32, #tpu.memory_space<hbm>> -> memref<80x128xi32, #tpu.memory_space<hbm>>
      tpu.wait_dma2 semaphore(%run_scoped3A : memref<!tpu.dma_semaphore, #tpu.memory_space<semaphore_mem>>) src(%dma_wait3A_156 : memref<80x128xi32, #tpu.memory_space<hbm>>) dst(%arg7 : memref<80x128xi32, #tpu.memory_space<vmem>>)
      tpu.yield
    }) : () -> ()
    %barrier3A_100 = arith.constant 0 : index
    tpu.barrier barrier_id(%barrier3A_100)
    %scan3A_101 = arith.constant 0 : i32
    %scan3A_102 = arith.constant 0 : i32
    %scan3A_103 = arith.constant 80 : i32
    %scan3A_104 = arith.addi %scan3A_102, %scan3A_103 : i32
    %scan3A_105 = arith.constant 1 : i32
    scf.for %scan3A_143 = %scan3A_102 to %scan3A_104 step %scan3A_105  : i32 {
      "tpu.region"() ({
        %run_scoped3A = tpu.sem_alloc : memref<!tpu.dma_semaphore, #tpu.memory_space<semaphore_mem>>
        %dma_start3A = arith.constant 0 : i32
        %dma_start3A_144 = tpu.memref_slice %arg7[%scan3A_143, %dma_start3A] : memref<80x128xi32, #tpu.memory_space<vmem>> -> memref<1x128xi32, #tpu.memory_space<vmem>>
        %dma_start3A_145 = tpu.memref_squeeze %dma_start3A_144 : memref<1x128xi32, #tpu.memory_space<vmem>> -> memref<128xi32, #tpu.memory_space<vmem>>
        %dma_start3A_146 = arith.constant 0 : i32
        %dma_start3A_147 = arith.constant 0 : i32
        %dma_start3A_148 = tpu.memref_slice %arg2[%dma_start3A_146, %dma_start3A_147] : memref<40000x128xf32, #tpu.memory_space<hbm>> -> memref<40000x128xf32, #tpu.memory_space<hbm>>
        tpu.enqueue_indirect_dma source(%dma_start3A_148 : memref<40000x128xf32, #tpu.memory_space<hbm>>) target(%arg9 : memref<128x128xf32, #tpu.memory_space<vmem>>) offsets(%dma_start3A_145 : memref<128xi32, #tpu.memory_space<vmem>>) semaphore(%run_scoped3A : memref<!tpu.dma_semaphore, #tpu.memory_space<semaphore_mem>>)
        %dma_wait3A = arith.constant 0 : i32
        %dma_wait3A_149 = tpu.memref_slice %arg7[%scan3A_143, %dma_wait3A] : memref<80x128xi32, #tpu.memory_space<vmem>> -> memref<1x128xi32, #tpu.memory_space<vmem>>
        %dma_wait3A_150 = tpu.memref_squeeze %dma_wait3A_149 : memref<1x128xi32, #tpu.memory_space<vmem>> -> memref<128xi32, #tpu.memory_space<vmem>>
        %dma_wait3A_151 = arith.constant 0 : i32
        %dma_wait3A_152 = arith.constant 0 : i32
        %dma_wait3A_153 = tpu.memref_slice %arg2[%dma_wait3A_151, %dma_wait3A_152] : memref<40000x128xf32, #tpu.memory_space<hbm>> -> memref<40000x128xf32, #tpu.memory_space<hbm>>
        tpu.wait_indirect_dma semaphore(%run_scoped3A : memref<!tpu.dma_semaphore, #tpu.memory_space<semaphore_mem>>) src(%dma_wait3A_153 : memref<40000x128xf32, #tpu.memory_space<hbm>>) dst(%arg9 : memref<128x128xf32, #tpu.memory_space<vmem>>)
        tpu.yield
      }) : () -> ()
      "tpu.region"() ({
        %run_scoped3A = tpu.sem_alloc : memref<!tpu.dma_semaphore, #tpu.memory_space<semaphore_mem>>
        %dma_start3A = arith.constant 0 : i32
        %dma_start3A_144 = tpu.memref_slice %arg8[%scan3A_143, %dma_start3A] : memref<80x128xi32, #tpu.memory_space<vmem>> -> memref<1x128xi32, #tpu.memory_space<vmem>>
        %dma_start3A_145 = tpu.memref_squeeze %dma_start3A_144 : memref<1x128xi32, #tpu.memory_space<vmem>> -> memref<128xi32, #tpu.memory_space<vmem>>
        %dma_start3A_146 = arith.constant 0 : i32
        %dma_start3A_147 = arith.constant 0 : i32
        %dma_start3A_148 = tpu.memref_slice %arg6[%dma_start3A_146, %dma_start3A_147] : memref<10240x128xf32, #tpu.memory_space<vmem_shared>> -> memref<10240x128xf32, #tpu.memory_space<vmem_shared>>
        tpu.enqueue_indirect_dma source(%arg9 : memref<128x128xf32, #tpu.memory_space<vmem>>) target(%dma_start3A_148 : memref<10240x128xf32, #tpu.memory_space<vmem_shared>>) offsets(%dma_start3A_145 : memref<128xi32, #tpu.memory_space<vmem>>) semaphore(%run_scoped3A : memref<!tpu.dma_semaphore, #tpu.memory_space<semaphore_mem>>) {add = true}
        %dma_wait3A = arith.constant 0 : i32
        %dma_wait3A_149 = tpu.memref_slice %arg8[%scan3A_143, %dma_wait3A] : memref<80x128xi32, #tpu.memory_space<vmem>> -> memref<1x128xi32, #tpu.memory_space<vmem>>
        %dma_wait3A_150 = tpu.memref_squeeze %dma_wait3A_149 : memref<1x128xi32, #tpu.memory_space<vmem>> -> memref<128xi32, #tpu.memory_space<vmem>>
        %dma_wait3A_151 = arith.constant 0 : i32
        %dma_wait3A_152 = arith.constant 0 : i32
        %dma_wait3A_153 = tpu.memref_slice %arg6[%dma_wait3A_151, %dma_wait3A_152] : memref<10240x128xf32, #tpu.memory_space<vmem_shared>> -> memref<10240x128xf32, #tpu.memory_space<vmem_shared>>
        tpu.wait_indirect_dma semaphore(%run_scoped3A : memref<!tpu.dma_semaphore, #tpu.memory_space<semaphore_mem>>) src(%arg9 : memref<128x128xf32, #tpu.memory_space<vmem>>) dst(%dma_wait3A_153 : memref<10240x128xf32, #tpu.memory_space<vmem_shared>>)
        tpu.yield
      }) : () -> ()
    }
    %scan3A_106 = arith.constant 80 : i32
    %barrier3A_107 = arith.constant 0 : index
    tpu.barrier barrier_id(%barrier3A_107)
    %mul3A_108 = arith.constant 640 : i32
    %mul3A_109 = arith.muli %arg1, %mul3A_108 : i32
    %add3A_110 = arith.constant 0 : i32
    %add3A_111 = arith.addi %mul3A_109, %add3A_110 : i32
    %mul3A_112 = arith.constant 10240 : i32
    %mul3A_113 = arith.muli %add3A_73, %mul3A_112 : i32
    %add3A_114 = arith.addi %mul3A_113, %add3A_111 : i32
    "tpu.region"() ({
      %run_scoped3A = tpu.sem_alloc : memref<!tpu.dma_semaphore, #tpu.memory_space<semaphore_mem>>
      %dma_start3A = arith.constant 0 : i32
      %dma_start3A_143 = tpu.memref_slice %arg5[%add3A_114, %dma_start3A] : memref<40960x128xf32, #tpu.memory_space<hbm>> -> memref<128x128xf32, #tpu.memory_space<hbm>>
      %dma_start3A_144 = arith.constant 0 : i32
      %dma_start3A_145 = tpu.memref_slice %arg6[%add3A_111, %dma_start3A_144] : memref<10240x128xf32, #tpu.memory_space<vmem_shared>> -> memref<128x128xf32, #tpu.memory_space<vmem_shared>>
      tpu.enqueue_dma source(%dma_start3A_145 : memref<128x128xf32, #tpu.memory_space<vmem_shared>>) target(%dma_start3A_143 : memref<128x128xf32, #tpu.memory_space<hbm>>) target_semaphore(%run_scoped3A : memref<!tpu.dma_semaphore, #tpu.memory_space<semaphore_mem>>)
      %dma_wait3A = arith.constant 0 : i32
      %dma_wait3A_146 = tpu.memref_slice %arg5[%add3A_114, %dma_wait3A] : memref<40960x128xf32, #tpu.memory_space<hbm>> -> memref<128x128xf32, #tpu.memory_space<hbm>>
      %dma_wait3A_147 = arith.constant 0 : i32
      %dma_wait3A_148 = tpu.memref_slice %arg6[%add3A_111, %dma_wait3A_147] : memref<10240x128xf32, #tpu.memory_space<vmem_shared>> -> memref<128x128xf32, #tpu.memory_space<vmem_shared>>
      tpu.wait_dma2 semaphore(%run_scoped3A : memref<!tpu.dma_semaphore, #tpu.memory_space<semaphore_mem>>) src(%dma_wait3A_148 : memref<128x128xf32, #tpu.memory_space<vmem_shared>>) dst(%dma_wait3A_146 : memref<128x128xf32, #tpu.memory_space<hbm>>)
      tpu.yield
    }) : () -> ()
    %mul3A_115 = arith.constant 640 : i32
    %mul3A_116 = arith.muli %arg1, %mul3A_115 : i32
    %add3A_117 = arith.constant 128 : i32
    %add3A_118 = arith.addi %mul3A_116, %add3A_117 : i32
    %mul3A_119 = arith.constant 10240 : i32
    %mul3A_120 = arith.muli %add3A_73, %mul3A_119 : i32
    %add3A_121 = arith.addi %mul3A_120, %add3A_118 : i32
    "tpu.region"() ({
      %run_scoped3A = tpu.sem_alloc : memref<!tpu.dma_semaphore, #tpu.memory_space<semaphore_mem>>
      %dma_start3A = arith.constant 0 : i32
      %dma_start3A_143 = tpu.memref_slice %arg5[%add3A_121, %dma_start3A] : memref<40960x128xf32, #tpu.memory_space<hbm>> -> memref<128x128xf32, #tpu.memory_space<hbm>>
      %dma_start3A_144 = arith.constant 0 : i32
      %dma_start3A_145 = tpu.memref_slice %arg6[%add3A_118, %dma_start3A_144] : memref<10240x128xf32, #tpu.memory_space<vmem_shared>> -> memref<128x128xf32, #tpu.memory_space<vmem_shared>>
      tpu.enqueue_dma source(%dma_start3A_145 : memref<128x128xf32, #tpu.memory_space<vmem_shared>>) target(%dma_start3A_143 : memref<128x128xf32, #tpu.memory_space<hbm>>) target_semaphore(%run_scoped3A : memref<!tpu.dma_semaphore, #tpu.memory_space<semaphore_mem>>)
      %dma_wait3A = arith.constant 0 : i32
      %dma_wait3A_146 = tpu.memref_slice %arg5[%add3A_121, %dma_wait3A] : memref<40960x128xf32, #tpu.memory_space<hbm>> -> memref<128x128xf32, #tpu.memory_space<hbm>>
      %dma_wait3A_147 = arith.constant 0 : i32
      %dma_wait3A_148 = tpu.memref_slice %arg6[%add3A_118, %dma_wait3A_147] : memref<10240x128xf32, #tpu.memory_space<vmem_shared>> -> memref<128x128xf32, #tpu.memory_space<vmem_shared>>
      tpu.wait_dma2 semaphore(%run_scoped3A : memref<!tpu.dma_semaphore, #tpu.memory_space<semaphore_mem>>) src(%dma_wait3A_148 : memref<128x128xf32, #tpu.memory_space<vmem_shared>>) dst(%dma_wait3A_146 : memref<128x128xf32, #tpu.memory_space<hbm>>)
      tpu.yield
    }) : () -> ()
    %mul3A_122 = arith.constant 640 : i32
    %mul3A_123 = arith.muli %arg1, %mul3A_122 : i32
    %add3A_124 = arith.constant 256 : i32
    %add3A_125 = arith.addi %mul3A_123, %add3A_124 : i32
    %mul3A_126 = arith.constant 10240 : i32
    %mul3A_127 = arith.muli %add3A_73, %mul3A_126 : i32
    %add3A_128 = arith.addi %mul3A_127, %add3A_125 : i32
    "tpu.region"() ({
      %run_scoped3A = tpu.sem_alloc : memref<!tpu.dma_semaphore, #tpu.memory_space<semaphore_mem>>
      %dma_start3A = arith.constant 0 : i32
      %dma_start3A_143 = tpu.memref_slice %arg5[%add3A_128, %dma_start3A] : memref<40960x128xf32, #tpu.memory_space<hbm>> -> memref<128x128xf32, #tpu.memory_space<hbm>>
      %dma_start3A_144 = arith.constant 0 : i32
      %dma_start3A_145 = tpu.memref_slice %arg6[%add3A_125, %dma_start3A_144] : memref<10240x128xf32, #tpu.memory_space<vmem_shared>> -> memref<128x128xf32, #tpu.memory_space<vmem_shared>>
      tpu.enqueue_dma source(%dma_start3A_145 : memref<128x128xf32, #tpu.memory_space<vmem_shared>>) target(%dma_start3A_143 : memref<128x128xf32, #tpu.memory_space<hbm>>) target_semaphore(%run_scoped3A : memref<!tpu.dma_semaphore, #tpu.memory_space<semaphore_mem>>)
      %dma_wait3A = arith.constant 0 : i32
      %dma_wait3A_146 = tpu.memref_slice %arg5[%add3A_128, %dma_wait3A] : memref<40960x128xf32, #tpu.memory_space<hbm>> -> memref<128x128xf32, #tpu.memory_space<hbm>>
      %dma_wait3A_147 = arith.constant 0 : i32
      %dma_wait3A_148 = tpu.memref_slice %arg6[%add3A_125, %dma_wait3A_147] : memref<10240x128xf32, #tpu.memory_space<vmem_shared>> -> memref<128x128xf32, #tpu.memory_space<vmem_shared>>
      tpu.wait_dma2 semaphore(%run_scoped3A : memref<!tpu.dma_semaphore, #tpu.memory_space<semaphore_mem>>) src(%dma_wait3A_148 : memref<128x128xf32, #tpu.memory_space<vmem_shared>>) dst(%dma_wait3A_146 : memref<128x128xf32, #tpu.memory_space<hbm>>)
      tpu.yield
    }) : () -> ()
    %mul3A_129 = arith.constant 640 : i32
    %mul3A_130 = arith.muli %arg1, %mul3A_129 : i32
    %add3A_131 = arith.constant 384 : i32
    %add3A_132 = arith.addi %mul3A_130, %add3A_131 : i32
    %mul3A_133 = arith.constant 10240 : i32
    %mul3A_134 = arith.muli %add3A_73, %mul3A_133 : i32
    %add3A_135 = arith.addi %mul3A_134, %add3A_132 : i32
    "tpu.region"() ({
      %run_scoped3A = tpu.sem_alloc : memref<!tpu.dma_semaphore, #tpu.memory_space<semaphore_mem>>
      %dma_start3A = arith.constant 0 : i32
      %dma_start3A_143 = tpu.memref_slice %arg5[%add3A_135, %dma_start3A] : memref<40960x128xf32, #tpu.memory_space<hbm>> -> memref<128x128xf32, #tpu.memory_space<hbm>>
      %dma_start3A_144 = arith.constant 0 : i32
      %dma_start3A_145 = tpu.memref_slice %arg6[%add3A_132, %dma_start3A_144] : memref<10240x128xf32, #tpu.memory_space<vmem_shared>> -> memref<128x128xf32, #tpu.memory_space<vmem_shared>>
      tpu.enqueue_dma source(%dma_start3A_145 : memref<128x128xf32, #tpu.memory_space<vmem_shared>>) target(%dma_start3A_143 : memref<128x128xf32, #tpu.memory_space<hbm>>) target_semaphore(%run_scoped3A : memref<!tpu.dma_semaphore, #tpu.memory_space<semaphore_mem>>)
      %dma_wait3A = arith.constant 0 : i32
      %dma_wait3A_146 = tpu.memref_slice %arg5[%add3A_135, %dma_wait3A] : memref<40960x128xf32, #tpu.memory_space<hbm>> -> memref<128x128xf32, #tpu.memory_space<hbm>>
      %dma_wait3A_147 = arith.constant 0 : i32
      %dma_wait3A_148 = tpu.memref_slice %arg6[%add3A_132, %dma_wait3A_147] : memref<10240x128xf32, #tpu.memory_space<vmem_shared>> -> memref<128x128xf32, #tpu.memory_space<vmem_shared>>
      tpu.wait_dma2 semaphore(%run_scoped3A : memref<!tpu.dma_semaphore, #tpu.memory_space<semaphore_mem>>) src(%dma_wait3A_148 : memref<128x128xf32, #tpu.memory_space<vmem_shared>>) dst(%dma_wait3A_146 : memref<128x128xf32, #tpu.memory_space<hbm>>)
      tpu.yield
    }) : () -> ()
    %mul3A_136 = arith.constant 640 : i32
    %mul3A_137 = arith.muli %arg1, %mul3A_136 : i32
    %add3A_138 = arith.constant 512 : i32
    %add3A_139 = arith.addi %mul3A_137, %add3A_138 : i32
    %mul3A_140 = arith.constant 10240 : i32
    %mul3A_141 = arith.muli %add3A_73, %mul3A_140 : i32
    %add3A_142 = arith.addi %mul3A_141, %add3A_139 : i32
    "tpu.region"() ({
      %run_scoped3A = tpu.sem_alloc : memref<!tpu.dma_semaphore, #tpu.memory_space<semaphore_mem>>
      %dma_start3A = arith.constant 0 : i32
      %dma_start3A_143 = tpu.memref_slice %arg5[%add3A_142, %dma_start3A] : memref<40960x128xf32, #tpu.memory_space<hbm>> -> memref<128x128xf32, #tpu.memory_space<hbm>>
      %dma_start3A_144 = arith.constant 0 : i32
      %dma_start3A_145 = tpu.memref_slice %arg6[%add3A_139, %dma_start3A_144] : memref<10240x128xf32, #tpu.memory_space<vmem_shared>> -> memref<128x128xf32, #tpu.memory_space<vmem_shared>>
      tpu.enqueue_dma source(%dma_start3A_145 : memref<128x128xf32, #tpu.memory_space<vmem_shared>>) target(%dma_start3A_143 : memref<128x128xf32, #tpu.memory_space<hbm>>) target_semaphore(%run_scoped3A : memref<!tpu.dma_semaphore, #tpu.memory_space<semaphore_mem>>)
      %dma_wait3A = arith.constant 0 : i32
      %dma_wait3A_146 = tpu.memref_slice %arg5[%add3A_142, %dma_wait3A] : memref<40960x128xf32, #tpu.memory_space<hbm>> -> memref<128x128xf32, #tpu.memory_space<hbm>>
      %dma_wait3A_147 = arith.constant 0 : i32
      %dma_wait3A_148 = tpu.memref_slice %arg6[%add3A_139, %dma_wait3A_147] : memref<10240x128xf32, #tpu.memory_space<vmem_shared>> -> memref<128x128xf32, #tpu.memory_space<vmem_shared>>
      tpu.wait_dma2 semaphore(%run_scoped3A : memref<!tpu.dma_semaphore, #tpu.memory_space<semaphore_mem>>) src(%dma_wait3A_148 : memref<128x128xf32, #tpu.memory_space<vmem_shared>>) dst(%dma_wait3A_146 : memref<128x128xf32, #tpu.memory_space<hbm>>)
      tpu.yield
    }) : () -> ()
    return
  }
}

#map = affine_map<(d0, d1) -> (0, 0)>
#map1 = affine_map<(d0, d1) -> (0, 0, 0, 0)>
#map2 = affine_map<(d0, d1) -> (0, 0, 0)>
module attributes {stable_mosaic.version = 14 : i64} {
  func.func @seg(%arg0: i32, %arg1: i32, %arg2: memref<40000x128xf32, #tpu.memory_space<hbm>>, %arg3: memref<4x16x80x128xi32, #tpu.memory_space<hbm>>, %arg4: memref<16x80x128xi32, #tpu.memory_space<hbm>>, %arg5: memref<40960x128xf32, #tpu.memory_space<hbm>>, %arg6: memref<10240x128xf32, #tpu.memory_space<vmem_shared>>, %arg7: memref<80x128xi32, #tpu.memory_space<vmem>>, %arg8: memref<80x128xi32, #tpu.memory_space<vmem>>, %arg9: memref<128x128xf32, #tpu.memory_space<vmem>>) attributes {dimension_semantics = [#tpu.dimension_semantics<core_parallel>, #tpu.dimension_semantics<subcore_parallel>], iteration_bounds = array<i64: 2, 16>, scalar_prefetch = 0 : i64, scratch_operands = 4 : i64, tpu.core_type = #tpu.core_type<sc_vector_subcore>, window_params = [{transform_indices = #map}, {transform_indices = #map1}, {transform_indices = #map2}, {transform_indices = #map}]} {
    "tpu.region"() ({
      %run_scoped3A = tpu.sem_alloc : memref<!tpu.dma_semaphore, #tpu.memory_space<semaphore_mem>>
      %dma_start3A = arith.constant 0 : i32
      %dma_start3A_143 = arith.constant 0 : i32
      %dma_start3A_144 = tpu.memref_slice %arg4[%arg1, %dma_start3A, %dma_start3A_143] : memref<16x80x128xi32, #tpu.memory_space<hbm>> -> memref<1x80x128xi32, #tpu.memory_space<hbm>>
      %dma_start3A_145 = tpu.memref_squeeze %dma_start3A_144 : memref<1x80x128xi32, #tpu.memory_space<hbm>> -> memref<80x128xi32, #tpu.memory_space<hbm>>
      %dma_start3A_146 = arith.constant 0 : i32
      %dma_start3A_147 = arith.constant 0 : i32
      %dma_start3A_148 = tpu.memref_slice %arg4[%arg1, %dma_start3A_146, %dma_start3A_147] : memref<16x80x128xi32, #tpu.memory_space<hbm>> -> memref<1x80x128xi32, #tpu.memory_space<hbm>>
      %dma_start3A_149 = tpu.memref_squeeze %dma_start3A_148 : memref<1x80x128xi32, #tpu.memory_space<hbm>> -> memref<80x128xi32, #tpu.memory_space<hbm>>
      tpu.enqueue_dma source(%dma_start3A_149 : memref<80x128xi32, #tpu.memory_space<hbm>>) target(%arg8 : memref<80x128xi32, #tpu.memory_space<vmem>>) target_semaphore(%run_scoped3A : memref<!tpu.dma_semaphore, #tpu.memory_space<semaphore_mem>>)
      %dma_wait3A = arith.constant 0 : i32
      %dma_wait3A_150 = arith.constant 0 : i32
      %dma_wait3A_151 = tpu.memref_slice %arg4[%arg1, %dma_wait3A, %dma_wait3A_150] : memref<16x80x128xi32, #tpu.memory_space<hbm>> -> memref<1x80x128xi32, #tpu.memory_space<hbm>>
      %dma_wait3A_152 = tpu.memref_squeeze %dma_wait3A_151 : memref<1x80x128xi32, #tpu.memory_space<hbm>> -> memref<80x128xi32, #tpu.memory_space<hbm>>
      %dma_wait3A_153 = arith.constant 0 : i32
      %dma_wait3A_154 = arith.constant 0 : i32
      %dma_wait3A_155 = tpu.memref_slice %arg4[%arg1, %dma_wait3A_153, %dma_wait3A_154] : memref<16x80x128xi32, #tpu.memory_space<hbm>> -> memref<1x80x128xi32, #tpu.memory_space<hbm>>
      %dma_wait3A_156 = tpu.memref_squeeze %dma_wait3A_155 : memref<1x80x128xi32, #tpu.memory_space<hbm>> -> memref<80x128xi32, #tpu.memory_space<hbm>>
      tpu.wait_dma2 semaphore(%run_scoped3A : memref<!tpu.dma_semaphore, #tpu.memory_space<semaphore_mem>>) src(%dma_wait3A_156 : memref<80x128xi32, #tpu.memory_space<hbm>>) dst(%arg8 : memref<80x128xi32, #tpu.memory_space<vmem>>)
      tpu.yield
    }) : () -> ()
    %mul3A = arith.constant 2 : i32
    %mul3A_0 = arith.muli %arg0, %mul3A : i32
    %add3A = arith.constant 0 : i32
    %add3A_1 = arith.addi %mul3A_0, %add3A : i32
    %scan3A = arith.constant 0 : i32
    %scan3A_2 = arith.constant 0 : i32
    %scan3A_3 = arith.constant 128 : i32
    %scan3A_4 = arith.addi %scan3A_2, %scan3A_3 : i32
    %scan3A_5 = arith.constant 1 : i32
    scf.for %scan3A_143 = %scan3A_2 to %scan3A_4 step %scan3A_5  : i32 {
      %broadcast_in_dim3A = arith.constant 0.000000e+00 : f32
      %broadcast_in_dim3A_144 = vector.broadcast %broadcast_in_dim3A : f32 to vector<16xf32>
      %swap3A = arith.index_cast %scan3A_143 : i32 to index
      %swap3A_145 = arith.constant 0 : index
      %swap3A_146 = tpu.vector_load %arg9[%swap3A, %swap3A_145] {strides = array<i32>} : memref<128x128xf32, #tpu.memory_space<vmem>>, vector<1x16xf32>,
      %swap3A_147 = vector.shape_cast %swap3A_146 : vector<1x16xf32> to vector<16xf32>
      %swap3A_148 = vector.shape_cast %broadcast_in_dim3A_144 : vector<16xf32> to vector<1x16xf32>
      tpu.vector_store %arg9[%swap3A, %swap3A_145], %swap3A_148 {strides = array<i32>} : memref<128x128xf32, #tpu.memory_space<vmem>>, vector<1x16xf32>,
      %broadcast_in_dim3A_149 = arith.constant 0.000000e+00 : f32
      %broadcast_in_dim3A_150 = vector.broadcast %broadcast_in_dim3A_149 : f32 to vector<16xf32>
      %swap3A_151 = arith.index_cast %scan3A_143 : i32 to index
      %swap3A_152 = arith.constant 16 : index
      %swap3A_153 = tpu.vector_load %arg9[%swap3A_151, %swap3A_152] {strides = array<i32>} : memref<128x128xf32, #tpu.memory_space<vmem>>, vector<1x16xf32>,
      %swap3A_154 = vector.shape_cast %swap3A_153 : vector<1x16xf32> to vector<16xf32>
      %swap3A_155 = vector.shape_cast %broadcast_in_dim3A_150 : vector<16xf32> to vector<1x16xf32>
      tpu.vector_store %arg9[%swap3A_151, %swap3A_152], %swap3A_155 {strides = array<i32>} : memref<128x128xf32, #tpu.memory_space<vmem>>, vector<1x16xf32>,
      %broadcast_in_dim3A_156 = arith.constant 0.000000e+00 : f32
      %broadcast_in_dim3A_157 = vector.broadcast %broadcast_in_dim3A_156 : f32 to vector<16xf32>
      %swap3A_158 = arith.index_cast %scan3A_143 : i32 to index
      %swap3A_159 = arith.constant 32 : index
      %swap3A_160 = tpu.vector_load %arg9[%swap3A_158, %swap3A_159] {strides = array<i32>} : memref<128x128xf32, #tpu.memory_space<vmem>>, vector<1x16xf32>,
      %swap3A_161 = vector.shape_cast %swap3A_160 : vector<1x16xf32> to vector<16xf32>
      %swap3A_162 = vector.shape_cast %broadcast_in_dim3A_157 : vector<16xf32> to vector<1x16xf32>
      tpu.vector_store %arg9[%swap3A_158, %swap3A_159], %swap3A_162 {strides = array<i32>} : memref<128x128xf32, #tpu.memory_space<vmem>>, vector<1x16xf32>,
      %broadcast_in_dim3A_163 = arith.constant 0.000000e+00 : f32
      %broadcast_in_dim3A_164 = vector.broadcast %broadcast_in_dim3A_163 : f32 to vector<16xf32>
      %swap3A_165 = arith.index_cast %scan3A_143 : i32 to index
      %swap3A_166 = arith.constant 48 : index
      %swap3A_167 = tpu.vector_load %arg9[%swap3A_165, %swap3A_166] {strides = array<i32>} : memref<128x128xf32, #tpu.memory_space<vmem>>, vector<1x16xf32>,
      %swap3A_168 = vector.shape_cast %swap3A_167 : vector<1x16xf32> to vector<16xf32>
      %swap3A_169 = vector.shape_cast %broadcast_in_dim3A_164 : vector<16xf32> to vector<1x16xf32>
      tpu.vector_store %arg9[%swap3A_165, %swap3A_166], %swap3A_169 {strides = array<i32>} : memref<128x128xf32, #tpu.memory_space<vmem>>, vector<1x16xf32>,
      %broadcast_in_dim3A_170 = arith.constant 0.000000e+00 : f32
      %broadcast_in_dim3A_171 = vector.broadcast %broadcast_in_dim3A_170 : f32 to vector<16xf32>
      %swap3A_172 = arith.index_cast %scan3A_143 : i32 to index
      %swap3A_173 = arith.constant 64 : index
      %swap3A_174 = tpu.vector_load %arg9[%swap3A_172, %swap3A_173] {strides = array<i32>} : memref<128x128xf32, #tpu.memory_space<vmem>>, vector<1x16xf32>,
      %swap3A_175 = vector.shape_cast %swap3A_174 : vector<1x16xf32> to vector<16xf32>
      %swap3A_176 = vector.shape_cast %broadcast_in_dim3A_171 : vector<16xf32> to vector<1x16xf32>
      tpu.vector_store %arg9[%swap3A_172, %swap3A_173], %swap3A_176 {strides = array<i32>} : memref<128x128xf32, #tpu.memory_space<vmem>>, vector<1x16xf32>,
      %broadcast_in_dim3A_177 = arith.constant 0.000000e+00 : f32
      %broadcast_in_dim3A_178 = vector.broadcast %broadcast_in_dim3A_177 : f32 to vector<16xf32>
      %swap3A_179 = arith.index_cast %scan3A_143 : i32 to index
      %swap3A_180 = arith.constant 80 : index
      %swap3A_181 = tpu.vector_load %arg9[%swap3A_179, %swap3A_180] {strides = array<i32>} : memref<128x128xf32, #tpu.memory_space<vmem>>, vector<1x16xf32>,
      %swap3A_182 = vector.shape_cast %swap3A_181 : vector<1x16xf32> to vector<16xf32>
      %swap3A_183 = vector.shape_cast %broadcast_in_dim3A_178 : vector<16xf32> to vector<1x16xf32>
      tpu.vector_store %arg9[%swap3A_179, %swap3A_180], %swap3A_183 {strides = array<i32>} : memref<128x128xf32, #tpu.memory_space<vmem>>, vector<1x16xf32>,
      %broadcast_in_dim3A_184 = arith.constant 0.000000e+00 : f32
      %broadcast_in_dim3A_185 = vector.broadcast %broadcast_in_dim3A_184 : f32 to vector<16xf32>
      %swap3A_186 = arith.index_cast %scan3A_143 : i32 to index
      %swap3A_187 = arith.constant 96 : index
      %swap3A_188 = tpu.vector_load %arg9[%swap3A_186, %swap3A_187] {strides = array<i32>} : memref<128x128xf32, #tpu.memory_space<vmem>>, vector<1x16xf32>,
      %swap3A_189 = vector.shape_cast %swap3A_188 : vector<1x16xf32> to vector<16xf32>
      %swap3A_190 = vector.shape_cast %broadcast_in_dim3A_185 : vector<16xf32> to vector<1x16xf32>
      tpu.vector_store %arg9[%swap3A_186, %swap3A_187], %swap3A_190 {strides = array<i32>} : memref<128x128xf32, #tpu.memory_space<vmem>>, vector<1x16xf32>,
      %broadcast_in_dim3A_191 = arith.constant 0.000000e+00 : f32
      %broadcast_in_dim3A_192 = vector.broadcast %broadcast_in_dim3A_191 : f32 to vector<16xf32>
      %swap3A_193 = arith.index_cast %scan3A_143 : i32 to index
      %swap3A_194 = arith.constant 112 : index
      %swap3A_195 = tpu.vector_load %arg9[%swap3A_193, %swap3A_194] {strides = array<i32>} : memref<128x128xf32, #tpu.memory_space<vmem>>, vector<1x16xf32>,
      %swap3A_196 = vector.shape_cast %swap3A_195 : vector<1x16xf32> to vector<16xf32>
      %swap3A_197 = vector.shape_cast %broadcast_in_dim3A_192 : vector<16xf32> to vector<1x16xf32>
      tpu.vector_store %arg9[%swap3A_193, %swap3A_194], %swap3A_197 {strides = array<i32>} : memref<128x128xf32, #tpu.memory_space<vmem>>, vector<1x16xf32>,
    }
    %scan3A_6 = arith.constant 128 : i32
    %mul3A_7 = arith.constant 640 : i32
    %mul3A_8 = arith.muli %arg1, %mul3A_7 : i32
    %add3A_9 = arith.constant 0 : i32
    %add3A_10 = arith.addi %mul3A_8, %add3A_9 : i32
    "tpu.region"() ({
      %run_scoped3A = tpu.sem_alloc : memref<!tpu.dma_semaphore, #tpu.memory_space<semaphore_mem>>
      %dma_start3A = arith.constant 0 : i32
      %dma_start3A_143 = tpu.memref_slice %arg6[%add3A_10, %dma_start3A] : memref<10240x128xf32, #tpu.memory_space<vmem_shared>> -> memref<128x128xf32, #tpu.memory_space<vmem_shared>>
      %dma_start3A_144 = arith.constant 0 : i32
      %dma_start3A_145 = tpu.memref_slice %arg6[%add3A_10, %dma_start3A_144] : memref<10240x128xf32, #tpu.memory_space<vmem_shared>> -> memref<128x128xf32, #tpu.memory_space<vmem_shared>>
      tpu.enqueue_dma source(%arg9 : memref<128x128xf32, #tpu.memory_space<vmem>>) target(%dma_start3A_145 : memref<128x128xf32, #tpu.memory_space<vmem_shared>>) target_semaphore(%run_scoped3A : memref<!tpu.dma_semaphore, #tpu.memory_space<semaphore_mem>>)
      %dma_wait3A = arith.constant 0 : i32
      %dma_wait3A_146 = tpu.memref_slice %arg6[%add3A_10, %dma_wait3A] : memref<10240x128xf32, #tpu.memory_space<vmem_shared>> -> memref<128x128xf32, #tpu.memory_space<vmem_shared>>
      %dma_wait3A_147 = arith.constant 0 : i32
      %dma_wait3A_148 = tpu.memref_slice %arg6[%add3A_10, %dma_wait3A_147] : memref<10240x128xf32, #tpu.memory_space<vmem_shared>> -> memref<128x128xf32, #tpu.memory_space<vmem_shared>>
      tpu.wait_dma2 semaphore(%run_scoped3A : memref<!tpu.dma_semaphore, #tpu.memory_space<semaphore_mem>>) src(%arg9 : memref<128x128xf32, #tpu.memory_space<vmem>>) dst(%dma_wait3A_148 : memref<128x128xf32, #tpu.memory_space<vmem_shared>>)
      tpu.yield
    }) : () -> ()
    %mul3A_11 = arith.constant 640 : i32
    %mul3A_12 = arith.muli %arg1, %mul3A_11 : i32
    %add3A_13 = arith.constant 128 : i32
    %add3A_14 = arith.addi %mul3A_12, %add3A_13 : i32
    "tpu.region"() ({
      %run_scoped3A = tpu.sem_alloc : memref<!tpu.dma_semaphore, #tpu.memory_space<semaphore_mem>>
      %dma_start3A = arith.constant 0 : i32
      %dma_start3A_143 = tpu.memref_slice %arg6[%add3A_14, %dma_start3A] : memref<10240x128xf32, #tpu.memory_space<vmem_shared>> -> memref<128x128xf32, #tpu.memory_space<vmem_shared>>
      %dma_start3A_144 = arith.constant 0 : i32
      %dma_start3A_145 = tpu.memref_slice %arg6[%add3A_14, %dma_start3A_144] : memref<10240x128xf32, #tpu.memory_space<vmem_shared>> -> memref<128x128xf32, #tpu.memory_space<vmem_shared>>
      tpu.enqueue_dma source(%arg9 : memref<128x128xf32, #tpu.memory_space<vmem>>) target(%dma_start3A_145 : memref<128x128xf32, #tpu.memory_space<vmem_shared>>) target_semaphore(%run_scoped3A : memref<!tpu.dma_semaphore, #tpu.memory_space<semaphore_mem>>)
      %dma_wait3A = arith.constant 0 : i32
      %dma_wait3A_146 = tpu.memref_slice %arg6[%add3A_14, %dma_wait3A] : memref<10240x128xf32, #tpu.memory_space<vmem_shared>> -> memref<128x128xf32, #tpu.memory_space<vmem_shared>>
      %dma_wait3A_147 = arith.constant 0 : i32
      %dma_wait3A_148 = tpu.memref_slice %arg6[%add3A_14, %dma_wait3A_147] : memref<10240x128xf32, #tpu.memory_space<vmem_shared>> -> memref<128x128xf32, #tpu.memory_space<vmem_shared>>
      tpu.wait_dma2 semaphore(%run_scoped3A : memref<!tpu.dma_semaphore, #tpu.memory_space<semaphore_mem>>) src(%arg9 : memref<128x128xf32, #tpu.memory_space<vmem>>) dst(%dma_wait3A_148 : memref<128x128xf32, #tpu.memory_space<vmem_shared>>)
      tpu.yield
    }) : () -> ()
    %mul3A_15 = arith.constant 640 : i32
    %mul3A_16 = arith.muli %arg1, %mul3A_15 : i32
    %add3A_17 = arith.constant 256 : i32
    %add3A_18 = arith.addi %mul3A_16, %add3A_17 : i32
    "tpu.region"() ({
      %run_scoped3A = tpu.sem_alloc : memref<!tpu.dma_semaphore, #tpu.memory_space<semaphore_mem>>
      %dma_start3A = arith.constant 0 : i32
      %dma_start3A_143 = tpu.memref_slice %arg6[%add3A_18, %dma_start3A] : memref<10240x128xf32, #tpu.memory_space<vmem_shared>> -> memref<128x128xf32, #tpu.memory_space<vmem_shared>>
      %dma_start3A_144 = arith.constant 0 : i32
      %dma_start3A_145 = tpu.memref_slice %arg6[%add3A_18, %dma_start3A_144] : memref<10240x128xf32, #tpu.memory_space<vmem_shared>> -> memref<128x128xf32, #tpu.memory_space<vmem_shared>>
      tpu.enqueue_dma source(%arg9 : memref<128x128xf32, #tpu.memory_space<vmem>>) target(%dma_start3A_145 : memref<128x128xf32, #tpu.memory_space<vmem_shared>>) target_semaphore(%run_scoped3A : memref<!tpu.dma_semaphore, #tpu.memory_space<semaphore_mem>>)
      %dma_wait3A = arith.constant 0 : i32
      %dma_wait3A_146 = tpu.memref_slice %arg6[%add3A_18, %dma_wait3A] : memref<10240x128xf32, #tpu.memory_space<vmem_shared>> -> memref<128x128xf32, #tpu.memory_space<vmem_shared>>
      %dma_wait3A_147 = arith.constant 0 : i32
      %dma_wait3A_148 = tpu.memref_slice %arg6[%add3A_18, %dma_wait3A_147] : memref<10240x128xf32, #tpu.memory_space<vmem_shared>> -> memref<128x128xf32, #tpu.memory_space<vmem_shared>>
      tpu.wait_dma2 semaphore(%run_scoped3A : memref<!tpu.dma_semaphore, #tpu.memory_space<semaphore_mem>>) src(%arg9 : memref<128x128xf32, #tpu.memory_space<vmem>>) dst(%dma_wait3A_148 : memref<128x128xf32, #tpu.memory_space<vmem_shared>>)
      tpu.yield
    }) : () -> ()
    %mul3A_19 = arith.constant 640 : i32
    %mul3A_20 = arith.muli %arg1, %mul3A_19 : i32
    %add3A_21 = arith.constant 384 : i32
    %add3A_22 = arith.addi %mul3A_20, %add3A_21 : i32
    "tpu.region"() ({
      %run_scoped3A = tpu.sem_alloc : memref<!tpu.dma_semaphore, #tpu.memory_space<semaphore_mem>>
      %dma_start3A = arith.constant 0 : i32
      %dma_start3A_143 = tpu.memref_slice %arg6[%add3A_22, %dma_start3A] : memref<10240x128xf32, #tpu.memory_space<vmem_shared>> -> memref<128x128xf32, #tpu.memory_space<vmem_shared>>
      %dma_start3A_144 = arith.constant 0 : i32
      %dma_start3A_145 = tpu.memref_slice %arg6[%add3A_22, %dma_start3A_144] : memref<10240x128xf32, #tpu.memory_space<vmem_shared>> -> memref<128x128xf32, #tpu.memory_space<vmem_shared>>
      tpu.enqueue_dma source(%arg9 : memref<128x128xf32, #tpu.memory_space<vmem>>) target(%dma_start3A_145 : memref<128x128xf32, #tpu.memory_space<vmem_shared>>) target_semaphore(%run_scoped3A : memref<!tpu.dma_semaphore, #tpu.memory_space<semaphore_mem>>)
      %dma_wait3A = arith.constant 0 : i32
      %dma_wait3A_146 = tpu.memref_slice %arg6[%add3A_22, %dma_wait3A] : memref<10240x128xf32, #tpu.memory_space<vmem_shared>> -> memref<128x128xf32, #tpu.memory_space<vmem_shared>>
      %dma_wait3A_147 = arith.constant 0 : i32
      %dma_wait3A_148 = tpu.memref_slice %arg6[%add3A_22, %dma_wait3A_147] : memref<10240x128xf32, #tpu.memory_space<vmem_shared>> -> memref<128x128xf32, #tpu.memory_space<vmem_shared>>
      tpu.wait_dma2 semaphore(%run_scoped3A : memref<!tpu.dma_semaphore, #tpu.memory_space<semaphore_mem>>) src(%arg9 : memref<128x128xf32, #tpu.memory_space<vmem>>) dst(%dma_wait3A_148 : memref<128x128xf32, #tpu.memory_space<vmem_shared>>)
      tpu.yield
    }) : () -> ()
    %mul3A_23 = arith.constant 640 : i32
    %mul3A_24 = arith.muli %arg1, %mul3A_23 : i32
    %add3A_25 = arith.constant 512 : i32
    %add3A_26 = arith.addi %mul3A_24, %add3A_25 : i32
    "tpu.region"() ({
      %run_scoped3A = tpu.sem_alloc : memref<!tpu.dma_semaphore, #tpu.memory_space<semaphore_mem>>
      %dma_start3A = arith.constant 0 : i32
      %dma_start3A_143 = tpu.memref_slice %arg6[%add3A_26, %dma_start3A] : memref<10240x128xf32, #tpu.memory_space<vmem_shared>> -> memref<128x128xf32, #tpu.memory_space<vmem_shared>>
      %dma_start3A_144 = arith.constant 0 : i32
      %dma_start3A_145 = tpu.memref_slice %arg6[%add3A_26, %dma_start3A_144] : memref<10240x128xf32, #tpu.memory_space<vmem_shared>> -> memref<128x128xf32, #tpu.memory_space<vmem_shared>>
      tpu.enqueue_dma source(%arg9 : memref<128x128xf32, #tpu.memory_space<vmem>>) target(%dma_start3A_145 : memref<128x128xf32, #tpu.memory_space<vmem_shared>>) target_semaphore(%run_scoped3A : memref<!tpu.dma_semaphore, #tpu.memory_space<semaphore_mem>>)
      %dma_wait3A = arith.constant 0 : i32
      %dma_wait3A_146 = tpu.memref_slice %arg6[%add3A_26, %dma_wait3A] : memref<10240x128xf32, #tpu.memory_space<vmem_shared>> -> memref<128x128xf32, #tpu.memory_space<vmem_shared>>
      %dma_wait3A_147 = arith.constant 0 : i32
      %dma_wait3A_148 = tpu.memref_slice %arg6[%add3A_26, %dma_wait3A_147] : memref<10240x128xf32, #tpu.memory_space<vmem_shared>> -> memref<128x128xf32, #tpu.memory_space<vmem_shared>>
      tpu.wait_dma2 semaphore(%run_scoped3A : memref<!tpu.dma_semaphore, #tpu.memory_space<semaphore_mem>>) src(%arg9 : memref<128x128xf32, #tpu.memory_space<vmem>>) dst(%dma_wait3A_148 : memref<128x128xf32, #tpu.memory_space<vmem_shared>>)
      tpu.yield
    }) : () -> ()
    "tpu.region"() ({
      %run_scoped3A = tpu.sem_alloc : memref<!tpu.dma_semaphore, #tpu.memory_space<semaphore_mem>>
      %dma_start3A = arith.constant 0 : i32
      %dma_start3A_143 = arith.constant 0 : i32
      %dma_start3A_144 = tpu.memref_slice %arg3[%add3A_1, %arg1, %dma_start3A, %dma_start3A_143] : memref<4x16x80x128xi32, #tpu.memory_space<hbm>> -> memref<1x1x80x128xi32, #tpu.memory_space<hbm>>
      %dma_start3A_145 = tpu.memref_squeeze %dma_start3A_144 : memref<1x1x80x128xi32, #tpu.memory_space<hbm>> -> memref<80x128xi32, #tpu.memory_space<hbm>>
      %dma_start3A_146 = arith.constant 0 : i32
      %dma_start3A_147 = arith.constant 0 : i32
      %dma_start3A_148 = tpu.memref_slice %arg3[%add3A_1, %arg1, %dma_start3A_146, %dma_start3A_147] : memref<4x16x80x128xi32, #tpu.memory_space<hbm>> -> memref<1x1x80x128xi32, #tpu.memory_space<hbm>>
      %dma_start3A_149 = tpu.memref_squeeze %dma_start3A_148 : memref<1x1x80x128xi32, #tpu.memory_space<hbm>> -> memref<80x128xi32, #tpu.memory_space<hbm>>
      tpu.enqueue_dma source(%dma_start3A_149 : memref<80x128xi32, #tpu.memory_space<hbm>>) target(%arg7 : memref<80x128xi32, #tpu.memory_space<vmem>>) target_semaphore(%run_scoped3A : memref<!tpu.dma_semaphore, #tpu.memory_space<semaphore_mem>>)
      %dma_wait3A = arith.constant 0 : i32
      %dma_wait3A_150 = arith.constant 0 : i32
      %dma_wait3A_151 = tpu.memref_slice %arg3[%add3A_1, %arg1, %dma_wait3A, %dma_wait3A_150] : memref<4x16x80x128xi32, #tpu.memory_space<hbm>> -> memref<1x1x80x128xi32, #tpu.memory_space<hbm>>
      %dma_wait3A_152 = tpu.memref_squeeze %dma_wait3A_151 : memref<1x1x80x128xi32, #tpu.memory_space<hbm>> -> memref<80x128xi32, #tpu.memory_space<hbm>>
      %dma_wait3A_153 = arith.constant 0 : i32
      %dma_wait3A_154 = arith.constant 0 : i32
      %dma_wait3A_155 = tpu.memref_slice %arg3[%add3A_1, %arg1, %dma_wait3A_153, %dma_wait3A_154] : memref<4x16x80x128xi32, #tpu.memory_space<hbm>> -> memref<1x1x80x128xi32, #tpu.memory_space<hbm>>
      %dma_wait3A_156 = tpu.memref_squeeze %dma_wait3A_155 : memref<1x1x80x128xi32, #tpu.memory_space<hbm>> -> memref<80x128xi32, #tpu.memory_space<hbm>>
      tpu.wait_dma2 semaphore(%run_scoped3A : memref<!tpu.dma_semaphore, #tpu.memory_space<semaphore_mem>>) src(%dma_wait3A_156 : memref<80x128xi32, #tpu.memory_space<hbm>>) dst(%arg7 : memref<80x128xi32, #tpu.memory_space<vmem>>)
      tpu.yield
    }) : () -> ()
    %barrier3A = arith.constant 0 : index
    tpu.barrier barrier_id(%barrier3A)
    %scan3A_27 = arith.constant 0 : i32
    %scan3A_28 = arith.constant 0 : i32
    %scan3A_29 = arith.constant 80 : i32
    %scan3A_30 = arith.addi %scan3A_28, %scan3A_29 : i32
    %scan3A_31 = arith.constant 1 : i32
    scf.for %scan3A_143 = %scan3A_28 to %scan3A_30 step %scan3A_31  : i32 {
      "tpu.region"() ({
        %run_scoped3A = tpu.sem_alloc : memref<!tpu.dma_semaphore, #tpu.memory_space<semaphore_mem>>
        %dma_start3A = arith.constant 0 : i32
        %dma_start3A_144 = tpu.memref_slice %arg7[%scan3A_143, %dma_start3A] : memref<80x128xi32, #tpu.memory_space<vmem>> -> memref<1x128xi32, #tpu.memory_space<vmem>>
        %dma_start3A_145 = tpu.memref_squeeze %dma_start3A_144 : memref<1x128xi32, #tpu.memory_space<vmem>> -> memref<128xi32, #tpu.memory_space<vmem>>
        %dma_start3A_146 = arith.constant 0 : i32
        %dma_start3A_147 = arith.constant 0 : i32
        %dma_start3A_148 = tpu.memref_slice %arg2[%dma_start3A_146, %dma_start3A_147] : memref<40000x128xf32, #tpu.memory_space<hbm>> -> memref<40000x128xf32, #tpu.memory_space<hbm>>
        tpu.enqueue_indirect_dma source(%dma_start3A_148 : memref<40000x128xf32, #tpu.memory_space<hbm>>) target(%arg9 : memref<128x128xf32, #tpu.memory_space<vmem>>) offsets(%dma_start3A_145 : memref<128xi32, #tpu.memory_space<vmem>>) semaphore(%run_scoped3A : memref<!tpu.dma_semaphore, #tpu.memory_space<semaphore_mem>>)
        %dma_wait3A = arith.constant 0 : i32
        %dma_wait3A_149 = tpu.memref_slice %arg7[%scan3A_143, %dma_wait3A] : memref<80x128xi32, #tpu.memory_space<vmem>> -> memref<1x128xi32, #tpu.memory_space<vmem>>
        %dma_wait3A_150 = tpu.memref_squeeze %dma_wait3A_149 : memref<1x128xi32, #tpu.memory_space<vmem>> -> memref<128xi32, #tpu.memory_space<vmem>>
        %dma_wait3A_151 = arith.constant 0 : i32
        %dma_wait3A_152 = arith.constant 0 : i32
        %dma_wait3A_153 = tpu.memref_slice %arg2[%dma_wait3A_151, %dma_wait3A_152] : memref<40000x128xf32, #tpu.memory_space<hbm>> -> memref<40000x128xf32, #tpu.memory_space<hbm>>
        tpu.wait_indirect_dma semaphore(%run_scoped3A : memref<!tpu.dma_semaphore, #tpu.memory_space<semaphore_mem>>) src(%dma_wait3A_153 : memref<40000x128xf32, #tpu.memory_space<hbm>>) dst(%arg9 : memref<128x128xf32, #tpu.memory_space<vmem>>)
        tpu.yield
      }) : () -> ()
      "tpu.region"() ({
        %run_scoped3A = tpu.sem_alloc : memref<!tpu.dma_semaphore, #tpu.memory_space<semaphore_mem>>
        %dma_start3A = arith.constant 0 : i32
        %dma_start3A_144 = tpu.memref_slice %arg8[%scan3A_143, %dma_start3A] : memref<80x128xi32, #tpu.memory_space<vmem>> -> memref<1x128xi32, #tpu.memory_space<vmem>>
        %dma_start3A_145 = tpu.memref_squeeze %dma_start3A_144 : memref<1x128xi32, #tpu.memory_space<vmem>> -> memref<128xi32, #tpu.memory_space<vmem>>
        %dma_start3A_146 = arith.constant 0 : i32
        %dma_start3A_147 = arith.constant 0 : i32
        %dma_start3A_148 = tpu.memref_slice %arg6[%dma_start3A_146, %dma_start3A_147] : memref<10240x128xf32, #tpu.memory_space<vmem_shared>> -> memref<10240x128xf32, #tpu.memory_space<vmem_shared>>
        tpu.enqueue_indirect_dma source(%arg9 : memref<128x128xf32, #tpu.memory_space<vmem>>) target(%dma_start3A_148 : memref<10240x128xf32, #tpu.memory_space<vmem_shared>>) offsets(%dma_start3A_145 : memref<128xi32, #tpu.memory_space<vmem>>) semaphore(%run_scoped3A : memref<!tpu.dma_semaphore, #tpu.memory_space<semaphore_mem>>) {add = true}
        %dma_wait3A = arith.constant 0 : i32
        %dma_wait3A_149 = tpu.memref_slice %arg8[%scan3A_143, %dma_wait3A] : memref<80x128xi32, #tpu.memory_space<vmem>> -> memref<1x128xi32, #tpu.memory_space<vmem>>
        %dma_wait3A_150 = tpu.memref_squeeze %dma_wait3A_149 : memref<1x128xi32, #tpu.memory_space<vmem>> -> memref<128xi32, #tpu.memory_space<vmem>>
        %dma_wait3A_151 = arith.constant 0 : i32
        %dma_wait3A_152 = arith.constant 0 : i32
        %dma_wait3A_153 = tpu.memref_slice %arg6[%dma_wait3A_151, %dma_wait3A_152] : memref<10240x128xf32, #tpu.memory_space<vmem_shared>> -> memref<10240x128xf32, #tpu.memory_space<vmem_shared>>
        tpu.wait_indirect_dma semaphore(%run_scoped3A : memref<!tpu.dma_semaphore, #tpu.memory_space<semaphore_mem>>) src(%arg9 : memref<128x128xf32, #tpu.memory_space<vmem>>) dst(%dma_wait3A_153 : memref<10240x128xf32, #tpu.memory_space<vmem_shared>>)
        tpu.yield
      }) : () -> ()
    }
    %scan3A_32 = arith.constant 80 : i32
    %barrier3A_33 = arith.constant 0 : index
    tpu.barrier barrier_id(%barrier3A_33)
    %mul3A_34 = arith.constant 640 : i32
    %mul3A_35 = arith.muli %arg1, %mul3A_34 : i32
    %add3A_36 = arith.constant 0 : i32
    %add3A_37 = arith.addi %mul3A_35, %add3A_36 : i32
    %mul3A_38 = arith.constant 10240 : i32
    %mul3A_39 = arith.muli %add3A_1, %mul3A_38 : i32
    %add3A_40 = arith.addi %mul3A_39, %add3A_37 : i32
    "tpu.region"() ({
      %run_scoped3A = tpu.sem_alloc : memref<!tpu.dma_semaphore, #tpu.memory_space<semaphore_mem>>
      %dma_start3A = arith.constant 0 : i32
      %dma_start3A_143 = tpu.memref_slice %arg5[%add3A_40, %dma_start3A] : memref<40960x128xf32, #tpu.memory_space<hbm>> -> memref<128x128xf32, #tpu.memory_space<hbm>>
      %dma_start3A_144 = arith.constant 0 : i32
      %dma_start3A_145 = tpu.memref_slice %arg6[%add3A_37, %dma_start3A_144] : memref<10240x128xf32, #tpu.memory_space<vmem_shared>> -> memref<128x128xf32, #tpu.memory_space<vmem_shared>>
      tpu.enqueue_dma source(%dma_start3A_145 : memref<128x128xf32, #tpu.memory_space<vmem_shared>>) target(%dma_start3A_143 : memref<128x128xf32, #tpu.memory_space<hbm>>) target_semaphore(%run_scoped3A : memref<!tpu.dma_semaphore, #tpu.memory_space<semaphore_mem>>)
      %dma_wait3A = arith.constant 0 : i32
      %dma_wait3A_146 = tpu.memref_slice %arg5[%add3A_40, %dma_wait3A] : memref<40960x128xf32, #tpu.memory_space<hbm>> -> memref<128x128xf32, #tpu.memory_space<hbm>>
      %dma_wait3A_147 = arith.constant 0 : i32
      %dma_wait3A_148 = tpu.memref_slice %arg6[%add3A_37, %dma_wait3A_147] : memref<10240x128xf32, #tpu.memory_space<vmem_shared>> -> memref<128x128xf32, #tpu.memory_space<vmem_shared>>
      tpu.wait_dma2 semaphore(%run_scoped3A : memref<!tpu.dma_semaphore, #tpu.memory_space<semaphore_mem>>) src(%dma_wait3A_148 : memref<128x128xf32, #tpu.memory_space<vmem_shared>>) dst(%dma_wait3A_146 : memref<128x128xf32, #tpu.memory_space<hbm>>)
      tpu.yield
    }) : () -> ()
    %mul3A_41 = arith.constant 640 : i32
    %mul3A_42 = arith.muli %arg1, %mul3A_41 : i32
    %add3A_43 = arith.constant 128 : i32
    %add3A_44 = arith.addi %mul3A_42, %add3A_43 : i32
    %mul3A_45 = arith.constant 10240 : i32
    %mul3A_46 = arith.muli %add3A_1, %mul3A_45 : i32
    %add3A_47 = arith.addi %mul3A_46, %add3A_44 : i32
    "tpu.region"() ({
      %run_scoped3A = tpu.sem_alloc : memref<!tpu.dma_semaphore, #tpu.memory_space<semaphore_mem>>
      %dma_start3A = arith.constant 0 : i32
      %dma_start3A_143 = tpu.memref_slice %arg5[%add3A_47, %dma_start3A] : memref<40960x128xf32, #tpu.memory_space<hbm>> -> memref<128x128xf32, #tpu.memory_space<hbm>>
      %dma_start3A_144 = arith.constant 0 : i32
      %dma_start3A_145 = tpu.memref_slice %arg6[%add3A_44, %dma_start3A_144] : memref<10240x128xf32, #tpu.memory_space<vmem_shared>> -> memref<128x128xf32, #tpu.memory_space<vmem_shared>>
      tpu.enqueue_dma source(%dma_start3A_145 : memref<128x128xf32, #tpu.memory_space<vmem_shared>>) target(%dma_start3A_143 : memref<128x128xf32, #tpu.memory_space<hbm>>) target_semaphore(%run_scoped3A : memref<!tpu.dma_semaphore, #tpu.memory_space<semaphore_mem>>)
      %dma_wait3A = arith.constant 0 : i32
      %dma_wait3A_146 = tpu.memref_slice %arg5[%add3A_47, %dma_wait3A] : memref<40960x128xf32, #tpu.memory_space<hbm>> -> memref<128x128xf32, #tpu.memory_space<hbm>>
      %dma_wait3A_147 = arith.constant 0 : i32
      %dma_wait3A_148 = tpu.memref_slice %arg6[%add3A_44, %dma_wait3A_147] : memref<10240x128xf32, #tpu.memory_space<vmem_shared>> -> memref<128x128xf32, #tpu.memory_space<vmem_shared>>
      tpu.wait_dma2 semaphore(%run_scoped3A : memref<!tpu.dma_semaphore, #tpu.memory_space<semaphore_mem>>) src(%dma_wait3A_148 : memref<128x128xf32, #tpu.memory_space<vmem_shared>>) dst(%dma_wait3A_146 : memref<128x128xf32, #tpu.memory_space<hbm>>)
      tpu.yield
    }) : () -> ()
    %mul3A_48 = arith.constant 640 : i32
    %mul3A_49 = arith.muli %arg1, %mul3A_48 : i32
    %add3A_50 = arith.constant 256 : i32
    %add3A_51 = arith.addi %mul3A_49, %add3A_50 : i32
    %mul3A_52 = arith.constant 10240 : i32
    %mul3A_53 = arith.muli %add3A_1, %mul3A_52 : i32
    %add3A_54 = arith.addi %mul3A_53, %add3A_51 : i32
    "tpu.region"() ({
      %run_scoped3A = tpu.sem_alloc : memref<!tpu.dma_semaphore, #tpu.memory_space<semaphore_mem>>
      %dma_start3A = arith.constant 0 : i32
      %dma_start3A_143 = tpu.memref_slice %arg5[%add3A_54, %dma_start3A] : memref<40960x128xf32, #tpu.memory_space<hbm>> -> memref<128x128xf32, #tpu.memory_space<hbm>>
      %dma_start3A_144 = arith.constant 0 : i32
      %dma_start3A_145 = tpu.memref_slice %arg6[%add3A_51, %dma_start3A_144] : memref<10240x128xf32, #tpu.memory_space<vmem_shared>> -> memref<128x128xf32, #tpu.memory_space<vmem_shared>>
      tpu.enqueue_dma source(%dma_start3A_145 : memref<128x128xf32, #tpu.memory_space<vmem_shared>>) target(%dma_start3A_143 : memref<128x128xf32, #tpu.memory_space<hbm>>) target_semaphore(%run_scoped3A : memref<!tpu.dma_semaphore, #tpu.memory_space<semaphore_mem>>)
      %dma_wait3A = arith.constant 0 : i32
      %dma_wait3A_146 = tpu.memref_slice %arg5[%add3A_54, %dma_wait3A] : memref<40960x128xf32, #tpu.memory_space<hbm>> -> memref<128x128xf32, #tpu.memory_space<hbm>>
      %dma_wait3A_147 = arith.constant 0 : i32
      %dma_wait3A_148 = tpu.memref_slice %arg6[%add3A_51, %dma_wait3A_147] : memref<10240x128xf32, #tpu.memory_space<vmem_shared>> -> memref<128x128xf32, #tpu.memory_space<vmem_shared>>
      tpu.wait_dma2 semaphore(%run_scoped3A : memref<!tpu.dma_semaphore, #tpu.memory_space<semaphore_mem>>) src(%dma_wait3A_148 : memref<128x128xf32, #tpu.memory_space<vmem_shared>>) dst(%dma_wait3A_146 : memref<128x128xf32, #tpu.memory_space<hbm>>)
      tpu.yield
    }) : () -> ()
    %mul3A_55 = arith.constant 640 : i32
    %mul3A_56 = arith.muli %arg1, %mul3A_55 : i32
    %add3A_57 = arith.constant 384 : i32
    %add3A_58 = arith.addi %mul3A_56, %add3A_57 : i32
    %mul3A_59 = arith.constant 10240 : i32
    %mul3A_60 = arith.muli %add3A_1, %mul3A_59 : i32
    %add3A_61 = arith.addi %mul3A_60, %add3A_58 : i32
    "tpu.region"() ({
      %run_scoped3A = tpu.sem_alloc : memref<!tpu.dma_semaphore, #tpu.memory_space<semaphore_mem>>
      %dma_start3A = arith.constant 0 : i32
      %dma_start3A_143 = tpu.memref_slice %arg5[%add3A_61, %dma_start3A] : memref<40960x128xf32, #tpu.memory_space<hbm>> -> memref<128x128xf32, #tpu.memory_space<hbm>>
      %dma_start3A_144 = arith.constant 0 : i32
      %dma_start3A_145 = tpu.memref_slice %arg6[%add3A_58, %dma_start3A_144] : memref<10240x128xf32, #tpu.memory_space<vmem_shared>> -> memref<128x128xf32, #tpu.memory_space<vmem_shared>>
      tpu.enqueue_dma source(%dma_start3A_145 : memref<128x128xf32, #tpu.memory_space<vmem_shared>>) target(%dma_start3A_143 : memref<128x128xf32, #tpu.memory_space<hbm>>) target_semaphore(%run_scoped3A : memref<!tpu.dma_semaphore, #tpu.memory_space<semaphore_mem>>)
      %dma_wait3A = arith.constant 0 : i32
      %dma_wait3A_146 = tpu.memref_slice %arg5[%add3A_61, %dma_wait3A] : memref<40960x128xf32, #tpu.memory_space<hbm>> -> memref<128x128xf32, #tpu.memory_space<hbm>>
      %dma_wait3A_147 = arith.constant 0 : i32
      %dma_wait3A_148 = tpu.memref_slice %arg6[%add3A_58, %dma_wait3A_147] : memref<10240x128xf32, #tpu.memory_space<vmem_shared>> -> memref<128x128xf32, #tpu.memory_space<vmem_shared>>
      tpu.wait_dma2 semaphore(%run_scoped3A : memref<!tpu.dma_semaphore, #tpu.memory_space<semaphore_mem>>) src(%dma_wait3A_148 : memref<128x128xf32, #tpu.memory_space<vmem_shared>>) dst(%dma_wait3A_146 : memref<128x128xf32, #tpu.memory_space<hbm>>)
      tpu.yield
    }) : () -> ()
    %mul3A_62 = arith.constant 640 : i32
    %mul3A_63 = arith.muli %arg1, %mul3A_62 : i32
    %add3A_64 = arith.constant 512 : i32
    %add3A_65 = arith.addi %mul3A_63, %add3A_64 : i32
    %mul3A_66 = arith.constant 10240 : i32
    %mul3A_67 = arith.muli %add3A_1, %mul3A_66 : i32
    %add3A_68 = arith.addi %mul3A_67, %add3A_65 : i32
    "tpu.region"() ({
      %run_scoped3A = tpu.sem_alloc : memref<!tpu.dma_semaphore, #tpu.memory_space<semaphore_mem>>
      %dma_start3A = arith.constant 0 : i32
      %dma_start3A_143 = tpu.memref_slice %arg5[%add3A_68, %dma_start3A] : memref<40960x128xf32, #tpu.memory_space<hbm>> -> memref<128x128xf32, #tpu.memory_space<hbm>>
      %dma_start3A_144 = arith.constant 0 : i32
      %dma_start3A_145 = tpu.memref_slice %arg6[%add3A_65, %dma_start3A_144] : memref<10240x128xf32, #tpu.memory_space<vmem_shared>> -> memref<128x128xf32, #tpu.memory_space<vmem_shared>>
      tpu.enqueue_dma source(%dma_start3A_145 : memref<128x128xf32, #tpu.memory_space<vmem_shared>>) target(%dma_start3A_143 : memref<128x128xf32, #tpu.memory_space<hbm>>) target_semaphore(%run_scoped3A : memref<!tpu.dma_semaphore, #tpu.memory_space<semaphore_mem>>)
      %dma_wait3A = arith.constant 0 : i32
      %dma_wait3A_146 = tpu.memref_slice %arg5[%add3A_68, %dma_wait3A] : memref<40960x128xf32, #tpu.memory_space<hbm>> -> memref<128x128xf32, #tpu.memory_space<hbm>>
      %dma_wait3A_147 = arith.constant 0 : i32
      %dma_wait3A_148 = tpu.memref_slice %arg6[%add3A_65, %dma_wait3A_147] : memref<10240x128xf32, #tpu.memory_space<vmem_shared>> -> memref<128x128xf32, #tpu.memory_space<vmem_shared>>
      tpu.wait_dma2 semaphore(%run_scoped3A : memref<!tpu.dma_semaphore, #tpu.memory_space<semaphore_mem>>) src(%dma_wait3A_148 : memref<128x128xf32, #tpu.memory_space<vmem_shared>>) dst(%dma_wait3A_146 : memref<128x128xf32, #tpu.memory_space<hbm>>)
      tpu.yield
    }) : () -> ()
    %barrier3A_69 = arith.constant 0 : index
    tpu.barrier barrier_id(%barrier3A_69)
    %mul3A_70 = arith.constant 2 : i32
    %mul3A_71 = arith.muli %arg0, %mul3A_70 : i32
    %add3A_72 = arith.constant 1 : i32
    %add3A_73 = arith.addi %mul3A_71, %add3A_72 : i32
    %scan3A_74 = arith.constant 0 : i32
    %scan3A_75 = arith.constant 0 : i32
    %scan3A_76 = arith.constant 128 : i32
    %scan3A_77 = arith.addi %scan3A_75, %scan3A_76 : i32
    %scan3A_78 = arith.constant 1 : i32
    scf.for %scan3A_143 = %scan3A_75 to %scan3A_77 step %scan3A_78  : i32 {
      %broadcast_in_dim3A = arith.constant 0.000000e+00 : f32
      %broadcast_in_dim3A_144 = vector.broadcast %broadcast_in_dim3A : f32 to vector<16xf32>
      %swap3A = arith.index_cast %scan3A_143 : i32 to index
      %swap3A_145 = arith.constant 0 : index
      %swap3A_146 = tpu.vector_load %arg9[%swap3A, %swap3A_145] {strides = array<i32>} : memref<128x128xf32, #tpu.memory_space<vmem>>, vector<1x16xf32>,
      %swap3A_147 = vector.shape_cast %swap3A_146 : vector<1x16xf32> to vector<16xf32>
      %swap3A_148 = vector.shape_cast %broadcast_in_dim3A_144 : vector<16xf32> to vector<1x16xf32>
      tpu.vector_store %arg9[%swap3A, %swap3A_145], %swap3A_148 {strides = array<i32>} : memref<128x128xf32, #tpu.memory_space<vmem>>, vector<1x16xf32>,
      %broadcast_in_dim3A_149 = arith.constant 0.000000e+00 : f32
      %broadcast_in_dim3A_150 = vector.broadcast %broadcast_in_dim3A_149 : f32 to vector<16xf32>
      %swap3A_151 = arith.index_cast %scan3A_143 : i32 to index
      %swap3A_152 = arith.constant 16 : index
      %swap3A_153 = tpu.vector_load %arg9[%swap3A_151, %swap3A_152] {strides = array<i32>} : memref<128x128xf32, #tpu.memory_space<vmem>>, vector<1x16xf32>,
      %swap3A_154 = vector.shape_cast %swap3A_153 : vector<1x16xf32> to vector<16xf32>
      %swap3A_155 = vector.shape_cast %broadcast_in_dim3A_150 : vector<16xf32> to vector<1x16xf32>
      tpu.vector_store %arg9[%swap3A_151, %swap3A_152], %swap3A_155 {strides = array<i32>} : memref<128x128xf32, #tpu.memory_space<vmem>>, vector<1x16xf32>,
      %broadcast_in_dim3A_156 = arith.constant 0.000000e+00 : f32
      %broadcast_in_dim3A_157 = vector.broadcast %broadcast_in_dim3A_156 : f32 to vector<16xf32>
      %swap3A_158 = arith.index_cast %scan3A_143 : i32 to index
      %swap3A_159 = arith.constant 32 : index
      %swap3A_160 = tpu.vector_load %arg9[%swap3A_158, %swap3A_159] {strides = array<i32>} : memref<128x128xf32, #tpu.memory_space<vmem>>, vector<1x16xf32>,
      %swap3A_161 = vector.shape_cast %swap3A_160 : vector<1x16xf32> to vector<16xf32>
      %swap3A_162 = vector.shape_cast %broadcast_in_dim3A_157 : vector<16xf32> to vector<1x16xf32>
      tpu.vector_store %arg9[%swap3A_158, %swap3A_159], %swap3A_162 {strides = array<i32>} : memref<128x128xf32, #tpu.memory_space<vmem>>, vector<1x16xf32>,
      %broadcast_in_dim3A_163 = arith.constant 0.000000e+00 : f32
      %broadcast_in_dim3A_164 = vector.broadcast %broadcast_in_dim3A_163 : f32 to vector<16xf32>
      %swap3A_165 = arith.index_cast %scan3A_143 : i32 to index
      %swap3A_166 = arith.constant 48 : index
      %swap3A_167 = tpu.vector_load %arg9[%swap3A_165, %swap3A_166] {strides = array<i32>} : memref<128x128xf32, #tpu.memory_space<vmem>>, vector<1x16xf32>,
      %swap3A_168 = vector.shape_cast %swap3A_167 : vector<1x16xf32> to vector<16xf32>
      %swap3A_169 = vector.shape_cast %broadcast_in_dim3A_164 : vector<16xf32> to vector<1x16xf32>
      tpu.vector_store %arg9[%swap3A_165, %swap3A_166], %swap3A_169 {strides = array<i32>} : memref<128x128xf32, #tpu.memory_space<vmem>>, vector<1x16xf32>,
      %broadcast_in_dim3A_170 = arith.constant 0.000000e+00 : f32
      %broadcast_in_dim3A_171 = vector.broadcast %broadcast_in_dim3A_170 : f32 to vector<16xf32>
      %swap3A_172 = arith.index_cast %scan3A_143 : i32 to index
      %swap3A_173 = arith.constant 64 : index
      %swap3A_174 = tpu.vector_load %arg9[%swap3A_172, %swap3A_173] {strides = array<i32>} : memref<128x128xf32, #tpu.memory_space<vmem>>, vector<1x16xf32>,
      %swap3A_175 = vector.shape_cast %swap3A_174 : vector<1x16xf32> to vector<16xf32>
      %swap3A_176 = vector.shape_cast %broadcast_in_dim3A_171 : vector<16xf32> to vector<1x16xf32>
      tpu.vector_store %arg9[%swap3A_172, %swap3A_173], %swap3A_176 {strides = array<i32>} : memref<128x128xf32, #tpu.memory_space<vmem>>, vector<1x16xf32>,
      %broadcast_in_dim3A_177 = arith.constant 0.000000e+00 : f32
      %broadcast_in_dim3A_178 = vector.broadcast %broadcast_in_dim3A_177 : f32 to vector<16xf32>
      %swap3A_179 = arith.index_cast %scan3A_143 : i32 to index
      %swap3A_180 = arith.constant 80 : index
      %swap3A_181 = tpu.vector_load %arg9[%swap3A_179, %swap3A_180] {strides = array<i32>} : memref<128x128xf32, #tpu.memory_space<vmem>>, vector<1x16xf32>,
      %swap3A_182 = vector.shape_cast %swap3A_181 : vector<1x16xf32> to vector<16xf32>
      %swap3A_183 = vector.shape_cast %broadcast_in_dim3A_178 : vector<16xf32> to vector<1x16xf32>
      tpu.vector_store %arg9[%swap3A_179, %swap3A_180], %swap3A_183 {strides = array<i32>} : memref<128x128xf32, #tpu.memory_space<vmem>>, vector<1x16xf32>,
      %broadcast_in_dim3A_184 = arith.constant 0.000000e+00 : f32
      %broadcast_in_dim3A_185 = vector.broadcast %broadcast_in_dim3A_184 : f32 to vector<16xf32>
      %swap3A_186 = arith.index_cast %scan3A_143 : i32 to index
      %swap3A_187 = arith.constant 96 : index
      %swap3A_188 = tpu.vector_load %arg9[%swap3A_186, %swap3A_187] {strides = array<i32>} : memref<128x128xf32, #tpu.memory_space<vmem>>, vector<1x16xf32>,
      %swap3A_189 = vector.shape_cast %swap3A_188 : vector<1x16xf32> to vector<16xf32>
      %swap3A_190 = vector.shape_cast %broadcast_in_dim3A_185 : vector<16xf32> to vector<1x16xf32>
      tpu.vector_store %arg9[%swap3A_186, %swap3A_187], %swap3A_190 {strides = array<i32>} : memref<128x128xf32, #tpu.memory_space<vmem>>, vector<1x16xf32>,
      %broadcast_in_dim3A_191 = arith.constant 0.000000e+00 : f32
      %broadcast_in_dim3A_192 = vector.broadcast %broadcast_in_dim3A_191 : f32 to vector<16xf32>
      %swap3A_193 = arith.index_cast %scan3A_143 : i32 to index
      %swap3A_194 = arith.constant 112 : index
      %swap3A_195 = tpu.vector_load %arg9[%swap3A_193, %swap3A_194] {strides = array<i32>} : memref<128x128xf32, #tpu.memory_space<vmem>>, vector<1x16xf32>,
      %swap3A_196 = vector.shape_cast %swap3A_195 : vector<1x16xf32> to vector<16xf32>
      %swap3A_197 = vector.shape_cast %broadcast_in_dim3A_192 : vector<16xf32> to vector<1x16xf32>
      tpu.vector_store %arg9[%swap3A_193, %swap3A_194], %swap3A_197 {strides = array<i32>} : memref<128x128xf32, #tpu.memory_space<vmem>>, vector<1x16xf32>,
    }
    %scan3A_79 = arith.constant 128 : i32
    %mul3A_80 = arith.constant 640 : i32
    %mul3A_81 = arith.muli %arg1, %mul3A_80 : i32
    %add3A_82 = arith.constant 0 : i32
    %add3A_83 = arith.addi %mul3A_81, %add3A_82 : i32
    "tpu.region"() ({
      %run_scoped3A = tpu.sem_alloc : memref<!tpu.dma_semaphore, #tpu.memory_space<semaphore_mem>>
      %dma_start3A = arith.constant 0 : i32
      %dma_start3A_143 = tpu.memref_slice %arg6[%add3A_83, %dma_start3A] : memref<10240x128xf32, #tpu.memory_space<vmem_shared>> -> memref<128x128xf32, #tpu.memory_space<vmem_shared>>
      %dma_start3A_144 = arith.constant 0 : i32
      %dma_start3A_145 = tpu.memref_slice %arg6[%add3A_83, %dma_start3A_144] : memref<10240x128xf32, #tpu.memory_space<vmem_shared>> -> memref<128x128xf32, #tpu.memory_space<vmem_shared>>
      tpu.enqueue_dma source(%arg9 : memref<128x128xf32, #tpu.memory_space<vmem>>) target(%dma_start3A_145 : memref<128x128xf32, #tpu.memory_space<vmem_shared>>) target_semaphore(%run_scoped3A : memref<!tpu.dma_semaphore, #tpu.memory_space<semaphore_mem>>)
      %dma_wait3A = arith.constant 0 : i32
      %dma_wait3A_146 = tpu.memref_slice %arg6[%add3A_83, %dma_wait3A] : memref<10240x128xf32, #tpu.memory_space<vmem_shared>> -> memref<128x128xf32, #tpu.memory_space<vmem_shared>>
      %dma_wait3A_147 = arith.constant 0 : i32
      %dma_wait3A_148 = tpu.memref_slice %arg6[%add3A_83, %dma_wait3A_147] : memref<10240x128xf32, #tpu.memory_space<vmem_shared>> -> memref<128x128xf32, #tpu.memory_space<vmem_shared>>
      tpu.wait_dma2 semaphore(%run_scoped3A : memref<!tpu.dma_semaphore, #tpu.memory_space<semaphore_mem>>) src(%arg9 : memref<128x128xf32, #tpu.memory_space<vmem>>) dst(%dma_wait3A_148 : memref<128x128xf32, #tpu.memory_space<vmem_shared>>)
      tpu.yield
    }) : () -> ()
    %mul3A_84 = arith.constant 640 : i32
    %mul3A_85 = arith.muli %arg1, %mul3A_84 : i32
    %add3A_86 = arith.constant 128 : i32
    %add3A_87 = arith.addi %mul3A_85, %add3A_86 : i32
    "tpu.region"() ({
      %run_scoped3A = tpu.sem_alloc : memref<!tpu.dma_semaphore, #tpu.memory_space<semaphore_mem>>
      %dma_start3A = arith.constant 0 : i32
      %dma_start3A_143 = tpu.memref_slice %arg6[%add3A_87, %dma_start3A] : memref<10240x128xf32, #tpu.memory_space<vmem_shared>> -> memref<128x128xf32, #tpu.memory_space<vmem_shared>>
      %dma_start3A_144 = arith.constant 0 : i32
      %dma_start3A_145 = tpu.memref_slice %arg6[%add3A_87, %dma_start3A_144] : memref<10240x128xf32, #tpu.memory_space<vmem_shared>> -> memref<128x128xf32, #tpu.memory_space<vmem_shared>>
      tpu.enqueue_dma source(%arg9 : memref<128x128xf32, #tpu.memory_space<vmem>>) target(%dma_start3A_145 : memref<128x128xf32, #tpu.memory_space<vmem_shared>>) target_semaphore(%run_scoped3A : memref<!tpu.dma_semaphore, #tpu.memory_space<semaphore_mem>>)
      %dma_wait3A = arith.constant 0 : i32
      %dma_wait3A_146 = tpu.memref_slice %arg6[%add3A_87, %dma_wait3A] : memref<10240x128xf32, #tpu.memory_space<vmem_shared>> -> memref<128x128xf32, #tpu.memory_space<vmem_shared>>
      %dma_wait3A_147 = arith.constant 0 : i32
      %dma_wait3A_148 = tpu.memref_slice %arg6[%add3A_87, %dma_wait3A_147] : memref<10240x128xf32, #tpu.memory_space<vmem_shared>> -> memref<128x128xf32, #tpu.memory_space<vmem_shared>>
      tpu.wait_dma2 semaphore(%run_scoped3A : memref<!tpu.dma_semaphore, #tpu.memory_space<semaphore_mem>>) src(%arg9 : memref<128x128xf32, #tpu.memory_space<vmem>>) dst(%dma_wait3A_148 : memref<128x128xf32, #tpu.memory_space<vmem_shared>>)
      tpu.yield
    }) : () -> ()
    %mul3A_88 = arith.constant 640 : i32
    %mul3A_89 = arith.muli %arg1, %mul3A_88 : i32
    %add3A_90 = arith.constant 256 : i32
    %add3A_91 = arith.addi %mul3A_89, %add3A_90 : i32
    "tpu.region"() ({
      %run_scoped3A = tpu.sem_alloc : memref<!tpu.dma_semaphore, #tpu.memory_space<semaphore_mem>>
      %dma_start3A = arith.constant 0 : i32
      %dma_start3A_143 = tpu.memref_slice %arg6[%add3A_91, %dma_start3A] : memref<10240x128xf32, #tpu.memory_space<vmem_shared>> -> memref<128x128xf32, #tpu.memory_space<vmem_shared>>
      %dma_start3A_144 = arith.constant 0 : i32
      %dma_start3A_145 = tpu.memref_slice %arg6[%add3A_91, %dma_start3A_144] : memref<10240x128xf32, #tpu.memory_space<vmem_shared>> -> memref<128x128xf32, #tpu.memory_space<vmem_shared>>
      tpu.enqueue_dma source(%arg9 : memref<128x128xf32, #tpu.memory_space<vmem>>) target(%dma_start3A_145 : memref<128x128xf32, #tpu.memory_space<vmem_shared>>) target_semaphore(%run_scoped3A : memref<!tpu.dma_semaphore, #tpu.memory_space<semaphore_mem>>)
      %dma_wait3A = arith.constant 0 : i32
      %dma_wait3A_146 = tpu.memref_slice %arg6[%add3A_91, %dma_wait3A] : memref<10240x128xf32, #tpu.memory_space<vmem_shared>> -> memref<128x128xf32, #tpu.memory_space<vmem_shared>>
      %dma_wait3A_147 = arith.constant 0 : i32
      %dma_wait3A_148 = tpu.memref_slice %arg6[%add3A_91, %dma_wait3A_147] : memref<10240x128xf32, #tpu.memory_space<vmem_shared>> -> memref<128x128xf32, #tpu.memory_space<vmem_shared>>
      tpu.wait_dma2 semaphore(%run_scoped3A : memref<!tpu.dma_semaphore, #tpu.memory_space<semaphore_mem>>) src(%arg9 : memref<128x128xf32, #tpu.memory_space<vmem>>) dst(%dma_wait3A_148 : memref<128x128xf32, #tpu.memory_space<vmem_shared>>)
      tpu.yield
    }) : () -> ()
    %mul3A_92 = arith.constant 640 : i32
    %mul3A_93 = arith.muli %arg1, %mul3A_92 : i32
    %add3A_94 = arith.constant 384 : i32
    %add3A_95 = arith.addi %mul3A_93, %add3A_94 : i32
    "tpu.region"() ({
      %run_scoped3A = tpu.sem_alloc : memref<!tpu.dma_semaphore, #tpu.memory_space<semaphore_mem>>
      %dma_start3A = arith.constant 0 : i32
      %dma_start3A_143 = tpu.memref_slice %arg6[%add3A_95, %dma_start3A] : memref<10240x128xf32, #tpu.memory_space<vmem_shared>> -> memref<128x128xf32, #tpu.memory_space<vmem_shared>>
      %dma_start3A_144 = arith.constant 0 : i32
      %dma_start3A_145 = tpu.memref_slice %arg6[%add3A_95, %dma_start3A_144] : memref<10240x128xf32, #tpu.memory_space<vmem_shared>> -> memref<128x128xf32, #tpu.memory_space<vmem_shared>>
      tpu.enqueue_dma source(%arg9 : memref<128x128xf32, #tpu.memory_space<vmem>>) target(%dma_start3A_145 : memref<128x128xf32, #tpu.memory_space<vmem_shared>>) target_semaphore(%run_scoped3A : memref<!tpu.dma_semaphore, #tpu.memory_space<semaphore_mem>>)
      %dma_wait3A = arith.constant 0 : i32
      %dma_wait3A_146 = tpu.memref_slice %arg6[%add3A_95, %dma_wait3A] : memref<10240x128xf32, #tpu.memory_space<vmem_shared>> -> memref<128x128xf32, #tpu.memory_space<vmem_shared>>
      %dma_wait3A_147 = arith.constant 0 : i32
      %dma_wait3A_148 = tpu.memref_slice %arg6[%add3A_95, %dma_wait3A_147] : memref<10240x128xf32, #tpu.memory_space<vmem_shared>> -> memref<128x128xf32, #tpu.memory_space<vmem_shared>>
      tpu.wait_dma2 semaphore(%run_scoped3A : memref<!tpu.dma_semaphore, #tpu.memory_space<semaphore_mem>>) src(%arg9 : memref<128x128xf32, #tpu.memory_space<vmem>>) dst(%dma_wait3A_148 : memref<128x128xf32, #tpu.memory_space<vmem_shared>>)
      tpu.yield
    }) : () -> ()
    %mul3A_96 = arith.constant 640 : i32
    %mul3A_97 = arith.muli %arg1, %mul3A_96 : i32
    %add3A_98 = arith.constant 512 : i32
    %add3A_99 = arith.addi %mul3A_97, %add3A_98 : i32
    "tpu.region"() ({
      %run_scoped3A = tpu.sem_alloc : memref<!tpu.dma_semaphore, #tpu.memory_space<semaphore_mem>>
      %dma_start3A = arith.constant 0 : i32
      %dma_start3A_143 = tpu.memref_slice %arg6[%add3A_99, %dma_start3A] : memref<10240x128xf32, #tpu.memory_space<vmem_shared>> -> memref<128x128xf32, #tpu.memory_space<vmem_shared>>
      %dma_start3A_144 = arith.constant 0 : i32
      %dma_start3A_145 = tpu.memref_slice %arg6[%add3A_99, %dma_start3A_144] : memref<10240x128xf32, #tpu.memory_space<vmem_shared>> -> memref<128x128xf32, #tpu.memory_space<vmem_shared>>
      tpu.enqueue_dma source(%arg9 : memref<128x128xf32, #tpu.memory_space<vmem>>) target(%dma_start3A_145 : memref<128x128xf32, #tpu.memory_space<vmem_shared>>) target_semaphore(%run_scoped3A : memref<!tpu.dma_semaphore, #tpu.memory_space<semaphore_mem>>)
      %dma_wait3A = arith.constant 0 : i32
      %dma_wait3A_146 = tpu.memref_slice %arg6[%add3A_99, %dma_wait3A] : memref<10240x128xf32, #tpu.memory_space<vmem_shared>> -> memref<128x128xf32, #tpu.memory_space<vmem_shared>>
      %dma_wait3A_147 = arith.constant 0 : i32
      %dma_wait3A_148 = tpu.memref_slice %arg6[%add3A_99, %dma_wait3A_147] : memref<10240x128xf32, #tpu.memory_space<vmem_shared>> -> memref<128x128xf32, #tpu.memory_space<vmem_shared>>
      tpu.wait_dma2 semaphore(%run_scoped3A : memref<!tpu.dma_semaphore, #tpu.memory_space<semaphore_mem>>) src(%arg9 : memref<128x128xf32, #tpu.memory_space<vmem>>) dst(%dma_wait3A_148 : memref<128x128xf32, #tpu.memory_space<vmem_shared>>)
      tpu.yield
    }) : () -> ()
    "tpu.region"() ({
      %run_scoped3A = tpu.sem_alloc : memref<!tpu.dma_semaphore, #tpu.memory_space<semaphore_mem>>
      %dma_start3A = arith.constant 0 : i32
      %dma_start3A_143 = arith.constant 0 : i32
      %dma_start3A_144 = tpu.memref_slice %arg3[%add3A_73, %arg1, %dma_start3A, %dma_start3A_143] : memref<4x16x80x128xi32, #tpu.memory_space<hbm>> -> memref<1x1x80x128xi32, #tpu.memory_space<hbm>>
      %dma_start3A_145 = tpu.memref_squeeze %dma_start3A_144 : memref<1x1x80x128xi32, #tpu.memory_space<hbm>> -> memref<80x128xi32, #tpu.memory_space<hbm>>
      %dma_start3A_146 = arith.constant 0 : i32
      %dma_start3A_147 = arith.constant 0 : i32
      %dma_start3A_148 = tpu.memref_slice %arg3[%add3A_73, %arg1, %dma_start3A_146, %dma_start3A_147] : memref<4x16x80x128xi32, #tpu.memory_space<hbm>> -> memref<1x1x80x128xi32, #tpu.memory_space<hbm>>
      %dma_start3A_149 = tpu.memref_squeeze %dma_start3A_148 : memref<1x1x80x128xi32, #tpu.memory_space<hbm>> -> memref<80x128xi32, #tpu.memory_space<hbm>>
      tpu.enqueue_dma source(%dma_start3A_149 : memref<80x128xi32, #tpu.memory_space<hbm>>) target(%arg7 : memref<80x128xi32, #tpu.memory_space<vmem>>) target_semaphore(%run_scoped3A : memref<!tpu.dma_semaphore, #tpu.memory_space<semaphore_mem>>)
      %dma_wait3A = arith.constant 0 : i32
      %dma_wait3A_150 = arith.constant 0 : i32
      %dma_wait3A_151 = tpu.memref_slice %arg3[%add3A_73, %arg1, %dma_wait3A, %dma_wait3A_150] : memref<4x16x80x128xi32, #tpu.memory_space<hbm>> -> memref<1x1x80x128xi32, #tpu.memory_space<hbm>>
      %dma_wait3A_152 = tpu.memref_squeeze %dma_wait3A_151 : memref<1x1x80x128xi32, #tpu.memory_space<hbm>> -> memref<80x128xi32, #tpu.memory_space<hbm>>
      %dma_wait3A_153 = arith.constant 0 : i32
      %dma_wait3A_154 = arith.constant 0 : i32
      %dma_wait3A_155 = tpu.memref_slice %arg3[%add3A_73, %arg1, %dma_wait3A_153, %dma_wait3A_154] : memref<4x16x80x128xi32, #tpu.memory_space<hbm>> -> memref<1x1x80x128xi32, #tpu.memory_space<hbm>>
      %dma_wait3A_156 = tpu.memref_squeeze %dma_wait3A_155 : memref<1x1x80x128xi32, #tpu.memory_space<hbm>> -> memref<80x128xi32, #tpu.memory_space<hbm>>
      tpu.wait_dma2 semaphore(%run_scoped3A : memref<!tpu.dma_semaphore, #tpu.memory_space<semaphore_mem>>) src(%dma_wait3A_156 : memref<80x128xi32, #tpu.memory_space<hbm>>) dst(%arg7 : memref<80x128xi32, #tpu.memory_space<vmem>>)
      tpu.yield
    }) : () -> ()
    %barrier3A_100 = arith.constant 0 : index
    tpu.barrier barrier_id(%barrier3A_100)
    %scan3A_101 = arith.constant 0 : i32
    %scan3A_102 = arith.constant 0 : i32
    %scan3A_103 = arith.constant 80 : i32
    %scan3A_104 = arith.addi %scan3A_102, %scan3A_103 : i32
    %scan3A_105 = arith.constant 1 : i32
    scf.for %scan3A_143 = %scan3A_102 to %scan3A_104 step %scan3A_105  : i32 {
      "tpu.region"() ({
        %run_scoped3A = tpu.sem_alloc : memref<!tpu.dma_semaphore, #tpu.memory_space<semaphore_mem>>
        %dma_start3A = arith.constant 0 : i32
        %dma_start3A_144 = tpu.memref_slice %arg7[%scan3A_143, %dma_start3A] : memref<80x128xi32, #tpu.memory_space<vmem>> -> memref<1x128xi32, #tpu.memory_space<vmem>>
        %dma_start3A_145 = tpu.memref_squeeze %dma_start3A_144 : memref<1x128xi32, #tpu.memory_space<vmem>> -> memref<128xi32, #tpu.memory_space<vmem>>
        %dma_start3A_146 = arith.constant 0 : i32
        %dma_start3A_147 = arith.constant 0 : i32
        %dma_start3A_148 = tpu.memref_slice %arg2[%dma_start3A_146, %dma_start3A_147] : memref<40000x128xf32, #tpu.memory_space<hbm>> -> memref<40000x128xf32, #tpu.memory_space<hbm>>
        tpu.enqueue_indirect_dma source(%dma_start3A_148 : memref<40000x128xf32, #tpu.memory_space<hbm>>) target(%arg9 : memref<128x128xf32, #tpu.memory_space<vmem>>) offsets(%dma_start3A_145 : memref<128xi32, #tpu.memory_space<vmem>>) semaphore(%run_scoped3A : memref<!tpu.dma_semaphore, #tpu.memory_space<semaphore_mem>>)
        %dma_wait3A = arith.constant 0 : i32
        %dma_wait3A_149 = tpu.memref_slice %arg7[%scan3A_143, %dma_wait3A] : memref<80x128xi32, #tpu.memory_space<vmem>> -> memref<1x128xi32, #tpu.memory_space<vmem>>
        %dma_wait3A_150 = tpu.memref_squeeze %dma_wait3A_149 : memref<1x128xi32, #tpu.memory_space<vmem>> -> memref<128xi32, #tpu.memory_space<vmem>>
        %dma_wait3A_151 = arith.constant 0 : i32
        %dma_wait3A_152 = arith.constant 0 : i32
        %dma_wait3A_153 = tpu.memref_slice %arg2[%dma_wait3A_151, %dma_wait3A_152] : memref<40000x128xf32, #tpu.memory_space<hbm>> -> memref<40000x128xf32, #tpu.memory_space<hbm>>
        tpu.wait_indirect_dma semaphore(%run_scoped3A : memref<!tpu.dma_semaphore, #tpu.memory_space<semaphore_mem>>) src(%dma_wait3A_153 : memref<40000x128xf32, #tpu.memory_space<hbm>>) dst(%arg9 : memref<128x128xf32, #tpu.memory_space<vmem>>)
        tpu.yield
      }) : () -> ()
      "tpu.region"() ({
        %run_scoped3A = tpu.sem_alloc : memref<!tpu.dma_semaphore, #tpu.memory_space<semaphore_mem>>
        %dma_start3A = arith.constant 0 : i32
        %dma_start3A_144 = tpu.memref_slice %arg8[%scan3A_143, %dma_start3A] : memref<80x128xi32, #tpu.memory_space<vmem>> -> memref<1x128xi32, #tpu.memory_space<vmem>>
        %dma_start3A_145 = tpu.memref_squeeze %dma_start3A_144 : memref<1x128xi32, #tpu.memory_space<vmem>> -> memref<128xi32, #tpu.memory_space<vmem>>
        %dma_start3A_146 = arith.constant 0 : i32
        %dma_start3A_147 = arith.constant 0 : i32
        %dma_start3A_148 = tpu.memref_slice %arg6[%dma_start3A_146, %dma_start3A_147] : memref<10240x128xf32, #tpu.memory_space<vmem_shared>> -> memref<10240x128xf32, #tpu.memory_space<vmem_shared>>
        tpu.enqueue_indirect_dma source(%arg9 : memref<128x128xf32, #tpu.memory_space<vmem>>) target(%dma_start3A_148 : memref<10240x128xf32, #tpu.memory_space<vmem_shared>>) offsets(%dma_start3A_145 : memref<128xi32, #tpu.memory_space<vmem>>) semaphore(%run_scoped3A : memref<!tpu.dma_semaphore, #tpu.memory_space<semaphore_mem>>) {add = true}
        %dma_wait3A = arith.constant 0 : i32
        %dma_wait3A_149 = tpu.memref_slice %arg8[%scan3A_143, %dma_wait3A] : memref<80x128xi32, #tpu.memory_space<vmem>> -> memref<1x128xi32, #tpu.memory_space<vmem>>
        %dma_wait3A_150 = tpu.memref_squeeze %dma_wait3A_149 : memref<1x128xi32, #tpu.memory_space<vmem>> -> memref<128xi32, #tpu.memory_space<vmem>>
        %dma_wait3A_151 = arith.constant 0 : i32
        %dma_wait3A_152 = arith.constant 0 : i32
        %dma_wait3A_153 = tpu.memref_slice %arg6[%dma_wait3A_151, %dma_wait3A_152] : memref<10240x128xf32, #tpu.memory_space<vmem_shared>> -> memref<10240x128xf32, #tpu.memory_space<vmem_shared>>
        tpu.wait_indirect_dma semaphore(%run_scoped3A : memref<!tpu.dma_semaphore, #tpu.memory_space<semaphore_mem>>) src(%arg9 : memref<128x128xf32, #tpu.memory_space<vmem>>) dst(%dma_wait3A_153 : memref<10240x128xf32, #tpu.memory_space<vmem_shared>>)
        tpu.yield
      }) : () -> ()
    }
    %scan3A_106 = arith.constant 80 : i32
    %barrier3A_107 = arith.constant 0 : index
    tpu.barrier barrier_id(%barrier3A_107)
    %mul3A_108 = arith.constant 640 : i32
    %mul3A_109 = arith.muli %arg1, %mul3A_108 : i32
    %add3A_110 = arith.constant 0 : i32
    %add3A_111 = arith.addi %mul3A_109, %add3A_110 : i32
    %mul3A_112 = arith.constant 10240 : i32
    %mul3A_113 = arith.muli %add3A_73, %mul3A_112 : i32
    %add3A_114 = arith.addi %mul3A_113, %add3A_111 : i32
    "tpu.region"() ({
      %run_scoped3A = tpu.sem_alloc : memref<!tpu.dma_semaphore, #tpu.memory_space<semaphore_mem>>
      %dma_start3A = arith.constant 0 : i32
      %dma_start3A_143 = tpu.memref_slice %arg5[%add3A_114, %dma_start3A] : memref<40960x128xf32, #tpu.memory_space<hbm>> -> memref<128x128xf32, #tpu.memory_space<hbm>>
      %dma_start3A_144 = arith.constant 0 : i32
      %dma_start3A_145 = tpu.memref_slice %arg6[%add3A_111, %dma_start3A_144] : memref<10240x128xf32, #tpu.memory_space<vmem_shared>> -> memref<128x128xf32, #tpu.memory_space<vmem_shared>>
      tpu.enqueue_dma source(%dma_start3A_145 : memref<128x128xf32, #tpu.memory_space<vmem_shared>>) target(%dma_start3A_143 : memref<128x128xf32, #tpu.memory_space<hbm>>) target_semaphore(%run_scoped3A : memref<!tpu.dma_semaphore, #tpu.memory_space<semaphore_mem>>)
      %dma_wait3A = arith.constant 0 : i32
      %dma_wait3A_146 = tpu.memref_slice %arg5[%add3A_114, %dma_wait3A] : memref<40960x128xf32, #tpu.memory_space<hbm>> -> memref<128x128xf32, #tpu.memory_space<hbm>>
      %dma_wait3A_147 = arith.constant 0 : i32
      %dma_wait3A_148 = tpu.memref_slice %arg6[%add3A_111, %dma_wait3A_147] : memref<10240x128xf32, #tpu.memory_space<vmem_shared>> -> memref<128x128xf32, #tpu.memory_space<vmem_shared>>
      tpu.wait_dma2 semaphore(%run_scoped3A : memref<!tpu.dma_semaphore, #tpu.memory_space<semaphore_mem>>) src(%dma_wait3A_148 : memref<128x128xf32, #tpu.memory_space<vmem_shared>>) dst(%dma_wait3A_146 : memref<128x128xf32, #tpu.memory_space<hbm>>)
      tpu.yield
    }) : () -> ()
    %mul3A_115 = arith.constant 640 : i32
    %mul3A_116 = arith.muli %arg1, %mul3A_115 : i32
    %add3A_117 = arith.constant 128 : i32
    %add3A_118 = arith.addi %mul3A_116, %add3A_117 : i32
    %mul3A_119 = arith.constant 10240 : i32
    %mul3A_120 = arith.muli %add3A_73, %mul3A_119 : i32
    %add3A_121 = arith.addi %mul3A_120, %add3A_118 : i32
    "tpu.region"() ({
      %run_scoped3A = tpu.sem_alloc : memref<!tpu.dma_semaphore, #tpu.memory_space<semaphore_mem>>
      %dma_start3A = arith.constant 0 : i32
      %dma_start3A_143 = tpu.memref_slice %arg5[%add3A_121, %dma_start3A] : memref<40960x128xf32, #tpu.memory_space<hbm>> -> memref<128x128xf32, #tpu.memory_space<hbm>>
      %dma_start3A_144 = arith.constant 0 : i32
      %dma_start3A_145 = tpu.memref_slice %arg6[%add3A_118, %dma_start3A_144] : memref<10240x128xf32, #tpu.memory_space<vmem_shared>> -> memref<128x128xf32, #tpu.memory_space<vmem_shared>>
      tpu.enqueue_dma source(%dma_start3A_145 : memref<128x128xf32, #tpu.memory_space<vmem_shared>>) target(%dma_start3A_143 : memref<128x128xf32, #tpu.memory_space<hbm>>) target_semaphore(%run_scoped3A : memref<!tpu.dma_semaphore, #tpu.memory_space<semaphore_mem>>)
      %dma_wait3A = arith.constant 0 : i32
      %dma_wait3A_146 = tpu.memref_slice %arg5[%add3A_121, %dma_wait3A] : memref<40960x128xf32, #tpu.memory_space<hbm>> -> memref<128x128xf32, #tpu.memory_space<hbm>>
      %dma_wait3A_147 = arith.constant 0 : i32
      %dma_wait3A_148 = tpu.memref_slice %arg6[%add3A_118, %dma_wait3A_147] : memref<10240x128xf32, #tpu.memory_space<vmem_shared>> -> memref<128x128xf32, #tpu.memory_space<vmem_shared>>
      tpu.wait_dma2 semaphore(%run_scoped3A : memref<!tpu.dma_semaphore, #tpu.memory_space<semaphore_mem>>) src(%dma_wait3A_148 : memref<128x128xf32, #tpu.memory_space<vmem_shared>>) dst(%dma_wait3A_146 : memref<128x128xf32, #tpu.memory_space<hbm>>)
      tpu.yield
    }) : () -> ()
    %mul3A_122 = arith.constant 640 : i32
    %mul3A_123 = arith.muli %arg1, %mul3A_122 : i32
    %add3A_124 = arith.constant 256 : i32
    %add3A_125 = arith.addi %mul3A_123, %add3A_124 : i32
    %mul3A_126 = arith.constant 10240 : i32
    %mul3A_127 = arith.muli %add3A_73, %mul3A_126 : i32
    %add3A_128 = arith.addi %mul3A_127, %add3A_125 : i32
    "tpu.region"() ({
      %run_scoped3A = tpu.sem_alloc : memref<!tpu.dma_semaphore, #tpu.memory_space<semaphore_mem>>
      %dma_start3A = arith.constant 0 : i32
      %dma_start3A_143 = tpu.memref_slice %arg5[%add3A_128, %dma_start3A] : memref<40960x128xf32, #tpu.memory_space<hbm>> -> memref<128x128xf32, #tpu.memory_space<hbm>>
      %dma_start3A_144 = arith.constant 0 : i32
      %dma_start3A_145 = tpu.memref_slice %arg6[%add3A_125, %dma_start3A_144] : memref<10240x128xf32, #tpu.memory_space<vmem_shared>> -> memref<128x128xf32, #tpu.memory_space<vmem_shared>>
      tpu.enqueue_dma source(%dma_start3A_145 : memref<128x128xf32, #tpu.memory_space<vmem_shared>>) target(%dma_start3A_143 : memref<128x128xf32, #tpu.memory_space<hbm>>) target_semaphore(%run_scoped3A : memref<!tpu.dma_semaphore, #tpu.memory_space<semaphore_mem>>)
      %dma_wait3A = arith.constant 0 : i32
      %dma_wait3A_146 = tpu.memref_slice %arg5[%add3A_128, %dma_wait3A] : memref<40960x128xf32, #tpu.memory_space<hbm>> -> memref<128x128xf32, #tpu.memory_space<hbm>>
      %dma_wait3A_147 = arith.constant 0 : i32
      %dma_wait3A_148 = tpu.memref_slice %arg6[%add3A_125, %dma_wait3A_147] : memref<10240x128xf32, #tpu.memory_space<vmem_shared>> -> memref<128x128xf32, #tpu.memory_space<vmem_shared>>
      tpu.wait_dma2 semaphore(%run_scoped3A : memref<!tpu.dma_semaphore, #tpu.memory_space<semaphore_mem>>) src(%dma_wait3A_148 : memref<128x128xf32, #tpu.memory_space<vmem_shared>>) dst(%dma_wait3A_146 : memref<128x128xf32, #tpu.memory_space<hbm>>)
      tpu.yield
    }) : () -> ()
    %mul3A_129 = arith.constant 640 : i32
    %mul3A_130 = arith.muli %arg1, %mul3A_129 : i32
    %add3A_131 = arith.constant 384 : i32
    %add3A_132 = arith.addi %mul3A_130, %add3A_131 : i32
    %mul3A_133 = arith.constant 10240 : i32
    %mul3A_134 = arith.muli %add3A_73, %mul3A_133 : i32
    %add3A_135 = arith.addi %mul3A_134, %add3A_132 : i32
    "tpu.region"() ({
      %run_scoped3A = tpu.sem_alloc : memref<!tpu.dma_semaphore, #tpu.memory_space<semaphore_mem>>
      %dma_start3A = arith.constant 0 : i32
      %dma_start3A_143 = tpu.memref_slice %arg5[%add3A_135, %dma_start3A] : memref<40960x128xf32, #tpu.memory_space<hbm>> -> memref<128x128xf32, #tpu.memory_space<hbm>>
      %dma_start3A_144 = arith.constant 0 : i32
      %dma_start3A_145 = tpu.memref_slice %arg6[%add3A_132, %dma_start3A_144] : memref<10240x128xf32, #tpu.memory_space<vmem_shared>> -> memref<128x128xf32, #tpu.memory_space<vmem_shared>>
      tpu.enqueue_dma source(%dma_start3A_145 : memref<128x128xf32, #tpu.memory_space<vmem_shared>>) target(%dma_start3A_143 : memref<128x128xf32, #tpu.memory_space<hbm>>) target_semaphore(%run_scoped3A : memref<!tpu.dma_semaphore, #tpu.memory_space<semaphore_mem>>)
      %dma_wait3A = arith.constant 0 : i32
      %dma_wait3A_146 = tpu.memref_slice %arg5[%add3A_135, %dma_wait3A] : memref<40960x128xf32, #tpu.memory_space<hbm>> -> memref<128x128xf32, #tpu.memory_space<hbm>>
      %dma_wait3A_147 = arith.constant 0 : i32
      %dma_wait3A_148 = tpu.memref_slice %arg6[%add3A_132, %dma_wait3A_147] : memref<10240x128xf32, #tpu.memory_space<vmem_shared>> -> memref<128x128xf32, #tpu.memory_space<vmem_shared>>
      tpu.wait_dma2 semaphore(%run_scoped3A : memref<!tpu.dma_semaphore, #tpu.memory_space<semaphore_mem>>) src(%dma_wait3A_148 : memref<128x128xf32, #tpu.memory_space<vmem_shared>>) dst(%dma_wait3A_146 : memref<128x128xf32, #tpu.memory_space<hbm>>)
      tpu.yield
    }) : () -> ()
    %mul3A_136 = arith.constant 640 : i32
    %mul3A_137 = arith.muli %arg1, %mul3A_136 : i32
    %add3A_138 = arith.constant 512 : i32
    %add3A_139 = arith.addi %mul3A_137, %add3A_138 : i32
    %mul3A_140 = arith.constant 10240 : i32
    %mul3A_141 = arith.muli %add3A_73, %mul3A_140 : i32
    %add3A_142 = arith.addi %mul3A_141, %add3A_139 : i32
    "tpu.region"() ({
      %run_scoped3A = tpu.sem_alloc : memref<!tpu.dma_semaphore, #tpu.memory_space<semaphore_mem>>
      %dma_start3A = arith.constant 0 : i32
      %dma_start3A_143 = tpu.memref_slice %arg5[%add3A_142, %dma_start3A] : memref<40960x128xf32, #tpu.memory_space<hbm>> -> memref<128x128xf32, #tpu.memory_space<hbm>>
      %dma_start3A_144 = arith.constant 0 : i32
      %dma_start3A_145 = tpu.memref_slice %arg6[%add3A_139, %dma_start3A_144] : memref<10240x128xf32, #tpu.memory_space<vmem_shared>> -> memref<128x128xf32, #tpu.memory_space<vmem_shared>>
      tpu.enqueue_dma source(%dma_start3A_145 : memref<128x128xf32, #tpu.memory_space<vmem_shared>>) target(%dma_start3A_143 : memref<128x128xf32, #tpu.memory_space<hbm>>) target_semaphore(%run_scoped3A : memref<!tpu.dma_semaphore, #tpu.memory_space<semaphore_mem>>)
      %dma_wait3A = arith.constant 0 : i32
      %dma_wait3A_146 = tpu.memref_slice %arg5[%add3A_142, %dma_wait3A] : memref<40960x128xf32, #tpu.memory_space<hbm>> -> memref<128x128xf32, #tpu.memory_space<hbm>>
      %dma_wait3A_147 = arith.constant 0 : i32
      %dma_wait3A_148 = tpu.memref_slice %arg6[%add3A_139, %dma_wait3A_147] : memref<10240x128xf32, #tpu.memory_space<vmem_shared>> -> memref<128x128xf32, #tpu.memory_space<vmem_shared>>
      tpu.wait_dma2 semaphore(%run_scoped3A : memref<!tpu.dma_semaphore, #tpu.memory_space<semaphore_mem>>) src(%dma_wait3A_148 : memref<128x128xf32, #tpu.memory_space<vmem_shared>>) dst(%dma_wait3A_146 : memref<128x128xf32, #tpu.memory_space<hbm>>)
      tpu.yield
    }) : () -> ()
    return
  }
}

module attributes {stable_mosaic.version = 14 : i64} {
  func.func @body(%arg0: i32, %arg1: i32, %arg2: memref<1000x256xf32, #tpu.memory_space<vmem>>, %arg3: memref<256x128xf32, #tpu.memory_space<vmem>>, %arg4: memref<1x128xf32, #tpu.memory_space<vmem>>, %arg5: memref<1000x1xf32, #tpu.memory_space<vmem>>, %arg6: memref<1x1000x128xf32, #tpu.memory_space<vmem>>) attributes {dimension_semantics = [#tpu.dimension_semantics<arbitrary>, #tpu.dimension_semantics<arbitrary>], iteration_bounds = array<i64: 10, 4>, scalar_prefetch = 0 : i64, scratch_operands = 0 : i64, tpu.core_type = #tpu.core_type<tc>, window_params = [{transform_indices = @transform_0, window_bounds = array<i64: 1000, 256>}, {transform_indices = @transform_1, window_bounds = array<i64: 256, 128>}, {transform_indices = @transform_2, window_bounds = array<i64: 1, 128>}, {transform_indices = @transform_3, window_bounds = array<i64: 1000, 1>}, {transform_indices = @transform_4, window_bounds = array<i64: 1, 1000, 128>}]} {
    %get3A = arith.constant 0 : index
    %get3A_0 = arith.constant 0 : index
    %get3A_1 = vector.load %arg2[%get3A, %get3A_0] : memref<1000x256xf32, #tpu.memory_space<vmem>>, vector<1000x256xf32>
    %get3A_2 = arith.constant 0 : index
    %get3A_3 = arith.constant 0 : index
    %get3A_4 = vector.load %arg3[%get3A_2, %get3A_3] : memref<256x128xf32, #tpu.memory_space<vmem>>, vector<256x128xf32>
    %dot_general3A = arith.constant dense<0.000000e+00> : vector<1000x128xf32>
    %dot_general3A_5 = tpu.matmul %get3A_1, %get3A_4, %dot_general3A {dimension_numbers = #tpu.dot_dimension_numbers<[1], [0], [0], [1], [0, 0, 1, 1], [], []>, transpose_lhs_hint = false} : vector<1000x256xf32>, vector<256x128xf32>, vector<1000x128xf32> -> vector<1000x128xf32>
    %get3A_6 = arith.constant 0 : index
    %get3A_7 = arith.constant 0 : index
    %get3A_8 = vector.load %arg4[%get3A_6, %get3A_7] : memref<1x128xf32, #tpu.memory_space<vmem>>, vector<1x128xf32>
    %add3A = vector.broadcast %get3A_8 : vector<1x128xf32> to vector<1000x128xf32>
    %add3A_9 = arith.addf %dot_general3A_5, %add3A : vector<1000x128xf32>
    %get3A_10 = arith.constant 0 : index
    %get3A_11 = arith.constant 0 : index
    %get3A_12 = vector.load %arg5[%get3A_10, %get3A_11] : memref<1000x1xf32, #tpu.memory_space<vmem>>, vector<1000x1xf32>
    %gt3A = arith.constant 0.000000e+00 : f32
    %gt3A_13 = vector.broadcast %gt3A : f32 to vector<1000x1xf32>
    %gt3A_14 = arith.cmpf ogt, %get3A_12, %gt3A_13 : vector<1000x1xf32>
    %max3A = arith.constant 1.000000e+00 : f32
    %max3A_15 = vector.broadcast %max3A : f32 to vector<1000x1xf32>
    %max3A_16 = arith.maximumf %get3A_12, %max3A_15 : vector<1000x1xf32>
    %rsqrt3A = math.rsqrt %max3A_16 : vector<1000x1xf32>
    %jit3A = arith.constant 0.000000e+00 : f32
    %broadcast_in_dim3A = vector.broadcast %jit3A : f32 to vector<1000x1xf32>
    %select_n3A = arith.select %gt3A_14, %rsqrt3A, %broadcast_in_dim3A : vector<1000x1xi1>, vector<1000x1xf32>
    %mul3A = vector.broadcast %select_n3A : vector<1000x1xf32> to vector<1000x128xf32>
    %mul3A_17 = arith.mulf %add3A_9, %mul3A : vector<1000x128xf32>
    %broadcast_in_dim3A_18 = vector.shape_cast %mul3A_17 : vector<1000x128xf32> to vector<1x1000x128xf32>
    %swap3A = arith.constant 0 : index
    %swap3A_19 = arith.constant 0 : index
    %swap3A_20 = arith.constant 0 : index
    %swap3A_21 = vector.load %arg6[%swap3A, %swap3A_19, %swap3A_20] : memref<1x1000x128xf32, #tpu.memory_space<vmem>>, vector<1x1000x128xf32>
    tpu.vector_store %arg6[%swap3A, %swap3A_19, %swap3A_20], %broadcast_in_dim3A_18 {strides = array<i32>} : memref<1x1000x128xf32, #tpu.memory_space<vmem>>, vector<1x1000x128xf32>,
    return
  }
  func.func @transform_0(%arg0: i32, %arg1: i32) -> (i32, i32) {
    %c0_i32 = arith.constant 0 : i32
    %c0_i32_0 = arith.constant 0 : i32
    return %arg0, %c0_i32 : i32, i32
  }
  func.func @transform_1(%arg0: i32, %arg1: i32) -> (i32, i32) {
    %c0_i32 = arith.constant 0 : i32
    %c0_i32_0 = arith.constant 0 : i32
    return %c0_i32, %arg1 : i32, i32
  }
  func.func @transform_2(%arg0: i32, %arg1: i32) -> (i32, i32) {
    %c0_i32 = arith.constant 0 : i32
    %c0_i32_0 = arith.constant 0 : i32
    return %c0_i32, %arg1 : i32, i32
  }
  func.func @transform_3(%arg0: i32, %arg1: i32) -> (i32, i32) {
    %c0_i32 = arith.constant 0 : i32
    %c0_i32_0 = arith.constant 0 : i32
    return %arg0, %c0_i32 : i32, i32
  }
  func.func @transform_4(%arg0: i32, %arg1: i32) -> (i32, i32, i32) {
    %c0_i32 = arith.constant 0 : i32
    %c0_i32_0 = arith.constant 0 : i32
    return %arg1, %arg0, %c0_i32 : i32, i32, i32
  }
}

module attributes {stable_mosaic.version = 14 : i64} {
  func.func @body(%arg0: i32, %arg1: i32, %arg2: i32, %arg3: memref<1x1000x128xf32, #tpu.memory_space<vmem>>, %arg4: memref<1000x1xf32, #tpu.memory_space<vmem>>, %arg5: memref<128x128xf32, #tpu.memory_space<vmem>>, %arg6: memref<1x128xf32, #tpu.memory_space<vmem>>, %arg7: memref<1x1000x128xf32, #tpu.memory_space<vmem>>) attributes {dimension_semantics = [#tpu.dimension_semantics<arbitrary>, #tpu.dimension_semantics<arbitrary>, #tpu.dimension_semantics<arbitrary>], iteration_bounds = array<i64: 10, 4, 4>, scalar_prefetch = 0 : i64, scratch_operands = 0 : i64, tpu.core_type = #tpu.core_type<tc>, window_params = [{transform_indices = @transform_0, window_bounds = array<i64: 1, 1000, 128>}, {transform_indices = @transform_1, window_bounds = array<i64: 1000, 1>}, {transform_indices = @transform_2, window_bounds = array<i64: 128, 128>}, {transform_indices = @transform_3, window_bounds = array<i64: 1, 128>}, {transform_indices = @transform_4, window_bounds = array<i64: 1, 1000, 128>}]} {
    %get3A = arith.constant 0 : index
    %get3A_0 = arith.constant 0 : index
    %get3A_1 = vector.load %arg4[%get3A, %get3A_0] : memref<1000x1xf32, #tpu.memory_space<vmem>>, vector<1000x1xf32>
    %gt3A = arith.constant 0.000000e+00 : f32
    %gt3A_2 = vector.broadcast %gt3A : f32 to vector<1000x1xf32>
    %gt3A_3 = arith.cmpf ogt, %get3A_1, %gt3A_2 : vector<1000x1xf32>
    %max3A = arith.constant 1.000000e+00 : f32
    %max3A_4 = vector.broadcast %max3A : f32 to vector<1000x1xf32>
    %max3A_5 = arith.maximumf %get3A_1, %max3A_4 : vector<1000x1xf32>
    %rsqrt3A = math.rsqrt %max3A_5 : vector<1000x1xf32>
    %jit3A = arith.constant 0.000000e+00 : f32
    %broadcast_in_dim3A = vector.broadcast %jit3A : f32 to vector<1000x1xf32>
    %select_n3A = arith.select %gt3A_3, %rsqrt3A, %broadcast_in_dim3A : vector<1000x1xi1>, vector<1000x1xf32>
    %get3A_6 = arith.constant 0 : index
    %get3A_7 = arith.constant 0 : index
    %get3A_8 = arith.constant 0 : index
    %get3A_9 = vector.load %arg3[%get3A_6, %get3A_7, %get3A_8] : memref<1x1000x128xf32, #tpu.memory_space<vmem>>, vector<1x1000x128xf32>
    %get3A_10 = vector.shape_cast %get3A_9 : vector<1x1000x128xf32> to vector<1000x128xf32>
    %mul3A = vector.broadcast %select_n3A : vector<1000x1xf32> to vector<1000x128xf32>
    %mul3A_11 = arith.mulf %get3A_10, %mul3A : vector<1000x128xf32>
    %max3A_12 = arith.constant 0.000000e+00 : f32
    %max3A_13 = vector.broadcast %max3A_12 : f32 to vector<1000x128xf32>
    %max3A_14 = arith.maximumf %mul3A_11, %max3A_13 : vector<1000x128xf32>
    %get3A_15 = arith.constant 0 : index
    %get3A_16 = arith.constant 0 : index
    %get3A_17 = vector.load %arg5[%get3A_15, %get3A_16] : memref<128x128xf32, #tpu.memory_space<vmem>>, vector<128x128xf32>
    %dot_general3A = arith.constant dense<0.000000e+00> : vector<1000x128xf32>
    %dot_general3A_18 = tpu.matmul %max3A_14, %get3A_17, %dot_general3A {dimension_numbers = #tpu.dot_dimension_numbers<[1], [0], [0], [1], [0, 0, 1, 1], [], []>, transpose_lhs_hint = false} : vector<1000x128xf32>, vector<128x128xf32>, vector<1000x128xf32> -> vector<1000x128xf32>
    %eq3A = arith.constant 0 : i32
    %eq3A_19 = arith.cmpi eq, %arg2, %eq3A : i32
    %convert_element_type3A = arith.extui %eq3A_19 : i1 to i32
    %cond3A = arith.constant 0 : i32
    %cond3A_20 = arith.cmpi ne, %convert_element_type3A, %cond3A : i32
    scf.if %cond3A_20 {
      %broadcast_in_dim3A_31 = vector.shape_cast %dot_general3A_18 : vector<1000x128xf32> to vector<1x1000x128xf32>
      %swap3A = arith.constant 0 : index
      %swap3A_32 = arith.constant 0 : index
      %swap3A_33 = arith.constant 0 : index
      %swap3A_34 = vector.load %arg7[%swap3A, %swap3A_32, %swap3A_33] : memref<1x1000x128xf32, #tpu.memory_space<vmem>>, vector<1x1000x128xf32>
      tpu.vector_store %arg7[%swap3A, %swap3A_32, %swap3A_33], %broadcast_in_dim3A_31 {strides = array<i32>} : memref<1x1000x128xf32, #tpu.memory_space<vmem>>, vector<1x1000x128xf32>,
    } else {
    }
    %gt3A_21 = arith.constant 0 : i32
    %gt3A_22 = arith.cmpi sgt, %arg2, %gt3A_21 : i32
    %convert_element_type3A_23 = arith.extui %gt3A_22 : i1 to i32
    %cond3A_24 = arith.constant 0 : i32
    %cond3A_25 = arith.cmpi ne, %convert_element_type3A_23, %cond3A_24 : i32
    scf.if %cond3A_25 {
      %get3A_31 = arith.constant 0 : index
      %get3A_32 = arith.constant 0 : index
      %get3A_33 = arith.constant 0 : index
      %get3A_34 = vector.load %arg7[%get3A_31, %get3A_32, %get3A_33] : memref<1x1000x128xf32, #tpu.memory_space<vmem>>, vector<1x1000x128xf32>
      %broadcast_in_dim3A_35 = vector.shape_cast %dot_general3A_18 : vector<1000x128xf32> to vector<1x1000x128xf32>
      %add3A = arith.addf %get3A_34, %broadcast_in_dim3A_35 : vector<1x1000x128xf32>
      %swap3A = arith.constant 0 : index
      %swap3A_36 = arith.constant 0 : index
      %swap3A_37 = arith.constant 0 : index
      %swap3A_38 = vector.load %arg7[%swap3A, %swap3A_36, %swap3A_37] : memref<1x1000x128xf32, #tpu.memory_space<vmem>>, vector<1x1000x128xf32>
      tpu.vector_store %arg7[%swap3A, %swap3A_36, %swap3A_37], %add3A {strides = array<i32>} : memref<1x1000x128xf32, #tpu.memory_space<vmem>>, vector<1x1000x128xf32>,
    } else {
    }
    %eq3A_26 = arith.constant 3 : i32
    %eq3A_27 = arith.cmpi eq, %arg2, %eq3A_26 : i32
    %convert_element_type3A_28 = arith.extui %eq3A_27 : i1 to i32
    %cond3A_29 = arith.constant 0 : i32
    %cond3A_30 = arith.cmpi ne, %convert_element_type3A_28, %cond3A_29 : i32
    scf.if %cond3A_30 {
      %get3A_31 = arith.constant 0 : index
      %get3A_32 = arith.constant 0 : index
      %get3A_33 = arith.constant 0 : index
      %get3A_34 = vector.load %arg7[%get3A_31, %get3A_32, %get3A_33] : memref<1x1000x128xf32, #tpu.memory_space<vmem>>, vector<1x1000x128xf32>
      %get3A_35 = arith.constant 0 : index
      %get3A_36 = arith.constant 0 : index
      %get3A_37 = vector.load %arg6[%get3A_35, %get3A_36] : memref<1x128xf32, #tpu.memory_space<vmem>>, vector<1x128xf32>
      %broadcast_in_dim3A_38 = vector.shape_cast %get3A_37 : vector<1x128xf32> to vector<1x1x128xf32>
      %add3A = vector.broadcast %broadcast_in_dim3A_38 : vector<1x1x128xf32> to vector<1x1000x128xf32>
      %add3A_39 = arith.addf %get3A_34, %add3A : vector<1x1000x128xf32>
      %broadcast_in_dim3A_40 = vector.shape_cast %select_n3A : vector<1000x1xf32> to vector<1x1000x1xf32>
      %mul3A_41 = vector.broadcast %broadcast_in_dim3A_40 : vector<1x1000x1xf32> to vector<1x1000x128xf32>
      %mul3A_42 = arith.mulf %add3A_39, %mul3A_41 : vector<1x1000x128xf32>
      %swap3A = arith.constant 0 : index
      %swap3A_43 = arith.constant 0 : index
      %swap3A_44 = arith.constant 0 : index
      %swap3A_45 = vector.load %arg7[%swap3A, %swap3A_43, %swap3A_44] : memref<1x1000x128xf32, #tpu.memory_space<vmem>>, vector<1x1000x128xf32>
      tpu.vector_store %arg7[%swap3A, %swap3A_43, %swap3A_44], %mul3A_42 {strides = array<i32>} : memref<1x1000x128xf32, #tpu.memory_space<vmem>>, vector<1x1000x128xf32>,
    } else {
    }
    return
  }
  func.func @transform_0(%arg0: i32, %arg1: i32, %arg2: i32) -> (i32, i32, i32) {
    %c0_i32 = arith.constant 0 : i32
    %c0_i32_0 = arith.constant 0 : i32
    return %arg2, %arg0, %c0_i32 : i32, i32, i32
  }
  func.func @transform_1(%arg0: i32, %arg1: i32, %arg2: i32) -> (i32, i32) {
    %c0_i32 = arith.constant 0 : i32
    %c0_i32_0 = arith.constant 0 : i32
    return %arg0, %c0_i32 : i32, i32
  }
  func.func @transform_2(%arg0: i32, %arg1: i32, %arg2: i32) -> (i32, i32) {
    %c0_i32 = arith.constant 0 : i32
    return %arg2, %arg1 : i32, i32
  }
  func.func @transform_3(%arg0: i32, %arg1: i32, %arg2: i32) -> (i32, i32) {
    %c0_i32 = arith.constant 0 : i32
    %c0_i32_0 = arith.constant 0 : i32
    return %c0_i32, %arg1 : i32, i32
  }
  func.func @transform_4(%arg0: i32, %arg1: i32, %arg2: i32) -> (i32, i32, i32) {
    %c0_i32 = arith.constant 0 : i32
    %c0_i32_0 = arith.constant 0 : i32
    return %arg1, %arg0, %c0_i32 : i32, i32, i32
  }
}

module attributes {stable_mosaic.version = 14 : i64} {
  func.func @body(%arg0: i32, %arg1: i32, %arg2: memref<1x2000x128xf32, #tpu.memory_space<vmem>>, %arg3: memref<2000x1xf32, #tpu.memory_space<vmem>>, %arg4: memref<1x2000x128xf32, #tpu.memory_space<vmem>>) attributes {dimension_semantics = [#tpu.dimension_semantics<arbitrary>, #tpu.dimension_semantics<arbitrary>], iteration_bounds = array<i64: 4, 5>, scalar_prefetch = 0 : i64, scratch_operands = 0 : i64, tpu.core_type = #tpu.core_type<tc>, window_params = [{transform_indices = @transform_0, window_bounds = array<i64: 1, 2000, 128>}, {transform_indices = @transform_1, window_bounds = array<i64: 2000, 1>}, {transform_indices = @transform_2, window_bounds = array<i64: 1, 2000, 128>}]} {
    %get3A = arith.constant 0 : index
    %get3A_0 = arith.constant 0 : index
    %get3A_1 = arith.constant 0 : index
    %get3A_2 = vector.load %arg2[%get3A, %get3A_0, %get3A_1] : memref<1x2000x128xf32, #tpu.memory_space<vmem>>, vector<1x2000x128xf32>
    %get3A_3 = arith.constant 0 : index
    %get3A_4 = arith.constant 0 : index
    %get3A_5 = vector.load %arg3[%get3A_3, %get3A_4] : memref<2000x1xf32, #tpu.memory_space<vmem>>, vector<2000x1xf32>
    %gt3A = arith.constant 0.000000e+00 : f32
    %gt3A_6 = vector.broadcast %gt3A : f32 to vector<2000x1xf32>
    %gt3A_7 = arith.cmpf ogt, %get3A_5, %gt3A_6 : vector<2000x1xf32>
    %max3A = arith.constant 1.000000e+00 : f32
    %max3A_8 = vector.broadcast %max3A : f32 to vector<2000x1xf32>
    %max3A_9 = arith.maximumf %get3A_5, %max3A_8 : vector<2000x1xf32>
    %div3A = arith.constant 1.000000e+00 : f32
    %div3A_10 = vector.broadcast %div3A : f32 to vector<2000x1xf32>
    %div3A_11 = arith.divf %div3A_10, %max3A_9 : vector<2000x1xf32>
    %jit3A = arith.constant 0.000000e+00 : f32
    %broadcast_in_dim3A = vector.broadcast %jit3A : f32 to vector<2000x1xf32>
    %select_n3A = arith.select %gt3A_7, %div3A_11, %broadcast_in_dim3A : vector<2000x1xi1>, vector<2000x1xf32>
    %broadcast_in_dim3A_12 = vector.shape_cast %select_n3A : vector<2000x1xf32> to vector<1x2000x1xf32>
    %mul3A = vector.broadcast %broadcast_in_dim3A_12 : vector<1x2000x1xf32> to vector<1x2000x128xf32>
    %mul3A_13 = arith.mulf %get3A_2, %mul3A : vector<1x2000x128xf32>
    %swap3A = arith.constant 0 : index
    %swap3A_14 = arith.constant 0 : index
    %swap3A_15 = arith.constant 0 : index
    %swap3A_16 = vector.load %arg4[%swap3A, %swap3A_14, %swap3A_15] : memref<1x2000x128xf32, #tpu.memory_space<vmem>>, vector<1x2000x128xf32>
    tpu.vector_store %arg4[%swap3A, %swap3A_14, %swap3A_15], %mul3A_13 {strides = array<i32>} : memref<1x2000x128xf32, #tpu.memory_space<vmem>>, vector<1x2000x128xf32>,
    return
  }
  func.func @transform_0(%arg0: i32, %arg1: i32) -> (i32, i32, i32) {
    %c0_i32 = arith.constant 0 : i32
    %c0_i32_0 = arith.constant 0 : i32
    return %arg0, %arg1, %c0_i32 : i32, i32, i32
  }
  func.func @transform_1(%arg0: i32, %arg1: i32) -> (i32, i32) {
    %c0_i32 = arith.constant 0 : i32
    %c0_i32_0 = arith.constant 0 : i32
    return %arg1, %c0_i32 : i32, i32
  }
  func.func @transform_2(%arg0: i32, %arg1: i32) -> (i32, i32, i32) {
    %c0_i32 = arith.constant 0 : i32
    %c0_i32_0 = arith.constant 0 : i32
    return %arg0, %arg1, %c0_i32 : i32, i32, i32
  }
}

module attributes {stable_mosaic.version = 14 : i64} {
  func.func @body(%arg0: i32, %arg1: memref<4x2000x128xf32, #tpu.memory_space<vmem>>, %arg2: memref<2000x1xf32, #tpu.memory_space<vmem>>, %arg3: memref<4x128x1xf32, #tpu.memory_space<vmem>>, %arg4: memref<1x1xf32, #tpu.memory_space<vmem>>, %arg5: memref<2000x1xf32, #tpu.memory_space<vmem>>) attributes {dimension_semantics = [#tpu.dimension_semantics<arbitrary>], iteration_bounds = array<i64: 5>, scalar_prefetch = 0 : i64, scratch_operands = 0 : i64, tpu.core_type = #tpu.core_type<tc>, window_params = [{transform_indices = @transform_0, window_bounds = array<i64: 4, 2000, 128>}, {transform_indices = @transform_1, window_bounds = array<i64: 2000, 1>}, {pipeline_mode = #tpu.pipeline_mode<synchronous>, transform_indices = @transform_2, window_bounds = array<i64: 4, 128, 1>}, {pipeline_mode = #tpu.pipeline_mode<synchronous>, transform_indices = @transform_3, window_bounds = array<i64: 1, 1>}, {transform_indices = @transform_4, window_bounds = array<i64: 2000, 1>}]} {
    %get3A = arith.constant 0 : index
    %get3A_0 = arith.constant 0 : index
    %get3A_1 = vector.load %arg2[%get3A, %get3A_0] : memref<2000x1xf32, #tpu.memory_space<vmem>>, vector<2000x1xf32>
    %gt3A = arith.constant 0.000000e+00 : f32
    %gt3A_2 = vector.broadcast %gt3A : f32 to vector<2000x1xf32>
    %gt3A_3 = arith.cmpf ogt, %get3A_1, %gt3A_2 : vector<2000x1xf32>
    %max3A = arith.constant 1.000000e+00 : f32
    %max3A_4 = vector.broadcast %max3A : f32 to vector<2000x1xf32>
    %max3A_5 = arith.maximumf %get3A_1, %max3A_4 : vector<2000x1xf32>
    %rsqrt3A = math.rsqrt %max3A_5 : vector<2000x1xf32>
    %jit3A = arith.constant 0.000000e+00 : f32
    %broadcast_in_dim3A = vector.broadcast %jit3A : f32 to vector<2000x1xf32>
    %select_n3A = arith.select %gt3A_3, %rsqrt3A, %broadcast_in_dim3A : vector<2000x1xi1>, vector<2000x1xf32>
    %broadcast_in_dim3A_6 = arith.constant 0.000000e+00 : f32
    %broadcast_in_dim3A_7 = vector.broadcast %broadcast_in_dim3A_6 : f32 to vector<2000x1xf32>
    %get3A_8 = arith.constant 0 : index
    %get3A_9 = arith.constant 0 : index
    %get3A_10 = arith.constant 0 : index
    %get3A_11 = vector.load %arg1[%get3A_8, %get3A_9, %get3A_10] : memref<4x2000x128xf32, #tpu.memory_space<vmem>>, vector<1x2000x128xf32>
    %get3A_12 = vector.shape_cast %get3A_11 : vector<1x2000x128xf32> to vector<2000x128xf32>
    %mul3A = vector.broadcast %select_n3A : vector<2000x1xf32> to vector<2000x128xf32>
    %mul3A_13 = arith.mulf %get3A_12, %mul3A : vector<2000x128xf32>
    %max3A_14 = arith.constant 0.000000e+00 : f32
    %max3A_15 = vector.broadcast %max3A_14 : f32 to vector<2000x128xf32>
    %max3A_16 = arith.maximumf %mul3A_13, %max3A_15 : vector<2000x128xf32>
    %get3A_17 = arith.constant 0 : index
    %get3A_18 = arith.constant 0 : index
    %get3A_19 = arith.constant 0 : index
    %get3A_20 = vector.load %arg3[%get3A_17, %get3A_18, %get3A_19] : memref<4x128x1xf32, #tpu.memory_space<vmem>>, vector<1x128x1xf32>
    %get3A_21 = vector.shape_cast %get3A_20 : vector<1x128x1xf32> to vector<128x1xf32>
    %dot_general3A = arith.constant dense<0.000000e+00> : vector<2000x1xf32>
    %dot_general3A_22 = tpu.matmul %max3A_16, %get3A_21, %dot_general3A {dimension_numbers = #tpu.dot_dimension_numbers<[1], [0], [0], [1], [0, 0, 1, 1], [], []>, transpose_lhs_hint = false} : vector<2000x128xf32>, vector<128x1xf32>, vector<2000x1xf32> -> vector<2000x1xf32>
    %add3A = arith.addf %broadcast_in_dim3A_7, %dot_general3A_22 : vector<2000x1xf32>
    %get3A_23 = arith.constant 1 : index
    %get3A_24 = arith.constant 0 : index
    %get3A_25 = arith.constant 0 : index
    %get3A_26 = vector.load %arg1[%get3A_23, %get3A_24, %get3A_25] : memref<4x2000x128xf32, #tpu.memory_space<vmem>>, vector<1x2000x128xf32>
    %get3A_27 = vector.shape_cast %get3A_26 : vector<1x2000x128xf32> to vector<2000x128xf32>
    %mul3A_28 = vector.broadcast %select_n3A : vector<2000x1xf32> to vector<2000x128xf32>
    %mul3A_29 = arith.mulf %get3A_27, %mul3A_28 : vector<2000x128xf32>
    %max3A_30 = arith.constant 0.000000e+00 : f32
    %max3A_31 = vector.broadcast %max3A_30 : f32 to vector<2000x128xf32>
    %max3A_32 = arith.maximumf %mul3A_29, %max3A_31 : vector<2000x128xf32>
    %get3A_33 = arith.constant 1 : index
    %get3A_34 = arith.constant 0 : index
    %get3A_35 = arith.constant 0 : index
    %get3A_36 = vector.load %arg3[%get3A_33, %get3A_34, %get3A_35] : memref<4x128x1xf32, #tpu.memory_space<vmem>>, vector<1x128x1xf32>
    %get3A_37 = vector.shape_cast %get3A_36 : vector<1x128x1xf32> to vector<128x1xf32>
    %dot_general3A_38 = arith.constant dense<0.000000e+00> : vector<2000x1xf32>
    %dot_general3A_39 = tpu.matmul %max3A_32, %get3A_37, %dot_general3A_38 {dimension_numbers = #tpu.dot_dimension_numbers<[1], [0], [0], [1], [0, 0, 1, 1], [], []>, transpose_lhs_hint = false} : vector<2000x128xf32>, vector<128x1xf32>, vector<2000x1xf32> -> vector<2000x1xf32>
    %add3A_40 = arith.addf %add3A, %dot_general3A_39 : vector<2000x1xf32>
    %get3A_41 = arith.constant 2 : index
    %get3A_42 = arith.constant 0 : index
    %get3A_43 = arith.constant 0 : index
    %get3A_44 = vector.load %arg1[%get3A_41, %get3A_42, %get3A_43] : memref<4x2000x128xf32, #tpu.memory_space<vmem>>, vector<1x2000x128xf32>
    %get3A_45 = vector.shape_cast %get3A_44 : vector<1x2000x128xf32> to vector<2000x128xf32>
    %mul3A_46 = vector.broadcast %select_n3A : vector<2000x1xf32> to vector<2000x128xf32>
    %mul3A_47 = arith.mulf %get3A_45, %mul3A_46 : vector<2000x128xf32>
    %max3A_48 = arith.constant 0.000000e+00 : f32
    %max3A_49 = vector.broadcast %max3A_48 : f32 to vector<2000x128xf32>
    %max3A_50 = arith.maximumf %mul3A_47, %max3A_49 : vector<2000x128xf32>
    %get3A_51 = arith.constant 2 : index
    %get3A_52 = arith.constant 0 : index
    %get3A_53 = arith.constant 0 : index
    %get3A_54 = vector.load %arg3[%get3A_51, %get3A_52, %get3A_53] : memref<4x128x1xf32, #tpu.memory_space<vmem>>, vector<1x128x1xf32>
    %get3A_55 = vector.shape_cast %get3A_54 : vector<1x128x1xf32> to vector<128x1xf32>
    %dot_general3A_56 = arith.constant dense<0.000000e+00> : vector<2000x1xf32>
    %dot_general3A_57 = tpu.matmul %max3A_50, %get3A_55, %dot_general3A_56 {dimension_numbers = #tpu.dot_dimension_numbers<[1], [0], [0], [1], [0, 0, 1, 1], [], []>, transpose_lhs_hint = false} : vector<2000x128xf32>, vector<128x1xf32>, vector<2000x1xf32> -> vector<2000x1xf32>
    %add3A_58 = arith.addf %add3A_40, %dot_general3A_57 : vector<2000x1xf32>
    %get3A_59 = arith.constant 3 : index
    %get3A_60 = arith.constant 0 : index
    %get3A_61 = arith.constant 0 : index
    %get3A_62 = vector.load %arg1[%get3A_59, %get3A_60, %get3A_61] : memref<4x2000x128xf32, #tpu.memory_space<vmem>>, vector<1x2000x128xf32>
    %get3A_63 = vector.shape_cast %get3A_62 : vector<1x2000x128xf32> to vector<2000x128xf32>
    %mul3A_64 = vector.broadcast %select_n3A : vector<2000x1xf32> to vector<2000x128xf32>
    %mul3A_65 = arith.mulf %get3A_63, %mul3A_64 : vector<2000x128xf32>
    %max3A_66 = arith.constant 0.000000e+00 : f32
    %max3A_67 = vector.broadcast %max3A_66 : f32 to vector<2000x128xf32>
    %max3A_68 = arith.maximumf %mul3A_65, %max3A_67 : vector<2000x128xf32>
    %get3A_69 = arith.constant 3 : index
    %get3A_70 = arith.constant 0 : index
    %get3A_71 = arith.constant 0 : index
    %get3A_72 = vector.load %arg3[%get3A_69, %get3A_70, %get3A_71] : memref<4x128x1xf32, #tpu.memory_space<vmem>>, vector<1x128x1xf32>
    %get3A_73 = vector.shape_cast %get3A_72 : vector<1x128x1xf32> to vector<128x1xf32>
    %dot_general3A_74 = arith.constant dense<0.000000e+00> : vector<2000x1xf32>
    %dot_general3A_75 = tpu.matmul %max3A_68, %get3A_73, %dot_general3A_74 {dimension_numbers = #tpu.dot_dimension_numbers<[1], [0], [0], [1], [0, 0, 1, 1], [], []>, transpose_lhs_hint = false} : vector<2000x128xf32>, vector<128x1xf32>, vector<2000x1xf32> -> vector<2000x1xf32>
    %add3A_76 = arith.addf %add3A_58, %dot_general3A_75 : vector<2000x1xf32>
    %get3A_77 = arith.constant 0 : index
    %get3A_78 = arith.constant 0 : index
    %get3A_79 = vector.load %arg4[%get3A_77, %get3A_78] : memref<1x1xf32, #tpu.memory_space<vmem>>, vector<1x1xf32>
    %add3A_80 = vector.broadcast %get3A_79 : vector<1x1xf32> to vector<2000x1xf32>
    %add3A_81 = arith.addf %add3A_76, %add3A_80 : vector<2000x1xf32>
    %swap3A = arith.constant 0 : index
    %swap3A_82 = arith.constant 0 : index
    %swap3A_83 = vector.load %arg5[%swap3A, %swap3A_82] : memref<2000x1xf32, #tpu.memory_space<vmem>>, vector<2000x1xf32>
    tpu.vector_store %arg5[%swap3A, %swap3A_82], %add3A_81 {strides = array<i32>} : memref<2000x1xf32, #tpu.memory_space<vmem>>, vector<2000x1xf32>,
    return
  }
  func.func @transform_0(%arg0: i32) -> (i32, i32, i32) {
    %c0_i32 = arith.constant 0 : i32
    %c0_i32_0 = arith.constant 0 : i32
    %c0_i32_1 = arith.constant 0 : i32
    return %c0_i32, %arg0, %c0_i32_0 : i32, i32, i32
  }
  func.func @transform_1(%arg0: i32) -> (i32, i32) {
    %c0_i32 = arith.constant 0 : i32
    %c0_i32_0 = arith.constant 0 : i32
    return %arg0, %c0_i32 : i32, i32
  }
  func.func @transform_2(%arg0: i32) -> (i32, i32, i32) {
    %c0_i32 = arith.constant 0 : i32
    %c0_i32_0 = arith.constant 0 : i32
    %c0_i32_1 = arith.constant 0 : i32
    %c0_i32_2 = arith.constant 0 : i32
    return %c0_i32, %c0_i32_0, %c0_i32_1 : i32, i32, i32
  }
  func.func @transform_3(%arg0: i32) -> (i32, i32) {
    %c0_i32 = arith.constant 0 : i32
    %c0_i32_0 = arith.constant 0 : i32
    %c0_i32_1 = arith.constant 0 : i32
    return %c0_i32, %c0_i32_0 : i32, i32
  }
  func.func @transform_4(%arg0: i32) -> (i32, i32) {
    %c0_i32 = arith.constant 0 : i32
    %c0_i32_0 = arith.constant 0 : i32
    return %arg0, %c0_i32 : i32, i32
  }
}

</mosaic_0001>

<sc_bundles>
// kernel: kernel.12.cloned.1.call-start
scs
__scs_entry_jumppad:
0x0: {  	(pc) =	sbr.rel $0x88, $3  }
0x1: {  	(tag) =	ssettag $0x0;
	lr =	simm.s32 $0x1  }
0x2: {  	[smem:$0x3F99] =	sst lr;
	_ =	strace $0xD0000000  }
0x3: {  	_ = 	snop  }
0x4: {  	_ = 	snop  }
0x5: {  	_ = 	snop  }
0x6: {  	_ = 	snop  }
0x7: {  	_ = 	snop  }
__scs_overlays_trampoline_lowered:
0x8: {  	[smem:$0x3FA8] =	sst s0  }
0x9: {  	[smem:$0x3FA9] =	sst s1  }
0xa: {  	[smem:$0x3FAA] =	sst s2  }
0xb: {  	[smem:$0x3FAB] =	sst s3  }
0xc: {  	[smem:$0x3FAC] =	sst s4  }
0xd: {  	[smem:$0x3FAD] =	sst s5  }
0xe: {  	[smem:$0x3FAE] =	sst s6  }
0xf: {  	[smem:$0x3FAF] =	sst s7  }
0x10: {  	[smem:$0x3FB0] =	sst s8  }
0x11: {  	[smem:$0x3FB1] =	sst s9;
	s0 =	simm.s32 @!p0 $0x0  }
0x12: {  	s1 =	sld [smem:$0x3F97];
	s0 =	simm.s32 @p0 $0x1  }
0x13: {  	[smem:$0x3FB2] =	sst s0;
	s0 =	simm.s32 @!p1 $0x0  }
0x14: {  	s2 =	sld [smem:$0x3F96];
	s0 =	simm.s32 @p1 $0x1  }
0x15: {  	[smem:$0x3FB3] =	sst s0;
	s0 =	simm.s32 @!p2 $0x0  }
0x16: {  	s3 =	sld [smem:$0x3FDB];
	s0 =	simm.s32 @p2 $0x1  }
0x17: {  	s4 =	simm.s32 $0x1BF5;
	[smem:$0x3FB5] =	sst s0  }
0x18: {  	s0 =	sld [smem:$0x3F98];
	_ =	swait.ge [sflag:s4], $0x0  }
0x19: {  	s7 =	sld [smem:$0x3F99]  }
0x1a: {  	s8 =	sadd.s32 $0xFFFFE003, lr  }
0x1b: {  	s9 =	sadd.s32 $0xFFFFFEF7, lr;
	s5 =	simm.s32 $0xFFFFFFFF;
	p2 =	slt.u32 s8, $0xFFFFF086  }
0x1c: {  	p1 =	slt.u32 s9, $0xF7A;
	s5 =	simm.s32 @!p2 $0x0  }
0x1d: {  	s5 =	simm.s32 @p1 $0x1;
	p0 =	seq.s32 s7, s2  }
0x1e: {  	s7 =	smul.u32 @!p0 $0xF7A, s2;
	p2 =	seq.s32 @!p0 s5, $0x0  }
0x1f: {  	s9 =	smul.u32 $0xF7A, s1;
	s8 =	simm.s32 @!p0 $0x1BF5;
	p2 =	por !p2, p0  }
0x20: {  	[sflag:s8] =	ssyncset.s32 @!p0 $0xFFFFF086;
	s6 =	sadd.s32 @!p0 s3, s7;
	s7 =	simm.s32 @!p0 $0x108  }
0x21: {  	s3 =	sadd.s32 s3, s9;
	s6 =	sadd.s32 @!p0 $0x88, s6;
	s7 =	simm.s32 @p2 $0x1082  }
0x22: {  	[simem:s7], [sflag:s8] =	dma.local @!p0 [hbm:s6], $0xF7A  }
0x23: {  	s9 =	sor.u32 $0xD0000000, s2;
	s6 =	simm.s32 $0x108;
	_ =	swait.ge @!p0 [sflag:s8], $0x0  }
0x24: {  	s3 =	sadd.s32 $0x88, s3;
	s6 =	simm.s32 @!p1 $0x1082;
	[sflag:s4] =	ssyncset.s32 $0xFFFFF086  }
0x25: {  	[simem:s6], [sflag:s4] =	dma.local [hbm:s3], $0xF7A  }
0x26: {  	[smem:$0x3F99] =	sst s1;
	(tag) =	ssettag s2;
	_ =	strace s9  }
0x27: {  	s1 =	sld [smem:$0x3FA9]  }
0x28: {  	s2 =	sld [smem:$0x3FAA]  }
0x29: {  	s4 =	sld [smem:$0x3FAC]  }
0x2a: {  	p0 =	seq.s32 s5, $0x0;
	s5 =	sld [smem:$0x3FAD]  }
0x2b: {  	s6 =	sld [smem:$0x3FAE]  }
0x2c: {  	s7 =	sld [smem:$0x3FAF]  }
0x2d: {  	s3 =	simm.s32 $0x108;
	s8 =	sld [smem:$0x3FB0]  }
0x2e: {  	s3 =	simm.s32 @!p0 $0x1082;
	s9 =	sld [smem:$0x3FB1]  }
0x2f: {  	lr =	sadd.s32 s0, s3;
	s0 =	sld [smem:$0x3FA8]  }
0x30: {  	s3 =	sld [smem:$0x3FAB]  }
0x31: {  	[smem:$0x3FB4] =	sst s10  }
0x32: {  	s10 =	sld [smem:$0x3FB2];
	_ =	sdelay $0x3  }
0x33: {  	p0 =	seq.s32 s10, $0x1;
	s10 =	sld [smem:$0x3FB4];
	_ =	sdelay $0x3  }
0x34: {  	[smem:$0x3FB4] =	sst s10  }
0x35: {  	s10 =	sld [smem:$0x3FB3];
	_ =	sdelay $0x3  }
0x36: {  	p1 =	seq.s32 s10, $0x1;
	s10 =	sld [smem:$0x3FB4];
	_ =	sdelay $0x3  }
0x37: {  	[smem:$0x3FB4] =	sst s10  }
0x38: {  	s10 =	sld [smem:$0x3FB5]  }
0x39: {  	_ = 	snop;
	(pc) =	sbr.ind lr, $3  }
0x3a: {  	_ = 	snop  }
0x3b: {  	_ = 	snop  }
0x3c: {  	p2 =	seq.s32 s10, $0x1;
	s10 =	sld [smem:$0x3FB4]  }
0x3d: {  	_ =	shalt  }
0x3e: {  	_ =	shalt  }
0x3f: {  	_ =	shalt  }
0x40: {  	_ =	shalt  }
0x41: {  	_ =	shalt  }
0x42: {  	_ =	shalt  }
0x43: {  	_ =	shalt  }
0x44: {  	_ =	shalt  }
0x45: {  	_ =	shalt  }
0x46: {  	_ =	shalt  }
0x47: {  	_ =	shalt  }
0x48: {  	_ =	shalt  }
0x49: {  	_ =	shalt  }
0x4a: {  	_ =	shalt  }
0x4b: {  	_ =	shalt  }
0x4c: {  	_ =	shalt  }
0x4d: {  	_ =	shalt  }
0x4e: {  	_ =	shalt  }
0x4f: {  	_ =	shalt  }
0x50: {  	_ =	shalt  }
0x51: {  	_ =	shalt  }
0x52: {  	_ =	shalt  }
0x53: {  	_ =	shalt  }
0x54: {  	_ =	shalt  }
0x55: {  	_ =	shalt  }
0x56: {  	_ =	shalt  }
0x57: {  	_ =	shalt  }
0x58: {  	_ =	shalt  }
0x59: {  	_ =	shalt  }
0x5a: {  	_ =	shalt  }
0x5b: {  	_ =	shalt  }
0x5c: {  	_ =	shalt  }
0x5d: {  	_ =	shalt  }
0x5e: {  	_ =	shalt  }
0x5f: {  	_ =	shalt  }
0x60: {  	_ =	shalt  }
0x61: {  	_ =	shalt  }
0x62: {  	_ =	shalt  }
0x63: {  	_ =	shalt  }
0x64: {  	_ =	shalt  }
0x65: {  	_ =	shalt  }
0x66: {  	_ =	shalt  }
0x67: {  	_ =	shalt  }
0x68: {  	_ =	shalt  }
0x69: {  	_ =	shalt  }
0x6a: {  	_ =	shalt  }
0x6b: {  	_ =	shalt  }
0x6c: {  	_ =	shalt  }
0x6d: {  	_ =	shalt  }
0x6e: {  	_ =	shalt  }
0x6f: {  	_ =	shalt  }
0x70: {  	_ =	shalt  }
0x71: {  	_ =	shalt  }
0x72: {  	_ =	shalt  }
0x73: {  	_ =	shalt  }
0x74: {  	_ =	shalt  }
0x75: {  	_ =	shalt  }
0x76: {  	_ =	shalt  }
0x77: {  	_ =	shalt  }
0x78: {  	_ =	shalt  }
0x79: {  	_ =	shalt  }
0x7a: {  	_ =	shalt  }
0x7b: {  	_ =	shalt  }
0x7c: {  	_ =	shalt  }
0x7d: {  	_ =	shalt  }
0x7e: {  	_ =	shalt  }
0x7f: {  	_ =	shalt  }
0x80: {  	_ =	shalt  }
0x81: {  	_ =	shalt  }
0x82: {  	_ =	shalt  }
0x83: {  	_ =	shalt  }
0x84: {  	_ =	shalt  }
0x85: {  	_ =	shalt  }
0x86: {  	_ =	shalt  }
0x87: {  	_ =	shalt  }
.Lfunc_end0:
.L_simem_size_0:
called_computation_lowered:
.L_overlay_start_0:
0x88: {  	s2 =	sld [smem:$0x3FD9]  }
0x89: {  	s3 =	sld [smem:$0x3FFE];
	_ =	sdelay $0x1  }
0x8a: {  	s1 =	srdreg.scid  }
0x8b: {  	s0 =	sand.u32 $0x1, s1  }
0x8c: {  	s16 =	sshll.u32 s0, $0xA;
	s2 =	sadd.s32 s3, s2  }
0x8d: {  	s2 =	sadd.s32 s2, s16  }
0x8e: {  	[smem:$0x3FC0] =	sst s2  }
0x8f: {  	_ = 	snop  }
0x90: {  	(tm) =	ssettm $0x1  }
0x91: {  	s17 =	sld [smem:$0x3FFB];
	_ =	sdelay $0x3  }
0x92: {  	_ =	strace s17  }
0x93: {  	s2 =	sld [smem:$0x3FFC];
	_ =	sdelay $0x3  }
0x94: {  	_ =	strace s2  }
0x95: {  	s2 =	sld [smem:$0x3FFD];
	_ =	sdelay $0x3  }
0x96: {  	_ =	strace s2  }
0x97: {  	_ =	strace $0x8FFFFFFF  }
0x98: {  	s18 =	sld [smem:$0x3FDB];
	_ =	sdelay $0x1  }
0x99: {  	s19 =	simm.s32 $_scs_section_size  }
0x9a: {  	s4 =	simm.s32 $_size__tile_overlayer_lowered;
	s5 =	simm.s32 $_tile_overlayer_lowered  }
0x9b: {  	s22 =	simm.s32 $0x1BFF;
	s21 =	sshll.u32 s5, $0x1;
	s2 =	sadd.s32 s19, s18  }
0x9c: {  	s6 =	simm.s32 $0x0;
	s20 =	sshll.u32 s4, $0x1;
	s4 =	sadd.s32 s21, s2  }
0x9d: {  	[timem:s6], [sflag:s22] =	dma.local [hbm:s4], s20  }
0x9e: {  	_ =	swait.ge [sflag:s22], s20  }
0x9f: {  	s3 =	ssub.s32 $0x0, s20;
	[sflag:s22] =	ssyncset.done $0x0  }
0xa0: {  	[sflag:s22] =	ssyncadd.s32 s3;
	_ =	sdelay $0x1  }
0xa1: {  	s23 =	simm.s32 $0x1B8B  }
0xa2: {  	_ =	swait.ge [sflag:s23], $0x1  }
0xa3: {  	[sflag:s23] =	ssyncset.done $0x0  }
0xa4: {  	s25 =	simm.s32 $0x1B8E;
	s24 =	sld [smem:$0x3FFE];
	[sflag:s23] =	ssyncadd.s32 $0xFFFFFFFF  }
0xa5: {  	s26 =	simm.s32 $execute0_lowered;
	[smem:$0x3FD2] =	sst s25  }
0xa6: {  	s4 =	sshll.u32 s26, $0x1;
	_ =	strace $0x80000046;
	[dreg:$0x1] =	wrdreg $0xFFFFFFFF  }
0xa7: {  	s28 =	simm.s32 $_size_execute0_lowered;
	s2 =	sadd.s32 s2, s4;
	[dreg:$0x0] =	wrdreg $0x0  }
0xa8: {  	s4 =	sshll.u32 s28, $0x1;
	[dreg:$0x2] =	wrdreg s2  }
0xa9: {  	[dreg:$0x3] =	wrdreg s4  }
0xaa: {  	[dreg:$0x4] =	wrdreg $0xC0  }
0xab: {  	_ =	task [dreg:s6], $0x5FFFF  }
0xac: {  	[dreg:$0x1] =	wrdreg $0xFFFFFFFF  }
0xad: {  	[dreg:$0x0] =	wrdreg $0x60  }
0xae: {  	[dreg:$0x2] =	wrdreg s24  }
0xaf: {  	[dreg:$0x3] =	wrdreg $0x0  }
0xb0: {  	[dreg:$0x4] =	wrdreg $0x9  }
0xb1: {  	_ =	task.clear_ibuf [dreg:s6], $0x5FFFF;
	_ =	strace $0x90000046  }
0xb2: {  	s29 =	simm.s32 $0x9;
	_ =	strace $0x80000048  }
0xb3: {  	_ =	swait.ge [sflag:s29], $0x1  }
0xb4: {  	[sflag:s29] =	ssyncadd.s32 $0xFFFFFFFF  }
0xb5: {  	_ =	strace $0x90000048  }
0xb6: {  	_ =	sfence  }
0xb7: {  	s30 =	sld [smem:$0x0];
	_ =	sdelay $0x2  }
0xb8: {  	s31 =	sshll.u32 s1, $0xD;
	s1 =	sshrl.u32 s1, $0x2  }
0xb9: {  	s3 =	sand.u32 $0x4000, s31;
	s1 =	sadd.s32 s1, s30  }
0xba: {  	s0 =	sor.u32 s3, s0;
	s1 =	sshll.u32 s1, $0x11  }
0xbb: {  	s0 =	sor.u32 s1, s0  }
0xbc: {  	s0 =	sadd.s32 $0x8F2B, s0  }
0xbd: {  	[sflag:s0] =	ssyncadd.remote.s32 $0x1  }
0xbe: {  	_ =	sfence.sel $0xFFFF  }
0xbf: {  	[dreg:$0x0] =	wrdreg $0xFFFFFFFF;
	(pc) =	sbr.abs _section_cstart, $3  }
0xc0: {  	[dreg:$0x1] =	wrdreg $0xFFFFFFFF  }
0xc1: {  	_ =	task.clear_ibuf [dreg:s6], $0x2FFFF;
	_ =	strace $0x9FFFFFFF  }
0xc2: {  	(tm) =	ssettm $0x7FFFFFFF  }
0xc3: {  	_ =	shalt  }
tec
execute0_lowered:
.L_overlay_start_1:
0x0: {  	(tag) =	ssettag $0x1  }
0x1: {  	s4 =	rddreg [dreg:$0x0]  }
0x2: {  	s0 =	srdreg.scid;
	s2 =	rddreg [dreg:$0x1]  }
0x3: {  	s1 =	rddreg [dreg:$0x2];
	s6 =	sand.u32 $0x1, s0  }
0x4: {  	s0 =	stileid.u32;
	s5 =	smul.u32 $0x28000, s6  }
0x5: {  	s3 =	simm.s32 $0x0;
	s19 =	simm.s32 $0x80;
	s7 =	smul.u32 $0x2800, s0  }
0x6: {  	[smem:$0x7FF] =	sst s3;
	s14 =	sadd.s32 $0x16E00, s4;
	s8 =	smul.u32 $0x50000, s0  }
0x7: {  	_ =	strace $0x80000047;
	s26 =	ssub.s32 $0x2, s6;
	s9 =	smul.u32 $0x14000, s0  }
0x8: {  	s12 =	smul.u32 $0x140000, s6;
	s28 =	sshrl.u32 s26, $0x1;
	s5 =	sadd.s32 s7, s5  }
0x9: {  	s15 =	ssub.s32 s26, s28;
	s29 =	sshrl.u32 s8, $0x2;
	s10 =	sadd.s32 $0x4000, s9  }
0xa: {  	s13 =	sadd.s32 $0x8000, s9;
	s16 =	sadd.s32 $0xC000, s9;
	s11 =	sadd.s32 s9, s12  }
0xb: {  	s17 =	sadd.s32 $0x10000, s9;
	s5 =	sshrl.u32 s5, $0x3;
	s6 =	sadd.s32 s10, s2  }
0xc: {  	s7 =	sadd.s32 s13, s2;
	s8 =	sadd.s32 s16, s2;
	s11 =	sshrl.u32 s11, $0x3  }
0xd: {  	s18 =	sadd.s32 s12, s10;
	s9 =	sadd.s32 s17, s2;
	s13 =	sadd.s32 s12, s13  }
0xe: {  	s16 =	sadd.s32 s12, s16;
	s17 =	sadd.s32 s12, s17;
	s15 =	smax.u32 s15, $0x1  }
0xf: {  	s5 =	sadd.s32 s5, s4;
	s10 =	sadd.s32 s14, s11;
	s30 =	sshrl.u32 s18, $0x3  }
0x10: {  	s13 =	sshrl.u32 s13, $0x3;
	s16 =	sshrl.u32 s16, $0x3;
	s31 =	sshrl.u32 s17, $0x3  }
0x11: {  	s17 =	simm.s32 $0x1;
	s18 =	simm.s32 $0x16800;
	s4 =	sadd.s32 $0xCE00, s5  }
0x12: {  	s5 =	sadd.s32 s29, s2;
	s11 =	sadd.s32 s14, s30;
	s12 =	sadd.s32 s14, s13  }
0x13: {  	v0 =	vimm.f32 $0.0e+00;
	v1 =	vimm.f32 $1.000000000e+00;
	s13 =	sadd.s32 s14, s16;
	s14 =	sadd.s32 s14, s31;
	s16 =	simm.s32 $0x14000  }
.LBB2_1:
0x14: {  	s20 =	simm.s32 $0x0;
	s21 =	simm.s32 $0x200  }
.LBB2_2:
0x15: {  	p0 =	sne.s32 s21, $0xFE00;
	[tilespmem:s20+$0x16870] =	vst v0  }
0x16: {  	[tilespmem:s20+$0x16800] =	vst v0  }
0x17: {  	[tilespmem:s20+$0x16810] =	vst v0  }
.Ltmp0:
0x18: {  	[tilespmem:s20+$0x16820] =	vst v0;
	(pc) =	sbr.rel @p0 .LBB2_2-.Ltmp0, $4  }
0x19: {  	[tilespmem:s20+$0x16830] =	vst v0  }
0x1a: {  	[tilespmem:s20+$0x16840] =	vst v0  }
0x1b: {  	[tilespmem:s20+$0x16850] =	vst v0  }
0x1c: {  	[tilespmem:s20+$0x16860] =	vst v0;
	s20 =	sshra.s32 s21, $0x2;
	s21 =	sadd.s32 $0x200, s21  }
0x1d: {  	[tilespmem:s20+$0x16870] =	vst v0  }
0x1e: {  	[tilespmem:s20+$0x16800] =	vst v0  }
0x1f: {  	[tilespmem:s20+$0x16810] =	vst v0  }
0x20: {  	[tilespmem:s20+$0x16820] =	vst v0  }
0x21: {  	[tilespmem:s20+$0x16830] =	vst v0  }
0x22: {  	[tilespmem:s20+$0x16840] =	vst v0  }
0x23: {  	[tilespmem:s20+$0x16850] =	vst v0  }
0x24: {  	[tilespmem:s20+$0x16860] =	vst v0;
	s31 =	simm.s32 $0x0  }
0x25: {  	[tilespmem:s16], [sflag:$0x1] =	stream.linear.gather [hbm4b:s4+s31], $0x2800, $0x38;
	[tilespmem:$0x1A800] =	vst v63  }
0x26: {  	_ =	swait.ge [sflag:s17], $0x2800  }
0x27: {  	[sflag:s17] =	ssyncset.done $0x0  }
0x28: {  	[sflag:s17] =	ssyncadd.s32 $0xFFFFD800  }
0x29: {  	[spmem:s5] =	stream.linear.scatter [tilespmem:s18], [sflag:$0x1], $0x4000, $0x38;
	[tilespmem:$0x1A800] =	vst v63  }
0x2a: {  	_ =	swait.ge [sflag:s17], $0x4000  }
0x2b: {  	[sflag:s17] =	ssyncset.done $0x0  }
0x2c: {  	[sflag:s17] =	ssyncadd.s32 $0xFFFFC000  }
0x2d: {  	[spmem:s6] =	stream.linear.scatter [tilespmem:s18], [sflag:$0x1], $0x4000, $0x38;
	[tilespmem:$0x1A800] =	vst v63  }
0x2e: {  	_ =	swait.ge [sflag:s17], $0x4000  }
0x2f: {  	[sflag:s17] =	ssyncset.done $0x0  }
0x30: {  	[sflag:s17] =	ssyncadd.s32 $0xFFFFC000  }
0x31: {  	[spmem:s7] =	stream.linear.scatter [tilespmem:s18], [sflag:$0x1], $0x4000, $0x38;
	[tilespmem:$0x1A800] =	vst v63  }
0x32: {  	_ =	swait.ge [sflag:s17], $0x4000  }
0x33: {  	[sflag:s17] =	ssyncset.done $0x0  }
0x34: {  	[sflag:s17] =	ssyncadd.s32 $0xFFFFC000  }
0x35: {  	[spmem:s8] =	stream.linear.scatter [tilespmem:s18], [sflag:$0x1], $0x4000, $0x38;
	[tilespmem:$0x1A800] =	vst v63  }
0x36: {  	_ =	swait.ge [sflag:s17], $0x4000  }
0x37: {  	[sflag:s17] =	ssyncset.done $0x0  }
0x38: {  	[sflag:s17] =	ssyncadd.s32 $0xFFFFC000  }
0x39: {  	[spmem:s9] =	stream.linear.scatter [tilespmem:s18], [sflag:$0x1], $0x4000, $0x38;
	[tilespmem:$0x1A800] =	vst v63  }
0x3a: {  	_ =	swait.ge [sflag:s17], $0x4000  }
0x3b: {  	[sflag:s17] =	ssyncset.done $0x0  }
0x3c: {  	s20 =	simm.s32 $0x0;
	s21 =	simm.s32 $0x200;
	[sflag:s17] =	ssyncadd.s32 $0xFFFFC000  }
.LBB2_4:
0x3d: {  	p0 =	sne.s32 s21, $0xFE00;
	[tilespmem:s20+$0x16870] =	vst v1  }
0x3e: {  	[tilespmem:s20+$0x16800] =	vst v1  }
0x3f: {  	[tilespmem:s20+$0x16810] =	vst v1  }
.Ltmp1:
0x40: {  	[tilespmem:s20+$0x16820] =	vst v1;
	(pc) =	sbr.rel @p0 .LBB2_4-.Ltmp1, $4  }
0x41: {  	[tilespmem:s20+$0x16830] =	vst v1  }
0x42: {  	[tilespmem:s20+$0x16840] =	vst v1  }
0x43: {  	[tilespmem:s20+$0x16850] =	vst v1  }
0x44: {  	[tilespmem:s20+$0x16860] =	vst v1;
	s20 =	sshra.s32 s21, $0x2;
	s21 =	sadd.s32 $0x200, s21  }
0x45: {  	[tilespmem:s20+$0x16870] =	vst v1  }
0x46: {  	[tilespmem:s20+$0x16800] =	vst v1  }
0x47: {  	[tilespmem:s20+$0x16810] =	vst v1  }
0x48: {  	[tilespmem:s20+$0x16820] =	vst v1  }
0x49: {  	[tilespmem:s20+$0x16830] =	vst v1  }
0x4a: {  	[tilespmem:s20+$0x16840] =	vst v1  }
0x4b: {  	[tilespmem:s20+$0x16850] =	vst v1  }
0x4c: {  	[tilespmem:s20+$0x16860] =	vst v1  }
0x4d: {  	s31 =	simm.s32 $0x14000;
	[bflag:$0x0] =	sbarrier.arrive $0xFFFF  }
0x4e: {  	[spmem:s2] =	stream.indirect.scatter.add.f32 [tilespmem:s18], [sflag:$0x1], $0x80, s31, s19, $0xb8;
	[tilespmem:$0x1A800] =	vst v63  }
0x4f: {  	s20 =	simm.s32 $0x200;
	_ =	swait.ge [sflag:s17], $0x4000  }
.LBB2_6:
0x50: {  	s21 =	sshra.s32 s20, $0x2;
	[sflag:s17] =	ssyncset.done $0x0;
	p0 =	sne.s32 s20, $0x9E00  }
.Ltmp2:
0x51: {  	s21 =	sadd.s32 $0x14000, s21;
	[sflag:s17] =	ssyncadd.s32 $0xFFFFC000;
	(pc) =	sbr.rel @p0 .LBB2_6-.Ltmp2, $3  }
0x52: {  	[spmem:s2] =	stream.indirect.scatter.add.f32 [tilespmem:s18], [sflag:$0x1], $0x80, s21, s19, $0xb8;
	[tilespmem:$0x1A800] =	vst v63  }
0x53: {  	s20 =	sadd.s32 $0x200, s20;
	_ =	sdelay $0x1  }
0x54: {  	_ =	swait.ge [sflag:s17], $0x4000  }
0x55: {  	[sflag:s17] =	ssyncset.done $0x0  }
0x56: {  	s20 =	sshll.u32 s0, $0x6;
	[sflag:s17] =	ssyncadd.s32 $0xFFFFC000  }
0x57: {  	s21 =	sshrl.u32 s5, $0x3;
	s20 =	sor.u32 $0x1C01, s20;
	[bflag:$0x0] =	sbarrier.arrive $0xFFFF  }
0x58: {  	[hbm:s10], [sflag:s20] =	dma.local [spmem:s21], $0x800  }
0x59: {  	_ =	swait.ge [sflag:s17], $0x800  }
0x5a: {  	[sflag:s17] =	ssyncset.done $0x0  }
0x5b: {  	s28 =	sshrl.u32 s6, $0x3;
	[sflag:s17] =	ssyncadd.s32 $0xFFFFF800  }
0x5c: {  	[hbm:s11], [sflag:s20] =	dma.local [spmem:s28], $0x800  }
0x5d: {  	_ =	swait.ge [sflag:s17], $0x800  }
0x5e: {  	[sflag:s17] =	ssyncset.done $0x0  }
0x5f: {  	s29 =	sshrl.u32 s7, $0x3;
	[sflag:s17] =	ssyncadd.s32 $0xFFFFF800  }
0x60: {  	[hbm:s12], [sflag:s20] =	dma.local [spmem:s29], $0x800  }
0x61: {  	_ =	swait.ge [sflag:s17], $0x800  }
0x62: {  	[sflag:s17] =	ssyncset.done $0x0  }
0x63: {  	s30 =	sshrl.u32 s8, $0x3;
	[sflag:s17] =	ssyncadd.s32 $0xFFFFF800  }
0x64: {  	[hbm:s13], [sflag:s20] =	dma.local [spmem:s30], $0x800  }
0x65: {  	s3 =	sadd.s32 $0x1, s3;
	_ =	swait.ge [sflag:s17], $0x800  }
0x66: {  	p0 =	sne.s32 s3, s15;
	[sflag:s17] =	ssyncset.done $0x0  }
.Ltmp3:
0x67: {  	s31 =	sshrl.u32 s9, $0x3;
	[sflag:s17] =	ssyncadd.s32 $0xFFFFF800;
	(pc) =	sbr.rel @p0 .LBB2_1-.Ltmp3, $4  }
0x68: {  	[hbm:s14], [sflag:s20] =	dma.local [spmem:s31], $0x800  }
0x69: {  	_ =	swait.ge [sflag:s17], $0x800  }
0x6a: {  	[sflag:s17] =	ssyncset.done $0x0  }
0x6b: {  	[sflag:s17] =	ssyncadd.s32 $0xFFFFF800  }
0x6c: {  	_ =	sfence.sel $0x180000  }
0x6d: {  	[bflag:$0x0] =	sbarrier.arrive $0xFFFF  }
0x6e: {  	p0 =	sne.s32 s0, $0x0;
	_ =	strace $0x90000047  }
0x6f: {  	s0 =	sadd.s32 @!p0 $0x100000, s1;
	[bflag:$0x2] =	sbarrier.arrive $0xFFFF  }
0x70: {  	[sflag:s0] =	ssyncadd.tile.s32 @!p0 $0x1;
	_ =	shalt  }
.Lfunc_end2:
_tile_overlayer_lowered:
.L_overlay_start_2:
0x71: {  	(tag) =	ssettag $0x2  }
0x72: {  	s0 =	rddreg [dreg:$0x0];
	s2 =	stileid.u32  }
0x73: {  	s1 =	rddreg [dreg:$0x1];
	p0 =	sne.s32 s2, $0x0  }
0x74: {  	s3 =	rddreg [dreg:$0x2];
	[bflag:$0x3] =	sbarrier.arrive $0xFFFF;
	s2 =	simm.s32 @!p0 $0x1C01  }
0x75: {  	[timem:s3], [sflag:s2] =	dma.local @!p0 [hbm:s0], s1  }
0x76: {  	s0 =	simm.s32 @!p0 $0x1  }
0x77: {  	_ =	swait.ge @!p0 [sflag:s0], s1  }
0x78: {  	s1 =	ssub.s32 @!p0 $0x0, s1;
	[sflag:s0] =	ssyncset.done @!p0 $0x0  }
0x79: {  	[sflag:s0] =	ssyncadd.s32 @!p0 s1  }
0x7a: {  	[bflag:$0x3] =	sbarrier.arrive $0xFFFF  }
0x7b: {  	_ =	shalt  }

// kernel: kernel.15.cloned.1.call-start
scs
__scs_entry_jumppad:
0x0: {  	(pc) =	sbr.rel $0x88, $3  }
0x1: {  	(tag) =	ssettag $0x0;
	lr =	simm.s32 $0x1  }
0x2: {  	[smem:$0x3F99] =	sst lr;
	_ =	strace $0xD0000000  }
0x3: {  	_ = 	snop  }
0x4: {  	_ = 	snop  }
0x5: {  	_ = 	snop  }
0x6: {  	_ = 	snop  }
0x7: {  	_ = 	snop  }
__scs_overlays_trampoline_lowered:
0x8: {  	[smem:$0x3FA8] =	sst s0  }
0x9: {  	[smem:$0x3FA9] =	sst s1  }
0xa: {  	[smem:$0x3FAA] =	sst s2  }
0xb: {  	[smem:$0x3FAB] =	sst s3  }
0xc: {  	[smem:$0x3FAC] =	sst s4  }
0xd: {  	[smem:$0x3FAD] =	sst s5  }
0xe: {  	[smem:$0x3FAE] =	sst s6  }
0xf: {  	[smem:$0x3FAF] =	sst s7  }
0x10: {  	[smem:$0x3FB0] =	sst s8  }
0x11: {  	[smem:$0x3FB1] =	sst s9;
	s0 =	simm.s32 @!p0 $0x0  }
0x12: {  	s1 =	sld [smem:$0x3F97];
	s0 =	simm.s32 @p0 $0x1  }
0x13: {  	[smem:$0x3FB2] =	sst s0;
	s0 =	simm.s32 @!p1 $0x0  }
0x14: {  	s2 =	sld [smem:$0x3F96];
	s0 =	simm.s32 @p1 $0x1  }
0x15: {  	[smem:$0x3FB3] =	sst s0;
	s0 =	simm.s32 @!p2 $0x0  }
0x16: {  	s3 =	sld [smem:$0x3FDB];
	s0 =	simm.s32 @p2 $0x1  }
0x17: {  	s4 =	simm.s32 $0x1BF5;
	[smem:$0x3FB5] =	sst s0  }
0x18: {  	s0 =	sld [smem:$0x3F98];
	_ =	swait.ge [sflag:s4], $0x0  }
0x19: {  	s7 =	sld [smem:$0x3F99]  }
0x1a: {  	s8 =	sadd.s32 $0xFFFFE003, lr  }
0x1b: {  	s9 =	sadd.s32 $0xFFFFFEF7, lr;
	s5 =	simm.s32 $0xFFFFFFFF;
	p2 =	slt.u32 s8, $0xFFFFF086  }
0x1c: {  	p1 =	slt.u32 s9, $0xF7A;
	s5 =	simm.s32 @!p2 $0x0  }
0x1d: {  	s5 =	simm.s32 @p1 $0x1;
	p0 =	seq.s32 s7, s2  }
0x1e: {  	s7 =	smul.u32 @!p0 $0xF7A, s2;
	p2 =	seq.s32 @!p0 s5, $0x0  }
0x1f: {  	s9 =	smul.u32 $0xF7A, s1;
	s8 =	simm.s32 @!p0 $0x1BF5;
	p2 =	por !p2, p0  }
0x20: {  	[sflag:s8] =	ssyncset.s32 @!p0 $0xFFFFF086;
	s6 =	sadd.s32 @!p0 s3, s7;
	s7 =	simm.s32 @!p0 $0x108  }
0x21: {  	s3 =	sadd.s32 s3, s9;
	s6 =	sadd.s32 @!p0 $0x88, s6;
	s7 =	simm.s32 @p2 $0x1082  }
0x22: {  	[simem:s7], [sflag:s8] =	dma.local @!p0 [hbm:s6], $0xF7A  }
0x23: {  	s9 =	sor.u32 $0xD0000000, s2;
	s6 =	simm.s32 $0x108;
	_ =	swait.ge @!p0 [sflag:s8], $0x0  }
0x24: {  	s3 =	sadd.s32 $0x88, s3;
	s6 =	simm.s32 @!p1 $0x1082;
	[sflag:s4] =	ssyncset.s32 $0xFFFFF086  }
0x25: {  	[simem:s6], [sflag:s4] =	dma.local [hbm:s3], $0xF7A  }
0x26: {  	[smem:$0x3F99] =	sst s1;
	(tag) =	ssettag s2;
	_ =	strace s9  }
0x27: {  	s1 =	sld [smem:$0x3FA9]  }
0x28: {  	s2 =	sld [smem:$0x3FAA]  }
0x29: {  	s4 =	sld [smem:$0x3FAC]  }
0x2a: {  	p0 =	seq.s32 s5, $0x0;
	s5 =	sld [smem:$0x3FAD]  }
0x2b: {  	s6 =	sld [smem:$0x3FAE]  }
0x2c: {  	s7 =	sld [smem:$0x3FAF]  }
0x2d: {  	s3 =	simm.s32 $0x108;
	s8 =	sld [smem:$0x3FB0]  }
0x2e: {  	s3 =	simm.s32 @!p0 $0x1082;
	s9 =	sld [smem:$0x3FB1]  }
0x2f: {  	lr =	sadd.s32 s0, s3;
	s0 =	sld [smem:$0x3FA8]  }
0x30: {  	s3 =	sld [smem:$0x3FAB]  }
0x31: {  	[smem:$0x3FB4] =	sst s10  }
0x32: {  	s10 =	sld [smem:$0x3FB2];
	_ =	sdelay $0x3  }
0x33: {  	p0 =	seq.s32 s10, $0x1;
	s10 =	sld [smem:$0x3FB4];
	_ =	sdelay $0x3  }
0x34: {  	[smem:$0x3FB4] =	sst s10  }
0x35: {  	s10 =	sld [smem:$0x3FB3];
	_ =	sdelay $0x3  }
0x36: {  	p1 =	seq.s32 s10, $0x1;
	s10 =	sld [smem:$0x3FB4];
	_ =	sdelay $0x3  }
0x37: {  	[smem:$0x3FB4] =	sst s10  }
0x38: {  	s10 =	sld [smem:$0x3FB5]  }
0x39: {  	_ = 	snop;
	(pc) =	sbr.ind lr, $3  }
0x3a: {  	_ = 	snop  }
0x3b: {  	_ = 	snop  }
0x3c: {  	p2 =	seq.s32 s10, $0x1;
	s10 =	sld [smem:$0x3FB4]  }
0x3d: {  	_ =	shalt  }
0x3e: {  	_ =	shalt  }
0x3f: {  	_ =	shalt  }
0x40: {  	_ =	shalt  }
0x41: {  	_ =	shalt  }
0x42: {  	_ =	shalt  }
0x43: {  	_ =	shalt  }
0x44: {  	_ =	shalt  }
0x45: {  	_ =	shalt  }
0x46: {  	_ =	shalt  }
0x47: {  	_ =	shalt  }
0x48: {  	_ =	shalt  }
0x49: {  	_ =	shalt  }
0x4a: {  	_ =	shalt  }
0x4b: {  	_ =	shalt  }
0x4c: {  	_ =	shalt  }
0x4d: {  	_ =	shalt  }
0x4e: {  	_ =	shalt  }
0x4f: {  	_ =	shalt  }
0x50: {  	_ =	shalt  }
0x51: {  	_ =	shalt  }
0x52: {  	_ =	shalt  }
0x53: {  	_ =	shalt  }
0x54: {  	_ =	shalt  }
0x55: {  	_ =	shalt  }
0x56: {  	_ =	shalt  }
0x57: {  	_ =	shalt  }
0x58: {  	_ =	shalt  }
0x59: {  	_ =	shalt  }
0x5a: {  	_ =	shalt  }
0x5b: {  	_ =	shalt  }
0x5c: {  	_ =	shalt  }
0x5d: {  	_ =	shalt  }
0x5e: {  	_ =	shalt  }
0x5f: {  	_ =	shalt  }
0x60: {  	_ =	shalt  }
0x61: {  	_ =	shalt  }
0x62: {  	_ =	shalt  }
0x63: {  	_ =	shalt  }
0x64: {  	_ =	shalt  }
0x65: {  	_ =	shalt  }
0x66: {  	_ =	shalt  }
0x67: {  	_ =	shalt  }
0x68: {  	_ =	shalt  }
0x69: {  	_ =	shalt  }
0x6a: {  	_ =	shalt  }
0x6b: {  	_ =	shalt  }
0x6c: {  	_ =	shalt  }
0x6d: {  	_ =	shalt  }
0x6e: {  	_ =	shalt  }
0x6f: {  	_ =	shalt  }
0x70: {  	_ =	shalt  }
0x71: {  	_ =	shalt  }
0x72: {  	_ =	shalt  }
0x73: {  	_ =	shalt  }
0x74: {  	_ =	shalt  }
0x75: {  	_ =	shalt  }
0x76: {  	_ =	shalt  }
0x77: {  	_ =	shalt  }
0x78: {  	_ =	shalt  }
0x79: {  	_ =	shalt  }
0x7a: {  	_ =	shalt  }
0x7b: {  	_ =	shalt  }
0x7c: {  	_ =	shalt  }
0x7d: {  	_ =	shalt  }
0x7e: {  	_ =	shalt  }
0x7f: {  	_ =	shalt  }
0x80: {  	_ =	shalt  }
0x81: {  	_ =	shalt  }
0x82: {  	_ =	shalt  }
0x83: {  	_ =	shalt  }
0x84: {  	_ =	shalt  }
0x85: {  	_ =	shalt  }
0x86: {  	_ =	shalt  }
0x87: {  	_ =	shalt  }
.Lfunc_end0:
.L_simem_size_0:
called_computation.1_lowered:
.L_overlay_start_0:
0x88: {  	s2 =	sld [smem:$0x3FD9]  }
0x89: {  	s3 =	sld [smem:$0x3FFE];
	_ =	sdelay $0x1  }
0x8a: {  	s1 =	srdreg.scid  }
0x8b: {  	s0 =	sand.u32 $0x1, s1  }
0x8c: {  	s16 =	sshll.u32 s0, $0xA;
	s2 =	sadd.s32 s3, s2  }
0x8d: {  	s2 =	sadd.s32 s2, s16  }
0x8e: {  	[smem:$0x3FC0] =	sst s2  }
0x8f: {  	_ = 	snop  }
0x90: {  	(tm) =	ssettm $0x1  }
0x91: {  	s17 =	sld [smem:$0x3FFB];
	_ =	sdelay $0x3  }
0x92: {  	_ =	strace s17  }
0x93: {  	s2 =	sld [smem:$0x3FFC];
	_ =	sdelay $0x3  }
0x94: {  	_ =	strace s2  }
0x95: {  	s2 =	sld [smem:$0x3FFD];
	_ =	sdelay $0x3  }
0x96: {  	_ =	strace s2  }
0x97: {  	_ =	strace $0x8FFFFFFF  }
0x98: {  	s18 =	sld [smem:$0x3FDB];
	_ =	sdelay $0x1  }
0x99: {  	s19 =	simm.s32 $_scs_section_size  }
0x9a: {  	s4 =	simm.s32 $_size__tile_overlayer_lowered;
	s5 =	simm.s32 $_tile_overlayer_lowered  }
0x9b: {  	s22 =	simm.s32 $0x1BFF;
	s21 =	sshll.u32 s5, $0x1;
	s2 =	sadd.s32 s19, s18  }
0x9c: {  	s6 =	simm.s32 $0x0;
	s20 =	sshll.u32 s4, $0x1;
	s4 =	sadd.s32 s21, s2  }
0x9d: {  	[timem:s6], [sflag:s22] =	dma.local [hbm:s4], s20  }
0x9e: {  	_ =	swait.ge [sflag:s22], s20  }
0x9f: {  	s3 =	ssub.s32 $0x0, s20;
	[sflag:s22] =	ssyncset.done $0x0  }
0xa0: {  	[sflag:s22] =	ssyncadd.s32 s3;
	_ =	sdelay $0x1  }
0xa1: {  	s23 =	simm.s32 $0x1B8B  }
0xa2: {  	_ =	swait.ge [sflag:s23], $0x1  }
0xa3: {  	[sflag:s23] =	ssyncset.done $0x0  }
0xa4: {  	s25 =	simm.s32 $0x1B8E;
	s24 =	sld [smem:$0x3FFE];
	[sflag:s23] =	ssyncadd.s32 $0xFFFFFFFF  }
0xa5: {  	s26 =	simm.s32 $execute0_lowered;
	[smem:$0x3FD2] =	sst s25  }
0xa6: {  	s4 =	sshll.u32 s26, $0x1;
	_ =	strace $0x80000049;
	[dreg:$0x1] =	wrdreg $0xFFFFFFFF  }
0xa7: {  	s28 =	simm.s32 $_size_execute0_lowered;
	s2 =	sadd.s32 s2, s4;
	[dreg:$0x0] =	wrdreg $0x0  }
0xa8: {  	s4 =	sshll.u32 s28, $0x1;
	[dreg:$0x2] =	wrdreg s2  }
0xa9: {  	[dreg:$0x3] =	wrdreg s4  }
0xaa: {  	[dreg:$0x4] =	wrdreg $0xC0  }
0xab: {  	_ =	task [dreg:s6], $0x5FFFF  }
0xac: {  	[dreg:$0x1] =	wrdreg $0xFFFFFFFF  }
0xad: {  	[dreg:$0x0] =	wrdreg $0x60  }
0xae: {  	[dreg:$0x2] =	wrdreg s24  }
0xaf: {  	[dreg:$0x3] =	wrdreg $0x0  }
0xb0: {  	[dreg:$0x4] =	wrdreg $0x9  }
0xb1: {  	_ =	task.clear_ibuf [dreg:s6], $0x5FFFF;
	_ =	strace $0x90000049  }
0xb2: {  	s29 =	simm.s32 $0x9;
	_ =	strace $0x8000004B  }
0xb3: {  	_ =	swait.ge [sflag:s29], $0x1  }
0xb4: {  	[sflag:s29] =	ssyncadd.s32 $0xFFFFFFFF  }
0xb5: {  	_ =	strace $0x9000004B  }
0xb6: {  	_ =	sfence  }
0xb7: {  	s30 =	sld [smem:$0x0];
	_ =	sdelay $0x2  }
0xb8: {  	s31 =	sshll.u32 s1, $0xD;
	s1 =	sshrl.u32 s1, $0x2  }
0xb9: {  	s3 =	sand.u32 $0x4000, s31;
	s1 =	sadd.s32 s1, s30  }
0xba: {  	s0 =	sor.u32 s3, s0;
	s1 =	sshll.u32 s1, $0x11  }
0xbb: {  	s0 =	sor.u32 s1, s0  }
0xbc: {  	s0 =	sadd.s32 $0x8F2B, s0  }
0xbd: {  	[sflag:s0] =	ssyncadd.remote.s32 $0x1  }
0xbe: {  	_ =	sfence.sel $0xFFFF  }
0xbf: {  	[dreg:$0x0] =	wrdreg $0xFFFFFFFF;
	(pc) =	sbr.abs _section_cstart, $3  }
0xc0: {  	[dreg:$0x1] =	wrdreg $0xFFFFFFFF  }
0xc1: {  	_ =	task.clear_ibuf [dreg:s6], $0x2FFFF;
	_ =	strace $0x9FFFFFFF  }
0xc2: {  	(tm) =	ssettm $0x7FFFFFFF  }
0xc3: {  	_ =	shalt  }
tec
execute0_lowered:
.L_overlay_start_1:
0x0: {  	(tag) =	ssettag $0x1  }
0x1: {  	s0 =	rddreg [dreg:$0x0]  }
0x2: {  	s1 =	rddreg [dreg:$0x1];
	s2 =	simm.s32 $0x0  }
0x3: {  	s9 =	stileid.u32;
	s13 =	srdreg.scid;
	s28 =	simm.s32 $0x14000  }
0x4: {  	s29 =	simm.s32 $0x80;
	s30 =	simm.s32 $0x0;
	s3 =	smul.u32 $0x2800, s9  }
0x5: {  	[smem:$0x7FF] =	sst s2;
	s4 =	sadd.s32 $0x8EE00, s0;
	s11 =	smul.u32 $0x280, s9  }
0x6: {  	s2 =	sand.u32 $0x1, s13;
	s5 =	sadd.s32 $0x66E00, s0;
	s9 =	smul.u32 $0x50000, s9  }
0x7: {  	_ =	strace $0x8000004A;
	s6 =	ssub.s32 $0x2, s2;
	s10 =	smul.u32 $0x50000, s2  }
0x8: {  	s7 =	sshrl.u32 s3, $0x3;
	s8 =	sshrl.u32 s6, $0x1;
	s15 =	sshrl.u32 s9, $0x2  }
0x9: {  	s17 =	sadd.s32 $0x80, s11;
	s20 =	sadd.s32 $0x100, s11;
	s21 =	sadd.s32 $0x180, s11  }
0xa: {  	s22 =	sadd.s32 $0x200, s11;
	s7 =	sadd.s32 s7, s0;
	s0 =	sadd.s32 $0x12B200, s0  }
0xb: {  	s12 =	ssub.s32 s6, s8;
	s6 =	sadd.s32 s15, s1;
	s16 =	sshll.u32 s17, $0x7  }
0xc: {  	s18 =	sshll.u32 s20, $0x7;
	s19 =	sshll.u32 s21, $0x7;
	s13 =	sshll.u32 s22, $0x7  }
0xd: {  	s14 =	sadd.s32 $0x7E00, s7;
	s7 =	sadd.s32 s16, s1;
	s8 =	sadd.s32 s18, s1  }
0xe: {  	s9 =	sadd.s32 s19, s1;
	s18 =	smul.u32 $0x5000, s2;
	s2 =	sshllo.u32 s2, $0x1  }
0xf: {  	[dreg:$0x3] =	wrdreg s14;
	s14 =	sadd.s32 s3, s10;
	s24 =	smul.u32 $0x28000, s2  }
0x10: {  	s10 =	sadd.s32 s13, s1;
	s2 =	smul.u32 $0x2800, s2;
	s23 =	sshrl.u32 s14, $0x3  }
0x11: {  	s25 =	sadd.s32 s11, s18;
	s15 =	sadd.s32 s18, s17;
	s31 =	sadd.s32 s18, s20  }
0x12: {  	s13 =	sadd.s32 s5, s23;
	s15 =	sshll.u32 s15, $0x4;
	s3 =	sadd.s32 s3, s24  }
0x13: {  	s14 =	sshll.u32 s31, $0x4;
	s19 =	sadd.s32 s17, s2;
	[dreg:$0x4] =	wrdreg s13  }
0x14: {  	s13 =	sshll.u32 s25, $0x4;
	s26 =	sadd.s32 s0, s15;
	s3 =	sshrl.u32 s3, $0x3  }
0x15: {  	s15 =	sadd.s32 s18, s22;
	s24 =	sshll.u32 s19, $0x4;
	s25 =	sadd.s32 s20, s2  }
0x16: {  	s13 =	sadd.s32 s0, s13;
	[dreg:$0x6] =	wrdreg s26;
	s3 =	sadd.s32 s5, s3  }
0x17: {  	s5 =	sadd.s32 s0, s14;
	s19 =	sadd.s32 s0, s24;
	[dreg:$0x5] =	wrdreg s13  }
0x18: {  	s26 =	sadd.s32 s21, s2;
	[dreg:$0x7] =	wrdreg s3;
	s13 =	sadd.s32 s18, s21  }
0x19: {  	[dreg:$0x8] =	wrdreg s5;
	s18 =	sadd.s32 s11, s2;
	s2 =	sadd.s32 s22, s2  }
0x1a: {  	s31 =	sshll.u32 s26, $0x4;
	s26 =	simm.s32 $0x19000;
	s3 =	sshll.u32 s13, $0x4  }
0x1b: {  	s23 =	sshll.u32 s18, $0x4;
	s2 =	sshll.u32 s2, $0x4;
	s21 =	sadd.s32 s0, s31  }
0x1c: {  	s16 =	sadd.s32 s0, s3;
	s3 =	sshll.u32 s15, $0x4;
	s18 =	sadd.s32 s0, s23  }
0x1d: {  	s22 =	sadd.s32 s0, s2;
	s17 =	sadd.s32 s0, s3;
	s3 =	sshll.u32 s25, $0x4  }
0x1e: {  	v0 =	vimm.f32 $0.0e+00;
	s23 =	smax.u32 s12, $0x1;
	s25 =	simm.s32 $0x1;
	s20 =	sadd.s32 s0, s3  }
.LBB2_1:
0x1f: {  	s0 =	simm.s32 $0x0;
	s2 =	rddreg [dreg:$0x3];
	s3 =	simm.s32 $0x16800  }
0x20: {  	[tilespmem:s3], [sflag:$0x1] =	stream.linear.gather [hbm4b:s2+s0], $0x2800, $0x38;
	[tilespmem:$0x1D000] =	vst v63  }
0x21: {  	_ =	swait.ge [sflag:s25], $0x2800  }
0x22: {  	[sflag:s25] =	ssyncset.done $0x0  }
0x23: {  	s0 =	simm.s32 $0x0;
	s2 =	simm.s32 $0x200;
	[sflag:s25] =	ssyncadd.s32 $0xFFFFD800  }
.LBB2_2:
0x24: {  	p0 =	sne.s32 s2, $0xFE00;
	[tilespmem:s0+$0x19070] =	vst v0  }
0x25: {  	[tilespmem:s0+$0x19000] =	vst v0  }
0x26: {  	[tilespmem:s0+$0x19010] =	vst v0  }
.Ltmp0:
0x27: {  	[tilespmem:s0+$0x19020] =	vst v0;
	(pc) =	sbr.rel @p0 .LBB2_2-.Ltmp0, $4  }
0x28: {  	[tilespmem:s0+$0x19030] =	vst v0  }
0x29: {  	[tilespmem:s0+$0x19040] =	vst v0  }
0x2a: {  	[tilespmem:s0+$0x19050] =	vst v0  }
0x2b: {  	[tilespmem:s0+$0x19060] =	vst v0;
	s0 =	sshra.s32 s2, $0x2;
	s2 =	sadd.s32 $0x200, s2  }
0x2c: {  	[tilespmem:s0+$0x19070] =	vst v0  }
0x2d: {  	[tilespmem:s0+$0x19000] =	vst v0  }
0x2e: {  	[tilespmem:s0+$0x19010] =	vst v0  }
0x2f: {  	[tilespmem:s0+$0x19020] =	vst v0  }
0x30: {  	[tilespmem:s0+$0x19030] =	vst v0  }
0x31: {  	[tilespmem:s0+$0x19040] =	vst v0  }
0x32: {  	[tilespmem:s0+$0x19050] =	vst v0  }
0x33: {  	[tilespmem:s0+$0x19060] =	vst v0  }
0x34: {  	[spmem:s6] =	stream.linear.scatter [tilespmem:s26], [sflag:$0x1], $0x4000, $0x38;
	[tilespmem:$0x1D000] =	vst v63  }
0x35: {  	_ =	swait.ge [sflag:s25], $0x4000  }
0x36: {  	[sflag:s25] =	ssyncset.done $0x0  }
0x37: {  	[sflag:s25] =	ssyncadd.s32 $0xFFFFC000  }
0x38: {  	[spmem:s7] =	stream.linear.scatter [tilespmem:s26], [sflag:$0x1], $0x4000, $0x38;
	[tilespmem:$0x1D000] =	vst v63  }
0x39: {  	_ =	swait.ge [sflag:s25], $0x4000  }
0x3a: {  	[sflag:s25] =	ssyncset.done $0x0  }
0x3b: {  	[sflag:s25] =	ssyncadd.s32 $0xFFFFC000  }
0x3c: {  	[spmem:s8] =	stream.linear.scatter [tilespmem:s26], [sflag:$0x1], $0x4000, $0x38;
	[tilespmem:$0x1D000] =	vst v63  }
0x3d: {  	_ =	swait.ge [sflag:s25], $0x4000  }
0x3e: {  	[sflag:s25] =	ssyncset.done $0x0  }
0x3f: {  	[sflag:s25] =	ssyncadd.s32 $0xFFFFC000  }
0x40: {  	[spmem:s9] =	stream.linear.scatter [tilespmem:s26], [sflag:$0x1], $0x4000, $0x38;
	[tilespmem:$0x1D000] =	vst v63  }
0x41: {  	_ =	swait.ge [sflag:s25], $0x4000  }
0x42: {  	[sflag:s25] =	ssyncset.done $0x0  }
0x43: {  	[sflag:s25] =	ssyncadd.s32 $0xFFFFC000  }
0x44: {  	[spmem:s10] =	stream.linear.scatter [tilespmem:s26], [sflag:$0x1], $0x4000, $0x38;
	[tilespmem:$0x1D000] =	vst v63  }
0x45: {  	_ =	swait.ge [sflag:s25], $0x4000  }
0x46: {  	[sflag:s25] =	ssyncset.done $0x0  }
0x47: {  	s15 =	simm.s32 $0x0;
	s2 =	rddreg [dreg:$0x4];
	[sflag:s25] =	ssyncadd.s32 $0xFFFFC000  }
0x48: {  	[tilespmem:s28], [sflag:$0x1] =	stream.linear.gather [hbm4b:s2+s15], $0x2800, $0x38;
	[tilespmem:$0x1D000] =	vst v63  }
0x49: {  	_ =	swait.ge [sflag:s25], $0x2800  }
0x4a: {  	[sflag:s25] =	ssyncset.done $0x0  }
0x4b: {  	[sflag:s25] =	ssyncadd.s32 $0xFFFFD800  }
0x4c: {  	s24 =	simm.s32 $0x14000;
	[bflag:$0x0] =	sbarrier.arrive $0xFFFF  }
0x4d: {  	[tilespmem:s26], [sflag:$0x1] =	stream.indirect.gather [hbm4b:s4+s29], $0x80, s24, s29, $0xb8;
	[tilespmem:$0x1D000] =	vst v63  }
0x4e: {  	_ =	swait.ge [sflag:s25], $0x4000  }
0x4f: {  	[sflag:s25] =	ssyncset.done $0x0  }
0x50: {  	s31 =	simm.s32 $0x16800;
	[sflag:s25] =	ssyncadd.s32 $0xFFFFC000  }
0x51: {  	[spmem:s1] =	stream.indirect.scatter.add.f32 [tilespmem:s26], [sflag:$0x1], $0x80, s31, s29, $0xb8;
	[tilespmem:$0x1D000] =	vst v63  }
0x52: {  	_ =	swait.ge [sflag:s25], $0x4000  }
0x53: {  	s0 =	simm.s32 $0x80;
	s2 =	simm.s32 $0x400;
	[sflag:s25] =	ssyncset.done $0x0  }
.LBB2_4:
0x54: {  	s3 =	sadd.s32 $0x14000, s0  }
0x55: {  	[sflag:s25] =	ssyncadd.s32 $0xFFFFC000;
	s5 =	smov.u32 s2;
	s11 =	sadd.s32 $0x200, s2  }
0x56: {  	[tilespmem:s26], [sflag:$0x1] =	stream.indirect.gather [hbm4b:s4+s29], $0x80, s3, s29, $0xb8;
	[tilespmem:$0x1D000] =	vst v63  }
0x57: {  	p0 =	sne.s32 s2, $0x9E00;
	_ =	swait.ge [sflag:s25], $0x4000  }
.Ltmp1:
0x58: {  	[sflag:s25] =	ssyncset.done $0x0;
	(pc) =	sbr.rel @p0 .LBB2_4-.Ltmp1, $4  }
0x59: {  	s0 =	sadd.s32 $0x16800, s0;
	[sflag:s25] =	ssyncadd.s32 $0xFFFFC000  }
0x5a: {  	[spmem:s1] =	stream.indirect.scatter.add.f32 [tilespmem:s26], [sflag:$0x1], $0x80, s0, s29, $0xb8;
	[tilespmem:$0x1D000] =	vst v63  }
0x5b: {  	_ =	swait.ge [sflag:s25], $0x4000  }
0x5c: {  	s2 =	smov.u32 s11;
	s0 =	sshra.s32 s5, $0x2;
	[sflag:s25] =	ssyncset.done $0x0  }
0x5d: {  	s2 =	sadd.s32 $0x14000, s0;
	[sflag:s25] =	ssyncadd.s32 $0xFFFFC000  }
0x5e: {  	[tilespmem:s26], [sflag:$0x1] =	stream.indirect.gather [hbm4b:s4+s29], $0x80, s2, s29, $0xb8;
	[tilespmem:$0x1D000] =	vst v63  }
0x5f: {  	_ =	swait.ge [sflag:s25], $0x4000  }
0x60: {  	[sflag:s25] =	ssyncset.done $0x0  }
0x61: {  	s13 =	sadd.s32 $0x16800, s0;
	[sflag:s25] =	ssyncadd.s32 $0xFFFFC000  }
0x62: {  	[spmem:s1] =	stream.indirect.scatter.add.f32 [tilespmem:s26], [sflag:$0x1], $0x80, s13, s29, $0xb8;
	[tilespmem:$0x1D000] =	vst v63  }
0x63: {  	_ =	swait.ge [sflag:s25], $0x4000  }
0x64: {  	[sflag:s25] =	ssyncset.done $0x0  }
0x65: {  	s14 =	stileid.u32;
	[sflag:s25] =	ssyncadd.s32 $0xFFFFC000  }
0x66: {  	s0 =	sshll.u32 s14, $0x6;
	[bflag:$0x0] =	sbarrier.arrive $0xFFFF  }
0x67: {  	s31 =	sor.u32 $0x1C01, s0;
	s0 =	sshrl.u32 s6, $0x3;
	s15 =	rddreg [dreg:$0x5]  }
0x68: {  	[hbm:s15], [sflag:s31] =	dma.local [spmem:s0], $0x800  }
0x69: {  	_ =	swait.ge [sflag:s25], $0x800  }
0x6a: {  	[sflag:s25] =	ssyncset.done $0x0  }
0x6b: {  	s3 =	sshrl.u32 s7, $0x3;
	s24 =	rddreg [dreg:$0x6];
	[sflag:s25] =	ssyncadd.s32 $0xFFFFF800  }
0x6c: {  	[hbm:s24], [sflag:s31] =	dma.local [spmem:s3], $0x800  }
0x6d: {  	_ =	swait.ge [sflag:s25], $0x800  }
0x6e: {  	[sflag:s25] =	ssyncset.done $0x0  }
0x6f: {  	s2 =	sshrl.u32 s8, $0x3;
	s5 =	rddreg [dreg:$0x8];
	[sflag:s25] =	ssyncadd.s32 $0xFFFFF800  }
0x70: {  	[hbm:s5], [sflag:s31] =	dma.local [spmem:s2], $0x800  }
0x71: {  	_ =	swait.ge [sflag:s25], $0x800  }
0x72: {  	[sflag:s25] =	ssyncset.done $0x0  }
0x73: {  	s24 =	sshrl.u32 s9, $0x3;
	[sflag:s25] =	ssyncadd.s32 $0xFFFFF800  }
0x74: {  	[hbm:s16], [sflag:s31] =	dma.local [spmem:s24], $0x800  }
0x75: {  	_ =	swait.ge [sflag:s25], $0x800  }
0x76: {  	[sflag:s25] =	ssyncset.done $0x0  }
0x77: {  	s5 =	sshrl.u32 s10, $0x3;
	[sflag:s25] =	ssyncadd.s32 $0xFFFFF800  }
0x78: {  	[hbm:s17], [sflag:s31] =	dma.local [spmem:s5], $0x800  }
0x79: {  	_ =	swait.ge [sflag:s25], $0x800  }
0x7a: {  	[sflag:s25] =	ssyncset.done $0x0  }
0x7b: {  	[sflag:s25] =	ssyncadd.s32 $0xFFFFF800  }
0x7c: {  	s11 =	simm.s32 $0x0;
	s12 =	simm.s32 $0x200;
	[bflag:$0x0] =	sbarrier.arrive $0xFFFF  }
.LBB2_6:
0x7d: {  	p0 =	sne.s32 s12, $0xFE00;
	[tilespmem:s11+$0x19070] =	vst v0  }
0x7e: {  	[tilespmem:s11+$0x19000] =	vst v0  }
0x7f: {  	[tilespmem:s11+$0x19010] =	vst v0  }
.Ltmp2:
0x80: {  	[tilespmem:s11+$0x19020] =	vst v0;
	(pc) =	sbr.rel @p0 .LBB2_6-.Ltmp2, $4  }
0x81: {  	[tilespmem:s11+$0x19030] =	vst v0  }
0x82: {  	[tilespmem:s11+$0x19040] =	vst v0  }
0x83: {  	[tilespmem:s11+$0x19050] =	vst v0  }
0x84: {  	[tilespmem:s11+$0x19060] =	vst v0;
	s11 =	sshra.s32 s12, $0x2;
	s12 =	sadd.s32 $0x200, s12  }
0x85: {  	[tilespmem:s11+$0x19070] =	vst v0  }
0x86: {  	[tilespmem:s11+$0x19000] =	vst v0  }
0x87: {  	[tilespmem:s11+$0x19010] =	vst v0  }
0x88: {  	[tilespmem:s11+$0x19020] =	vst v0  }
0x89: {  	[tilespmem:s11+$0x19030] =	vst v0  }
0x8a: {  	[tilespmem:s11+$0x19040] =	vst v0  }
0x8b: {  	[tilespmem:s11+$0x19050] =	vst v0  }
0x8c: {  	[tilespmem:s11+$0x19060] =	vst v0  }
0x8d: {  	[spmem:s6] =	stream.linear.scatter [tilespmem:s26], [sflag:$0x1], $0x4000, $0x38;
	[tilespmem:$0x1D000] =	vst v63  }
0x8e: {  	_ =	swait.ge [sflag:s25], $0x4000  }
0x8f: {  	[sflag:s25] =	ssyncset.done $0x0  }
0x90: {  	[sflag:s25] =	ssyncadd.s32 $0xFFFFC000  }
0x91: {  	[spmem:s7] =	stream.linear.scatter [tilespmem:s26], [sflag:$0x1], $0x4000, $0x38;
	[tilespmem:$0x1D000] =	vst v63  }
0x92: {  	_ =	swait.ge [sflag:s25], $0x4000  }
0x93: {  	[sflag:s25] =	ssyncset.done $0x0  }
0x94: {  	[sflag:s25] =	ssyncadd.s32 $0xFFFFC000  }
0x95: {  	[spmem:s8] =	stream.linear.scatter [tilespmem:s26], [sflag:$0x1], $0x4000, $0x38;
	[tilespmem:$0x1D000] =	vst v63  }
0x96: {  	_ =	swait.ge [sflag:s25], $0x4000  }
0x97: {  	[sflag:s25] =	ssyncset.done $0x0  }
0x98: {  	[sflag:s25] =	ssyncadd.s32 $0xFFFFC000  }
0x99: {  	[spmem:s9] =	stream.linear.scatter [tilespmem:s26], [sflag:$0x1], $0x4000, $0x38;
	[tilespmem:$0x1D000] =	vst v63  }
0x9a: {  	_ =	swait.ge [sflag:s25], $0x4000  }
0x9b: {  	[sflag:s25] =	ssyncset.done $0x0  }
0x9c: {  	[sflag:s25] =	ssyncadd.s32 $0xFFFFC000  }
0x9d: {  	[spmem:s10] =	stream.linear.scatter [tilespmem:s26], [sflag:$0x1], $0x4000, $0x38;
	[tilespmem:$0x1D000] =	vst v63  }
0x9e: {  	_ =	swait.ge [sflag:s25], $0x4000  }
0x9f: {  	[sflag:s25] =	ssyncset.done $0x0  }
0xa0: {  	s13 =	simm.s32 $0x0;
	s12 =	rddreg [dreg:$0x7];
	[sflag:s25] =	ssyncadd.s32 $0xFFFFC000  }
0xa1: {  	[tilespmem:s28], [sflag:$0x1] =	stream.linear.gather [hbm4b:s12+s13], $0x2800, $0x38;
	[tilespmem:$0x1D000] =	vst v63  }
0xa2: {  	_ =	swait.ge [sflag:s25], $0x2800  }
0xa3: {  	[sflag:s25] =	ssyncset.done $0x0  }
0xa4: {  	[sflag:s25] =	ssyncadd.s32 $0xFFFFD800  }
0xa5: {  	s14 =	simm.s32 $0x14000;
	[bflag:$0x0] =	sbarrier.arrive $0xFFFF  }
0xa6: {  	[tilespmem:s26], [sflag:$0x1] =	stream.indirect.gather [hbm4b:s4+s29], $0x80, s14, s29, $0xb8;
	[tilespmem:$0x1D000] =	vst v63  }
0xa7: {  	_ =	swait.ge [sflag:s25], $0x4000  }
0xa8: {  	[sflag:s25] =	ssyncset.done $0x0  }
0xa9: {  	s15 =	simm.s32 $0x16800;
	[sflag:s25] =	ssyncadd.s32 $0xFFFFC000  }
0xaa: {  	[spmem:s1] =	stream.indirect.scatter.add.f32 [tilespmem:s26], [sflag:$0x1], $0x80, s15, s29, $0xb8;
	[tilespmem:$0x1D000] =	vst v63  }
0xab: {  	_ =	swait.ge [sflag:s25], $0x4000  }
0xac: {  	s11 =	simm.s32 $0x80;
	s12 =	simm.s32 $0x400;
	[sflag:s25] =	ssyncset.done $0x0  }
.LBB2_8:
0xad: {  	s13 =	sadd.s32 $0x14000, s11  }
0xae: {  	[sflag:s25] =	ssyncadd.s32 $0xFFFFC000;
	s14 =	smov.u32 s12;
	s15 =	sadd.s32 $0x200, s12  }
0xaf: {  	[tilespmem:s26], [sflag:$0x1] =	stream.indirect.gather [hbm4b:s4+s29], $0x80, s13, s29, $0xb8;
	[tilespmem:$0x1D000] =	vst v63  }
0xb0: {  	p0 =	sne.s32 s12, $0x9E00;
	_ =	swait.ge [sflag:s25], $0x4000  }
.Ltmp3:
0xb1: {  	[sflag:s25] =	ssyncset.done $0x0;
	(pc) =	sbr.rel @p0 .LBB2_8-.Ltmp3, $4  }
0xb2: {  	s11 =	sadd.s32 $0x16800, s11;
	[sflag:s25] =	ssyncadd.s32 $0xFFFFC000  }
0xb3: {  	[spmem:s1] =	stream.indirect.scatter.add.f32 [tilespmem:s26], [sflag:$0x1], $0x80, s11, s29, $0xb8;
	[tilespmem:$0x1D000] =	vst v63  }
0xb4: {  	_ =	swait.ge [sflag:s25], $0x4000  }
0xb5: {  	s12 =	smov.u32 s15;
	s11 =	sshra.s32 s14, $0x2;
	[sflag:s25] =	ssyncset.done $0x0  }
0xb6: {  	s12 =	sadd.s32 $0x14000, s11;
	[sflag:s25] =	ssyncadd.s32 $0xFFFFC000  }
0xb7: {  	[tilespmem:s26], [sflag:$0x1] =	stream.indirect.gather [hbm4b:s4+s29], $0x80, s12, s29, $0xb8;
	[tilespmem:$0x1D000] =	vst v63  }
0xb8: {  	_ =	swait.ge [sflag:s25], $0x4000  }
0xb9: {  	[sflag:s25] =	ssyncset.done $0x0  }
0xba: {  	s15 =	sadd.s32 $0x16800, s11;
	[sflag:s25] =	ssyncadd.s32 $0xFFFFC000  }
0xbb: {  	[spmem:s1] =	stream.indirect.scatter.add.f32 [tilespmem:s26], [sflag:$0x1], $0x80, s15, s29, $0xb8;
	[tilespmem:$0x1D000] =	vst v63  }
0xbc: {  	_ =	swait.ge [sflag:s25], $0x4000  }
0xbd: {  	[sflag:s25] =	ssyncset.done $0x0  }
0xbe: {  	[sflag:s25] =	ssyncadd.s32 $0xFFFFC000  }
0xbf: {  	[bflag:$0x0] =	sbarrier.arrive $0xFFFF  }
0xc0: {  	[hbm:s18], [sflag:s31] =	dma.local [spmem:s0], $0x800  }
0xc1: {  	_ =	swait.ge [sflag:s25], $0x800  }
0xc2: {  	[sflag:s25] =	ssyncset.done $0x0  }
0xc3: {  	[sflag:s25] =	ssyncadd.s32 $0xFFFFF800  }
0xc4: {  	[hbm:s19], [sflag:s31] =	dma.local [spmem:s3], $0x800  }
0xc5: {  	_ =	swait.ge [sflag:s25], $0x800  }
0xc6: {  	[sflag:s25] =	ssyncset.done $0x0  }
0xc7: {  	[sflag:s25] =	ssyncadd.s32 $0xFFFFF800  }
0xc8: {  	[hbm:s20], [sflag:s31] =	dma.local [spmem:s2], $0x800  }
0xc9: {  	_ =	swait.ge [sflag:s25], $0x800  }
0xca: {  	[sflag:s25] =	ssyncset.done $0x0  }
0xcb: {  	[sflag:s25] =	ssyncadd.s32 $0xFFFFF800  }
0xcc: {  	[hbm:s21], [sflag:s31] =	dma.local [spmem:s24], $0x800  }
0xcd: {  	s30 =	sadd.s32 $0x1, s30;
	_ =	swait.ge [sflag:s25], $0x800  }
0xce: {  	p0 =	sne.s32 s30, s23;
	[sflag:s25] =	ssyncset.done $0x0  }
.Ltmp4:
0xcf: {  	[sflag:s25] =	ssyncadd.s32 $0xFFFFF800;
	(pc) =	sbr.rel @p0 .LBB2_1-.Ltmp4, $4  }
0xd0: {  	[hbm:s22], [sflag:s31] =	dma.local [spmem:s5], $0x800  }
0xd1: {  	_ =	swait.ge [sflag:s25], $0x800  }
0xd2: {  	[sflag:s25] =	ssyncset.done $0x0  }
0xd3: {  	[sflag:s25] =	ssyncadd.s32 $0xFFFFF800  }
0xd4: {  	_ =	sfence.sel $0x180000  }
0xd5: {  	[bflag:$0x0] =	sbarrier.arrive $0xFFFF  }
0xd6: {  	_ =	strace $0x9000004A  }
0xd7: {  	s0 =	stileid.u32;
	[bflag:$0x2] =	sbarrier.arrive $0xFFFF  }
0xd8: {  	p0 =	sne.s32 s0, $0x0;
	s0 =	rddreg [dreg:$0x2]  }
0xd9: {  	s0 =	sadd.s32 @!p0 $0x100000, s0  }
0xda: {  	[sflag:s0] =	ssyncadd.tile.s32 @!p0 $0x1;
	_ =	shalt  }
.Lfunc_end2:
_tile_overlayer_lowered:
.L_overlay_start_2:
0xdb: {  	(tag) =	ssettag $0x2  }
0xdc: {  	s0 =	rddreg [dreg:$0x0];
	s2 =	stileid.u32  }
0xdd: {  	s1 =	rddreg [dreg:$0x1];
	p0 =	sne.s32 s2, $0x0  }
0xde: {  	s3 =	rddreg [dreg:$0x2];
	[bflag:$0x3] =	sbarrier.arrive $0xFFFF;
	s2 =	simm.s32 @!p0 $0x1C01  }
0xdf: {  	[timem:s3], [sflag:s2] =	dma.local @!p0 [hbm:s0], s1  }
0xe0: {  	s0 =	simm.s32 @!p0 $0x1  }
0xe1: {  	_ =	swait.ge @!p0 [sflag:s0], s1  }
0xe2: {  	s1 =	ssub.s32 @!p0 $0x0, s1;
	[sflag:s0] =	ssyncset.done @!p0 $0x0  }
0xe3: {  	[sflag:s0] =	ssyncadd.s32 @!p0 s1  }
0xe4: {  	[bflag:$0x3] =	sbarrier.arrive $0xFFFF  }
0xe5: {  	_ =	shalt  }

// kernel: kernel.18.cloned.1.call-start
scs
__scs_entry_jumppad:
0x0: {  	(pc) =	sbr.rel $0x88, $3  }
0x1: {  	(tag) =	ssettag $0x0;
	lr =	simm.s32 $0x1  }
0x2: {  	[smem:$0x3F99] =	sst lr;
	_ =	strace $0xD0000000  }
0x3: {  	_ = 	snop  }
0x4: {  	_ = 	snop  }
0x5: {  	_ = 	snop  }
0x6: {  	_ = 	snop  }
0x7: {  	_ = 	snop  }
__scs_overlays_trampoline_lowered:
0x8: {  	[smem:$0x3FA8] =	sst s0  }
0x9: {  	[smem:$0x3FA9] =	sst s1  }
0xa: {  	[smem:$0x3FAA] =	sst s2  }
0xb: {  	[smem:$0x3FAB] =	sst s3  }
0xc: {  	[smem:$0x3FAC] =	sst s4  }
0xd: {  	[smem:$0x3FAD] =	sst s5  }
0xe: {  	[smem:$0x3FAE] =	sst s6  }
0xf: {  	[smem:$0x3FAF] =	sst s7  }
0x10: {  	[smem:$0x3FB0] =	sst s8  }
0x11: {  	[smem:$0x3FB1] =	sst s9;
	s0 =	simm.s32 @!p0 $0x0  }
0x12: {  	s1 =	sld [smem:$0x3F97];
	s0 =	simm.s32 @p0 $0x1  }
0x13: {  	[smem:$0x3FB2] =	sst s0;
	s0 =	simm.s32 @!p1 $0x0  }
0x14: {  	s2 =	sld [smem:$0x3F96];
	s0 =	simm.s32 @p1 $0x1  }
0x15: {  	[smem:$0x3FB3] =	sst s0;
	s0 =	simm.s32 @!p2 $0x0  }
0x16: {  	s3 =	sld [smem:$0x3FDB];
	s0 =	simm.s32 @p2 $0x1  }
0x17: {  	s4 =	simm.s32 $0x1BF5;
	[smem:$0x3FB5] =	sst s0  }
0x18: {  	s0 =	sld [smem:$0x3F98];
	_ =	swait.ge [sflag:s4], $0x0  }
0x19: {  	s7 =	sld [smem:$0x3F99]  }
0x1a: {  	s8 =	sadd.s32 $0xFFFFE003, lr  }
0x1b: {  	s9 =	sadd.s32 $0xFFFFFEF7, lr;
	s5 =	simm.s32 $0xFFFFFFFF;
	p2 =	slt.u32 s8, $0xFFFFF086  }
0x1c: {  	p1 =	slt.u32 s9, $0xF7A;
	s5 =	simm.s32 @!p2 $0x0  }
0x1d: {  	s5 =	simm.s32 @p1 $0x1;
	p0 =	seq.s32 s7, s2  }
0x1e: {  	s7 =	smul.u32 @!p0 $0xF7A, s2;
	p2 =	seq.s32 @!p0 s5, $0x0  }
0x1f: {  	s9 =	smul.u32 $0xF7A, s1;
	s8 =	simm.s32 @!p0 $0x1BF5;
	p2 =	por !p2, p0  }
0x20: {  	[sflag:s8] =	ssyncset.s32 @!p0 $0xFFFFF086;
	s6 =	sadd.s32 @!p0 s3, s7;
	s7 =	simm.s32 @!p0 $0x108  }
0x21: {  	s3 =	sadd.s32 s3, s9;
	s6 =	sadd.s32 @!p0 $0x88, s6;
	s7 =	simm.s32 @p2 $0x1082  }
0x22: {  	[simem:s7], [sflag:s8] =	dma.local @!p0 [hbm:s6], $0xF7A  }
0x23: {  	s9 =	sor.u32 $0xD0000000, s2;
	s6 =	simm.s32 $0x108;
	_ =	swait.ge @!p0 [sflag:s8], $0x0  }
0x24: {  	s3 =	sadd.s32 $0x88, s3;
	s6 =	simm.s32 @!p1 $0x1082;
	[sflag:s4] =	ssyncset.s32 $0xFFFFF086  }
0x25: {  	[simem:s6], [sflag:s4] =	dma.local [hbm:s3], $0xF7A  }
0x26: {  	[smem:$0x3F99] =	sst s1;
	(tag) =	ssettag s2;
	_ =	strace s9  }
0x27: {  	s1 =	sld [smem:$0x3FA9]  }
0x28: {  	s2 =	sld [smem:$0x3FAA]  }
0x29: {  	s4 =	sld [smem:$0x3FAC]  }
0x2a: {  	p0 =	seq.s32 s5, $0x0;
	s5 =	sld [smem:$0x3FAD]  }
0x2b: {  	s6 =	sld [smem:$0x3FAE]  }
0x2c: {  	s7 =	sld [smem:$0x3FAF]  }
0x2d: {  	s3 =	simm.s32 $0x108;
	s8 =	sld [smem:$0x3FB0]  }
0x2e: {  	s3 =	simm.s32 @!p0 $0x1082;
	s9 =	sld [smem:$0x3FB1]  }
0x2f: {  	lr =	sadd.s32 s0, s3;
	s0 =	sld [smem:$0x3FA8]  }
0x30: {  	s3 =	sld [smem:$0x3FAB]  }
0x31: {  	[smem:$0x3FB4] =	sst s10  }
0x32: {  	s10 =	sld [smem:$0x3FB2];
	_ =	sdelay $0x3  }
0x33: {  	p0 =	seq.s32 s10, $0x1;
	s10 =	sld [smem:$0x3FB4];
	_ =	sdelay $0x3  }
0x34: {  	[smem:$0x3FB4] =	sst s10  }
0x35: {  	s10 =	sld [smem:$0x3FB3];
	_ =	sdelay $0x3  }
0x36: {  	p1 =	seq.s32 s10, $0x1;
	s10 =	sld [smem:$0x3FB4];
	_ =	sdelay $0x3  }
0x37: {  	[smem:$0x3FB4] =	sst s10  }
0x38: {  	s10 =	sld [smem:$0x3FB5]  }
0x39: {  	_ = 	snop;
	(pc) =	sbr.ind lr, $3  }
0x3a: {  	_ = 	snop  }
0x3b: {  	_ = 	snop  }
0x3c: {  	p2 =	seq.s32 s10, $0x1;
	s10 =	sld [smem:$0x3FB4]  }
0x3d: {  	_ =	shalt  }
0x3e: {  	_ =	shalt  }
0x3f: {  	_ =	shalt  }
0x40: {  	_ =	shalt  }
0x41: {  	_ =	shalt  }
0x42: {  	_ =	shalt  }
0x43: {  	_ =	shalt  }
0x44: {  	_ =	shalt  }
0x45: {  	_ =	shalt  }
0x46: {  	_ =	shalt  }
0x47: {  	_ =	shalt  }
0x48: {  	_ =	shalt  }
0x49: {  	_ =	shalt  }
0x4a: {  	_ =	shalt  }
0x4b: {  	_ =	shalt  }
0x4c: {  	_ =	shalt  }
0x4d: {  	_ =	shalt  }
0x4e: {  	_ =	shalt  }
0x4f: {  	_ =	shalt  }
0x50: {  	_ =	shalt  }
0x51: {  	_ =	shalt  }
0x52: {  	_ =	shalt  }
0x53: {  	_ =	shalt  }
0x54: {  	_ =	shalt  }
0x55: {  	_ =	shalt  }
0x56: {  	_ =	shalt  }
0x57: {  	_ =	shalt  }
0x58: {  	_ =	shalt  }
0x59: {  	_ =	shalt  }
0x5a: {  	_ =	shalt  }
0x5b: {  	_ =	shalt  }
0x5c: {  	_ =	shalt  }
0x5d: {  	_ =	shalt  }
0x5e: {  	_ =	shalt  }
0x5f: {  	_ =	shalt  }
0x60: {  	_ =	shalt  }
0x61: {  	_ =	shalt  }
0x62: {  	_ =	shalt  }
0x63: {  	_ =	shalt  }
0x64: {  	_ =	shalt  }
0x65: {  	_ =	shalt  }
0x66: {  	_ =	shalt  }
0x67: {  	_ =	shalt  }
0x68: {  	_ =	shalt  }
0x69: {  	_ =	shalt  }
0x6a: {  	_ =	shalt  }
0x6b: {  	_ =	shalt  }
0x6c: {  	_ =	shalt  }
0x6d: {  	_ =	shalt  }
0x6e: {  	_ =	shalt  }
0x6f: {  	_ =	shalt  }
0x70: {  	_ =	shalt  }
0x71: {  	_ =	shalt  }
0x72: {  	_ =	shalt  }
0x73: {  	_ =	shalt  }
0x74: {  	_ =	shalt  }
0x75: {  	_ =	shalt  }
0x76: {  	_ =	shalt  }
0x77: {  	_ =	shalt  }
0x78: {  	_ =	shalt  }
0x79: {  	_ =	shalt  }
0x7a: {  	_ =	shalt  }
0x7b: {  	_ =	shalt  }
0x7c: {  	_ =	shalt  }
0x7d: {  	_ =	shalt  }
0x7e: {  	_ =	shalt  }
0x7f: {  	_ =	shalt  }
0x80: {  	_ =	shalt  }
0x81: {  	_ =	shalt  }
0x82: {  	_ =	shalt  }
0x83: {  	_ =	shalt  }
0x84: {  	_ =	shalt  }
0x85: {  	_ =	shalt  }
0x86: {  	_ =	shalt  }
0x87: {  	_ =	shalt  }
.Lfunc_end0:
.L_simem_size_0:
called_computation.2_lowered:
.L_overlay_start_0:
0x88: {  	s2 =	sld [smem:$0x3FD9]  }
0x89: {  	s3 =	sld [smem:$0x3FFE];
	_ =	sdelay $0x1  }
0x8a: {  	s1 =	srdreg.scid  }
0x8b: {  	s0 =	sand.u32 $0x1, s1  }
0x8c: {  	s16 =	sshll.u32 s0, $0xA;
	s2 =	sadd.s32 s3, s2  }
0x8d: {  	s2 =	sadd.s32 s2, s16  }
0x8e: {  	[smem:$0x3FC0] =	sst s2  }
0x8f: {  	_ = 	snop  }
0x90: {  	(tm) =	ssettm $0x1  }
0x91: {  	s17 =	sld [smem:$0x3FFB];
	_ =	sdelay $0x3  }
0x92: {  	_ =	strace s17  }
0x93: {  	s2 =	sld [smem:$0x3FFC];
	_ =	sdelay $0x3  }
0x94: {  	_ =	strace s2  }
0x95: {  	s2 =	sld [smem:$0x3FFD];
	_ =	sdelay $0x3  }
0x96: {  	_ =	strace s2  }
0x97: {  	_ =	strace $0x8FFFFFFF  }
0x98: {  	s18 =	sld [smem:$0x3FDB];
	_ =	sdelay $0x1  }
0x99: {  	s19 =	simm.s32 $_scs_section_size  }
0x9a: {  	s4 =	simm.s32 $_size__tile_overlayer_lowered;
	s5 =	simm.s32 $_tile_overlayer_lowered  }
0x9b: {  	s22 =	simm.s32 $0x1BFF;
	s21 =	sshll.u32 s5, $0x1;
	s2 =	sadd.s32 s19, s18  }
0x9c: {  	s6 =	simm.s32 $0x0;
	s20 =	sshll.u32 s4, $0x1;
	s4 =	sadd.s32 s21, s2  }
0x9d: {  	[timem:s6], [sflag:s22] =	dma.local [hbm:s4], s20  }
0x9e: {  	_ =	swait.ge [sflag:s22], s20  }
0x9f: {  	s3 =	ssub.s32 $0x0, s20;
	[sflag:s22] =	ssyncset.done $0x0  }
0xa0: {  	[sflag:s22] =	ssyncadd.s32 s3;
	_ =	sdelay $0x1  }
0xa1: {  	s23 =	simm.s32 $0x1B8B  }
0xa2: {  	_ =	swait.ge [sflag:s23], $0x1  }
0xa3: {  	[sflag:s23] =	ssyncset.done $0x0  }
0xa4: {  	s25 =	simm.s32 $0x1B8E;
	s24 =	sld [smem:$0x3FFE];
	[sflag:s23] =	ssyncadd.s32 $0xFFFFFFFF  }
0xa5: {  	s26 =	simm.s32 $execute0_lowered;
	[smem:$0x3FD2] =	sst s25  }
0xa6: {  	s4 =	sshll.u32 s26, $0x1;
	_ =	strace $0x8000004C;
	[dreg:$0x1] =	wrdreg $0xFFFFFFFF  }
0xa7: {  	s28 =	simm.s32 $_size_execute0_lowered;
	s2 =	sadd.s32 s2, s4;
	[dreg:$0x0] =	wrdreg $0x0  }
0xa8: {  	s4 =	sshll.u32 s28, $0x1;
	[dreg:$0x2] =	wrdreg s2  }
0xa9: {  	[dreg:$0x3] =	wrdreg s4  }
0xaa: {  	[dreg:$0x4] =	wrdreg $0xC0  }
0xab: {  	_ =	task [dreg:s6], $0x5FFFF  }
0xac: {  	[dreg:$0x1] =	wrdreg $0xFFFFFFFF  }
0xad: {  	[dreg:$0x0] =	wrdreg $0x60  }
0xae: {  	[dreg:$0x2] =	wrdreg s24  }
0xaf: {  	[dreg:$0x3] =	wrdreg $0x0  }
0xb0: {  	[dreg:$0x4] =	wrdreg $0x9  }
0xb1: {  	_ =	task.clear_ibuf [dreg:s6], $0x5FFFF;
	_ =	strace $0x9000004C  }
0xb2: {  	s29 =	simm.s32 $0x9;
	_ =	strace $0x8000004E  }
0xb3: {  	_ =	swait.ge [sflag:s29], $0x1  }
0xb4: {  	[sflag:s29] =	ssyncadd.s32 $0xFFFFFFFF  }
0xb5: {  	_ =	strace $0x9000004E  }
0xb6: {  	_ =	sfence  }
0xb7: {  	s30 =	sld [smem:$0x0];
	_ =	sdelay $0x2  }
0xb8: {  	s31 =	sshll.u32 s1, $0xD;
	s1 =	sshrl.u32 s1, $0x2  }
0xb9: {  	s3 =	sand.u32 $0x4000, s31;
	s1 =	sadd.s32 s1, s30  }
0xba: {  	s0 =	sor.u32 s3, s0;
	s1 =	sshll.u32 s1, $0x11  }
0xbb: {  	s0 =	sor.u32 s1, s0  }
0xbc: {  	s0 =	sadd.s32 $0x8F2B, s0  }
0xbd: {  	[sflag:s0] =	ssyncadd.remote.s32 $0x1  }
0xbe: {  	_ =	sfence.sel $0xFFFF  }
0xbf: {  	[dreg:$0x0] =	wrdreg $0xFFFFFFFF;
	(pc) =	sbr.abs _section_cstart, $3  }
0xc0: {  	[dreg:$0x1] =	wrdreg $0xFFFFFFFF  }
0xc1: {  	_ =	task.clear_ibuf [dreg:s6], $0x2FFFF;
	_ =	strace $0x9FFFFFFF  }
0xc2: {  	(tm) =	ssettm $0x7FFFFFFF  }
0xc3: {  	_ =	shalt  }
tec
execute0_lowered:
.L_overlay_start_1:
0x0: {  	(tag) =	ssettag $0x1  }
0x1: {  	s0 =	rddreg [dreg:$0x0]  }
0x2: {  	s1 =	rddreg [dreg:$0x1];
	s2 =	simm.s32 $0x0  }
0x3: {  	s9 =	stileid.u32;
	s13 =	srdreg.scid;
	s28 =	simm.s32 $0x14000  }
0x4: {  	s29 =	simm.s32 $0x80;
	s30 =	simm.s32 $0x0;
	s3 =	smul.u32 $0x2800, s9  }
0x5: {  	[smem:$0x7FF] =	sst s2;
	s4 =	sadd.s32 $0x8EE00, s0;
	s11 =	smul.u32 $0x280, s9  }
0x6: {  	s2 =	sand.u32 $0x1, s13;
	s5 =	sadd.s32 $0x7AE00, s0;
	s9 =	smul.u32 $0x50000, s9  }
0x7: {  	_ =	strace $0x8000004D;
	s6 =	ssub.s32 $0x2, s2;
	s10 =	smul.u32 $0x50000, s2  }
0x8: {  	s7 =	sshrl.u32 s3, $0x3;
	s8 =	sshrl.u32 s6, $0x1;
	s15 =	sshrl.u32 s9, $0x2  }
0x9: {  	s17 =	sadd.s32 $0x80, s11;
	s20 =	sadd.s32 $0x100, s11;
	s21 =	sadd.s32 $0x180, s11  }
0xa: {  	s22 =	sadd.s32 $0x200, s11;
	s7 =	sadd.s32 s7, s0;
	s0 =	sadd.s32 $0x12B200, s0  }
0xb: {  	s12 =	ssub.s32 s6, s8;
	s6 =	sadd.s32 s15, s1;
	s16 =	sshll.u32 s17, $0x7  }
0xc: {  	s18 =	sshll.u32 s20, $0x7;
	s19 =	sshll.u32 s21, $0x7;
	s13 =	sshll.u32 s22, $0x7  }
0xd: {  	s14 =	sadd.s32 $0x2E00, s7;
	s7 =	sadd.s32 s16, s1;
	s8 =	sadd.s32 s18, s1  }
0xe: {  	s9 =	sadd.s32 s19, s1;
	s18 =	smul.u32 $0x5000, s2;
	s2 =	sshllo.u32 s2, $0x1  }
0xf: {  	[dreg:$0x3] =	wrdreg s14;
	s14 =	sadd.s32 s3, s10;
	s24 =	smul.u32 $0x28000, s2  }
0x10: {  	s10 =	sadd.s32 s13, s1;
	s2 =	smul.u32 $0x2800, s2;
	s23 =	sshrl.u32 s14, $0x3  }
0x11: {  	s25 =	sadd.s32 s11, s18;
	s15 =	sadd.s32 s18, s17;
	s31 =	sadd.s32 s18, s20  }
0x12: {  	s13 =	sadd.s32 s5, s23;
	s15 =	sshll.u32 s15, $0x4;
	s3 =	sadd.s32 s3, s24  }
0x13: {  	s14 =	sshll.u32 s31, $0x4;
	s19 =	sadd.s32 s17, s2;
	[dreg:$0x4] =	wrdreg s13  }
0x14: {  	s13 =	sshll.u32 s25, $0x4;
	s26 =	sadd.s32 s0, s15;
	s3 =	sshrl.u32 s3, $0x3  }
0x15: {  	s15 =	sadd.s32 s18, s22;
	s24 =	sshll.u32 s19, $0x4;
	s25 =	sadd.s32 s20, s2  }
0x16: {  	s13 =	sadd.s32 s0, s13;
	[dreg:$0x6] =	wrdreg s26;
	s3 =	sadd.s32 s5, s3  }
0x17: {  	s5 =	sadd.s32 s0, s14;
	s19 =	sadd.s32 s0, s24;
	[dreg:$0x5] =	wrdreg s13  }
0x18: {  	s26 =	sadd.s32 s21, s2;
	[dreg:$0x7] =	wrdreg s3;
	s13 =	sadd.s32 s18, s21  }
0x19: {  	[dreg:$0x8] =	wrdreg s5;
	s18 =	sadd.s32 s11, s2;
	s2 =	sadd.s32 s22, s2  }
0x1a: {  	s31 =	sshll.u32 s26, $0x4;
	s26 =	simm.s32 $0x19000;
	s3 =	sshll.u32 s13, $0x4  }
0x1b: {  	s23 =	sshll.u32 s18, $0x4;
	s2 =	sshll.u32 s2, $0x4;
	s21 =	sadd.s32 s0, s31  }
0x1c: {  	s16 =	sadd.s32 s0, s3;
	s3 =	sshll.u32 s15, $0x4;
	s18 =	sadd.s32 s0, s23  }
0x1d: {  	s22 =	sadd.s32 s0, s2;
	s17 =	sadd.s32 s0, s3;
	s3 =	sshll.u32 s25, $0x4  }
0x1e: {  	v0 =	vimm.f32 $0.0e+00;
	s23 =	smax.u32 s12, $0x1;
	s25 =	simm.s32 $0x1;
	s20 =	sadd.s32 s0, s3  }
.LBB2_1:
0x1f: {  	s0 =	simm.s32 $0x0;
	s2 =	rddreg [dreg:$0x3];
	s3 =	simm.s32 $0x16800  }
0x20: {  	[tilespmem:s3], [sflag:$0x1] =	stream.linear.gather [hbm4b:s2+s0], $0x2800, $0x38;
	[tilespmem:$0x1D000] =	vst v63  }
0x21: {  	_ =	swait.ge [sflag:s25], $0x2800  }
0x22: {  	[sflag:s25] =	ssyncset.done $0x0  }
0x23: {  	s0 =	simm.s32 $0x0;
	s2 =	simm.s32 $0x200;
	[sflag:s25] =	ssyncadd.s32 $0xFFFFD800  }
.LBB2_2:
0x24: {  	p0 =	sne.s32 s2, $0xFE00;
	[tilespmem:s0+$0x19070] =	vst v0  }
0x25: {  	[tilespmem:s0+$0x19000] =	vst v0  }
0x26: {  	[tilespmem:s0+$0x19010] =	vst v0  }
.Ltmp0:
0x27: {  	[tilespmem:s0+$0x19020] =	vst v0;
	(pc) =	sbr.rel @p0 .LBB2_2-.Ltmp0, $4  }
0x28: {  	[tilespmem:s0+$0x19030] =	vst v0  }
0x29: {  	[tilespmem:s0+$0x19040] =	vst v0  }
0x2a: {  	[tilespmem:s0+$0x19050] =	vst v0  }
0x2b: {  	[tilespmem:s0+$0x19060] =	vst v0;
	s0 =	sshra.s32 s2, $0x2;
	s2 =	sadd.s32 $0x200, s2  }
0x2c: {  	[tilespmem:s0+$0x19070] =	vst v0  }
0x2d: {  	[tilespmem:s0+$0x19000] =	vst v0  }
0x2e: {  	[tilespmem:s0+$0x19010] =	vst v0  }
0x2f: {  	[tilespmem:s0+$0x19020] =	vst v0  }
0x30: {  	[tilespmem:s0+$0x19030] =	vst v0  }
0x31: {  	[tilespmem:s0+$0x19040] =	vst v0  }
0x32: {  	[tilespmem:s0+$0x19050] =	vst v0  }
0x33: {  	[tilespmem:s0+$0x19060] =	vst v0  }
0x34: {  	[spmem:s6] =	stream.linear.scatter [tilespmem:s26], [sflag:$0x1], $0x4000, $0x38;
	[tilespmem:$0x1D000] =	vst v63  }
0x35: {  	_ =	swait.ge [sflag:s25], $0x4000  }
0x36: {  	[sflag:s25] =	ssyncset.done $0x0  }
0x37: {  	[sflag:s25] =	ssyncadd.s32 $0xFFFFC000  }
0x38: {  	[spmem:s7] =	stream.linear.scatter [tilespmem:s26], [sflag:$0x1], $0x4000, $0x38;
	[tilespmem:$0x1D000] =	vst v63  }
0x39: {  	_ =	swait.ge [sflag:s25], $0x4000  }
0x3a: {  	[sflag:s25] =	ssyncset.done $0x0  }
0x3b: {  	[sflag:s25] =	ssyncadd.s32 $0xFFFFC000  }
0x3c: {  	[spmem:s8] =	stream.linear.scatter [tilespmem:s26], [sflag:$0x1], $0x4000, $0x38;
	[tilespmem:$0x1D000] =	vst v63  }
0x3d: {  	_ =	swait.ge [sflag:s25], $0x4000  }
0x3e: {  	[sflag:s25] =	ssyncset.done $0x0  }
0x3f: {  	[sflag:s25] =	ssyncadd.s32 $0xFFFFC000  }
0x40: {  	[spmem:s9] =	stream.linear.scatter [tilespmem:s26], [sflag:$0x1], $0x4000, $0x38;
	[tilespmem:$0x1D000] =	vst v63  }
0x41: {  	_ =	swait.ge [sflag:s25], $0x4000  }
0x42: {  	[sflag:s25] =	ssyncset.done $0x0  }
0x43: {  	[sflag:s25] =	ssyncadd.s32 $0xFFFFC000  }
0x44: {  	[spmem:s10] =	stream.linear.scatter [tilespmem:s26], [sflag:$0x1], $0x4000, $0x38;
	[tilespmem:$0x1D000] =	vst v63  }
0x45: {  	_ =	swait.ge [sflag:s25], $0x4000  }
0x46: {  	[sflag:s25] =	ssyncset.done $0x0  }
0x47: {  	s15 =	simm.s32 $0x0;
	s2 =	rddreg [dreg:$0x4];
	[sflag:s25] =	ssyncadd.s32 $0xFFFFC000  }
0x48: {  	[tilespmem:s28], [sflag:$0x1] =	stream.linear.gather [hbm4b:s2+s15], $0x2800, $0x38;
	[tilespmem:$0x1D000] =	vst v63  }
0x49: {  	_ =	swait.ge [sflag:s25], $0x2800  }
0x4a: {  	[sflag:s25] =	ssyncset.done $0x0  }
0x4b: {  	[sflag:s25] =	ssyncadd.s32 $0xFFFFD800  }
0x4c: {  	s24 =	simm.s32 $0x14000;
	[bflag:$0x0] =	sbarrier.arrive $0xFFFF  }
0x4d: {  	[tilespmem:s26], [sflag:$0x1] =	stream.indirect.gather [hbm4b:s4+s29], $0x80, s24, s29, $0xb8;
	[tilespmem:$0x1D000] =	vst v63  }
0x4e: {  	_ =	swait.ge [sflag:s25], $0x4000  }
0x4f: {  	[sflag:s25] =	ssyncset.done $0x0  }
0x50: {  	s31 =	simm.s32 $0x16800;
	[sflag:s25] =	ssyncadd.s32 $0xFFFFC000  }
0x51: {  	[spmem:s1] =	stream.indirect.scatter.add.f32 [tilespmem:s26], [sflag:$0x1], $0x80, s31, s29, $0xb8;
	[tilespmem:$0x1D000] =	vst v63  }
0x52: {  	_ =	swait.ge [sflag:s25], $0x4000  }
0x53: {  	s0 =	simm.s32 $0x80;
	s2 =	simm.s32 $0x400;
	[sflag:s25] =	ssyncset.done $0x0  }
.LBB2_4:
0x54: {  	s3 =	sadd.s32 $0x14000, s0  }
0x55: {  	[sflag:s25] =	ssyncadd.s32 $0xFFFFC000;
	s5 =	smov.u32 s2;
	s11 =	sadd.s32 $0x200, s2  }
0x56: {  	[tilespmem:s26], [sflag:$0x1] =	stream.indirect.gather [hbm4b:s4+s29], $0x80, s3, s29, $0xb8;
	[tilespmem:$0x1D000] =	vst v63  }
0x57: {  	p0 =	sne.s32 s2, $0x9E00;
	_ =	swait.ge [sflag:s25], $0x4000  }
.Ltmp1:
0x58: {  	[sflag:s25] =	ssyncset.done $0x0;
	(pc) =	sbr.rel @p0 .LBB2_4-.Ltmp1, $4  }
0x59: {  	s0 =	sadd.s32 $0x16800, s0;
	[sflag:s25] =	ssyncadd.s32 $0xFFFFC000  }
0x5a: {  	[spmem:s1] =	stream.indirect.scatter.add.f32 [tilespmem:s26], [sflag:$0x1], $0x80, s0, s29, $0xb8;
	[tilespmem:$0x1D000] =	vst v63  }
0x5b: {  	_ =	swait.ge [sflag:s25], $0x4000  }
0x5c: {  	s2 =	smov.u32 s11;
	s0 =	sshra.s32 s5, $0x2;
	[sflag:s25] =	ssyncset.done $0x0  }
0x5d: {  	s2 =	sadd.s32 $0x14000, s0;
	[sflag:s25] =	ssyncadd.s32 $0xFFFFC000  }
0x5e: {  	[tilespmem:s26], [sflag:$0x1] =	stream.indirect.gather [hbm4b:s4+s29], $0x80, s2, s29, $0xb8;
	[tilespmem:$0x1D000] =	vst v63  }
0x5f: {  	_ =	swait.ge [sflag:s25], $0x4000  }
0x60: {  	[sflag:s25] =	ssyncset.done $0x0  }
0x61: {  	s13 =	sadd.s32 $0x16800, s0;
	[sflag:s25] =	ssyncadd.s32 $0xFFFFC000  }
0x62: {  	[spmem:s1] =	stream.indirect.scatter.add.f32 [tilespmem:s26], [sflag:$0x1], $0x80, s13, s29, $0xb8;
	[tilespmem:$0x1D000] =	vst v63  }
0x63: {  	_ =	swait.ge [sflag:s25], $0x4000  }
0x64: {  	[sflag:s25] =	ssyncset.done $0x0  }
0x65: {  	s14 =	stileid.u32;
	[sflag:s25] =	ssyncadd.s32 $0xFFFFC000  }
0x66: {  	s0 =	sshll.u32 s14, $0x6;
	[bflag:$0x0] =	sbarrier.arrive $0xFFFF  }
0x67: {  	s31 =	sor.u32 $0x1C01, s0;
	s0 =	sshrl.u32 s6, $0x3;
	s15 =	rddreg [dreg:$0x5]  }
0x68: {  	[hbm:s15], [sflag:s31] =	dma.local [spmem:s0], $0x800  }
0x69: {  	_ =	swait.ge [sflag:s25], $0x800  }
0x6a: {  	[sflag:s25] =	ssyncset.done $0x0  }
0x6b: {  	s3 =	sshrl.u32 s7, $0x3;
	s24 =	rddreg [dreg:$0x6];
	[sflag:s25] =	ssyncadd.s32 $0xFFFFF800  }
0x6c: {  	[hbm:s24], [sflag:s31] =	dma.local [spmem:s3], $0x800  }
0x6d: {  	_ =	swait.ge [sflag:s25], $0x800  }
0x6e: {  	[sflag:s25] =	ssyncset.done $0x0  }
0x6f: {  	s2 =	sshrl.u32 s8, $0x3;
	s5 =	rddreg [dreg:$0x8];
	[sflag:s25] =	ssyncadd.s32 $0xFFFFF800  }
0x70: {  	[hbm:s5], [sflag:s31] =	dma.local [spmem:s2], $0x800  }
0x71: {  	_ =	swait.ge [sflag:s25], $0x800  }
0x72: {  	[sflag:s25] =	ssyncset.done $0x0  }
0x73: {  	s24 =	sshrl.u32 s9, $0x3;
	[sflag:s25] =	ssyncadd.s32 $0xFFFFF800  }
0x74: {  	[hbm:s16], [sflag:s31] =	dma.local [spmem:s24], $0x800  }
0x75: {  	_ =	swait.ge [sflag:s25], $0x800  }
0x76: {  	[sflag:s25] =	ssyncset.done $0x0  }
0x77: {  	s5 =	sshrl.u32 s10, $0x3;
	[sflag:s25] =	ssyncadd.s32 $0xFFFFF800  }
0x78: {  	[hbm:s17], [sflag:s31] =	dma.local [spmem:s5], $0x800  }
0x79: {  	_ =	swait.ge [sflag:s25], $0x800  }
0x7a: {  	[sflag:s25] =	ssyncset.done $0x0  }
0x7b: {  	[sflag:s25] =	ssyncadd.s32 $0xFFFFF800  }
0x7c: {  	s11 =	simm.s32 $0x0;
	s12 =	simm.s32 $0x200;
	[bflag:$0x0] =	sbarrier.arrive $0xFFFF  }
.LBB2_6:
0x7d: {  	p0 =	sne.s32 s12, $0xFE00;
	[tilespmem:s11+$0x19070] =	vst v0  }
0x7e: {  	[tilespmem:s11+$0x19000] =	vst v0  }
0x7f: {  	[tilespmem:s11+$0x19010] =	vst v0  }
.Ltmp2:
0x80: {  	[tilespmem:s11+$0x19020] =	vst v0;
	(pc) =	sbr.rel @p0 .LBB2_6-.Ltmp2, $4  }
0x81: {  	[tilespmem:s11+$0x19030] =	vst v0  }
0x82: {  	[tilespmem:s11+$0x19040] =	vst v0  }
0x83: {  	[tilespmem:s11+$0x19050] =	vst v0  }
0x84: {  	[tilespmem:s11+$0x19060] =	vst v0;
	s11 =	sshra.s32 s12, $0x2;
	s12 =	sadd.s32 $0x200, s12  }
0x85: {  	[tilespmem:s11+$0x19070] =	vst v0  }
0x86: {  	[tilespmem:s11+$0x19000] =	vst v0  }
0x87: {  	[tilespmem:s11+$0x19010] =	vst v0  }
0x88: {  	[tilespmem:s11+$0x19020] =	vst v0  }
0x89: {  	[tilespmem:s11+$0x19030] =	vst v0  }
0x8a: {  	[tilespmem:s11+$0x19040] =	vst v0  }
0x8b: {  	[tilespmem:s11+$0x19050] =	vst v0  }
0x8c: {  	[tilespmem:s11+$0x19060] =	vst v0  }
0x8d: {  	[spmem:s6] =	stream.linear.scatter [tilespmem:s26], [sflag:$0x1], $0x4000, $0x38;
	[tilespmem:$0x1D000] =	vst v63  }
0x8e: {  	_ =	swait.ge [sflag:s25], $0x4000  }
0x8f: {  	[sflag:s25] =	ssyncset.done $0x0  }
0x90: {  	[sflag:s25] =	ssyncadd.s32 $0xFFFFC000  }
0x91: {  	[spmem:s7] =	stream.linear.scatter [tilespmem:s26], [sflag:$0x1], $0x4000, $0x38;
	[tilespmem:$0x1D000] =	vst v63  }
0x92: {  	_ =	swait.ge [sflag:s25], $0x4000  }
0x93: {  	[sflag:s25] =	ssyncset.done $0x0  }
0x94: {  	[sflag:s25] =	ssyncadd.s32 $0xFFFFC000  }
0x95: {  	[spmem:s8] =	stream.linear.scatter [tilespmem:s26], [sflag:$0x1], $0x4000, $0x38;
	[tilespmem:$0x1D000] =	vst v63  }
0x96: {  	_ =	swait.ge [sflag:s25], $0x4000  }
0x97: {  	[sflag:s25] =	ssyncset.done $0x0  }
0x98: {  	[sflag:s25] =	ssyncadd.s32 $0xFFFFC000  }
0x99: {  	[spmem:s9] =	stream.linear.scatter [tilespmem:s26], [sflag:$0x1], $0x4000, $0x38;
	[tilespmem:$0x1D000] =	vst v63  }
0x9a: {  	_ =	swait.ge [sflag:s25], $0x4000  }
0x9b: {  	[sflag:s25] =	ssyncset.done $0x0  }
0x9c: {  	[sflag:s25] =	ssyncadd.s32 $0xFFFFC000  }
0x9d: {  	[spmem:s10] =	stream.linear.scatter [tilespmem:s26], [sflag:$0x1], $0x4000, $0x38;
	[tilespmem:$0x1D000] =	vst v63  }
0x9e: {  	_ =	swait.ge [sflag:s25], $0x4000  }
0x9f: {  	[sflag:s25] =	ssyncset.done $0x0  }
0xa0: {  	s13 =	simm.s32 $0x0;
	s12 =	rddreg [dreg:$0x7];
	[sflag:s25] =	ssyncadd.s32 $0xFFFFC000  }
0xa1: {  	[tilespmem:s28], [sflag:$0x1] =	stream.linear.gather [hbm4b:s12+s13], $0x2800, $0x38;
	[tilespmem:$0x1D000] =	vst v63  }
0xa2: {  	_ =	swait.ge [sflag:s25], $0x2800  }
0xa3: {  	[sflag:s25] =	ssyncset.done $0x0  }
0xa4: {  	[sflag:s25] =	ssyncadd.s32 $0xFFFFD800  }
0xa5: {  	s14 =	simm.s32 $0x14000;
	[bflag:$0x0] =	sbarrier.arrive $0xFFFF  }
0xa6: {  	[tilespmem:s26], [sflag:$0x1] =	stream.indirect.gather [hbm4b:s4+s29], $0x80, s14, s29, $0xb8;
	[tilespmem:$0x1D000] =	vst v63  }
0xa7: {  	_ =	swait.ge [sflag:s25], $0x4000  }
0xa8: {  	[sflag:s25] =	ssyncset.done $0x0  }
0xa9: {  	s15 =	simm.s32 $0x16800;
	[sflag:s25] =	ssyncadd.s32 $0xFFFFC000  }
0xaa: {  	[spmem:s1] =	stream.indirect.scatter.add.f32 [tilespmem:s26], [sflag:$0x1], $0x80, s15, s29, $0xb8;
	[tilespmem:$0x1D000] =	vst v63  }
0xab: {  	_ =	swait.ge [sflag:s25], $0x4000  }
0xac: {  	s11 =	simm.s32 $0x80;
	s12 =	simm.s32 $0x400;
	[sflag:s25] =	ssyncset.done $0x0  }
.LBB2_8:
0xad: {  	s13 =	sadd.s32 $0x14000, s11  }
0xae: {  	[sflag:s25] =	ssyncadd.s32 $0xFFFFC000;
	s14 =	smov.u32 s12;
	s15 =	sadd.s32 $0x200, s12  }
0xaf: {  	[tilespmem:s26], [sflag:$0x1] =	stream.indirect.gather [hbm4b:s4+s29], $0x80, s13, s29, $0xb8;
	[tilespmem:$0x1D000] =	vst v63  }
0xb0: {  	p0 =	sne.s32 s12, $0x9E00;
	_ =	swait.ge [sflag:s25], $0x4000  }
.Ltmp3:
0xb1: {  	[sflag:s25] =	ssyncset.done $0x0;
	(pc) =	sbr.rel @p0 .LBB2_8-.Ltmp3, $4  }
0xb2: {  	s11 =	sadd.s32 $0x16800, s11;
	[sflag:s25] =	ssyncadd.s32 $0xFFFFC000  }
0xb3: {  	[spmem:s1] =	stream.indirect.scatter.add.f32 [tilespmem:s26], [sflag:$0x1], $0x80, s11, s29, $0xb8;
	[tilespmem:$0x1D000] =	vst v63  }
0xb4: {  	_ =	swait.ge [sflag:s25], $0x4000  }
0xb5: {  	s12 =	smov.u32 s15;
	s11 =	sshra.s32 s14, $0x2;
	[sflag:s25] =	ssyncset.done $0x0  }
0xb6: {  	s12 =	sadd.s32 $0x14000, s11;
	[sflag:s25] =	ssyncadd.s32 $0xFFFFC000  }
0xb7: {  	[tilespmem:s26], [sflag:$0x1] =	stream.indirect.gather [hbm4b:s4+s29], $0x80, s12, s29, $0xb8;
	[tilespmem:$0x1D000] =	vst v63  }
0xb8: {  	_ =	swait.ge [sflag:s25], $0x4000  }
0xb9: {  	[sflag:s25] =	ssyncset.done $0x0  }
0xba: {  	s15 =	sadd.s32 $0x16800, s11;
	[sflag:s25] =	ssyncadd.s32 $0xFFFFC000  }
0xbb: {  	[spmem:s1] =	stream.indirect.scatter.add.f32 [tilespmem:s26], [sflag:$0x1], $0x80, s15, s29, $0xb8;
	[tilespmem:$0x1D000] =	vst v63  }
0xbc: {  	_ =	swait.ge [sflag:s25], $0x4000  }
0xbd: {  	[sflag:s25] =	ssyncset.done $0x0  }
0xbe: {  	[sflag:s25] =	ssyncadd.s32 $0xFFFFC000  }
0xbf: {  	[bflag:$0x0] =	sbarrier.arrive $0xFFFF  }
0xc0: {  	[hbm:s18], [sflag:s31] =	dma.local [spmem:s0], $0x800  }
0xc1: {  	_ =	swait.ge [sflag:s25], $0x800  }
0xc2: {  	[sflag:s25] =	ssyncset.done $0x0  }
0xc3: {  	[sflag:s25] =	ssyncadd.s32 $0xFFFFF800  }
0xc4: {  	[hbm:s19], [sflag:s31] =	dma.local [spmem:s3], $0x800  }
0xc5: {  	_ =	swait.ge [sflag:s25], $0x800  }
0xc6: {  	[sflag:s25] =	ssyncset.done $0x0  }
0xc7: {  	[sflag:s25] =	ssyncadd.s32 $0xFFFFF800  }
0xc8: {  	[hbm:s20], [sflag:s31] =	dma.local [spmem:s2], $0x800  }
0xc9: {  	_ =	swait.ge [sflag:s25], $0x800  }
0xca: {  	[sflag:s25] =	ssyncset.done $0x0  }
0xcb: {  	[sflag:s25] =	ssyncadd.s32 $0xFFFFF800  }
0xcc: {  	[hbm:s21], [sflag:s31] =	dma.local [spmem:s24], $0x800  }
0xcd: {  	s30 =	sadd.s32 $0x1, s30;
	_ =	swait.ge [sflag:s25], $0x800  }
0xce: {  	p0 =	sne.s32 s30, s23;
	[sflag:s25] =	ssyncset.done $0x0  }
.Ltmp4:
0xcf: {  	[sflag:s25] =	ssyncadd.s32 $0xFFFFF800;
	(pc) =	sbr.rel @p0 .LBB2_1-.Ltmp4, $4  }
0xd0: {  	[hbm:s22], [sflag:s31] =	dma.local [spmem:s5], $0x800  }
0xd1: {  	_ =	swait.ge [sflag:s25], $0x800  }
0xd2: {  	[sflag:s25] =	ssyncset.done $0x0  }
0xd3: {  	[sflag:s25] =	ssyncadd.s32 $0xFFFFF800  }
0xd4: {  	_ =	sfence.sel $0x180000  }
0xd5: {  	[bflag:$0x0] =	sbarrier.arrive $0xFFFF  }
0xd6: {  	_ =	strace $0x9000004D  }
0xd7: {  	s0 =	stileid.u32;
	[bflag:$0x2] =	sbarrier.arrive $0xFFFF  }
0xd8: {  	p0 =	sne.s32 s0, $0x0;
	s0 =	rddreg [dreg:$0x2]  }
0xd9: {  	s0 =	sadd.s32 @!p0 $0x100000, s0  }
0xda: {  	[sflag:s0] =	ssyncadd.tile.s32 @!p0 $0x1;
	_ =	shalt  }
.Lfunc_end2:
_tile_overlayer_lowered:
.L_overlay_start_2:
0xdb: {  	(tag) =	ssettag $0x2  }
0xdc: {  	s0 =	rddreg [dreg:$0x0];
	s2 =	stileid.u32  }
0xdd: {  	s1 =	rddreg [dreg:$0x1];
	p0 =	sne.s32 s2, $0x0  }
0xde: {  	s3 =	rddreg [dreg:$0x2];
	[bflag:$0x3] =	sbarrier.arrive $0xFFFF;
	s2 =	simm.s32 @!p0 $0x1C01  }
0xdf: {  	[timem:s3], [sflag:s2] =	dma.local @!p0 [hbm:s0], s1  }
0xe0: {  	s0 =	simm.s32 @!p0 $0x1  }
0xe1: {  	_ =	swait.ge @!p0 [sflag:s0], s1  }
0xe2: {  	s1 =	ssub.s32 @!p0 $0x0, s1;
	[sflag:s0] =	ssyncset.done @!p0 $0x0  }
0xe3: {  	[sflag:s0] =	ssyncadd.s32 @!p0 s1  }
0xe4: {  	[bflag:$0x3] =	sbarrier.arrive $0xFFFF  }
0xe5: {  	_ =	shalt  }

// kernel: kernel.21.cloned.1.call-start
scs
__scs_entry_jumppad:
0x0: {  	(pc) =	sbr.rel $0x88, $3  }
0x1: {  	(tag) =	ssettag $0x0;
	lr =	simm.s32 $0x1  }
0x2: {  	[smem:$0x3F99] =	sst lr;
	_ =	strace $0xD0000000  }
0x3: {  	_ = 	snop  }
0x4: {  	_ = 	snop  }
0x5: {  	_ = 	snop  }
0x6: {  	_ = 	snop  }
0x7: {  	_ = 	snop  }
__scs_overlays_trampoline_lowered:
0x8: {  	[smem:$0x3FA8] =	sst s0  }
0x9: {  	[smem:$0x3FA9] =	sst s1  }
0xa: {  	[smem:$0x3FAA] =	sst s2  }
0xb: {  	[smem:$0x3FAB] =	sst s3  }
0xc: {  	[smem:$0x3FAC] =	sst s4  }
0xd: {  	[smem:$0x3FAD] =	sst s5  }
0xe: {  	[smem:$0x3FAE] =	sst s6  }
0xf: {  	[smem:$0x3FAF] =	sst s7  }
0x10: {  	[smem:$0x3FB0] =	sst s8  }
0x11: {  	[smem:$0x3FB1] =	sst s9;
	s0 =	simm.s32 @!p0 $0x0  }
0x12: {  	s1 =	sld [smem:$0x3F97];
	s0 =	simm.s32 @p0 $0x1  }
0x13: {  	[smem:$0x3FB2] =	sst s0;
	s0 =	simm.s32 @!p1 $0x0  }
0x14: {  	s2 =	sld [smem:$0x3F96];
	s0 =	simm.s32 @p1 $0x1  }
0x15: {  	[smem:$0x3FB3] =	sst s0;
	s0 =	simm.s32 @!p2 $0x0  }
0x16: {  	s3 =	sld [smem:$0x3FDB];
	s0 =	simm.s32 @p2 $0x1  }
0x17: {  	s4 =	simm.s32 $0x1BF5;
	[smem:$0x3FB5] =	sst s0  }
0x18: {  	s0 =	sld [smem:$0x3F98];
	_ =	swait.ge [sflag:s4], $0x0  }
0x19: {  	s7 =	sld [smem:$0x3F99]  }
0x1a: {  	s8 =	sadd.s32 $0xFFFFE003, lr  }
0x1b: {  	s9 =	sadd.s32 $0xFFFFFEF7, lr;
	s5 =	simm.s32 $0xFFFFFFFF;
	p2 =	slt.u32 s8, $0xFFFFF086  }
0x1c: {  	p1 =	slt.u32 s9, $0xF7A;
	s5 =	simm.s32 @!p2 $0x0  }
0x1d: {  	s5 =	simm.s32 @p1 $0x1;
	p0 =	seq.s32 s7, s2  }
0x1e: {  	s7 =	smul.u32 @!p0 $0xF7A, s2;
	p2 =	seq.s32 @!p0 s5, $0x0  }
0x1f: {  	s9 =	smul.u32 $0xF7A, s1;
	s8 =	simm.s32 @!p0 $0x1BF5;
	p2 =	por !p2, p0  }
0x20: {  	[sflag:s8] =	ssyncset.s32 @!p0 $0xFFFFF086;
	s6 =	sadd.s32 @!p0 s3, s7;
	s7 =	simm.s32 @!p0 $0x108  }
0x21: {  	s3 =	sadd.s32 s3, s9;
	s6 =	sadd.s32 @!p0 $0x88, s6;
	s7 =	simm.s32 @p2 $0x1082  }
0x22: {  	[simem:s7], [sflag:s8] =	dma.local @!p0 [hbm:s6], $0xF7A  }
0x23: {  	s9 =	sor.u32 $0xD0000000, s2;
	s6 =	simm.s32 $0x108;
	_ =	swait.ge @!p0 [sflag:s8], $0x0  }
0x24: {  	s3 =	sadd.s32 $0x88, s3;
	s6 =	simm.s32 @!p1 $0x1082;
	[sflag:s4] =	ssyncset.s32 $0xFFFFF086  }
0x25: {  	[simem:s6], [sflag:s4] =	dma.local [hbm:s3], $0xF7A  }
0x26: {  	[smem:$0x3F99] =	sst s1;
	(tag) =	ssettag s2;
	_ =	strace s9  }
0x27: {  	s1 =	sld [smem:$0x3FA9]  }
0x28: {  	s2 =	sld [smem:$0x3FAA]  }
0x29: {  	s4 =	sld [smem:$0x3FAC]  }
0x2a: {  	p0 =	seq.s32 s5, $0x0;
	s5 =	sld [smem:$0x3FAD]  }
0x2b: {  	s6 =	sld [smem:$0x3FAE]  }
0x2c: {  	s7 =	sld [smem:$0x3FAF]  }
0x2d: {  	s3 =	simm.s32 $0x108;
	s8 =	sld [smem:$0x3FB0]  }
0x2e: {  	s3 =	simm.s32 @!p0 $0x1082;
	s9 =	sld [smem:$0x3FB1]  }
0x2f: {  	lr =	sadd.s32 s0, s3;
	s0 =	sld [smem:$0x3FA8]  }
0x30: {  	s3 =	sld [smem:$0x3FAB]  }
0x31: {  	[smem:$0x3FB4] =	sst s10  }
0x32: {  	s10 =	sld [smem:$0x3FB2];
	_ =	sdelay $0x3  }
0x33: {  	p0 =	seq.s32 s10, $0x1;
	s10 =	sld [smem:$0x3FB4];
	_ =	sdelay $0x3  }
0x34: {  	[smem:$0x3FB4] =	sst s10  }
0x35: {  	s10 =	sld [smem:$0x3FB3];
	_ =	sdelay $0x3  }
0x36: {  	p1 =	seq.s32 s10, $0x1;
	s10 =	sld [smem:$0x3FB4];
	_ =	sdelay $0x3  }
0x37: {  	[smem:$0x3FB4] =	sst s10  }
0x38: {  	s10 =	sld [smem:$0x3FB5]  }
0x39: {  	_ = 	snop;
	(pc) =	sbr.ind lr, $3  }
0x3a: {  	_ = 	snop  }
0x3b: {  	_ = 	snop  }
0x3c: {  	p2 =	seq.s32 s10, $0x1;
	s10 =	sld [smem:$0x3FB4]  }
0x3d: {  	_ =	shalt  }
0x3e: {  	_ =	shalt  }
0x3f: {  	_ =	shalt  }
0x40: {  	_ =	shalt  }
0x41: {  	_ =	shalt  }
0x42: {  	_ =	shalt  }
0x43: {  	_ =	shalt  }
0x44: {  	_ =	shalt  }
0x45: {  	_ =	shalt  }
0x46: {  	_ =	shalt  }
0x47: {  	_ =	shalt  }
0x48: {  	_ =	shalt  }
0x49: {  	_ =	shalt  }
0x4a: {  	_ =	shalt  }
0x4b: {  	_ =	shalt  }
0x4c: {  	_ =	shalt  }
0x4d: {  	_ =	shalt  }
0x4e: {  	_ =	shalt  }
0x4f: {  	_ =	shalt  }
0x50: {  	_ =	shalt  }
0x51: {  	_ =	shalt  }
0x52: {  	_ =	shalt  }
0x53: {  	_ =	shalt  }
0x54: {  	_ =	shalt  }
0x55: {  	_ =	shalt  }
0x56: {  	_ =	shalt  }
0x57: {  	_ =	shalt  }
0x58: {  	_ =	shalt  }
0x59: {  	_ =	shalt  }
0x5a: {  	_ =	shalt  }
0x5b: {  	_ =	shalt  }
0x5c: {  	_ =	shalt  }
0x5d: {  	_ =	shalt  }
0x5e: {  	_ =	shalt  }
0x5f: {  	_ =	shalt  }
0x60: {  	_ =	shalt  }
0x61: {  	_ =	shalt  }
0x62: {  	_ =	shalt  }
0x63: {  	_ =	shalt  }
0x64: {  	_ =	shalt  }
0x65: {  	_ =	shalt  }
0x66: {  	_ =	shalt  }
0x67: {  	_ =	shalt  }
0x68: {  	_ =	shalt  }
0x69: {  	_ =	shalt  }
0x6a: {  	_ =	shalt  }
0x6b: {  	_ =	shalt  }
0x6c: {  	_ =	shalt  }
0x6d: {  	_ =	shalt  }
0x6e: {  	_ =	shalt  }
0x6f: {  	_ =	shalt  }
0x70: {  	_ =	shalt  }
0x71: {  	_ =	shalt  }
0x72: {  	_ =	shalt  }
0x73: {  	_ =	shalt  }
0x74: {  	_ =	shalt  }
0x75: {  	_ =	shalt  }
0x76: {  	_ =	shalt  }
0x77: {  	_ =	shalt  }
0x78: {  	_ =	shalt  }
0x79: {  	_ =	shalt  }
0x7a: {  	_ =	shalt  }
0x7b: {  	_ =	shalt  }
0x7c: {  	_ =	shalt  }
0x7d: {  	_ =	shalt  }
0x7e: {  	_ =	shalt  }
0x7f: {  	_ =	shalt  }
0x80: {  	_ =	shalt  }
0x81: {  	_ =	shalt  }
0x82: {  	_ =	shalt  }
0x83: {  	_ =	shalt  }
0x84: {  	_ =	shalt  }
0x85: {  	_ =	shalt  }
0x86: {  	_ =	shalt  }
0x87: {  	_ =	shalt  }
.Lfunc_end0:
.L_simem_size_0:
called_computation.3_lowered:
.L_overlay_start_0:
0x88: {  	s2 =	sld [smem:$0x3FD9]  }
0x89: {  	s3 =	sld [smem:$0x3FFE];
	_ =	sdelay $0x1  }
0x8a: {  	s1 =	srdreg.scid  }
0x8b: {  	s0 =	sand.u32 $0x1, s1  }
0x8c: {  	s16 =	sshll.u32 s0, $0xA;
	s2 =	sadd.s32 s3, s2  }
0x8d: {  	s2 =	sadd.s32 s2, s16  }
0x8e: {  	[smem:$0x3FC0] =	sst s2  }
0x8f: {  	_ = 	snop  }
0x90: {  	(tm) =	ssettm $0x1  }
0x91: {  	s17 =	sld [smem:$0x3FFB];
	_ =	sdelay $0x3  }
0x92: {  	_ =	strace s17  }
0x93: {  	s2 =	sld [smem:$0x3FFC];
	_ =	sdelay $0x3  }
0x94: {  	_ =	strace s2  }
0x95: {  	s2 =	sld [smem:$0x3FFD];
	_ =	sdelay $0x3  }
0x96: {  	_ =	strace s2  }
0x97: {  	_ =	strace $0x8FFFFFFF  }
0x98: {  	s18 =	sld [smem:$0x3FDB];
	_ =	sdelay $0x1  }
0x99: {  	s19 =	simm.s32 $_scs_section_size  }
0x9a: {  	s4 =	simm.s32 $_size__tile_overlayer_lowered;
	s5 =	simm.s32 $_tile_overlayer_lowered  }
0x9b: {  	s22 =	simm.s32 $0x1BFF;
	s21 =	sshll.u32 s5, $0x1;
	s2 =	sadd.s32 s19, s18  }
0x9c: {  	s6 =	simm.s32 $0x0;
	s20 =	sshll.u32 s4, $0x1;
	s4 =	sadd.s32 s21, s2  }
0x9d: {  	[timem:s6], [sflag:s22] =	dma.local [hbm:s4], s20  }
0x9e: {  	_ =	swait.ge [sflag:s22], s20  }
0x9f: {  	s3 =	ssub.s32 $0x0, s20;
	[sflag:s22] =	ssyncset.done $0x0  }
0xa0: {  	[sflag:s22] =	ssyncadd.s32 s3;
	_ =	sdelay $0x1  }
0xa1: {  	s23 =	simm.s32 $0x1B8B  }
0xa2: {  	_ =	swait.ge [sflag:s23], $0x1  }
0xa3: {  	[sflag:s23] =	ssyncset.done $0x0  }
0xa4: {  	s25 =	simm.s32 $0x1B8E;
	s24 =	sld [smem:$0x3FFE];
	[sflag:s23] =	ssyncadd.s32 $0xFFFFFFFF  }
0xa5: {  	s26 =	simm.s32 $execute0_lowered;
	[smem:$0x3FD2] =	sst s25  }
0xa6: {  	s4 =	sshll.u32 s26, $0x1;
	_ =	strace $0x8000004F;
	[dreg:$0x1] =	wrdreg $0xFFFFFFFF  }
0xa7: {  	s28 =	simm.s32 $_size_execute0_lowered;
	s2 =	sadd.s32 s2, s4;
	[dreg:$0x0] =	wrdreg $0x0  }
0xa8: {  	s4 =	sshll.u32 s28, $0x1;
	[dreg:$0x2] =	wrdreg s2  }
0xa9: {  	[dreg:$0x3] =	wrdreg s4  }
0xaa: {  	[dreg:$0x4] =	wrdreg $0xC0  }
0xab: {  	_ =	task [dreg:s6], $0x5FFFF  }
0xac: {  	[dreg:$0x1] =	wrdreg $0xFFFFFFFF  }
0xad: {  	[dreg:$0x0] =	wrdreg $0x60  }
0xae: {  	[dreg:$0x2] =	wrdreg s24  }
0xaf: {  	[dreg:$0x3] =	wrdreg $0x0  }
0xb0: {  	[dreg:$0x4] =	wrdreg $0x9  }
0xb1: {  	_ =	task.clear_ibuf [dreg:s6], $0x5FFFF;
	_ =	strace $0x9000004F  }
0xb2: {  	s29 =	simm.s32 $0x9;
	_ =	strace $0x80000051  }
0xb3: {  	_ =	swait.ge [sflag:s29], $0x1  }
0xb4: {  	[sflag:s29] =	ssyncadd.s32 $0xFFFFFFFF  }
0xb5: {  	_ =	strace $0x90000051  }
0xb6: {  	_ =	sfence  }
0xb7: {  	s30 =	sld [smem:$0x0];
	_ =	sdelay $0x2  }
0xb8: {  	s31 =	sshll.u32 s1, $0xD;
	s1 =	sshrl.u32 s1, $0x2  }
0xb9: {  	s3 =	sand.u32 $0x4000, s31;
	s1 =	sadd.s32 s1, s30  }
0xba: {  	s0 =	sor.u32 s3, s0;
	s1 =	sshll.u32 s1, $0x11  }
0xbb: {  	s0 =	sor.u32 s1, s0  }
0xbc: {  	s0 =	sadd.s32 $0x8F2B, s0  }
0xbd: {  	[sflag:s0] =	ssyncadd.remote.s32 $0x1  }
0xbe: {  	_ =	sfence.sel $0xFFFF  }
0xbf: {  	[dreg:$0x0] =	wrdreg $0xFFFFFFFF;
	(pc) =	sbr.abs _section_cstart, $3  }
0xc0: {  	[dreg:$0x1] =	wrdreg $0xFFFFFFFF  }
0xc1: {  	_ =	task.clear_ibuf [dreg:s6], $0x2FFFF;
	_ =	strace $0x9FFFFFFF  }
0xc2: {  	(tm) =	ssettm $0x7FFFFFFF  }
0xc3: {  	_ =	shalt  }
tec
execute0_lowered:
.L_overlay_start_1:
0x0: {  	(tag) =	ssettag $0x1  }
0x1: {  	s0 =	rddreg [dreg:$0x0]  }
0x2: {  	s1 =	rddreg [dreg:$0x1];
	s2 =	simm.s32 $0x0  }
0x3: {  	s9 =	stileid.u32;
	s13 =	srdreg.scid;
	s28 =	simm.s32 $0x14000  }
0x4: {  	s29 =	simm.s32 $0x80;
	s30 =	simm.s32 $0x0;
	s3 =	smul.u32 $0x2800, s9  }
0x5: {  	[smem:$0x7FF] =	sst s2;
	s4 =	sadd.s32 $0x8EE00, s0;
	s11 =	smul.u32 $0x280, s9  }
0x6: {  	s2 =	sand.u32 $0x1, s13;
	s5 =	sadd.s32 $0x66E00, s0;
	s9 =	smul.u32 $0x50000, s9  }
0x7: {  	_ =	strace $0x80000050;
	s6 =	ssub.s32 $0x2, s2;
	s10 =	smul.u32 $0x50000, s2  }
0x8: {  	s7 =	sshrl.u32 s3, $0x3;
	s8 =	sshrl.u32 s6, $0x1;
	s15 =	sshrl.u32 s9, $0x2  }
0x9: {  	s17 =	sadd.s32 $0x80, s11;
	s20 =	sadd.s32 $0x100, s11;
	s21 =	sadd.s32 $0x180, s11  }
0xa: {  	s22 =	sadd.s32 $0x200, s11;
	s7 =	sadd.s32 s7, s0;
	s0 =	sadd.s32 $0x12B200, s0  }
0xb: {  	s12 =	ssub.s32 s6, s8;
	s6 =	sadd.s32 s15, s1;
	s16 =	sshll.u32 s17, $0x7  }
0xc: {  	s18 =	sshll.u32 s20, $0x7;
	s19 =	sshll.u32 s21, $0x7;
	s13 =	sshll.u32 s22, $0x7  }
0xd: {  	s14 =	sadd.s32 $0x7E00, s7;
	s7 =	sadd.s32 s16, s1;
	s8 =	sadd.s32 s18, s1  }
0xe: {  	s9 =	sadd.s32 s19, s1;
	s18 =	smul.u32 $0x5000, s2;
	s2 =	sshllo.u32 s2, $0x1  }
0xf: {  	[dreg:$0x3] =	wrdreg s14;
	s14 =	sadd.s32 s3, s10;
	s24 =	smul.u32 $0x28000, s2  }
0x10: {  	s10 =	sadd.s32 s13, s1;
	s2 =	smul.u32 $0x2800, s2;
	s23 =	sshrl.u32 s14, $0x3  }
0x11: {  	s25 =	sadd.s32 s11, s18;
	s15 =	sadd.s32 s18, s17;
	s31 =	sadd.s32 s18, s20  }
0x12: {  	s13 =	sadd.s32 s5, s23;
	s15 =	sshll.u32 s15, $0x4;
	s3 =	sadd.s32 s3, s24  }
0x13: {  	s14 =	sshll.u32 s31, $0x4;
	s19 =	sadd.s32 s17, s2;
	[dreg:$0x4] =	wrdreg s13  }
0x14: {  	s13 =	sshll.u32 s25, $0x4;
	s26 =	sadd.s32 s0, s15;
	s3 =	sshrl.u32 s3, $0x3  }
0x15: {  	s15 =	sadd.s32 s18, s22;
	s24 =	sshll.u32 s19, $0x4;
	s25 =	sadd.s32 s20, s2  }
0x16: {  	s13 =	sadd.s32 s0, s13;
	[dreg:$0x6] =	wrdreg s26;
	s3 =	sadd.s32 s5, s3  }
0x17: {  	s5 =	sadd.s32 s0, s14;
	s19 =	sadd.s32 s0, s24;
	[dreg:$0x5] =	wrdreg s13  }
0x18: {  	s26 =	sadd.s32 s21, s2;
	[dreg:$0x7] =	wrdreg s3;
	s13 =	sadd.s32 s18, s21  }
0x19: {  	[dreg:$0x8] =	wrdreg s5;
	s18 =	sadd.s32 s11, s2;
	s2 =	sadd.s32 s22, s2  }
0x1a: {  	s31 =	sshll.u32 s26, $0x4;
	s26 =	simm.s32 $0x19000;
	s3 =	sshll.u32 s13, $0x4  }
0x1b: {  	s23 =	sshll.u32 s18, $0x4;
	s2 =	sshll.u32 s2, $0x4;
	s21 =	sadd.s32 s0, s31  }
0x1c: {  	s16 =	sadd.s32 s0, s3;
	s3 =	sshll.u32 s15, $0x4;
	s18 =	sadd.s32 s0, s23  }
0x1d: {  	s22 =	sadd.s32 s0, s2;
	s17 =	sadd.s32 s0, s3;
	s3 =	sshll.u32 s25, $0x4  }
0x1e: {  	v0 =	vimm.f32 $0.0e+00;
	s23 =	smax.u32 s12, $0x1;
	s25 =	simm.s32 $0x1;
	s20 =	sadd.s32 s0, s3  }
.LBB2_1:
0x1f: {  	s0 =	simm.s32 $0x0;
	s2 =	rddreg [dreg:$0x3];
	s3 =	simm.s32 $0x16800  }
0x20: {  	[tilespmem:s3], [sflag:$0x1] =	stream.linear.gather [hbm4b:s2+s0], $0x2800, $0x38;
	[tilespmem:$0x1D000] =	vst v63  }
0x21: {  	_ =	swait.ge [sflag:s25], $0x2800  }
0x22: {  	[sflag:s25] =	ssyncset.done $0x0  }
0x23: {  	s0 =	simm.s32 $0x0;
	s2 =	simm.s32 $0x200;
	[sflag:s25] =	ssyncadd.s32 $0xFFFFD800  }
.LBB2_2:
0x24: {  	p0 =	sne.s32 s2, $0xFE00;
	[tilespmem:s0+$0x19070] =	vst v0  }
0x25: {  	[tilespmem:s0+$0x19000] =	vst v0  }
0x26: {  	[tilespmem:s0+$0x19010] =	vst v0  }
.Ltmp0:
0x27: {  	[tilespmem:s0+$0x19020] =	vst v0;
	(pc) =	sbr.rel @p0 .LBB2_2-.Ltmp0, $4  }
0x28: {  	[tilespmem:s0+$0x19030] =	vst v0  }
0x29: {  	[tilespmem:s0+$0x19040] =	vst v0  }
0x2a: {  	[tilespmem:s0+$0x19050] =	vst v0  }
0x2b: {  	[tilespmem:s0+$0x19060] =	vst v0;
	s0 =	sshra.s32 s2, $0x2;
	s2 =	sadd.s32 $0x200, s2  }
0x2c: {  	[tilespmem:s0+$0x19070] =	vst v0  }
0x2d: {  	[tilespmem:s0+$0x19000] =	vst v0  }
0x2e: {  	[tilespmem:s0+$0x19010] =	vst v0  }
0x2f: {  	[tilespmem:s0+$0x19020] =	vst v0  }
0x30: {  	[tilespmem:s0+$0x19030] =	vst v0  }
0x31: {  	[tilespmem:s0+$0x19040] =	vst v0  }
0x32: {  	[tilespmem:s0+$0x19050] =	vst v0  }
0x33: {  	[tilespmem:s0+$0x19060] =	vst v0  }
0x34: {  	[spmem:s6] =	stream.linear.scatter [tilespmem:s26], [sflag:$0x1], $0x4000, $0x38;
	[tilespmem:$0x1D000] =	vst v63  }
0x35: {  	_ =	swait.ge [sflag:s25], $0x4000  }
0x36: {  	[sflag:s25] =	ssyncset.done $0x0  }
0x37: {  	[sflag:s25] =	ssyncadd.s32 $0xFFFFC000  }
0x38: {  	[spmem:s7] =	stream.linear.scatter [tilespmem:s26], [sflag:$0x1], $0x4000, $0x38;
	[tilespmem:$0x1D000] =	vst v63  }
0x39: {  	_ =	swait.ge [sflag:s25], $0x4000  }
0x3a: {  	[sflag:s25] =	ssyncset.done $0x0  }
0x3b: {  	[sflag:s25] =	ssyncadd.s32 $0xFFFFC000  }
0x3c: {  	[spmem:s8] =	stream.linear.scatter [tilespmem:s26], [sflag:$0x1], $0x4000, $0x38;
	[tilespmem:$0x1D000] =	vst v63  }
0x3d: {  	_ =	swait.ge [sflag:s25], $0x4000  }
0x3e: {  	[sflag:s25] =	ssyncset.done $0x0  }
0x3f: {  	[sflag:s25] =	ssyncadd.s32 $0xFFFFC000  }
0x40: {  	[spmem:s9] =	stream.linear.scatter [tilespmem:s26], [sflag:$0x1], $0x4000, $0x38;
	[tilespmem:$0x1D000] =	vst v63  }
0x41: {  	_ =	swait.ge [sflag:s25], $0x4000  }
0x42: {  	[sflag:s25] =	ssyncset.done $0x0  }
0x43: {  	[sflag:s25] =	ssyncadd.s32 $0xFFFFC000  }
0x44: {  	[spmem:s10] =	stream.linear.scatter [tilespmem:s26], [sflag:$0x1], $0x4000, $0x38;
	[tilespmem:$0x1D000] =	vst v63  }
0x45: {  	_ =	swait.ge [sflag:s25], $0x4000  }
0x46: {  	[sflag:s25] =	ssyncset.done $0x0  }
0x47: {  	s15 =	simm.s32 $0x0;
	s2 =	rddreg [dreg:$0x4];
	[sflag:s25] =	ssyncadd.s32 $0xFFFFC000  }
0x48: {  	[tilespmem:s28], [sflag:$0x1] =	stream.linear.gather [hbm4b:s2+s15], $0x2800, $0x38;
	[tilespmem:$0x1D000] =	vst v63  }
0x49: {  	_ =	swait.ge [sflag:s25], $0x2800  }
0x4a: {  	[sflag:s25] =	ssyncset.done $0x0  }
0x4b: {  	[sflag:s25] =	ssyncadd.s32 $0xFFFFD800  }
0x4c: {  	s24 =	simm.s32 $0x14000;
	[bflag:$0x0] =	sbarrier.arrive $0xFFFF  }
0x4d: {  	[tilespmem:s26], [sflag:$0x1] =	stream.indirect.gather [hbm4b:s4+s29], $0x80, s24, s29, $0xb8;
	[tilespmem:$0x1D000] =	vst v63  }
0x4e: {  	_ =	swait.ge [sflag:s25], $0x4000  }
0x4f: {  	[sflag:s25] =	ssyncset.done $0x0  }
0x50: {  	s31 =	simm.s32 $0x16800;
	[sflag:s25] =	ssyncadd.s32 $0xFFFFC000  }
0x51: {  	[spmem:s1] =	stream.indirect.scatter.add.f32 [tilespmem:s26], [sflag:$0x1], $0x80, s31, s29, $0xb8;
	[tilespmem:$0x1D000] =	vst v63  }
0x52: {  	_ =	swait.ge [sflag:s25], $0x4000  }
0x53: {  	s0 =	simm.s32 $0x80;
	s2 =	simm.s32 $0x400;
	[sflag:s25] =	ssyncset.done $0x0  }
.LBB2_4:
0x54: {  	s3 =	sadd.s32 $0x14000, s0  }
0x55: {  	[sflag:s25] =	ssyncadd.s32 $0xFFFFC000;
	s5 =	smov.u32 s2;
	s11 =	sadd.s32 $0x200, s2  }
0x56: {  	[tilespmem:s26], [sflag:$0x1] =	stream.indirect.gather [hbm4b:s4+s29], $0x80, s3, s29, $0xb8;
	[tilespmem:$0x1D000] =	vst v63  }
0x57: {  	p0 =	sne.s32 s2, $0x9E00;
	_ =	swait.ge [sflag:s25], $0x4000  }
.Ltmp1:
0x58: {  	[sflag:s25] =	ssyncset.done $0x0;
	(pc) =	sbr.rel @p0 .LBB2_4-.Ltmp1, $4  }
0x59: {  	s0 =	sadd.s32 $0x16800, s0;
	[sflag:s25] =	ssyncadd.s32 $0xFFFFC000  }
0x5a: {  	[spmem:s1] =	stream.indirect.scatter.add.f32 [tilespmem:s26], [sflag:$0x1], $0x80, s0, s29, $0xb8;
	[tilespmem:$0x1D000] =	vst v63  }
0x5b: {  	_ =	swait.ge [sflag:s25], $0x4000  }
0x5c: {  	s2 =	smov.u32 s11;
	s0 =	sshra.s32 s5, $0x2;
	[sflag:s25] =	ssyncset.done $0x0  }
0x5d: {  	s2 =	sadd.s32 $0x14000, s0;
	[sflag:s25] =	ssyncadd.s32 $0xFFFFC000  }
0x5e: {  	[tilespmem:s26], [sflag:$0x1] =	stream.indirect.gather [hbm4b:s4+s29], $0x80, s2, s29, $0xb8;
	[tilespmem:$0x1D000] =	vst v63  }
0x5f: {  	_ =	swait.ge [sflag:s25], $0x4000  }
0x60: {  	[sflag:s25] =	ssyncset.done $0x0  }
0x61: {  	s13 =	sadd.s32 $0x16800, s0;
	[sflag:s25] =	ssyncadd.s32 $0xFFFFC000  }
0x62: {  	[spmem:s1] =	stream.indirect.scatter.add.f32 [tilespmem:s26], [sflag:$0x1], $0x80, s13, s29, $0xb8;
	[tilespmem:$0x1D000] =	vst v63  }
0x63: {  	_ =	swait.ge [sflag:s25], $0x4000  }
0x64: {  	[sflag:s25] =	ssyncset.done $0x0  }
0x65: {  	s14 =	stileid.u32;
	[sflag:s25] =	ssyncadd.s32 $0xFFFFC000  }
0x66: {  	s0 =	sshll.u32 s14, $0x6;
	[bflag:$0x0] =	sbarrier.arrive $0xFFFF  }
0x67: {  	s31 =	sor.u32 $0x1C01, s0;
	s0 =	sshrl.u32 s6, $0x3;
	s15 =	rddreg [dreg:$0x5]  }
0x68: {  	[hbm:s15], [sflag:s31] =	dma.local [spmem:s0], $0x800  }
0x69: {  	_ =	swait.ge [sflag:s25], $0x800  }
0x6a: {  	[sflag:s25] =	ssyncset.done $0x0  }
0x6b: {  	s3 =	sshrl.u32 s7, $0x3;
	s24 =	rddreg [dreg:$0x6];
	[sflag:s25] =	ssyncadd.s32 $0xFFFFF800  }
0x6c: {  	[hbm:s24], [sflag:s31] =	dma.local [spmem:s3], $0x800  }
0x6d: {  	_ =	swait.ge [sflag:s25], $0x800  }
0x6e: {  	[sflag:s25] =	ssyncset.done $0x0  }
0x6f: {  	s2 =	sshrl.u32 s8, $0x3;
	s5 =	rddreg [dreg:$0x8];
	[sflag:s25] =	ssyncadd.s32 $0xFFFFF800  }
0x70: {  	[hbm:s5], [sflag:s31] =	dma.local [spmem:s2], $0x800  }
0x71: {  	_ =	swait.ge [sflag:s25], $0x800  }
0x72: {  	[sflag:s25] =	ssyncset.done $0x0  }
0x73: {  	s24 =	sshrl.u32 s9, $0x3;
	[sflag:s25] =	ssyncadd.s32 $0xFFFFF800  }
0x74: {  	[hbm:s16], [sflag:s31] =	dma.local [spmem:s24], $0x800  }
0x75: {  	_ =	swait.ge [sflag:s25], $0x800  }
0x76: {  	[sflag:s25] =	ssyncset.done $0x0  }
0x77: {  	s5 =	sshrl.u32 s10, $0x3;
	[sflag:s25] =	ssyncadd.s32 $0xFFFFF800  }
0x78: {  	[hbm:s17], [sflag:s31] =	dma.local [spmem:s5], $0x800  }
0x79: {  	_ =	swait.ge [sflag:s25], $0x800  }
0x7a: {  	[sflag:s25] =	ssyncset.done $0x0  }
0x7b: {  	[sflag:s25] =	ssyncadd.s32 $0xFFFFF800  }
0x7c: {  	s11 =	simm.s32 $0x0;
	s12 =	simm.s32 $0x200;
	[bflag:$0x0] =	sbarrier.arrive $0xFFFF  }
.LBB2_6:
0x7d: {  	p0 =	sne.s32 s12, $0xFE00;
	[tilespmem:s11+$0x19070] =	vst v0  }
0x7e: {  	[tilespmem:s11+$0x19000] =	vst v0  }
0x7f: {  	[tilespmem:s11+$0x19010] =	vst v0  }
.Ltmp2:
0x80: {  	[tilespmem:s11+$0x19020] =	vst v0;
	(pc) =	sbr.rel @p0 .LBB2_6-.Ltmp2, $4  }
0x81: {  	[tilespmem:s11+$0x19030] =	vst v0  }
0x82: {  	[tilespmem:s11+$0x19040] =	vst v0  }
0x83: {  	[tilespmem:s11+$0x19050] =	vst v0  }
0x84: {  	[tilespmem:s11+$0x19060] =	vst v0;
	s11 =	sshra.s32 s12, $0x2;
	s12 =	sadd.s32 $0x200, s12  }
0x85: {  	[tilespmem:s11+$0x19070] =	vst v0  }
0x86: {  	[tilespmem:s11+$0x19000] =	vst v0  }
0x87: {  	[tilespmem:s11+$0x19010] =	vst v0  }
0x88: {  	[tilespmem:s11+$0x19020] =	vst v0  }
0x89: {  	[tilespmem:s11+$0x19030] =	vst v0  }
0x8a: {  	[tilespmem:s11+$0x19040] =	vst v0  }
0x8b: {  	[tilespmem:s11+$0x19050] =	vst v0  }
0x8c: {  	[tilespmem:s11+$0x19060] =	vst v0  }
0x8d: {  	[spmem:s6] =	stream.linear.scatter [tilespmem:s26], [sflag:$0x1], $0x4000, $0x38;
	[tilespmem:$0x1D000] =	vst v63  }
0x8e: {  	_ =	swait.ge [sflag:s25], $0x4000  }
0x8f: {  	[sflag:s25] =	ssyncset.done $0x0  }
0x90: {  	[sflag:s25] =	ssyncadd.s32 $0xFFFFC000  }
0x91: {  	[spmem:s7] =	stream.linear.scatter [tilespmem:s26], [sflag:$0x1], $0x4000, $0x38;
	[tilespmem:$0x1D000] =	vst v63  }
0x92: {  	_ =	swait.ge [sflag:s25], $0x4000  }
0x93: {  	[sflag:s25] =	ssyncset.done $0x0  }
0x94: {  	[sflag:s25] =	ssyncadd.s32 $0xFFFFC000  }
0x95: {  	[spmem:s8] =	stream.linear.scatter [tilespmem:s26], [sflag:$0x1], $0x4000, $0x38;
	[tilespmem:$0x1D000] =	vst v63  }
0x96: {  	_ =	swait.ge [sflag:s25], $0x4000  }
0x97: {  	[sflag:s25] =	ssyncset.done $0x0  }
0x98: {  	[sflag:s25] =	ssyncadd.s32 $0xFFFFC000  }
0x99: {  	[spmem:s9] =	stream.linear.scatter [tilespmem:s26], [sflag:$0x1], $0x4000, $0x38;
	[tilespmem:$0x1D000] =	vst v63  }
0x9a: {  	_ =	swait.ge [sflag:s25], $0x4000  }
0x9b: {  	[sflag:s25] =	ssyncset.done $0x0  }
0x9c: {  	[sflag:s25] =	ssyncadd.s32 $0xFFFFC000  }
0x9d: {  	[spmem:s10] =	stream.linear.scatter [tilespmem:s26], [sflag:$0x1], $0x4000, $0x38;
	[tilespmem:$0x1D000] =	vst v63  }
0x9e: {  	_ =	swait.ge [sflag:s25], $0x4000  }
0x9f: {  	[sflag:s25] =	ssyncset.done $0x0  }
0xa0: {  	s13 =	simm.s32 $0x0;
	s12 =	rddreg [dreg:$0x7];
	[sflag:s25] =	ssyncadd.s32 $0xFFFFC000  }
0xa1: {  	[tilespmem:s28], [sflag:$0x1] =	stream.linear.gather [hbm4b:s12+s13], $0x2800, $0x38;
	[tilespmem:$0x1D000] =	vst v63  }
0xa2: {  	_ =	swait.ge [sflag:s25], $0x2800  }
0xa3: {  	[sflag:s25] =	ssyncset.done $0x0  }
0xa4: {  	[sflag:s25] =	ssyncadd.s32 $0xFFFFD800  }
0xa5: {  	s14 =	simm.s32 $0x14000;
	[bflag:$0x0] =	sbarrier.arrive $0xFFFF  }
0xa6: {  	[tilespmem:s26], [sflag:$0x1] =	stream.indirect.gather [hbm4b:s4+s29], $0x80, s14, s29, $0xb8;
	[tilespmem:$0x1D000] =	vst v63  }
0xa7: {  	_ =	swait.ge [sflag:s25], $0x4000  }
0xa8: {  	[sflag:s25] =	ssyncset.done $0x0  }
0xa9: {  	s15 =	simm.s32 $0x16800;
	[sflag:s25] =	ssyncadd.s32 $0xFFFFC000  }
0xaa: {  	[spmem:s1] =	stream.indirect.scatter.add.f32 [tilespmem:s26], [sflag:$0x1], $0x80, s15, s29, $0xb8;
	[tilespmem:$0x1D000] =	vst v63  }
0xab: {  	_ =	swait.ge [sflag:s25], $0x4000  }
0xac: {  	s11 =	simm.s32 $0x80;
	s12 =	simm.s32 $0x400;
	[sflag:s25] =	ssyncset.done $0x0  }
.LBB2_8:
0xad: {  	s13 =	sadd.s32 $0x14000, s11  }
0xae: {  	[sflag:s25] =	ssyncadd.s32 $0xFFFFC000;
	s14 =	smov.u32 s12;
	s15 =	sadd.s32 $0x200, s12  }
0xaf: {  	[tilespmem:s26], [sflag:$0x1] =	stream.indirect.gather [hbm4b:s4+s29], $0x80, s13, s29, $0xb8;
	[tilespmem:$0x1D000] =	vst v63  }
0xb0: {  	p0 =	sne.s32 s12, $0x9E00;
	_ =	swait.ge [sflag:s25], $0x4000  }
.Ltmp3:
0xb1: {  	[sflag:s25] =	ssyncset.done $0x0;
	(pc) =	sbr.rel @p0 .LBB2_8-.Ltmp3, $4  }
0xb2: {  	s11 =	sadd.s32 $0x16800, s11;
	[sflag:s25] =	ssyncadd.s32 $0xFFFFC000  }
0xb3: {  	[spmem:s1] =	stream.indirect.scatter.add.f32 [tilespmem:s26], [sflag:$0x1], $0x80, s11, s29, $0xb8;
	[tilespmem:$0x1D000] =	vst v63  }
0xb4: {  	_ =	swait.ge [sflag:s25], $0x4000  }
0xb5: {  	s12 =	smov.u32 s15;
	s11 =	sshra.s32 s14, $0x2;
	[sflag:s25] =	ssyncset.done $0x0  }
0xb6: {  	s12 =	sadd.s32 $0x14000, s11;
	[sflag:s25] =	ssyncadd.s32 $0xFFFFC000  }
0xb7: {  	[tilespmem:s26], [sflag:$0x1] =	stream.indirect.gather [hbm4b:s4+s29], $0x80, s12, s29, $0xb8;
	[tilespmem:$0x1D000] =	vst v63  }
0xb8: {  	_ =	swait.ge [sflag:s25], $0x4000  }
0xb9: {  	[sflag:s25] =	ssyncset.done $0x0  }
0xba: {  	s15 =	sadd.s32 $0x16800, s11;
	[sflag:s25] =	ssyncadd.s32 $0xFFFFC000  }
0xbb: {  	[spmem:s1] =	stream.indirect.scatter.add.f32 [tilespmem:s26], [sflag:$0x1], $0x80, s15, s29, $0xb8;
	[tilespmem:$0x1D000] =	vst v63  }
0xbc: {  	_ =	swait.ge [sflag:s25], $0x4000  }
0xbd: {  	[sflag:s25] =	ssyncset.done $0x0  }
0xbe: {  	[sflag:s25] =	ssyncadd.s32 $0xFFFFC000  }
0xbf: {  	[bflag:$0x0] =	sbarrier.arrive $0xFFFF  }
0xc0: {  	[hbm:s18], [sflag:s31] =	dma.local [spmem:s0], $0x800  }
0xc1: {  	_ =	swait.ge [sflag:s25], $0x800  }
0xc2: {  	[sflag:s25] =	ssyncset.done $0x0  }
0xc3: {  	[sflag:s25] =	ssyncadd.s32 $0xFFFFF800  }
0xc4: {  	[hbm:s19], [sflag:s31] =	dma.local [spmem:s3], $0x800  }
0xc5: {  	_ =	swait.ge [sflag:s25], $0x800  }
0xc6: {  	[sflag:s25] =	ssyncset.done $0x0  }
0xc7: {  	[sflag:s25] =	ssyncadd.s32 $0xFFFFF800  }
0xc8: {  	[hbm:s20], [sflag:s31] =	dma.local [spmem:s2], $0x800  }
0xc9: {  	_ =	swait.ge [sflag:s25], $0x800  }
0xca: {  	[sflag:s25] =	ssyncset.done $0x0  }
0xcb: {  	[sflag:s25] =	ssyncadd.s32 $0xFFFFF800  }
0xcc: {  	[hbm:s21], [sflag:s31] =	dma.local [spmem:s24], $0x800  }
0xcd: {  	s30 =	sadd.s32 $0x1, s30;
	_ =	swait.ge [sflag:s25], $0x800  }
0xce: {  	p0 =	sne.s32 s30, s23;
	[sflag:s25] =	ssyncset.done $0x0  }
.Ltmp4:
0xcf: {  	[sflag:s25] =	ssyncadd.s32 $0xFFFFF800;
	(pc) =	sbr.rel @p0 .LBB2_1-.Ltmp4, $4  }
0xd0: {  	[hbm:s22], [sflag:s31] =	dma.local [spmem:s5], $0x800  }
0xd1: {  	_ =	swait.ge [sflag:s25], $0x800  }
0xd2: {  	[sflag:s25] =	ssyncset.done $0x0  }
0xd3: {  	[sflag:s25] =	ssyncadd.s32 $0xFFFFF800  }
0xd4: {  	_ =	sfence.sel $0x180000  }
0xd5: {  	[bflag:$0x0] =	sbarrier.arrive $0xFFFF  }
0xd6: {  	_ =	strace $0x90000050  }
0xd7: {  	s0 =	stileid.u32;
	[bflag:$0x2] =	sbarrier.arrive $0xFFFF  }
0xd8: {  	p0 =	sne.s32 s0, $0x0;
	s0 =	rddreg [dreg:$0x2]  }
0xd9: {  	s0 =	sadd.s32 @!p0 $0x100000, s0  }
0xda: {  	[sflag:s0] =	ssyncadd.tile.s32 @!p0 $0x1;
	_ =	shalt  }
.Lfunc_end2:
_tile_overlayer_lowered:
.L_overlay_start_2:
0xdb: {  	(tag) =	ssettag $0x2  }
0xdc: {  	s0 =	rddreg [dreg:$0x0];
	s2 =	stileid.u32  }
0xdd: {  	s1 =	rddreg [dreg:$0x1];
	p0 =	sne.s32 s2, $0x0  }
0xde: {  	s3 =	rddreg [dreg:$0x2];
	[bflag:$0x3] =	sbarrier.arrive $0xFFFF;
	s2 =	simm.s32 @!p0 $0x1C01  }
0xdf: {  	[timem:s3], [sflag:s2] =	dma.local @!p0 [hbm:s0], s1  }
0xe0: {  	s0 =	simm.s32 @!p0 $0x1  }
0xe1: {  	_ =	swait.ge @!p0 [sflag:s0], s1  }
0xe2: {  	s1 =	ssub.s32 @!p0 $0x0, s1;
	[sflag:s0] =	ssyncset.done @!p0 $0x0  }
0xe3: {  	[sflag:s0] =	ssyncadd.s32 @!p0 s1  }
0xe4: {  	[bflag:$0x3] =	sbarrier.arrive $0xFFFF  }
0xe5: {  	_ =	shalt  }

// kernel: kernel.24.cloned.1.call-start
scs
__scs_entry_jumppad:
0x0: {  	(pc) =	sbr.rel $0x88, $3  }
0x1: {  	(tag) =	ssettag $0x0;
	lr =	simm.s32 $0x1  }
0x2: {  	[smem:$0x3F99] =	sst lr;
	_ =	strace $0xD0000000  }
0x3: {  	_ = 	snop  }
0x4: {  	_ = 	snop  }
0x5: {  	_ = 	snop  }
0x6: {  	_ = 	snop  }
0x7: {  	_ = 	snop  }
__scs_overlays_trampoline_lowered:
0x8: {  	[smem:$0x3FA8] =	sst s0  }
0x9: {  	[smem:$0x3FA9] =	sst s1  }
0xa: {  	[smem:$0x3FAA] =	sst s2  }
0xb: {  	[smem:$0x3FAB] =	sst s3  }
0xc: {  	[smem:$0x3FAC] =	sst s4  }
0xd: {  	[smem:$0x3FAD] =	sst s5  }
0xe: {  	[smem:$0x3FAE] =	sst s6  }
0xf: {  	[smem:$0x3FAF] =	sst s7  }
0x10: {  	[smem:$0x3FB0] =	sst s8  }
0x11: {  	[smem:$0x3FB1] =	sst s9;
	s0 =	simm.s32 @!p0 $0x0  }
0x12: {  	s1 =	sld [smem:$0x3F97];
	s0 =	simm.s32 @p0 $0x1  }
0x13: {  	[smem:$0x3FB2] =	sst s0;
	s0 =	simm.s32 @!p1 $0x0  }
0x14: {  	s2 =	sld [smem:$0x3F96];
	s0 =	simm.s32 @p1 $0x1  }
0x15: {  	[smem:$0x3FB3] =	sst s0;
	s0 =	simm.s32 @!p2 $0x0  }
0x16: {  	s3 =	sld [smem:$0x3FDB];
	s0 =	simm.s32 @p2 $0x1  }
0x17: {  	s4 =	simm.s32 $0x1BF5;
	[smem:$0x3FB5] =	sst s0  }
0x18: {  	s0 =	sld [smem:$0x3F98];
	_ =	swait.ge [sflag:s4], $0x0  }
0x19: {  	s7 =	sld [smem:$0x3F99]  }
0x1a: {  	s8 =	sadd.s32 $0xFFFFE003, lr  }
0x1b: {  	s9 =	sadd.s32 $0xFFFFFEF7, lr;
	s5 =	simm.s32 $0xFFFFFFFF;
	p2 =	slt.u32 s8, $0xFFFFF086  }
0x1c: {  	p1 =	slt.u32 s9, $0xF7A;
	s5 =	simm.s32 @!p2 $0x0  }
0x1d: {  	s5 =	simm.s32 @p1 $0x1;
	p0 =	seq.s32 s7, s2  }
0x1e: {  	s7 =	smul.u32 @!p0 $0xF7A, s2;
	p2 =	seq.s32 @!p0 s5, $0x0  }
0x1f: {  	s9 =	smul.u32 $0xF7A, s1;
	s8 =	simm.s32 @!p0 $0x1BF5;
	p2 =	por !p2, p0  }
0x20: {  	[sflag:s8] =	ssyncset.s32 @!p0 $0xFFFFF086;
	s6 =	sadd.s32 @!p0 s3, s7;
	s7 =	simm.s32 @!p0 $0x108  }
0x21: {  	s3 =	sadd.s32 s3, s9;
	s6 =	sadd.s32 @!p0 $0x88, s6;
	s7 =	simm.s32 @p2 $0x1082  }
0x22: {  	[simem:s7], [sflag:s8] =	dma.local @!p0 [hbm:s6], $0xF7A  }
0x23: {  	s9 =	sor.u32 $0xD0000000, s2;
	s6 =	simm.s32 $0x108;
	_ =	swait.ge @!p0 [sflag:s8], $0x0  }
0x24: {  	s3 =	sadd.s32 $0x88, s3;
	s6 =	simm.s32 @!p1 $0x1082;
	[sflag:s4] =	ssyncset.s32 $0xFFFFF086  }
0x25: {  	[simem:s6], [sflag:s4] =	dma.local [hbm:s3], $0xF7A  }
0x26: {  	[smem:$0x3F99] =	sst s1;
	(tag) =	ssettag s2;
	_ =	strace s9  }
0x27: {  	s1 =	sld [smem:$0x3FA9]  }
0x28: {  	s2 =	sld [smem:$0x3FAA]  }
0x29: {  	s4 =	sld [smem:$0x3FAC]  }
0x2a: {  	p0 =	seq.s32 s5, $0x0;
	s5 =	sld [smem:$0x3FAD]  }
0x2b: {  	s6 =	sld [smem:$0x3FAE]  }
0x2c: {  	s7 =	sld [smem:$0x3FAF]  }
0x2d: {  	s3 =	simm.s32 $0x108;
	s8 =	sld [smem:$0x3FB0]  }
0x2e: {  	s3 =	simm.s32 @!p0 $0x1082;
	s9 =	sld [smem:$0x3FB1]  }
0x2f: {  	lr =	sadd.s32 s0, s3;
	s0 =	sld [smem:$0x3FA8]  }
0x30: {  	s3 =	sld [smem:$0x3FAB]  }
0x31: {  	[smem:$0x3FB4] =	sst s10  }
0x32: {  	s10 =	sld [smem:$0x3FB2];
	_ =	sdelay $0x3  }
0x33: {  	p0 =	seq.s32 s10, $0x1;
	s10 =	sld [smem:$0x3FB4];
	_ =	sdelay $0x3  }
0x34: {  	[smem:$0x3FB4] =	sst s10  }
0x35: {  	s10 =	sld [smem:$0x3FB3];
	_ =	sdelay $0x3  }
0x36: {  	p1 =	seq.s32 s10, $0x1;
	s10 =	sld [smem:$0x3FB4];
	_ =	sdelay $0x3  }
0x37: {  	[smem:$0x3FB4] =	sst s10  }
0x38: {  	s10 =	sld [smem:$0x3FB5]  }
0x39: {  	_ = 	snop;
	(pc) =	sbr.ind lr, $3  }
0x3a: {  	_ = 	snop  }
0x3b: {  	_ = 	snop  }
0x3c: {  	p2 =	seq.s32 s10, $0x1;
	s10 =	sld [smem:$0x3FB4]  }
0x3d: {  	_ =	shalt  }
0x3e: {  	_ =	shalt  }
0x3f: {  	_ =	shalt  }
0x40: {  	_ =	shalt  }
0x41: {  	_ =	shalt  }
0x42: {  	_ =	shalt  }
0x43: {  	_ =	shalt  }
0x44: {  	_ =	shalt  }
0x45: {  	_ =	shalt  }
0x46: {  	_ =	shalt  }
0x47: {  	_ =	shalt  }
0x48: {  	_ =	shalt  }
0x49: {  	_ =	shalt  }
0x4a: {  	_ =	shalt  }
0x4b: {  	_ =	shalt  }
0x4c: {  	_ =	shalt  }
0x4d: {  	_ =	shalt  }
0x4e: {  	_ =	shalt  }
0x4f: {  	_ =	shalt  }
0x50: {  	_ =	shalt  }
0x51: {  	_ =	shalt  }
0x52: {  	_ =	shalt  }
0x53: {  	_ =	shalt  }
0x54: {  	_ =	shalt  }
0x55: {  	_ =	shalt  }
0x56: {  	_ =	shalt  }
0x57: {  	_ =	shalt  }
0x58: {  	_ =	shalt  }
0x59: {  	_ =	shalt  }
0x5a: {  	_ =	shalt  }
0x5b: {  	_ =	shalt  }
0x5c: {  	_ =	shalt  }
0x5d: {  	_ =	shalt  }
0x5e: {  	_ =	shalt  }
0x5f: {  	_ =	shalt  }
0x60: {  	_ =	shalt  }
0x61: {  	_ =	shalt  }
0x62: {  	_ =	shalt  }
0x63: {  	_ =	shalt  }
0x64: {  	_ =	shalt  }
0x65: {  	_ =	shalt  }
0x66: {  	_ =	shalt  }
0x67: {  	_ =	shalt  }
0x68: {  	_ =	shalt  }
0x69: {  	_ =	shalt  }
0x6a: {  	_ =	shalt  }
0x6b: {  	_ =	shalt  }
0x6c: {  	_ =	shalt  }
0x6d: {  	_ =	shalt  }
0x6e: {  	_ =	shalt  }
0x6f: {  	_ =	shalt  }
0x70: {  	_ =	shalt  }
0x71: {  	_ =	shalt  }
0x72: {  	_ =	shalt  }
0x73: {  	_ =	shalt  }
0x74: {  	_ =	shalt  }
0x75: {  	_ =	shalt  }
0x76: {  	_ =	shalt  }
0x77: {  	_ =	shalt  }
0x78: {  	_ =	shalt  }
0x79: {  	_ =	shalt  }
0x7a: {  	_ =	shalt  }
0x7b: {  	_ =	shalt  }
0x7c: {  	_ =	shalt  }
0x7d: {  	_ =	shalt  }
0x7e: {  	_ =	shalt  }
0x7f: {  	_ =	shalt  }
0x80: {  	_ =	shalt  }
0x81: {  	_ =	shalt  }
0x82: {  	_ =	shalt  }
0x83: {  	_ =	shalt  }
0x84: {  	_ =	shalt  }
0x85: {  	_ =	shalt  }
0x86: {  	_ =	shalt  }
0x87: {  	_ =	shalt  }
.Lfunc_end0:
.L_simem_size_0:
called_computation.4_lowered:
.L_overlay_start_0:
0x88: {  	s2 =	sld [smem:$0x3FD9]  }
0x89: {  	s3 =	sld [smem:$0x3FFE];
	_ =	sdelay $0x1  }
0x8a: {  	s1 =	srdreg.scid  }
0x8b: {  	s0 =	sand.u32 $0x1, s1  }
0x8c: {  	s16 =	sshll.u32 s0, $0xA;
	s2 =	sadd.s32 s3, s2  }
0x8d: {  	s2 =	sadd.s32 s2, s16  }
0x8e: {  	[smem:$0x3FC0] =	sst s2  }
0x8f: {  	_ = 	snop  }
0x90: {  	(tm) =	ssettm $0x1  }
0x91: {  	s17 =	sld [smem:$0x3FFB];
	_ =	sdelay $0x3  }
0x92: {  	_ =	strace s17  }
0x93: {  	s2 =	sld [smem:$0x3FFC];
	_ =	sdelay $0x3  }
0x94: {  	_ =	strace s2  }
0x95: {  	s2 =	sld [smem:$0x3FFD];
	_ =	sdelay $0x3  }
0x96: {  	_ =	strace s2  }
0x97: {  	_ =	strace $0x8FFFFFFF  }
0x98: {  	s18 =	sld [smem:$0x3FDB];
	_ =	sdelay $0x1  }
0x99: {  	s19 =	simm.s32 $_scs_section_size  }
0x9a: {  	s4 =	simm.s32 $_size__tile_overlayer_lowered;
	s5 =	simm.s32 $_tile_overlayer_lowered  }
0x9b: {  	s22 =	simm.s32 $0x1BFF;
	s21 =	sshll.u32 s5, $0x1;
	s2 =	sadd.s32 s19, s18  }
0x9c: {  	s6 =	simm.s32 $0x0;
	s20 =	sshll.u32 s4, $0x1;
	s4 =	sadd.s32 s21, s2  }
0x9d: {  	[timem:s6], [sflag:s22] =	dma.local [hbm:s4], s20  }
0x9e: {  	_ =	swait.ge [sflag:s22], s20  }
0x9f: {  	s3 =	ssub.s32 $0x0, s20;
	[sflag:s22] =	ssyncset.done $0x0  }
0xa0: {  	[sflag:s22] =	ssyncadd.s32 s3;
	_ =	sdelay $0x1  }
0xa1: {  	s23 =	simm.s32 $0x1B8B  }
0xa2: {  	_ =	swait.ge [sflag:s23], $0x1  }
0xa3: {  	[sflag:s23] =	ssyncset.done $0x0  }
0xa4: {  	s25 =	simm.s32 $0x1B8E;
	s24 =	sld [smem:$0x3FFE];
	[sflag:s23] =	ssyncadd.s32 $0xFFFFFFFF  }
0xa5: {  	s26 =	simm.s32 $execute0_lowered;
	[smem:$0x3FD2] =	sst s25  }
0xa6: {  	s4 =	sshll.u32 s26, $0x1;
	_ =	strace $0x80000052;
	[dreg:$0x1] =	wrdreg $0xFFFFFFFF  }
0xa7: {  	s28 =	simm.s32 $_size_execute0_lowered;
	s2 =	sadd.s32 s2, s4;
	[dreg:$0x0] =	wrdreg $0x0  }
0xa8: {  	s4 =	sshll.u32 s28, $0x1;
	[dreg:$0x2] =	wrdreg s2  }
0xa9: {  	[dreg:$0x3] =	wrdreg s4  }
0xaa: {  	[dreg:$0x4] =	wrdreg $0xC0  }
0xab: {  	_ =	task [dreg:s6], $0x5FFFF  }
0xac: {  	[dreg:$0x1] =	wrdreg $0xFFFFFFFF  }
0xad: {  	[dreg:$0x0] =	wrdreg $0x60  }
0xae: {  	[dreg:$0x2] =	wrdreg s24  }
0xaf: {  	[dreg:$0x3] =	wrdreg $0x0  }
0xb0: {  	[dreg:$0x4] =	wrdreg $0x9  }
0xb1: {  	_ =	task.clear_ibuf [dreg:s6], $0x5FFFF;
	_ =	strace $0x90000052  }
0xb2: {  	s29 =	simm.s32 $0x9;
	_ =	strace $0x80000054  }
0xb3: {  	_ =	swait.ge [sflag:s29], $0x1  }
0xb4: {  	[sflag:s29] =	ssyncadd.s32 $0xFFFFFFFF  }
0xb5: {  	_ =	strace $0x90000054  }
0xb6: {  	_ =	sfence  }
0xb7: {  	s30 =	sld [smem:$0x0];
	_ =	sdelay $0x2  }
0xb8: {  	s31 =	sshll.u32 s1, $0xD;
	s1 =	sshrl.u32 s1, $0x2  }
0xb9: {  	s3 =	sand.u32 $0x4000, s31;
	s1 =	sadd.s32 s1, s30  }
0xba: {  	s0 =	sor.u32 s3, s0;
	s1 =	sshll.u32 s1, $0x11  }
0xbb: {  	s0 =	sor.u32 s1, s0  }
0xbc: {  	s0 =	sadd.s32 $0x8F2B, s0  }
0xbd: {  	[sflag:s0] =	ssyncadd.remote.s32 $0x1  }
0xbe: {  	_ =	sfence.sel $0xFFFF  }
0xbf: {  	[dreg:$0x0] =	wrdreg $0xFFFFFFFF;
	(pc) =	sbr.abs _section_cstart, $3  }
0xc0: {  	[dreg:$0x1] =	wrdreg $0xFFFFFFFF  }
0xc1: {  	_ =	task.clear_ibuf [dreg:s6], $0x2FFFF;
	_ =	strace $0x9FFFFFFF  }
0xc2: {  	(tm) =	ssettm $0x7FFFFFFF  }
0xc3: {  	_ =	shalt  }
tec
execute0_lowered:
.L_overlay_start_1:
0x0: {  	(tag) =	ssettag $0x1  }
0x1: {  	s0 =	rddreg [dreg:$0x0]  }
0x2: {  	s1 =	rddreg [dreg:$0x1];
	s2 =	simm.s32 $0x0  }
0x3: {  	s9 =	stileid.u32;
	s13 =	srdreg.scid;
	s28 =	simm.s32 $0x14000  }
0x4: {  	s29 =	simm.s32 $0x80;
	s30 =	simm.s32 $0x0;
	s3 =	smul.u32 $0x2800, s9  }
0x5: {  	[smem:$0x7FF] =	sst s2;
	s4 =	sadd.s32 $0x8EE00, s0;
	s11 =	smul.u32 $0x280, s9  }
0x6: {  	s2 =	sand.u32 $0x1, s13;
	s5 =	sadd.s32 $0x7AE00, s0;
	s9 =	smul.u32 $0x50000, s9  }
0x7: {  	_ =	strace $0x80000053;
	s6 =	ssub.s32 $0x2, s2;
	s10 =	smul.u32 $0x50000, s2  }
0x8: {  	s7 =	sshrl.u32 s3, $0x3;
	s8 =	sshrl.u32 s6, $0x1;
	s15 =	sshrl.u32 s9, $0x2  }
0x9: {  	s17 =	sadd.s32 $0x80, s11;
	s20 =	sadd.s32 $0x100, s11;
	s21 =	sadd.s32 $0x180, s11  }
0xa: {  	s22 =	sadd.s32 $0x200, s11;
	s7 =	sadd.s32 s7, s0;
	s0 =	sadd.s32 $0x12B200, s0  }
0xb: {  	s12 =	ssub.s32 s6, s8;
	s6 =	sadd.s32 s15, s1;
	s16 =	sshll.u32 s17, $0x7  }
0xc: {  	s18 =	sshll.u32 s20, $0x7;
	s19 =	sshll.u32 s21, $0x7;
	s13 =	sshll.u32 s22, $0x7  }
0xd: {  	s14 =	sadd.s32 $0x2E00, s7;
	s7 =	sadd.s32 s16, s1;
	s8 =	sadd.s32 s18, s1  }
0xe: {  	s9 =	sadd.s32 s19, s1;
	s18 =	smul.u32 $0x5000, s2;
	s2 =	sshllo.u32 s2, $0x1  }
0xf: {  	[dreg:$0x3] =	wrdreg s14;
	s14 =	sadd.s32 s3, s10;
	s24 =	smul.u32 $0x28000, s2  }
0x10: {  	s10 =	sadd.s32 s13, s1;
	s2 =	smul.u32 $0x2800, s2;
	s23 =	sshrl.u32 s14, $0x3  }
0x11: {  	s25 =	sadd.s32 s11, s18;
	s15 =	sadd.s32 s18, s17;
	s31 =	sadd.s32 s18, s20  }
0x12: {  	s13 =	sadd.s32 s5, s23;
	s15 =	sshll.u32 s15, $0x4;
	s3 =	sadd.s32 s3, s24  }
0x13: {  	s14 =	sshll.u32 s31, $0x4;
	s19 =	sadd.s32 s17, s2;
	[dreg:$0x4] =	wrdreg s13  }
0x14: {  	s13 =	sshll.u32 s25, $0x4;
	s26 =	sadd.s32 s0, s15;
	s3 =	sshrl.u32 s3, $0x3  }
0x15: {  	s15 =	sadd.s32 s18, s22;
	s24 =	sshll.u32 s19, $0x4;
	s25 =	sadd.s32 s20, s2  }
0x16: {  	s13 =	sadd.s32 s0, s13;
	[dreg:$0x6] =	wrdreg s26;
	s3 =	sadd.s32 s5, s3  }
0x17: {  	s5 =	sadd.s32 s0, s14;
	s19 =	sadd.s32 s0, s24;
	[dreg:$0x5] =	wrdreg s13  }
0x18: {  	s26 =	sadd.s32 s21, s2;
	[dreg:$0x7] =	wrdreg s3;
	s13 =	sadd.s32 s18, s21  }
0x19: {  	[dreg:$0x8] =	wrdreg s5;
	s18 =	sadd.s32 s11, s2;
	s2 =	sadd.s32 s22, s2  }
0x1a: {  	s31 =	sshll.u32 s26, $0x4;
	s26 =	simm.s32 $0x19000;
	s3 =	sshll.u32 s13, $0x4  }
0x1b: {  	s23 =	sshll.u32 s18, $0x4;
	s2 =	sshll.u32 s2, $0x4;
	s21 =	sadd.s32 s0, s31  }
0x1c: {  	s16 =	sadd.s32 s0, s3;
	s3 =	sshll.u32 s15, $0x4;
	s18 =	sadd.s32 s0, s23  }
0x1d: {  	s22 =	sadd.s32 s0, s2;
	s17 =	sadd.s32 s0, s3;
	s3 =	sshll.u32 s25, $0x4  }
0x1e: {  	v0 =	vimm.f32 $0.0e+00;
	s23 =	smax.u32 s12, $0x1;
	s25 =	simm.s32 $0x1;
	s20 =	sadd.s32 s0, s3  }
.LBB2_1:
0x1f: {  	s0 =	simm.s32 $0x0;
	s2 =	rddreg [dreg:$0x3];
	s3 =	simm.s32 $0x16800  }
0x20: {  	[tilespmem:s3], [sflag:$0x1] =	stream.linear.gather [hbm4b:s2+s0], $0x2800, $0x38;
	[tilespmem:$0x1D000] =	vst v63  }
0x21: {  	_ =	swait.ge [sflag:s25], $0x2800  }
0x22: {  	[sflag:s25] =	ssyncset.done $0x0  }
0x23: {  	s0 =	simm.s32 $0x0;
	s2 =	simm.s32 $0x200;
	[sflag:s25] =	ssyncadd.s32 $0xFFFFD800  }
.LBB2_2:
0x24: {  	p0 =	sne.s32 s2, $0xFE00;
	[tilespmem:s0+$0x19070] =	vst v0  }
0x25: {  	[tilespmem:s0+$0x19000] =	vst v0  }
0x26: {  	[tilespmem:s0+$0x19010] =	vst v0  }
.Ltmp0:
0x27: {  	[tilespmem:s0+$0x19020] =	vst v0;
	(pc) =	sbr.rel @p0 .LBB2_2-.Ltmp0, $4  }
0x28: {  	[tilespmem:s0+$0x19030] =	vst v0  }
0x29: {  	[tilespmem:s0+$0x19040] =	vst v0  }
0x2a: {  	[tilespmem:s0+$0x19050] =	vst v0  }
0x2b: {  	[tilespmem:s0+$0x19060] =	vst v0;
	s0 =	sshra.s32 s2, $0x2;
	s2 =	sadd.s32 $0x200, s2  }
0x2c: {  	[tilespmem:s0+$0x19070] =	vst v0  }
0x2d: {  	[tilespmem:s0+$0x19000] =	vst v0  }
0x2e: {  	[tilespmem:s0+$0x19010] =	vst v0  }
0x2f: {  	[tilespmem:s0+$0x19020] =	vst v0  }
0x30: {  	[tilespmem:s0+$0x19030] =	vst v0  }
0x31: {  	[tilespmem:s0+$0x19040] =	vst v0  }
0x32: {  	[tilespmem:s0+$0x19050] =	vst v0  }
0x33: {  	[tilespmem:s0+$0x19060] =	vst v0  }
0x34: {  	[spmem:s6] =	stream.linear.scatter [tilespmem:s26], [sflag:$0x1], $0x4000, $0x38;
	[tilespmem:$0x1D000] =	vst v63  }
0x35: {  	_ =	swait.ge [sflag:s25], $0x4000  }
0x36: {  	[sflag:s25] =	ssyncset.done $0x0  }
0x37: {  	[sflag:s25] =	ssyncadd.s32 $0xFFFFC000  }
0x38: {  	[spmem:s7] =	stream.linear.scatter [tilespmem:s26], [sflag:$0x1], $0x4000, $0x38;
	[tilespmem:$0x1D000] =	vst v63  }
0x39: {  	_ =	swait.ge [sflag:s25], $0x4000  }
0x3a: {  	[sflag:s25] =	ssyncset.done $0x0  }
0x3b: {  	[sflag:s25] =	ssyncadd.s32 $0xFFFFC000  }
0x3c: {  	[spmem:s8] =	stream.linear.scatter [tilespmem:s26], [sflag:$0x1], $0x4000, $0x38;
	[tilespmem:$0x1D000] =	vst v63  }
0x3d: {  	_ =	swait.ge [sflag:s25], $0x4000  }
0x3e: {  	[sflag:s25] =	ssyncset.done $0x0  }
0x3f: {  	[sflag:s25] =	ssyncadd.s32 $0xFFFFC000  }
0x40: {  	[spmem:s9] =	stream.linear.scatter [tilespmem:s26], [sflag:$0x1], $0x4000, $0x38;
	[tilespmem:$0x1D000] =	vst v63  }
0x41: {  	_ =	swait.ge [sflag:s25], $0x4000  }
0x42: {  	[sflag:s25] =	ssyncset.done $0x0  }
0x43: {  	[sflag:s25] =	ssyncadd.s32 $0xFFFFC000  }
0x44: {  	[spmem:s10] =	stream.linear.scatter [tilespmem:s26], [sflag:$0x1], $0x4000, $0x38;
	[tilespmem:$0x1D000] =	vst v63  }
0x45: {  	_ =	swait.ge [sflag:s25], $0x4000  }
0x46: {  	[sflag:s25] =	ssyncset.done $0x0  }
0x47: {  	s15 =	simm.s32 $0x0;
	s2 =	rddreg [dreg:$0x4];
	[sflag:s25] =	ssyncadd.s32 $0xFFFFC000  }
0x48: {  	[tilespmem:s28], [sflag:$0x1] =	stream.linear.gather [hbm4b:s2+s15], $0x2800, $0x38;
	[tilespmem:$0x1D000] =	vst v63  }
0x49: {  	_ =	swait.ge [sflag:s25], $0x2800  }
0x4a: {  	[sflag:s25] =	ssyncset.done $0x0  }
0x4b: {  	[sflag:s25] =	ssyncadd.s32 $0xFFFFD800  }
0x4c: {  	s24 =	simm.s32 $0x14000;
	[bflag:$0x0] =	sbarrier.arrive $0xFFFF  }
0x4d: {  	[tilespmem:s26], [sflag:$0x1] =	stream.indirect.gather [hbm4b:s4+s29], $0x80, s24, s29, $0xb8;
	[tilespmem:$0x1D000] =	vst v63  }
0x4e: {  	_ =	swait.ge [sflag:s25], $0x4000  }
0x4f: {  	[sflag:s25] =	ssyncset.done $0x0  }
0x50: {  	s31 =	simm.s32 $0x16800;
	[sflag:s25] =	ssyncadd.s32 $0xFFFFC000  }
0x51: {  	[spmem:s1] =	stream.indirect.scatter.add.f32 [tilespmem:s26], [sflag:$0x1], $0x80, s31, s29, $0xb8;
	[tilespmem:$0x1D000] =	vst v63  }
0x52: {  	_ =	swait.ge [sflag:s25], $0x4000  }
0x53: {  	s0 =	simm.s32 $0x80;
	s2 =	simm.s32 $0x400;
	[sflag:s25] =	ssyncset.done $0x0  }
.LBB2_4:
0x54: {  	s3 =	sadd.s32 $0x14000, s0  }
0x55: {  	[sflag:s25] =	ssyncadd.s32 $0xFFFFC000;
	s5 =	smov.u32 s2;
	s11 =	sadd.s32 $0x200, s2  }
0x56: {  	[tilespmem:s26], [sflag:$0x1] =	stream.indirect.gather [hbm4b:s4+s29], $0x80, s3, s29, $0xb8;
	[tilespmem:$0x1D000] =	vst v63  }
0x57: {  	p0 =	sne.s32 s2, $0x9E00;
	_ =	swait.ge [sflag:s25], $0x4000  }
.Ltmp1:
0x58: {  	[sflag:s25] =	ssyncset.done $0x0;
	(pc) =	sbr.rel @p0 .LBB2_4-.Ltmp1, $4  }
0x59: {  	s0 =	sadd.s32 $0x16800, s0;
	[sflag:s25] =	ssyncadd.s32 $0xFFFFC000  }
0x5a: {  	[spmem:s1] =	stream.indirect.scatter.add.f32 [tilespmem:s26], [sflag:$0x1], $0x80, s0, s29, $0xb8;
	[tilespmem:$0x1D000] =	vst v63  }
0x5b: {  	_ =	swait.ge [sflag:s25], $0x4000  }
0x5c: {  	s2 =	smov.u32 s11;
	s0 =	sshra.s32 s5, $0x2;
	[sflag:s25] =	ssyncset.done $0x0  }
0x5d: {  	s2 =	sadd.s32 $0x14000, s0;
	[sflag:s25] =	ssyncadd.s32 $0xFFFFC000  }
0x5e: {  	[tilespmem:s26], [sflag:$0x1] =	stream.indirect.gather [hbm4b:s4+s29], $0x80, s2, s29, $0xb8;
	[tilespmem:$0x1D000] =	vst v63  }
0x5f: {  	_ =	swait.ge [sflag:s25], $0x4000  }
0x60: {  	[sflag:s25] =	ssyncset.done $0x0  }
0x61: {  	s13 =	sadd.s32 $0x16800, s0;
	[sflag:s25] =	ssyncadd.s32 $0xFFFFC000  }
0x62: {  	[spmem:s1] =	stream.indirect.scatter.add.f32 [tilespmem:s26], [sflag:$0x1], $0x80, s13, s29, $0xb8;
	[tilespmem:$0x1D000] =	vst v63  }
0x63: {  	_ =	swait.ge [sflag:s25], $0x4000  }
0x64: {  	[sflag:s25] =	ssyncset.done $0x0  }
0x65: {  	s14 =	stileid.u32;
	[sflag:s25] =	ssyncadd.s32 $0xFFFFC000  }
0x66: {  	s0 =	sshll.u32 s14, $0x6;
	[bflag:$0x0] =	sbarrier.arrive $0xFFFF  }
0x67: {  	s31 =	sor.u32 $0x1C01, s0;
	s0 =	sshrl.u32 s6, $0x3;
	s15 =	rddreg [dreg:$0x5]  }
0x68: {  	[hbm:s15], [sflag:s31] =	dma.local [spmem:s0], $0x800  }
0x69: {  	_ =	swait.ge [sflag:s25], $0x800  }
0x6a: {  	[sflag:s25] =	ssyncset.done $0x0  }
0x6b: {  	s3 =	sshrl.u32 s7, $0x3;
	s24 =	rddreg [dreg:$0x6];
	[sflag:s25] =	ssyncadd.s32 $0xFFFFF800  }
0x6c: {  	[hbm:s24], [sflag:s31] =	dma.local [spmem:s3], $0x800  }
0x6d: {  	_ =	swait.ge [sflag:s25], $0x800  }
0x6e: {  	[sflag:s25] =	ssyncset.done $0x0  }
0x6f: {  	s2 =	sshrl.u32 s8, $0x3;
	s5 =	rddreg [dreg:$0x8];
	[sflag:s25] =	ssyncadd.s32 $0xFFFFF800  }
0x70: {  	[hbm:s5], [sflag:s31] =	dma.local [spmem:s2], $0x800  }
0x71: {  	_ =	swait.ge [sflag:s25], $0x800  }
0x72: {  	[sflag:s25] =	ssyncset.done $0x0  }
0x73: {  	s24 =	sshrl.u32 s9, $0x3;
	[sflag:s25] =	ssyncadd.s32 $0xFFFFF800  }
0x74: {  	[hbm:s16], [sflag:s31] =	dma.local [spmem:s24], $0x800  }
0x75: {  	_ =	swait.ge [sflag:s25], $0x800  }
0x76: {  	[sflag:s25] =	ssyncset.done $0x0  }
0x77: {  	s5 =	sshrl.u32 s10, $0x3;
	[sflag:s25] =	ssyncadd.s32 $0xFFFFF800  }
0x78: {  	[hbm:s17], [sflag:s31] =	dma.local [spmem:s5], $0x800  }
0x79: {  	_ =	swait.ge [sflag:s25], $0x800  }
0x7a: {  	[sflag:s25] =	ssyncset.done $0x0  }
0x7b: {  	[sflag:s25] =	ssyncadd.s32 $0xFFFFF800  }
0x7c: {  	s11 =	simm.s32 $0x0;
	s12 =	simm.s32 $0x200;
	[bflag:$0x0] =	sbarrier.arrive $0xFFFF  }
.LBB2_6:
0x7d: {  	p0 =	sne.s32 s12, $0xFE00;
	[tilespmem:s11+$0x19070] =	vst v0  }
0x7e: {  	[tilespmem:s11+$0x19000] =	vst v0  }
0x7f: {  	[tilespmem:s11+$0x19010] =	vst v0  }
.Ltmp2:
0x80: {  	[tilespmem:s11+$0x19020] =	vst v0;
	(pc) =	sbr.rel @p0 .LBB2_6-.Ltmp2, $4  }
0x81: {  	[tilespmem:s11+$0x19030] =	vst v0  }
0x82: {  	[tilespmem:s11+$0x19040] =	vst v0  }
0x83: {  	[tilespmem:s11+$0x19050] =	vst v0  }
0x84: {  	[tilespmem:s11+$0x19060] =	vst v0;
	s11 =	sshra.s32 s12, $0x2;
	s12 =	sadd.s32 $0x200, s12  }
0x85: {  	[tilespmem:s11+$0x19070] =	vst v0  }
0x86: {  	[tilespmem:s11+$0x19000] =	vst v0  }
0x87: {  	[tilespmem:s11+$0x19010] =	vst v0  }
0x88: {  	[tilespmem:s11+$0x19020] =	vst v0  }
0x89: {  	[tilespmem:s11+$0x19030] =	vst v0  }
0x8a: {  	[tilespmem:s11+$0x19040] =	vst v0  }
0x8b: {  	[tilespmem:s11+$0x19050] =	vst v0  }
0x8c: {  	[tilespmem:s11+$0x19060] =	vst v0  }
0x8d: {  	[spmem:s6] =	stream.linear.scatter [tilespmem:s26], [sflag:$0x1], $0x4000, $0x38;
	[tilespmem:$0x1D000] =	vst v63  }
0x8e: {  	_ =	swait.ge [sflag:s25], $0x4000  }
0x8f: {  	[sflag:s25] =	ssyncset.done $0x0  }
0x90: {  	[sflag:s25] =	ssyncadd.s32 $0xFFFFC000  }
0x91: {  	[spmem:s7] =	stream.linear.scatter [tilespmem:s26], [sflag:$0x1], $0x4000, $0x38;
	[tilespmem:$0x1D000] =	vst v63  }
0x92: {  	_ =	swait.ge [sflag:s25], $0x4000  }
0x93: {  	[sflag:s25] =	ssyncset.done $0x0  }
0x94: {  	[sflag:s25] =	ssyncadd.s32 $0xFFFFC000  }
0x95: {  	[spmem:s8] =	stream.linear.scatter [tilespmem:s26], [sflag:$0x1], $0x4000, $0x38;
	[tilespmem:$0x1D000] =	vst v63  }
0x96: {  	_ =	swait.ge [sflag:s25], $0x4000  }
0x97: {  	[sflag:s25] =	ssyncset.done $0x0  }
0x98: {  	[sflag:s25] =	ssyncadd.s32 $0xFFFFC000  }
0x99: {  	[spmem:s9] =	stream.linear.scatter [tilespmem:s26], [sflag:$0x1], $0x4000, $0x38;
	[tilespmem:$0x1D000] =	vst v63  }
0x9a: {  	_ =	swait.ge [sflag:s25], $0x4000  }
0x9b: {  	[sflag:s25] =	ssyncset.done $0x0  }
0x9c: {  	[sflag:s25] =	ssyncadd.s32 $0xFFFFC000  }
0x9d: {  	[spmem:s10] =	stream.linear.scatter [tilespmem:s26], [sflag:$0x1], $0x4000, $0x38;
	[tilespmem:$0x1D000] =	vst v63  }
0x9e: {  	_ =	swait.ge [sflag:s25], $0x4000  }
0x9f: {  	[sflag:s25] =	ssyncset.done $0x0  }
0xa0: {  	s13 =	simm.s32 $0x0;
	s12 =	rddreg [dreg:$0x7];
	[sflag:s25] =	ssyncadd.s32 $0xFFFFC000  }
0xa1: {  	[tilespmem:s28], [sflag:$0x1] =	stream.linear.gather [hbm4b:s12+s13], $0x2800, $0x38;
	[tilespmem:$0x1D000] =	vst v63  }
0xa2: {  	_ =	swait.ge [sflag:s25], $0x2800  }
0xa3: {  	[sflag:s25] =	ssyncset.done $0x0  }
0xa4: {  	[sflag:s25] =	ssyncadd.s32 $0xFFFFD800  }
0xa5: {  	s14 =	simm.s32 $0x14000;
	[bflag:$0x0] =	sbarrier.arrive $0xFFFF  }
0xa6: {  	[tilespmem:s26], [sflag:$0x1] =	stream.indirect.gather [hbm4b:s4+s29], $0x80, s14, s29, $0xb8;
	[tilespmem:$0x1D000] =	vst v63  }
0xa7: {  	_ =	swait.ge [sflag:s25], $0x4000  }
0xa8: {  	[sflag:s25] =	ssyncset.done $0x0  }
0xa9: {  	s15 =	simm.s32 $0x16800;
	[sflag:s25] =	ssyncadd.s32 $0xFFFFC000  }
0xaa: {  	[spmem:s1] =	stream.indirect.scatter.add.f32 [tilespmem:s26], [sflag:$0x1], $0x80, s15, s29, $0xb8;
	[tilespmem:$0x1D000] =	vst v63  }
0xab: {  	_ =	swait.ge [sflag:s25], $0x4000  }
0xac: {  	s11 =	simm.s32 $0x80;
	s12 =	simm.s32 $0x400;
	[sflag:s25] =	ssyncset.done $0x0  }
.LBB2_8:
0xad: {  	s13 =	sadd.s32 $0x14000, s11  }
0xae: {  	[sflag:s25] =	ssyncadd.s32 $0xFFFFC000;
	s14 =	smov.u32 s12;
	s15 =	sadd.s32 $0x200, s12  }
0xaf: {  	[tilespmem:s26], [sflag:$0x1] =	stream.indirect.gather [hbm4b:s4+s29], $0x80, s13, s29, $0xb8;
	[tilespmem:$0x1D000] =	vst v63  }
0xb0: {  	p0 =	sne.s32 s12, $0x9E00;
	_ =	swait.ge [sflag:s25], $0x4000  }
.Ltmp3:
0xb1: {  	[sflag:s25] =	ssyncset.done $0x0;
	(pc) =	sbr.rel @p0 .LBB2_8-.Ltmp3, $4  }
0xb2: {  	s11 =	sadd.s32 $0x16800, s11;
	[sflag:s25] =	ssyncadd.s32 $0xFFFFC000  }
0xb3: {  	[spmem:s1] =	stream.indirect.scatter.add.f32 [tilespmem:s26], [sflag:$0x1], $0x80, s11, s29, $0xb8;
	[tilespmem:$0x1D000] =	vst v63  }
0xb4: {  	_ =	swait.ge [sflag:s25], $0x4000  }
0xb5: {  	s12 =	smov.u32 s15;
	s11 =	sshra.s32 s14, $0x2;
	[sflag:s25] =	ssyncset.done $0x0  }
0xb6: {  	s12 =	sadd.s32 $0x14000, s11;
	[sflag:s25] =	ssyncadd.s32 $0xFFFFC000  }
0xb7: {  	[tilespmem:s26], [sflag:$0x1] =	stream.indirect.gather [hbm4b:s4+s29], $0x80, s12, s29, $0xb8;
	[tilespmem:$0x1D000] =	vst v63  }
0xb8: {  	_ =	swait.ge [sflag:s25], $0x4000  }
0xb9: {  	[sflag:s25] =	ssyncset.done $0x0  }
0xba: {  	s15 =	sadd.s32 $0x16800, s11;
	[sflag:s25] =	ssyncadd.s32 $0xFFFFC000  }
0xbb: {  	[spmem:s1] =	stream.indirect.scatter.add.f32 [tilespmem:s26], [sflag:$0x1], $0x80, s15, s29, $0xb8;
	[tilespmem:$0x1D000] =	vst v63  }
0xbc: {  	_ =	swait.ge [sflag:s25], $0x4000  }
0xbd: {  	[sflag:s25] =	ssyncset.done $0x0  }
0xbe: {  	[sflag:s25] =	ssyncadd.s32 $0xFFFFC000  }
0xbf: {  	[bflag:$0x0] =	sbarrier.arrive $0xFFFF  }
0xc0: {  	[hbm:s18], [sflag:s31] =	dma.local [spmem:s0], $0x800  }
0xc1: {  	_ =	swait.ge [sflag:s25], $0x800  }
0xc2: {  	[sflag:s25] =	ssyncset.done $0x0  }
0xc3: {  	[sflag:s25] =	ssyncadd.s32 $0xFFFFF800  }
0xc4: {  	[hbm:s19], [sflag:s31] =	dma.local [spmem:s3], $0x800  }
0xc5: {  	_ =	swait.ge [sflag:s25], $0x800  }
0xc6: {  	[sflag:s25] =	ssyncset.done $0x0  }
0xc7: {  	[sflag:s25] =	ssyncadd.s32 $0xFFFFF800  }
0xc8: {  	[hbm:s20], [sflag:s31] =	dma.local [spmem:s2], $0x800  }
0xc9: {  	_ =	swait.ge [sflag:s25], $0x800  }
0xca: {  	[sflag:s25] =	ssyncset.done $0x0  }
0xcb: {  	[sflag:s25] =	ssyncadd.s32 $0xFFFFF800  }
0xcc: {  	[hbm:s21], [sflag:s31] =	dma.local [spmem:s24], $0x800  }
0xcd: {  	s30 =	sadd.s32 $0x1, s30;
	_ =	swait.ge [sflag:s25], $0x800  }
0xce: {  	p0 =	sne.s32 s30, s23;
	[sflag:s25] =	ssyncset.done $0x0  }
.Ltmp4:
0xcf: {  	[sflag:s25] =	ssyncadd.s32 $0xFFFFF800;
	(pc) =	sbr.rel @p0 .LBB2_1-.Ltmp4, $4  }
0xd0: {  	[hbm:s22], [sflag:s31] =	dma.local [spmem:s5], $0x800  }
0xd1: {  	_ =	swait.ge [sflag:s25], $0x800  }
0xd2: {  	[sflag:s25] =	ssyncset.done $0x0  }
0xd3: {  	[sflag:s25] =	ssyncadd.s32 $0xFFFFF800  }
0xd4: {  	_ =	sfence.sel $0x180000  }
0xd5: {  	[bflag:$0x0] =	sbarrier.arrive $0xFFFF  }
0xd6: {  	_ =	strace $0x90000053  }
0xd7: {  	s0 =	stileid.u32;
	[bflag:$0x2] =	sbarrier.arrive $0xFFFF  }
0xd8: {  	p0 =	sne.s32 s0, $0x0;
	s0 =	rddreg [dreg:$0x2]  }
0xd9: {  	s0 =	sadd.s32 @!p0 $0x100000, s0  }
0xda: {  	[sflag:s0] =	ssyncadd.tile.s32 @!p0 $0x1;
	_ =	shalt  }
.Lfunc_end2:
_tile_overlayer_lowered:
.L_overlay_start_2:
0xdb: {  	(tag) =	ssettag $0x2  }
0xdc: {  	s0 =	rddreg [dreg:$0x0];
	s2 =	stileid.u32  }
0xdd: {  	s1 =	rddreg [dreg:$0x1];
	p0 =	sne.s32 s2, $0x0  }
0xde: {  	s3 =	rddreg [dreg:$0x2];
	[bflag:$0x3] =	sbarrier.arrive $0xFFFF;
	s2 =	simm.s32 @!p0 $0x1C01  }
0xdf: {  	[timem:s3], [sflag:s2] =	dma.local @!p0 [hbm:s0], s1  }
0xe0: {  	s0 =	simm.s32 @!p0 $0x1  }
0xe1: {  	_ =	swait.ge @!p0 [sflag:s0], s1  }
0xe2: {  	s1 =	ssub.s32 @!p0 $0x0, s1;
	[sflag:s0] =	ssyncset.done @!p0 $0x0  }
0xe3: {  	[sflag:s0] =	ssyncadd.s32 @!p0 s1  }
0xe4: {  	[bflag:$0x3] =	sbarrier.arrive $0xFFFF  }
0xe5: {  	_ =	shalt  }

</sc_bundles>
